<compile_context>
chip_gen: v7x
topology: tpu7x:2x2x1
jax: 0.10.2.dev20260603
libtpu: 0.0.44.dev20260713+nightly
codegen_flags: <defaults>
</compile_context>

<pallas_src>
import functools

import jax
import jax.numpy as jnp
from jax import lax
from jax.experimental import pallas as pl
from jax.experimental.pallas import tpu as pltpu
from jax.experimental.pallas import tpu_sc as plsc

NC = 2
NS = 16
NW = NC * NS
K = 2000


def _floorf(y):
    t = y.astype(jnp.int32).astype(jnp.float32)
    return jnp.where(y < t, t - 1.0, t)


def _rsqrtf(x):
    xh = 0.5 * x
    i = lax.bitcast_convert_type(x, jnp.int32)
    i = jnp.int32(0x5F3759DF) - (i >> 1)
    y = lax.bitcast_convert_type(i, jnp.float32)
    y = y * (1.5 - xh * y * y)
    y = y * (1.5 - xh * y * y)
    y = y * (1.5 - xh * y * y)
    return y


def _splat(ref, k):
    return ref[k]


def _make_sc_call(n_pairs):
    ppw = n_pairs // NW
    assert n_pairs % NW == 0 and ppw % K == 0 and K % 16 == 0
    n_chunks = ppw // K
    assert n_chunks % 2 == 0
    mesh = plsc.VectorSubcoreMesh(core_axis_name="c", subcore_axis_name="s")

    @functools.partial(
        pl.kernel,
        out_type=jax.ShapeDtypeStruct((NW, 16), jnp.float32),
        mesh=mesh,
        compiler_params=pltpu.CompilerParams(
            needs_layout_passes=False, use_tc_tiling_on_sc=False
        ),
        scratch_types=[
            pltpu.VMEM((2, K), jnp.int32),
            pltpu.VMEM((2, K), jnp.int32),
            pltpu.VMEM((2, K, 8), jnp.float32),
            pltpu.VMEM((2, K, 8), jnp.float32),
            pltpu.VMEM((16, 16), jnp.float32),
            pltpu.VMEM((16,), jnp.float32),
            pltpu.VMEM_SHARED((100000, 8), jnp.float32),
        ] + [pltpu.SemaphoreType.DMA] * 8,
    )
    def sc_energy(table, ii, jj, consts, out, idx_i, idx_j, rows_i, rows_j,
                  consts_v, acc_v, table_sh,
                  sem_xi0, sem_xi1, sem_xj0, sem_xj1,
                  sem_gi0, sem_gi1, sem_gj0, sem_gj1):
        sem_xi = (sem_xi0, sem_xi1)
        sem_xj = (sem_xj0, sem_xj1)
        sem_gi = (sem_gi0, sem_gi1)
        sem_gj = (sem_gj0, sem_gj1)

        wid = lax.axis_index("c") * NS + lax.axis_index("s")
        base = wid * ppw

        pltpu.sync_copy(consts, consts_v)
        b00 = _splat(consts_v, 0)
        b01 = _splat(consts_v, 1)
        b02 = _splat(consts_v, 2)
        b10 = _splat(consts_v, 3)
        b11 = _splat(consts_v, 4)
        b12 = _splat(consts_v, 5)
        b20 = _splat(consts_v, 6)
        b21 = _splat(consts_v, 7)
        b22 = _splat(consts_v, 8)
        coul = _splat(consts_v, 9)
        cutoff = _splat(consts_v, 10)
        do_shift = _splat(consts_v, 11)

        c00 = b11 * b22 - b12 * b21
        c01 = b02 * b21 - b01 * b22
        c02 = b01 * b12 - b02 * b11
        c10 = b12 * b20 - b10 * b22
        c11 = b00 * b22 - b02 * b20
        c12 = b02 * b10 - b00 * b12
        c20 = b10 * b21 - b11 * b20
        c21 = b01 * b20 - b00 * b21
        c22 = b00 * b11 - b01 * b10
        rdet = 1.0 / (b00 * c00 + b01 * c10 + b02 * c20)
        i00 = c00 * rdet
        i01 = c01 * rdet
        i02 = c02 * rdet
        i10 = c10 * rdet
        i11 = c11 * rdet
        i12 = c12 * rdet
        i20 = c20 * rdet
        i21 = c21 * rdet
        i22 = c22 * rdet
        shiftv = do_shift / cutoff
        cut2 = cutoff * cutoff

        lanes = lax.iota(jnp.int32, 16)

        def issue_idx(t, b):
            cb = base + t * K
            pltpu.async_copy(ii.at[pl.ds(cb, K)], idx_i.at[b], sem_xi[b])
            pltpu.async_copy(jj.at[pl.ds(cb, K)], idx_j.at[b], sem_xj[b])

        def wait_idx(b):
            pltpu.make_async_copy(ii.at[pl.ds(0, K)], idx_i.at[b], sem_xi[b]).wait()
            pltpu.make_async_copy(jj.at[pl.ds(0, K)], idx_j.at[b], sem_xj[b]).wait()

        def issue_gather(b):
            pltpu.async_copy(table_sh.at[idx_i.at[b]], rows_i.at[b], sem_gi[b])
            pltpu.async_copy(table_sh.at[idx_j.at[b]], rows_j.at[b], sem_gj[b])

        def wait_gather(b):
            pltpu.make_async_copy(table_sh.at[idx_i.at[b]], rows_i.at[b], sem_gi[b]).wait()
            pltpu.make_async_copy(table_sh.at[idx_j.at[b]], rows_j.at[b], sem_gj[b]).wait()

        def compute(b, acc):
            ri_ref = rows_i.at[b]
            rj_ref = rows_j.at[b]

            def pair_body(u, acc2):
                r16 = u * 16 + lanes

                def col(ref, c):
                    return plsc.load_gather(
                        ref, [r16, jnp.full((16,), c, jnp.int32)]
                    )

                xi = col(ri_ref, 0)
                yi = col(ri_ref, 1)
                zi = col(ri_ref, 2)
                qi = col(ri_ref, 3)
                si = col(ri_ref, 4)
                ei = col(ri_ref, 5)
                xj = col(rj_ref, 0)
                yj = col(rj_ref, 1)
                zj = col(rj_ref, 2)
                qj = col(rj_ref, 3)
                sj = col(rj_ref, 4)
                ej = col(rj_ref, 5)

                dx = xi - xj
                dy = yi - yj
                dz = zi - zj
                sx = dx * i00 + dy * i10 + dz * i20
                sy = dx * i01 + dy * i11 + dz * i21
                sz = dx * i02 + dy * i12 + dz * i22
                sx = sx - _floorf(sx + 0.5)
                sy = sy - _floorf(sy + 0.5)
                sz = sz - _floorf(sz + 0.5)
                px = sx * b00 + sy * b10 + sz * b20
                py = sx * b01 + sy * b11 + sz * b21
                pz = sx * b02 + sy * b12 + sz * b22
                d2 = px * px + py * py + pz * pz
                rinv = _rsqrtf(d2)
                ene = qi * qj * (rinv - shiftv) * coul
                sij = (si + sj) * 0.5
                t2 = sij * sij * (1.0 / d2)
                t6 = t2 * t2 * t2
                ene = ene + 4.0 * (ei * ej) * t6 * (t6 - 1.0)
                return acc2 + jnp.where(d2 <= cut2, ene, 0.0)

            return lax.fori_loop(0, K // 16, pair_body, acc, unroll=4)

        @pl.when(lax.axis_index("s") == 0)
        def _():
            pltpu.sync_copy(table, table_sh)

        plsc.subcore_barrier()

        issue_idx(0, 0)
        wait_idx(0)
        issue_gather(0)
        issue_idx(1, 1)

        def g_body(g, acc):
            for b in (0, 1):
                t = 2 * g + b

                @pl.when(t + 1 < n_chunks)
                def _():
                    wait_idx(1 - b)
                    issue_gather(1 - b)

                wait_gather(b)

                @pl.when(t + 2 < n_chunks)
                def _():
                    issue_idx(t + 2, b)

                acc = compute(b, acc)
            return acc

        acc = lax.fori_loop(0, n_chunks // 2, g_body,
                            jnp.zeros((16,), jnp.float32))
        acc_v[...] = acc
        pltpu.sync_copy(acc_v, out.at[wid])

    return sc_energy


def kernel(coords, pairs, box, sigma, epsilon, charges, coul_constant, cutoff, do_shift):
    n = coords.shape[0]
    table = jnp.concatenate(
        [
            coords.astype(jnp.float32),
            charges[:, None].astype(jnp.float32),
            sigma[:, None].astype(jnp.float32),
            jnp.sqrt(epsilon)[:, None].astype(jnp.float32),
            jnp.zeros((n, 2), jnp.float32),
        ],
        axis=1,
    )
    ii = pairs[:, 0]
    jj = pairs[:, 1]
    consts = jnp.concatenate(
        [
            box.reshape(9).astype(jnp.float32),
            jnp.stack(
                [
                    jnp.asarray(coul_constant, jnp.float32),
                    jnp.asarray(cutoff, jnp.float32),
                    jnp.asarray(do_shift, jnp.float32),
                ]
            ),
            jnp.zeros((4,), jnp.float32),
        ]
    )
    consts = jnp.tile(consts[:, None], (1, 16))
    partial = _make_sc_call(pairs.shape[0])(table, ii, jj, consts)
    return jnp.sum(partial)

# --- scband reference (transcript-rebuilt; emitter-appended) ---
"""Pipeline reference for scband-nonbonded-56513179681294 (READ-ONLY COPY).

The authoritative reference and input builder live on the scoring server;
editing this copy changes nothing except your own understanding.
"""

import jax, jax.numpy as jnp
import numpy as np

N_NODES = 100000
N_PAIRS = 6400000


def setup_inputs(seed: int = 0) -> dict:
    key = jax.random.key(seed)
    ks = jax.random.split(key, 6)
    coords = jax.random.normal(ks[0], (N_NODES, 3), dtype=jnp.float32)
    pairs = jax.random.randint(ks[1], (N_PAIRS, 2), 0, N_NODES, dtype=jnp.int32)
    box = jax.random.normal(ks[2], (3, 3), dtype=jnp.float32)
    sigma = jax.random.uniform(ks[3], (N_NODES,), dtype=jnp.float32)
    epsilon = jax.random.uniform(ks[4], (N_NODES,), dtype=jnp.float32)
    charges = jax.random.normal(ks[5], (N_NODES,), dtype=jnp.float32)
    return {
        "coords": coords,
        "pairs": pairs,
        "box": box,
        "sigma": sigma,
        "epsilon": epsilon,
        "charges": charges,
        "coul_constant": 139.0,
        "cutoff": 1.0,
        "do_shift": 1.0,
    }


def reference(coords, pairs, box, sigma, epsilon, charges, coul_constant, cutoff, do_shift):
    i = pairs[:, 0]
    j = pairs[:, 1]
    drVecs = coords[i] - coords[j]
    boxInv = jnp.linalg.inv(box)
    dsVecs = jnp.matmul(drVecs, boxInv)
    dsVecsPBC = dsVecs - jnp.floor(dsVecs + 0.5)
    drVecsPBC = jnp.matmul(dsVecsPBC, box)
    dr = jnp.linalg.norm(drVecsPBC, axis=1)
    mask = dr <= cutoff
    rinv = 1.0 / dr
    ene = charges[i] * charges[j] * (rinv - 1.0 / cutoff * do_shift) * coul_constant
    sigma_ij = (sigma[i] + sigma[j]) / 2.0
    epsilon_ij = jnp.sqrt(epsilon[i] * epsilon[j])
    tmp = (sigma_ij / dr) ** 6
    ene = ene + 4.0 * epsilon_ij * tmp * (tmp - 1.0)
    return jnp.sum(ene * mask)

if __name__ == "__main__":
    import jax
    _d = setup_inputs()
    print(jax.jit(kernel)(*tuple(_d.values())))

</pallas_src>

<mosaic_0001>
#map = affine_map<(d0, d1) -> (0, 0)>
#map1 = affine_map<(d0, d1) -> (0)>
module attributes {stable_mosaic.version = 14 : i64} {
  func.func @sc_energy(%arg0: i32, %arg1: i32, %arg2: memref<100000x8xf32, #tpu.memory_space<hbm>>, %arg3: memref<6400000xi32, #tpu.memory_space<hbm>>, %arg4: memref<6400000xi32, #tpu.memory_space<hbm>>, %arg5: memref<16x16xf32, #tpu.memory_space<hbm>>, %arg6: memref<32x16xf32, #tpu.memory_space<hbm>>, %arg7: memref<2x2000xi32, #tpu.memory_space<vmem>>, %arg8: memref<2x2000xi32, #tpu.memory_space<vmem>>, %arg9: memref<2x2000x8xf32, #tpu.memory_space<vmem>>, %arg10: memref<2x2000x8xf32, #tpu.memory_space<vmem>>, %arg11: memref<16x16xf32, #tpu.memory_space<vmem>>, %arg12: memref<16xf32, #tpu.memory_space<vmem>>, %arg13: memref<100000x8xf32, #tpu.memory_space<vmem_shared>>, %arg14: memref<!tpu.dma_semaphore, #tpu.memory_space<semaphore_mem>>, %arg15: memref<!tpu.dma_semaphore, #tpu.memory_space<semaphore_mem>>, %arg16: memref<!tpu.dma_semaphore, #tpu.memory_space<semaphore_mem>>, %arg17: memref<!tpu.dma_semaphore, #tpu.memory_space<semaphore_mem>>, %arg18: memref<!tpu.dma_semaphore, #tpu.memory_space<semaphore_mem>>, %arg19: memref<!tpu.dma_semaphore, #tpu.memory_space<semaphore_mem>>, %arg20: memref<!tpu.dma_semaphore, #tpu.memory_space<semaphore_mem>>, %arg21: memref<!tpu.dma_semaphore, #tpu.memory_space<semaphore_mem>>) attributes {dimension_semantics = [#tpu.dimension_semantics<core_parallel>, #tpu.dimension_semantics<subcore_parallel>], iteration_bounds = array<i64: 2, 16>, scalar_prefetch = 0 : i64, scratch_operands = 15 : i64, tpu.core_type = #tpu.core_type<sc_vector_subcore>, window_params = [{transform_indices = #map}, {transform_indices = #map1}, {transform_indices = #map1}, {transform_indices = #map}, {transform_indices = #map}]} {
    %mul3A = arith.constant 16 : i32
    %mul3A_0 = arith.muli %arg0, %mul3A : i32
    %add3A = arith.addi %mul3A_0, %arg1 : i32
    %mul3A_1 = arith.constant 200000 : i32
    %mul3A_2 = arith.muli %add3A, %mul3A_1 : i32
    "tpu.region"() ({
      %run_scoped3A = tpu.sem_alloc : memref<!tpu.dma_semaphore, #tpu.memory_space<semaphore_mem>>
      tpu.enqueue_dma source(%arg5 : memref<16x16xf32, #tpu.memory_space<hbm>>) target(%arg11 : memref<16x16xf32, #tpu.memory_space<vmem>>) target_semaphore(%run_scoped3A : memref<!tpu.dma_semaphore, #tpu.memory_space<semaphore_mem>>)
      tpu.wait_dma2 semaphore(%run_scoped3A : memref<!tpu.dma_semaphore, #tpu.memory_space<semaphore_mem>>) src(%arg5 : memref<16x16xf32, #tpu.memory_space<hbm>>) dst(%arg11 : memref<16x16xf32, #tpu.memory_space<vmem>>)
      tpu.yield
    }) : () -> ()
    %get3A = arith.constant 0 : i32
    %get3A_3 = arith.index_cast %get3A : i32 to index
    %get3A_4 = arith.constant 0 : index
    %get3A_5 = tpu.vector_load %arg11[%get3A_3, %get3A_4] {strides = array<i32>} : memref<16x16xf32, #tpu.memory_space<vmem>>, vector<16xf32>,
    %get3A_6 = arith.constant 1 : i32
    %get3A_7 = arith.index_cast %get3A_6 : i32 to index
    %get3A_8 = arith.constant 0 : index
    %get3A_9 = tpu.vector_load %arg11[%get3A_7, %get3A_8] {strides = array<i32>} : memref<16x16xf32, #tpu.memory_space<vmem>>, vector<16xf32>,
    %get3A_10 = arith.constant 2 : i32
    %get3A_11 = arith.index_cast %get3A_10 : i32 to index
    %get3A_12 = arith.constant 0 : index
    %get3A_13 = tpu.vector_load %arg11[%get3A_11, %get3A_12] {strides = array<i32>} : memref<16x16xf32, #tpu.memory_space<vmem>>, vector<16xf32>,
    %get3A_14 = arith.constant 3 : i32
    %get3A_15 = arith.index_cast %get3A_14 : i32 to index
    %get3A_16 = arith.constant 0 : index
    %get3A_17 = tpu.vector_load %arg11[%get3A_15, %get3A_16] {strides = array<i32>} : memref<16x16xf32, #tpu.memory_space<vmem>>, vector<16xf32>,
    %get3A_18 = arith.constant 4 : i32
    %get3A_19 = arith.index_cast %get3A_18 : i32 to index
    %get3A_20 = arith.constant 0 : index
    %get3A_21 = tpu.vector_load %arg11[%get3A_19, %get3A_20] {strides = array<i32>} : memref<16x16xf32, #tpu.memory_space<vmem>>, vector<16xf32>,
    %get3A_22 = arith.constant 5 : i32
    %get3A_23 = arith.index_cast %get3A_22 : i32 to index
    %get3A_24 = arith.constant 0 : index
    %get3A_25 = tpu.vector_load %arg11[%get3A_23, %get3A_24] {strides = array<i32>} : memref<16x16xf32, #tpu.memory_space<vmem>>, vector<16xf32>,
    %get3A_26 = arith.constant 6 : i32
    %get3A_27 = arith.index_cast %get3A_26 : i32 to index
    %get3A_28 = arith.constant 0 : index
    %get3A_29 = tpu.vector_load %arg11[%get3A_27, %get3A_28] {strides = array<i32>} : memref<16x16xf32, #tpu.memory_space<vmem>>, vector<16xf32>,
    %get3A_30 = arith.constant 7 : i32
    %get3A_31 = arith.index_cast %get3A_30 : i32 to index
    %get3A_32 = arith.constant 0 : index
    %get3A_33 = tpu.vector_load %arg11[%get3A_31, %get3A_32] {strides = array<i32>} : memref<16x16xf32, #tpu.memory_space<vmem>>, vector<16xf32>,
    %get3A_34 = arith.constant 8 : i32
    %get3A_35 = arith.index_cast %get3A_34 : i32 to index
    %get3A_36 = arith.constant 0 : index
    %get3A_37 = tpu.vector_load %arg11[%get3A_35, %get3A_36] {strides = array<i32>} : memref<16x16xf32, #tpu.memory_space<vmem>>, vector<16xf32>,
    %get3A_38 = arith.constant 9 : i32
    %get3A_39 = arith.index_cast %get3A_38 : i32 to index
    %get3A_40 = arith.constant 0 : index
    %get3A_41 = tpu.vector_load %arg11[%get3A_39, %get3A_40] {strides = array<i32>} : memref<16x16xf32, #tpu.memory_space<vmem>>, vector<16xf32>,
    %get3A_42 = arith.constant 10 : i32
    %get3A_43 = arith.index_cast %get3A_42 : i32 to index
    %get3A_44 = arith.constant 0 : index
    %get3A_45 = tpu.vector_load %arg11[%get3A_43, %get3A_44] {strides = array<i32>} : memref<16x16xf32, #tpu.memory_space<vmem>>, vector<16xf32>,
    %get3A_46 = arith.constant 11 : i32
    %get3A_47 = arith.index_cast %get3A_46 : i32 to index
    %get3A_48 = arith.constant 0 : index
    %get3A_49 = tpu.vector_load %arg11[%get3A_47, %get3A_48] {strides = array<i32>} : memref<16x16xf32, #tpu.memory_space<vmem>>, vector<16xf32>,
    %mul3A_50 = arith.mulf %get3A_21, %get3A_37 : vector<16xf32>
    %mul3A_51 = arith.mulf %get3A_25, %get3A_33 : vector<16xf32>
    %sub3A = arith.subf %mul3A_50, %mul3A_51 : vector<16xf32>
    %mul3A_52 = arith.mulf %get3A_13, %get3A_33 : vector<16xf32>
    %mul3A_53 = arith.mulf %get3A_9, %get3A_37 : vector<16xf32>
    %sub3A_54 = arith.subf %mul3A_52, %mul3A_53 : vector<16xf32>
    %mul3A_55 = arith.mulf %get3A_9, %get3A_25 : vector<16xf32>
    %mul3A_56 = arith.mulf %get3A_13, %get3A_21 : vector<16xf32>
    %sub3A_57 = arith.subf %mul3A_55, %mul3A_56 : vector<16xf32>
    %mul3A_58 = arith.mulf %get3A_25, %get3A_29 : vector<16xf32>
    %mul3A_59 = arith.mulf %get3A_17, %get3A_37 : vector<16xf32>
    %sub3A_60 = arith.subf %mul3A_58, %mul3A_59 : vector<16xf32>
    %mul3A_61 = arith.mulf %get3A_5, %get3A_37 : vector<16xf32>
    %mul3A_62 = arith.mulf %get3A_13, %get3A_29 : vector<16xf32>
    %sub3A_63 = arith.subf %mul3A_61, %mul3A_62 : vector<16xf32>
    %mul3A_64 = arith.mulf %get3A_13, %get3A_17 : vector<16xf32>
    %mul3A_65 = arith.mulf %get3A_5, %get3A_25 : vector<16xf32>
    %sub3A_66 = arith.subf %mul3A_64, %mul3A_65 : vector<16xf32>
    %mul3A_67 = arith.mulf %get3A_17, %get3A_33 : vector<16xf32>
    %mul3A_68 = arith.mulf %get3A_21, %get3A_29 : vector<16xf32>
    %sub3A_69 = arith.subf %mul3A_67, %mul3A_68 : vector<16xf32>
    %mul3A_70 = arith.mulf %get3A_9, %get3A_29 : vector<16xf32>
    %mul3A_71 = arith.mulf %get3A_5, %get3A_33 : vector<16xf32>
    %sub3A_72 = arith.subf %mul3A_70, %mul3A_71 : vector<16xf32>
    %mul3A_73 = arith.mulf %get3A_5, %get3A_21 : vector<16xf32>
    %mul3A_74 = arith.mulf %get3A_9, %get3A_17 : vector<16xf32>
    %sub3A_75 = arith.subf %mul3A_73, %mul3A_74 : vector<16xf32>
    %mul3A_76 = arith.mulf %get3A_5, %sub3A : vector<16xf32>
    %mul3A_77 = arith.mulf %get3A_9, %sub3A_60 : vector<16xf32>
    %add3A_78 = arith.addf %mul3A_76, %mul3A_77 : vector<16xf32>
    %mul3A_79 = arith.mulf %get3A_13, %sub3A_69 : vector<16xf32>
    %add3A_80 = arith.addf %add3A_78, %mul3A_79 : vector<16xf32>
    %div3A = arith.constant 1.000000e+00 : f32
    %div3A_81 = vector.broadcast %div3A : f32 to vector<16xf32>
    %div3A_82 = arith.divf %div3A_81, %add3A_80 : vector<16xf32>
    %mul3A_83 = arith.mulf %sub3A, %div3A_82 : vector<16xf32>
    %mul3A_84 = arith.mulf %sub3A_54, %div3A_82 : vector<16xf32>
    %mul3A_85 = arith.mulf %sub3A_57, %div3A_82 : vector<16xf32>
    %mul3A_86 = arith.mulf %sub3A_60, %div3A_82 : vector<16xf32>
    %mul3A_87 = arith.mulf %sub3A_63, %div3A_82 : vector<16xf32>
    %mul3A_88 = arith.mulf %sub3A_66, %div3A_82 : vector<16xf32>
    %mul3A_89 = arith.mulf %sub3A_69, %div3A_82 : vector<16xf32>
    %mul3A_90 = arith.mulf %sub3A_72, %div3A_82 : vector<16xf32>
    %mul3A_91 = arith.mulf %sub3A_75, %div3A_82 : vector<16xf32>
    %div3A_92 = arith.divf %get3A_49, %get3A_45 : vector<16xf32>
    %mul3A_93 = arith.mulf %get3A_45, %get3A_45 : vector<16xf32>
    %iota3A = tpu.iota {dimensions = array<i32: 0>} : vector<16xi32>
    %eq3A = arith.constant 0 : i32
    %eq3A_94 = arith.cmpi eq, %arg1, %eq3A : i32
    %convert_element_type3A = arith.extui %eq3A_94 : i1 to i32
    %cond3A = arith.constant 0 : i32
    %cond3A_95 = arith.cmpi ne, %convert_element_type3A, %cond3A : i32
    scf.if %cond3A_95 {
      "tpu.region"() ({
        %run_scoped3A = tpu.sem_alloc : memref<!tpu.dma_semaphore, #tpu.memory_space<semaphore_mem>>
        tpu.enqueue_dma source(%arg2 : memref<100000x8xf32, #tpu.memory_space<hbm>>) target(%arg13 : memref<100000x8xf32, #tpu.memory_space<vmem_shared>>) target_semaphore(%run_scoped3A : memref<!tpu.dma_semaphore, #tpu.memory_space<semaphore_mem>>)
        tpu.wait_dma2 semaphore(%run_scoped3A : memref<!tpu.dma_semaphore, #tpu.memory_space<semaphore_mem>>) src(%arg2 : memref<100000x8xf32, #tpu.memory_space<hbm>>) dst(%arg13 : memref<100000x8xf32, #tpu.memory_space<vmem_shared>>)
        tpu.yield
      }) : () -> ()
    } else {
    }
    %barrier3A = arith.constant 0 : index
    tpu.barrier barrier_id(%barrier3A)
    %add3A_96 = arith.constant 0 : i32
    %add3A_97 = arith.addi %mul3A_2, %add3A_96 : i32
    %dma_start3A = arith.constant 0 : i32
    %dma_start3A_98 = arith.constant 0 : i32
    %dma_start3A_99 = tpu.memref_slice %arg7[%dma_start3A, %dma_start3A_98] : memref<2x2000xi32, #tpu.memory_space<vmem>> -> memref<1x2000xi32, #tpu.memory_space<vmem>>
    %dma_start3A_100 = tpu.memref_squeeze %dma_start3A_99 : memref<1x2000xi32, #tpu.memory_space<vmem>> -> memref<2000xi32, #tpu.memory_space<vmem>>
    %dma_start3A_101 = tpu.memref_slice %arg3[%add3A_97] : memref<6400000xi32, #tpu.memory_space<hbm>> -> memref<2000xi32, #tpu.memory_space<hbm>>
    %dma_start3A_102 = arith.constant 0 : i32
    %dma_start3A_103 = tpu.memref_slice %arg7[%dma_start3A, %dma_start3A_102] : memref<2x2000xi32, #tpu.memory_space<vmem>> -> memref<1x2000xi32, #tpu.memory_space<vmem>>
    %dma_start3A_104 = tpu.memref_squeeze %dma_start3A_103 : memref<1x2000xi32, #tpu.memory_space<vmem>> -> memref<2000xi32, #tpu.memory_space<vmem>>
    %dma_start3A_105 = tpu.memref_slice %arg3[%add3A_97] : memref<6400000xi32, #tpu.memory_space<hbm>> -> memref<2000xi32, #tpu.memory_space<hbm>>
    tpu.enqueue_dma source(%dma_start3A_105 : memref<2000xi32, #tpu.memory_space<hbm>>) target(%dma_start3A_104 : memref<2000xi32, #tpu.memory_space<vmem>>) target_semaphore(%arg14 : memref<!tpu.dma_semaphore, #tpu.memory_space<semaphore_mem>>)
    %dma_start3A_106 = arith.constant 0 : i32
    %dma_start3A_107 = arith.constant 0 : i32
    %dma_start3A_108 = tpu.memref_slice %arg8[%dma_start3A_106, %dma_start3A_107] : memref<2x2000xi32, #tpu.memory_space<vmem>> -> memref<1x2000xi32, #tpu.memory_space<vmem>>
    %dma_start3A_109 = tpu.memref_squeeze %dma_start3A_108 : memref<1x2000xi32, #tpu.memory_space<vmem>> -> memref<2000xi32, #tpu.memory_space<vmem>>
    %dma_start3A_110 = tpu.memref_slice %arg4[%add3A_97] : memref<6400000xi32, #tpu.memory_space<hbm>> -> memref<2000xi32, #tpu.memory_space<hbm>>
    %dma_start3A_111 = arith.constant 0 : i32
    %dma_start3A_112 = tpu.memref_slice %arg8[%dma_start3A_106, %dma_start3A_111] : memref<2x2000xi32, #tpu.memory_space<vmem>> -> memref<1x2000xi32, #tpu.memory_space<vmem>>
    %dma_start3A_113 = tpu.memref_squeeze %dma_start3A_112 : memref<1x2000xi32, #tpu.memory_space<vmem>> -> memref<2000xi32, #tpu.memory_space<vmem>>
    %dma_start3A_114 = tpu.memref_slice %arg4[%add3A_97] : memref<6400000xi32, #tpu.memory_space<hbm>> -> memref<2000xi32, #tpu.memory_space<hbm>>
    tpu.enqueue_dma source(%dma_start3A_114 : memref<2000xi32, #tpu.memory_space<hbm>>) target(%dma_start3A_113 : memref<2000xi32, #tpu.memory_space<vmem>>) target_semaphore(%arg16 : memref<!tpu.dma_semaphore, #tpu.memory_space<semaphore_mem>>)
    %dma_wait3A = arith.constant 0 : i32
    %dma_wait3A_115 = arith.constant 0 : i32
    %dma_wait3A_116 = tpu.memref_slice %arg7[%dma_wait3A, %dma_wait3A_115] : memref<2x2000xi32, #tpu.memory_space<vmem>> -> memref<1x2000xi32, #tpu.memory_space<vmem>>
    %dma_wait3A_117 = tpu.memref_squeeze %dma_wait3A_116 : memref<1x2000xi32, #tpu.memory_space<vmem>> -> memref<2000xi32, #tpu.memory_space<vmem>>
    %dma_wait3A_118 = arith.constant 0 : i32
    %dma_wait3A_119 = tpu.memref_slice %arg3[%dma_wait3A_118] : memref<6400000xi32, #tpu.memory_space<hbm>> -> memref<2000xi32, #tpu.memory_space<hbm>>
    %dma_wait3A_120 = arith.constant 0 : i32
    %dma_wait3A_121 = tpu.memref_slice %arg7[%dma_wait3A, %dma_wait3A_120] : memref<2x2000xi32, #tpu.memory_space<vmem>> -> memref<1x2000xi32, #tpu.memory_space<vmem>>
    %dma_wait3A_122 = tpu.memref_squeeze %dma_wait3A_121 : memref<1x2000xi32, #tpu.memory_space<vmem>> -> memref<2000xi32, #tpu.memory_space<vmem>>
    %dma_wait3A_123 = arith.constant 0 : i32
    %dma_wait3A_124 = tpu.memref_slice %arg3[%dma_wait3A_123] : memref<6400000xi32, #tpu.memory_space<hbm>> -> memref<2000xi32, #tpu.memory_space<hbm>>
    tpu.wait_dma2 semaphore(%arg14 : memref<!tpu.dma_semaphore, #tpu.memory_space<semaphore_mem>>) src(%dma_wait3A_124 : memref<2000xi32, #tpu.memory_space<hbm>>) dst(%dma_wait3A_122 : memref<2000xi32, #tpu.memory_space<vmem>>)
    %dma_wait3A_125 = arith.constant 0 : i32
    %dma_wait3A_126 = arith.constant 0 : i32
    %dma_wait3A_127 = tpu.memref_slice %arg8[%dma_wait3A_125, %dma_wait3A_126] : memref<2x2000xi32, #tpu.memory_space<vmem>> -> memref<1x2000xi32, #tpu.memory_space<vmem>>
    %dma_wait3A_128 = tpu.memref_squeeze %dma_wait3A_127 : memref<1x2000xi32, #tpu.memory_space<vmem>> -> memref<2000xi32, #tpu.memory_space<vmem>>
    %dma_wait3A_129 = arith.constant 0 : i32
    %dma_wait3A_130 = tpu.memref_slice %arg4[%dma_wait3A_129] : memref<6400000xi32, #tpu.memory_space<hbm>> -> memref<2000xi32, #tpu.memory_space<hbm>>
    %dma_wait3A_131 = arith.constant 0 : i32
    %dma_wait3A_132 = tpu.memref_slice %arg8[%dma_wait3A_125, %dma_wait3A_131] : memref<2x2000xi32, #tpu.memory_space<vmem>> -> memref<1x2000xi32, #tpu.memory_space<vmem>>
    %dma_wait3A_133 = tpu.memref_squeeze %dma_wait3A_132 : memref<1x2000xi32, #tpu.memory_space<vmem>> -> memref<2000xi32, #tpu.memory_space<vmem>>
    %dma_wait3A_134 = arith.constant 0 : i32
    %dma_wait3A_135 = tpu.memref_slice %arg4[%dma_wait3A_134] : memref<6400000xi32, #tpu.memory_space<hbm>> -> memref<2000xi32, #tpu.memory_space<hbm>>
    tpu.wait_dma2 semaphore(%arg16 : memref<!tpu.dma_semaphore, #tpu.memory_space<semaphore_mem>>) src(%dma_wait3A_135 : memref<2000xi32, #tpu.memory_space<hbm>>) dst(%dma_wait3A_133 : memref<2000xi32, #tpu.memory_space<vmem>>)
    %dma_start3A_136 = arith.constant 0 : i32
    %dma_start3A_137 = arith.constant 0 : i32
    %dma_start3A_138 = arith.constant 0 : i32
    %dma_start3A_139 = arith.constant 0 : i32
    %dma_start3A_140 = tpu.memref_slice %arg9[%dma_start3A_137, %dma_start3A_138, %dma_start3A_139] : memref<2x2000x8xf32, #tpu.memory_space<vmem>> -> memref<1x2000x8xf32, #tpu.memory_space<vmem>>
    %dma_start3A_141 = tpu.memref_squeeze %dma_start3A_140 : memref<1x2000x8xf32, #tpu.memory_space<vmem>> -> memref<2000x8xf32, #tpu.memory_space<vmem>>
    %dma_start3A_142 = arith.constant 0 : i32
    %dma_start3A_143 = tpu.memref_slice %arg7[%dma_start3A_136, %dma_start3A_142] : memref<2x2000xi32, #tpu.memory_space<vmem>> -> memref<1x2000xi32, #tpu.memory_space<vmem>>
    %dma_start3A_144 = tpu.memref_squeeze %dma_start3A_143 : memref<1x2000xi32, #tpu.memory_space<vmem>> -> memref<2000xi32, #tpu.memory_space<vmem>>
    %dma_start3A_145 = arith.constant 0 : i32
    %dma_start3A_146 = arith.constant 0 : i32
    %dma_start3A_147 = tpu.memref_slice %arg13[%dma_start3A_145, %dma_start3A_146] : memref<100000x8xf32, #tpu.memory_space<vmem_shared>> -> memref<100000x8xf32, #tpu.memory_space<vmem_shared>>
    tpu.enqueue_indirect_dma source(%dma_start3A_147 : memref<100000x8xf32, #tpu.memory_space<vmem_shared>>) target(%dma_start3A_141 : memref<2000x8xf32, #tpu.memory_space<vmem>>) offsets(%dma_start3A_144 : memref<2000xi32, #tpu.memory_space<vmem>>) semaphore(%arg18 : memref<!tpu.dma_semaphore, #tpu.memory_space<semaphore_mem>>)
    %dma_start3A_148 = arith.constant 0 : i32
    %dma_start3A_149 = arith.constant 0 : i32
    %dma_start3A_150 = arith.constant 0 : i32
    %dma_start3A_151 = arith.constant 0 : i32
    %dma_start3A_152 = tpu.memref_slice %arg10[%dma_start3A_149, %dma_start3A_150, %dma_start3A_151] : memref<2x2000x8xf32, #tpu.memory_space<vmem>> -> memref<1x2000x8xf32, #tpu.memory_space<vmem>>
    %dma_start3A_153 = tpu.memref_squeeze %dma_start3A_152 : memref<1x2000x8xf32, #tpu.memory_space<vmem>> -> memref<2000x8xf32, #tpu.memory_space<vmem>>
    %dma_start3A_154 = arith.constant 0 : i32
    %dma_start3A_155 = tpu.memref_slice %arg8[%dma_start3A_148, %dma_start3A_154] : memref<2x2000xi32, #tpu.memory_space<vmem>> -> memref<1x2000xi32, #tpu.memory_space<vmem>>
    %dma_start3A_156 = tpu.memref_squeeze %dma_start3A_155 : memref<1x2000xi32, #tpu.memory_space<vmem>> -> memref<2000xi32, #tpu.memory_space<vmem>>
    %dma_start3A_157 = arith.constant 0 : i32
    %dma_start3A_158 = arith.constant 0 : i32
    %dma_start3A_159 = tpu.memref_slice %arg13[%dma_start3A_157, %dma_start3A_158] : memref<100000x8xf32, #tpu.memory_space<vmem_shared>> -> memref<100000x8xf32, #tpu.memory_space<vmem_shared>>
    tpu.enqueue_indirect_dma source(%dma_start3A_159 : memref<100000x8xf32, #tpu.memory_space<vmem_shared>>) target(%dma_start3A_153 : memref<2000x8xf32, #tpu.memory_space<vmem>>) offsets(%dma_start3A_156 : memref<2000xi32, #tpu.memory_space<vmem>>) semaphore(%arg20 : memref<!tpu.dma_semaphore, #tpu.memory_space<semaphore_mem>>)
    %add3A_160 = arith.constant 2000 : i32
    %add3A_161 = arith.addi %mul3A_2, %add3A_160 : i32
    %dma_start3A_162 = arith.constant 1 : i32
    %dma_start3A_163 = arith.constant 0 : i32
    %dma_start3A_164 = tpu.memref_slice %arg7[%dma_start3A_162, %dma_start3A_163] : memref<2x2000xi32, #tpu.memory_space<vmem>> -> memref<1x2000xi32, #tpu.memory_space<vmem>>
    %dma_start3A_165 = tpu.memref_squeeze %dma_start3A_164 : memref<1x2000xi32, #tpu.memory_space<vmem>> -> memref<2000xi32, #tpu.memory_space<vmem>>
    %dma_start3A_166 = tpu.memref_slice %arg3[%add3A_161] : memref<6400000xi32, #tpu.memory_space<hbm>> -> memref<2000xi32, #tpu.memory_space<hbm>>
    %dma_start3A_167 = arith.constant 0 : i32
    %dma_start3A_168 = tpu.memref_slice %arg7[%dma_start3A_162, %dma_start3A_167] : memref<2x2000xi32, #tpu.memory_space<vmem>> -> memref<1x2000xi32, #tpu.memory_space<vmem>>
    %dma_start3A_169 = tpu.memref_squeeze %dma_start3A_168 : memref<1x2000xi32, #tpu.memory_space<vmem>> -> memref<2000xi32, #tpu.memory_space<vmem>>
    %dma_start3A_170 = tpu.memref_slice %arg3[%add3A_161] : memref<6400000xi32, #tpu.memory_space<hbm>> -> memref<2000xi32, #tpu.memory_space<hbm>>
    tpu.enqueue_dma source(%dma_start3A_170 : memref<2000xi32, #tpu.memory_space<hbm>>) target(%dma_start3A_169 : memref<2000xi32, #tpu.memory_space<vmem>>) target_semaphore(%arg15 : memref<!tpu.dma_semaphore, #tpu.memory_space<semaphore_mem>>)
    %dma_start3A_171 = arith.constant 1 : i32
    %dma_start3A_172 = arith.constant 0 : i32
    %dma_start3A_173 = tpu.memref_slice %arg8[%dma_start3A_171, %dma_start3A_172] : memref<2x2000xi32, #tpu.memory_space<vmem>> -> memref<1x2000xi32, #tpu.memory_space<vmem>>
    %dma_start3A_174 = tpu.memref_squeeze %dma_start3A_173 : memref<1x2000xi32, #tpu.memory_space<vmem>> -> memref<2000xi32, #tpu.memory_space<vmem>>
    %dma_start3A_175 = tpu.memref_slice %arg4[%add3A_161] : memref<6400000xi32, #tpu.memory_space<hbm>> -> memref<2000xi32, #tpu.memory_space<hbm>>
    %dma_start3A_176 = arith.constant 0 : i32
    %dma_start3A_177 = tpu.memref_slice %arg8[%dma_start3A_171, %dma_start3A_176] : memref<2x2000xi32, #tpu.memory_space<vmem>> -> memref<1x2000xi32, #tpu.memory_space<vmem>>
    %dma_start3A_178 = tpu.memref_squeeze %dma_start3A_177 : memref<1x2000xi32, #tpu.memory_space<vmem>> -> memref<2000xi32, #tpu.memory_space<vmem>>
    %dma_start3A_179 = tpu.memref_slice %arg4[%add3A_161] : memref<6400000xi32, #tpu.memory_space<hbm>> -> memref<2000xi32, #tpu.memory_space<hbm>>
    tpu.enqueue_dma source(%dma_start3A_179 : memref<2000xi32, #tpu.memory_space<hbm>>) target(%dma_start3A_178 : memref<2000xi32, #tpu.memory_space<vmem>>) target_semaphore(%arg17 : memref<!tpu.dma_semaphore, #tpu.memory_space<semaphore_mem>>)
    %broadcast_in_dim3A = arith.constant 0.000000e+00 : f32
    %broadcast_in_dim3A_180 = vector.broadcast %broadcast_in_dim3A : f32 to vector<16xf32>
    %scan3A = arith.constant 0 : i32
    %scan3A_181 = arith.constant 50 : i32
    %scan3A_182 = arith.addi %scan3A, %scan3A_181 : i32
    %scan3A_183 = arith.constant 1 : i32
    %scan3A_184 = scf.for %scan3A_187 = %scan3A to %scan3A_182 step %scan3A_183 iter_args(%scan3A_188 = %broadcast_in_dim3A_180) -> (vector<16xf32>)  : i32 {
      %mul3A_189 = arith.constant 2 : i32
      %mul3A_190 = arith.muli %mul3A_189, %scan3A_187 : i32
      %add3A_191 = arith.constant 0 : i32
      %add3A_192 = arith.addi %mul3A_190, %add3A_191 : i32
      %add3A_193 = arith.constant 1 : i32
      %add3A_194 = arith.addi %add3A_192, %add3A_193 : i32
      %lt3A = arith.constant 100 : i32
      %lt3A_195 = arith.cmpi slt, %add3A_194, %lt3A : i32
      %convert_element_type3A_196 = arith.extui %lt3A_195 : i1 to i32
      %cond3A_197 = arith.constant 0 : i32
      %cond3A_198 = arith.cmpi ne, %convert_element_type3A_196, %cond3A_197 : i32
      scf.if %cond3A_198 {
        %dma_wait3A_722 = arith.constant 1 : i32
        %dma_wait3A_723 = arith.constant 0 : i32
        %dma_wait3A_724 = tpu.memref_slice %arg7[%dma_wait3A_722, %dma_wait3A_723] : memref<2x2000xi32, #tpu.memory_space<vmem>> -> memref<1x2000xi32, #tpu.memory_space<vmem>>
        %dma_wait3A_725 = tpu.memref_squeeze %dma_wait3A_724 : memref<1x2000xi32, #tpu.memory_space<vmem>> -> memref<2000xi32, #tpu.memory_space<vmem>>
        %dma_wait3A_726 = arith.constant 0 : i32
        %dma_wait3A_727 = tpu.memref_slice %arg3[%dma_wait3A_726] : memref<6400000xi32, #tpu.memory_space<hbm>> -> memref<2000xi32, #tpu.memory_space<hbm>>
        %dma_wait3A_728 = arith.constant 0 : i32
        %dma_wait3A_729 = tpu.memref_slice %arg7[%dma_wait3A_722, %dma_wait3A_728] : memref<2x2000xi32, #tpu.memory_space<vmem>> -> memref<1x2000xi32, #tpu.memory_space<vmem>>
        %dma_wait3A_730 = tpu.memref_squeeze %dma_wait3A_729 : memref<1x2000xi32, #tpu.memory_space<vmem>> -> memref<2000xi32, #tpu.memory_space<vmem>>
        %dma_wait3A_731 = arith.constant 0 : i32
        %dma_wait3A_732 = tpu.memref_slice %arg3[%dma_wait3A_731] : memref<6400000xi32, #tpu.memory_space<hbm>> -> memref<2000xi32, #tpu.memory_space<hbm>>
        tpu.wait_dma2 semaphore(%arg15 : memref<!tpu.dma_semaphore, #tpu.memory_space<semaphore_mem>>) src(%dma_wait3A_732 : memref<2000xi32, #tpu.memory_space<hbm>>) dst(%dma_wait3A_730 : memref<2000xi32, #tpu.memory_space<vmem>>)
        %dma_wait3A_733 = arith.constant 1 : i32
        %dma_wait3A_734 = arith.constant 0 : i32
        %dma_wait3A_735 = tpu.memref_slice %arg8[%dma_wait3A_733, %dma_wait3A_734] : memref<2x2000xi32, #tpu.memory_space<vmem>> -> memref<1x2000xi32, #tpu.memory_space<vmem>>
        %dma_wait3A_736 = tpu.memref_squeeze %dma_wait3A_735 : memref<1x2000xi32, #tpu.memory_space<vmem>> -> memref<2000xi32, #tpu.memory_space<vmem>>
        %dma_wait3A_737 = arith.constant 0 : i32
        %dma_wait3A_738 = tpu.memref_slice %arg4[%dma_wait3A_737] : memref<6400000xi32, #tpu.memory_space<hbm>> -> memref<2000xi32, #tpu.memory_space<hbm>>
        %dma_wait3A_739 = arith.constant 0 : i32
        %dma_wait3A_740 = tpu.memref_slice %arg8[%dma_wait3A_733, %dma_wait3A_739] : memref<2x2000xi32, #tpu.memory_space<vmem>> -> memref<1x2000xi32, #tpu.memory_space<vmem>>
        %dma_wait3A_741 = tpu.memref_squeeze %dma_wait3A_740 : memref<1x2000xi32, #tpu.memory_space<vmem>> -> memref<2000xi32, #tpu.memory_space<vmem>>
        %dma_wait3A_742 = arith.constant 0 : i32
        %dma_wait3A_743 = tpu.memref_slice %arg4[%dma_wait3A_742] : memref<6400000xi32, #tpu.memory_space<hbm>> -> memref<2000xi32, #tpu.memory_space<hbm>>
        tpu.wait_dma2 semaphore(%arg17 : memref<!tpu.dma_semaphore, #tpu.memory_space<semaphore_mem>>) src(%dma_wait3A_743 : memref<2000xi32, #tpu.memory_space<hbm>>) dst(%dma_wait3A_741 : memref<2000xi32, #tpu.memory_space<vmem>>)
        %dma_start3A_744 = arith.constant 1 : i32
        %dma_start3A_745 = arith.constant 1 : i32
        %dma_start3A_746 = arith.constant 0 : i32
        %dma_start3A_747 = arith.constant 0 : i32
        %dma_start3A_748 = tpu.memref_slice %arg9[%dma_start3A_745, %dma_start3A_746, %dma_start3A_747] : memref<2x2000x8xf32, #tpu.memory_space<vmem>> -> memref<1x2000x8xf32, #tpu.memory_space<vmem>>
        %dma_start3A_749 = tpu.memref_squeeze %dma_start3A_748 : memref<1x2000x8xf32, #tpu.memory_space<vmem>> -> memref<2000x8xf32, #tpu.memory_space<vmem>>
        %dma_start3A_750 = arith.constant 0 : i32
        %dma_start3A_751 = tpu.memref_slice %arg7[%dma_start3A_744, %dma_start3A_750] : memref<2x2000xi32, #tpu.memory_space<vmem>> -> memref<1x2000xi32, #tpu.memory_space<vmem>>
        %dma_start3A_752 = tpu.memref_squeeze %dma_start3A_751 : memref<1x2000xi32, #tpu.memory_space<vmem>> -> memref<2000xi32, #tpu.memory_space<vmem>>
        %dma_start3A_753 = arith.constant 0 : i32
        %dma_start3A_754 = arith.constant 0 : i32
        %dma_start3A_755 = tpu.memref_slice %arg13[%dma_start3A_753, %dma_start3A_754] : memref<100000x8xf32, #tpu.memory_space<vmem_shared>> -> memref<100000x8xf32, #tpu.memory_space<vmem_shared>>
        tpu.enqueue_indirect_dma source(%dma_start3A_755 : memref<100000x8xf32, #tpu.memory_space<vmem_shared>>) target(%dma_start3A_749 : memref<2000x8xf32, #tpu.memory_space<vmem>>) offsets(%dma_start3A_752 : memref<2000xi32, #tpu.memory_space<vmem>>) semaphore(%arg19 : memref<!tpu.dma_semaphore, #tpu.memory_space<semaphore_mem>>)
        %dma_start3A_756 = arith.constant 1 : i32
        %dma_start3A_757 = arith.constant 1 : i32
        %dma_start3A_758 = arith.constant 0 : i32
        %dma_start3A_759 = arith.constant 0 : i32
        %dma_start3A_760 = tpu.memref_slice %arg10[%dma_start3A_757, %dma_start3A_758, %dma_start3A_759] : memref<2x2000x8xf32, #tpu.memory_space<vmem>> -> memref<1x2000x8xf32, #tpu.memory_space<vmem>>
        %dma_start3A_761 = tpu.memref_squeeze %dma_start3A_760 : memref<1x2000x8xf32, #tpu.memory_space<vmem>> -> memref<2000x8xf32, #tpu.memory_space<vmem>>
        %dma_start3A_762 = arith.constant 0 : i32
        %dma_start3A_763 = tpu.memref_slice %arg8[%dma_start3A_756, %dma_start3A_762] : memref<2x2000xi32, #tpu.memory_space<vmem>> -> memref<1x2000xi32, #tpu.memory_space<vmem>>
        %dma_start3A_764 = tpu.memref_squeeze %dma_start3A_763 : memref<1x2000xi32, #tpu.memory_space<vmem>> -> memref<2000xi32, #tpu.memory_space<vmem>>
        %dma_start3A_765 = arith.constant 0 : i32
        %dma_start3A_766 = arith.constant 0 : i32
        %dma_start3A_767 = tpu.memref_slice %arg13[%dma_start3A_765, %dma_start3A_766] : memref<100000x8xf32, #tpu.memory_space<vmem_shared>> -> memref<100000x8xf32, #tpu.memory_space<vmem_shared>>
        tpu.enqueue_indirect_dma source(%dma_start3A_767 : memref<100000x8xf32, #tpu.memory_space<vmem_shared>>) target(%dma_start3A_761 : memref<2000x8xf32, #tpu.memory_space<vmem>>) offsets(%dma_start3A_764 : memref<2000xi32, #tpu.memory_space<vmem>>) semaphore(%arg21 : memref<!tpu.dma_semaphore, #tpu.memory_space<semaphore_mem>>)
      } else {
      }
      %dma_wait3A_199 = arith.constant 0 : i32
      %dma_wait3A_200 = arith.constant 0 : i32
      %dma_wait3A_201 = arith.constant 0 : i32
      %dma_wait3A_202 = arith.constant 0 : i32
      %dma_wait3A_203 = tpu.memref_slice %arg9[%dma_wait3A_200, %dma_wait3A_201, %dma_wait3A_202] : memref<2x2000x8xf32, #tpu.memory_space<vmem>> -> memref<1x2000x8xf32, #tpu.memory_space<vmem>>
      %dma_wait3A_204 = tpu.memref_squeeze %dma_wait3A_203 : memref<1x2000x8xf32, #tpu.memory_space<vmem>> -> memref<2000x8xf32, #tpu.memory_space<vmem>>
      %dma_wait3A_205 = arith.constant 0 : i32
      %dma_wait3A_206 = tpu.memref_slice %arg7[%dma_wait3A_199, %dma_wait3A_205] : memref<2x2000xi32, #tpu.memory_space<vmem>> -> memref<1x2000xi32, #tpu.memory_space<vmem>>
      %dma_wait3A_207 = tpu.memref_squeeze %dma_wait3A_206 : memref<1x2000xi32, #tpu.memory_space<vmem>> -> memref<2000xi32, #tpu.memory_space<vmem>>
      %dma_wait3A_208 = arith.constant 0 : i32
      %dma_wait3A_209 = arith.constant 0 : i32
      %dma_wait3A_210 = tpu.memref_slice %arg13[%dma_wait3A_208, %dma_wait3A_209] : memref<100000x8xf32, #tpu.memory_space<vmem_shared>> -> memref<100000x8xf32, #tpu.memory_space<vmem_shared>>
      tpu.wait_indirect_dma semaphore(%arg18 : memref<!tpu.dma_semaphore, #tpu.memory_space<semaphore_mem>>) src(%dma_wait3A_210 : memref<100000x8xf32, #tpu.memory_space<vmem_shared>>) dst(%dma_wait3A_204 : memref<2000x8xf32, #tpu.memory_space<vmem>>)
      %dma_wait3A_211 = arith.constant 0 : i32
      %dma_wait3A_212 = arith.constant 0 : i32
      %dma_wait3A_213 = arith.constant 0 : i32
      %dma_wait3A_214 = arith.constant 0 : i32
      %dma_wait3A_215 = tpu.memref_slice %arg10[%dma_wait3A_212, %dma_wait3A_213, %dma_wait3A_214] : memref<2x2000x8xf32, #tpu.memory_space<vmem>> -> memref<1x2000x8xf32, #tpu.memory_space<vmem>>
      %dma_wait3A_216 = tpu.memref_squeeze %dma_wait3A_215 : memref<1x2000x8xf32, #tpu.memory_space<vmem>> -> memref<2000x8xf32, #tpu.memory_space<vmem>>
      %dma_wait3A_217 = arith.constant 0 : i32
      %dma_wait3A_218 = tpu.memref_slice %arg8[%dma_wait3A_211, %dma_wait3A_217] : memref<2x2000xi32, #tpu.memory_space<vmem>> -> memref<1x2000xi32, #tpu.memory_space<vmem>>
      %dma_wait3A_219 = tpu.memref_squeeze %dma_wait3A_218 : memref<1x2000xi32, #tpu.memory_space<vmem>> -> memref<2000xi32, #tpu.memory_space<vmem>>
      %dma_wait3A_220 = arith.constant 0 : i32
      %dma_wait3A_221 = arith.constant 0 : i32
      %dma_wait3A_222 = tpu.memref_slice %arg13[%dma_wait3A_220, %dma_wait3A_221] : memref<100000x8xf32, #tpu.memory_space<vmem_shared>> -> memref<100000x8xf32, #tpu.memory_space<vmem_shared>>
      tpu.wait_indirect_dma semaphore(%arg20 : memref<!tpu.dma_semaphore, #tpu.memory_space<semaphore_mem>>) src(%dma_wait3A_222 : memref<100000x8xf32, #tpu.memory_space<vmem_shared>>) dst(%dma_wait3A_216 : memref<2000x8xf32, #tpu.memory_space<vmem>>)
      %add3A_223 = arith.constant 2 : i32
      %add3A_224 = arith.addi %add3A_192, %add3A_223 : i32
      %lt3A_225 = arith.constant 100 : i32
      %lt3A_226 = arith.cmpi slt, %add3A_224, %lt3A_225 : i32
      %convert_element_type3A_227 = arith.extui %lt3A_226 : i1 to i32
      %cond3A_228 = arith.constant 0 : i32
      %cond3A_229 = arith.cmpi ne, %convert_element_type3A_227, %cond3A_228 : i32
      scf.if %cond3A_229 {
        %add3A_722 = arith.constant 2 : i32
        %add3A_723 = arith.addi %add3A_192, %add3A_722 : i32
        %mul3A_724 = arith.constant 2000 : i32
        %mul3A_725 = arith.muli %add3A_723, %mul3A_724 : i32
        %add3A_726 = arith.addi %mul3A_2, %mul3A_725 : i32
        %dma_start3A_727 = arith.constant 0 : i32
        %dma_start3A_728 = arith.constant 0 : i32
        %dma_start3A_729 = tpu.memref_slice %arg7[%dma_start3A_727, %dma_start3A_728] : memref<2x2000xi32, #tpu.memory_space<vmem>> -> memref<1x2000xi32, #tpu.memory_space<vmem>>
        %dma_start3A_730 = tpu.memref_squeeze %dma_start3A_729 : memref<1x2000xi32, #tpu.memory_space<vmem>> -> memref<2000xi32, #tpu.memory_space<vmem>>
        %dma_start3A_731 = tpu.memref_slice %arg3[%add3A_726] : memref<6400000xi32, #tpu.memory_space<hbm>> -> memref<2000xi32, #tpu.memory_space<hbm>>
        %dma_start3A_732 = arith.constant 0 : i32
        %dma_start3A_733 = tpu.memref_slice %arg7[%dma_start3A_727, %dma_start3A_732] : memref<2x2000xi32, #tpu.memory_space<vmem>> -> memref<1x2000xi32, #tpu.memory_space<vmem>>
        %dma_start3A_734 = tpu.memref_squeeze %dma_start3A_733 : memref<1x2000xi32, #tpu.memory_space<vmem>> -> memref<2000xi32, #tpu.memory_space<vmem>>
        %dma_start3A_735 = tpu.memref_slice %arg3[%add3A_726] : memref<6400000xi32, #tpu.memory_space<hbm>> -> memref<2000xi32, #tpu.memory_space<hbm>>
        tpu.enqueue_dma source(%dma_start3A_735 : memref<2000xi32, #tpu.memory_space<hbm>>) target(%dma_start3A_734 : memref<2000xi32, #tpu.memory_space<vmem>>) target_semaphore(%arg14 : memref<!tpu.dma_semaphore, #tpu.memory_space<semaphore_mem>>)
        %dma_start3A_736 = arith.constant 0 : i32
        %dma_start3A_737 = arith.constant 0 : i32
        %dma_start3A_738 = tpu.memref_slice %arg8[%dma_start3A_736, %dma_start3A_737] : memref<2x2000xi32, #tpu.memory_space<vmem>> -> memref<1x2000xi32, #tpu.memory_space<vmem>>
        %dma_start3A_739 = tpu.memref_squeeze %dma_start3A_738 : memref<1x2000xi32, #tpu.memory_space<vmem>> -> memref<2000xi32, #tpu.memory_space<vmem>>
        %dma_start3A_740 = tpu.memref_slice %arg4[%add3A_726] : memref<6400000xi32, #tpu.memory_space<hbm>> -> memref<2000xi32, #tpu.memory_space<hbm>>
        %dma_start3A_741 = arith.constant 0 : i32
        %dma_start3A_742 = tpu.memref_slice %arg8[%dma_start3A_736, %dma_start3A_741] : memref<2x2000xi32, #tpu.memory_space<vmem>> -> memref<1x2000xi32, #tpu.memory_space<vmem>>
        %dma_start3A_743 = tpu.memref_squeeze %dma_start3A_742 : memref<1x2000xi32, #tpu.memory_space<vmem>> -> memref<2000xi32, #tpu.memory_space<vmem>>
        %dma_start3A_744 = tpu.memref_slice %arg4[%add3A_726] : memref<6400000xi32, #tpu.memory_space<hbm>> -> memref<2000xi32, #tpu.memory_space<hbm>>
        tpu.enqueue_dma source(%dma_start3A_744 : memref<2000xi32, #tpu.memory_space<hbm>>) target(%dma_start3A_743 : memref<2000xi32, #tpu.memory_space<vmem>>) target_semaphore(%arg16 : memref<!tpu.dma_semaphore, #tpu.memory_space<semaphore_mem>>)
      } else {
      }
      %scan3A_230 = arith.constant 0 : i32
      %scan3A_231 = arith.constant 0 : i32
      %scan3A_232 = arith.constant 0 : i32
      %scan3A_233 = arith.constant 124 : i32
      %scan3A_234 = arith.addi %scan3A_232, %scan3A_233 : i32
      %scan3A_235 = arith.constant 4 : i32
      %scan3A_236 = scf.for %scan3A_722 = %scan3A_232 to %scan3A_234 step %scan3A_235 iter_args(%scan3A_723 = %scan3A_188) -> (vector<16xf32>)  : i32 {
        %mul3A_724 = arith.constant 16 : i32
        %mul3A_725 = arith.muli %scan3A_722, %mul3A_724 : i32
        %add3A_726 = vector.broadcast %mul3A_725 : i32 to vector<16xi32>
        %add3A_727 = arith.addi %add3A_726, %iota3A : vector<16xi32>
        %broadcast_in_dim3A_728 = arith.constant 0 : i32
        %broadcast_in_dim3A_729 = vector.broadcast %broadcast_in_dim3A_728 : i32 to vector<16xi32>
        %gather3A_730 = arith.constant 0 : i32
        %gather3A_731 = arith.constant 0 : i32
        %gather3A_732 = tpu.memref_slice %arg9[%scan3A_230, %gather3A_730, %gather3A_731] : memref<2x2000x8xf32, #tpu.memory_space<vmem>> -> memref<1x2000x8xf32, #tpu.memory_space<vmem>>
        %gather3A_733 = tpu.memref_squeeze %gather3A_732 : memref<1x2000x8xf32, #tpu.memory_space<vmem>> -> memref<2000x8xf32, #tpu.memory_space<vmem>>
        %gather3A_734 = tpu.vector_load_idx %gather3A_733[%add3A_727, %broadcast_in_dim3A_729] : memref<2000x8xf32, #tpu.memory_space<vmem>>[vector<16xi32>, vector<16xi32>], vector<16xf32>,
        %broadcast_in_dim3A_735 = arith.constant 1 : i32
        %broadcast_in_dim3A_736 = vector.broadcast %broadcast_in_dim3A_735 : i32 to vector<16xi32>
        %gather3A_737 = arith.constant 0 : i32
        %gather3A_738 = arith.constant 0 : i32
        %gather3A_739 = tpu.memref_slice %arg9[%scan3A_230, %gather3A_737, %gather3A_738] : memref<2x2000x8xf32, #tpu.memory_space<vmem>> -> memref<1x2000x8xf32, #tpu.memory_space<vmem>>
        %gather3A_740 = tpu.memref_squeeze %gather3A_739 : memref<1x2000x8xf32, #tpu.memory_space<vmem>> -> memref<2000x8xf32, #tpu.memory_space<vmem>>
        %gather3A_741 = tpu.vector_load_idx %gather3A_740[%add3A_727, %broadcast_in_dim3A_736] : memref<2000x8xf32, #tpu.memory_space<vmem>>[vector<16xi32>, vector<16xi32>], vector<16xf32>,
        %broadcast_in_dim3A_742 = arith.constant 2 : i32
        %broadcast_in_dim3A_743 = vector.broadcast %broadcast_in_dim3A_742 : i32 to vector<16xi32>
        %gather3A_744 = arith.constant 0 : i32
        %gather3A_745 = arith.constant 0 : i32
        %gather3A_746 = tpu.memref_slice %arg9[%scan3A_230, %gather3A_744, %gather3A_745] : memref<2x2000x8xf32, #tpu.memory_space<vmem>> -> memref<1x2000x8xf32, #tpu.memory_space<vmem>>
        %gather3A_747 = tpu.memref_squeeze %gather3A_746 : memref<1x2000x8xf32, #tpu.memory_space<vmem>> -> memref<2000x8xf32, #tpu.memory_space<vmem>>
        %gather3A_748 = tpu.vector_load_idx %gather3A_747[%add3A_727, %broadcast_in_dim3A_743] : memref<2000x8xf32, #tpu.memory_space<vmem>>[vector<16xi32>, vector<16xi32>], vector<16xf32>,
        %broadcast_in_dim3A_749 = arith.constant 3 : i32
        %broadcast_in_dim3A_750 = vector.broadcast %broadcast_in_dim3A_749 : i32 to vector<16xi32>
        %gather3A_751 = arith.constant 0 : i32
        %gather3A_752 = arith.constant 0 : i32
        %gather3A_753 = tpu.memref_slice %arg9[%scan3A_230, %gather3A_751, %gather3A_752] : memref<2x2000x8xf32, #tpu.memory_space<vmem>> -> memref<1x2000x8xf32, #tpu.memory_space<vmem>>
        %gather3A_754 = tpu.memref_squeeze %gather3A_753 : memref<1x2000x8xf32, #tpu.memory_space<vmem>> -> memref<2000x8xf32, #tpu.memory_space<vmem>>
        %gather3A_755 = tpu.vector_load_idx %gather3A_754[%add3A_727, %broadcast_in_dim3A_750] : memref<2000x8xf32, #tpu.memory_space<vmem>>[vector<16xi32>, vector<16xi32>], vector<16xf32>,
        %broadcast_in_dim3A_756 = arith.constant 4 : i32
        %broadcast_in_dim3A_757 = vector.broadcast %broadcast_in_dim3A_756 : i32 to vector<16xi32>
        %gather3A_758 = arith.constant 0 : i32
        %gather3A_759 = arith.constant 0 : i32
        %gather3A_760 = tpu.memref_slice %arg9[%scan3A_230, %gather3A_758, %gather3A_759] : memref<2x2000x8xf32, #tpu.memory_space<vmem>> -> memref<1x2000x8xf32, #tpu.memory_space<vmem>>
        %gather3A_761 = tpu.memref_squeeze %gather3A_760 : memref<1x2000x8xf32, #tpu.memory_space<vmem>> -> memref<2000x8xf32, #tpu.memory_space<vmem>>
        %gather3A_762 = tpu.vector_load_idx %gather3A_761[%add3A_727, %broadcast_in_dim3A_757] : memref<2000x8xf32, #tpu.memory_space<vmem>>[vector<16xi32>, vector<16xi32>], vector<16xf32>,
        %broadcast_in_dim3A_763 = arith.constant 5 : i32
        %broadcast_in_dim3A_764 = vector.broadcast %broadcast_in_dim3A_763 : i32 to vector<16xi32>
        %gather3A_765 = arith.constant 0 : i32
        %gather3A_766 = arith.constant 0 : i32
        %gather3A_767 = tpu.memref_slice %arg9[%scan3A_230, %gather3A_765, %gather3A_766] : memref<2x2000x8xf32, #tpu.memory_space<vmem>> -> memref<1x2000x8xf32, #tpu.memory_space<vmem>>
        %gather3A_768 = tpu.memref_squeeze %gather3A_767 : memref<1x2000x8xf32, #tpu.memory_space<vmem>> -> memref<2000x8xf32, #tpu.memory_space<vmem>>
        %gather3A_769 = tpu.vector_load_idx %gather3A_768[%add3A_727, %broadcast_in_dim3A_764] : memref<2000x8xf32, #tpu.memory_space<vmem>>[vector<16xi32>, vector<16xi32>], vector<16xf32>,
        %broadcast_in_dim3A_770 = arith.constant 0 : i32
        %broadcast_in_dim3A_771 = vector.broadcast %broadcast_in_dim3A_770 : i32 to vector<16xi32>
        %gather3A_772 = arith.constant 0 : i32
        %gather3A_773 = arith.constant 0 : i32
        %gather3A_774 = tpu.memref_slice %arg10[%scan3A_231, %gather3A_772, %gather3A_773] : memref<2x2000x8xf32, #tpu.memory_space<vmem>> -> memref<1x2000x8xf32, #tpu.memory_space<vmem>>
        %gather3A_775 = tpu.memref_squeeze %gather3A_774 : memref<1x2000x8xf32, #tpu.memory_space<vmem>> -> memref<2000x8xf32, #tpu.memory_space<vmem>>
        %gather3A_776 = tpu.vector_load_idx %gather3A_775[%add3A_727, %broadcast_in_dim3A_771] : memref<2000x8xf32, #tpu.memory_space<vmem>>[vector<16xi32>, vector<16xi32>], vector<16xf32>,
        %broadcast_in_dim3A_777 = arith.constant 1 : i32
        %broadcast_in_dim3A_778 = vector.broadcast %broadcast_in_dim3A_777 : i32 to vector<16xi32>
        %gather3A_779 = arith.constant 0 : i32
        %gather3A_780 = arith.constant 0 : i32
        %gather3A_781 = tpu.memref_slice %arg10[%scan3A_231, %gather3A_779, %gather3A_780] : memref<2x2000x8xf32, #tpu.memory_space<vmem>> -> memref<1x2000x8xf32, #tpu.memory_space<vmem>>
        %gather3A_782 = tpu.memref_squeeze %gather3A_781 : memref<1x2000x8xf32, #tpu.memory_space<vmem>> -> memref<2000x8xf32, #tpu.memory_space<vmem>>
        %gather3A_783 = tpu.vector_load_idx %gather3A_782[%add3A_727, %broadcast_in_dim3A_778] : memref<2000x8xf32, #tpu.memory_space<vmem>>[vector<16xi32>, vector<16xi32>], vector<16xf32>,
        %broadcast_in_dim3A_784 = arith.constant 2 : i32
        %broadcast_in_dim3A_785 = vector.broadcast %broadcast_in_dim3A_784 : i32 to vector<16xi32>
        %gather3A_786 = arith.constant 0 : i32
        %gather3A_787 = arith.constant 0 : i32
        %gather3A_788 = tpu.memref_slice %arg10[%scan3A_231, %gather3A_786, %gather3A_787] : memref<2x2000x8xf32, #tpu.memory_space<vmem>> -> memref<1x2000x8xf32, #tpu.memory_space<vmem>>
        %gather3A_789 = tpu.memref_squeeze %gather3A_788 : memref<1x2000x8xf32, #tpu.memory_space<vmem>> -> memref<2000x8xf32, #tpu.memory_space<vmem>>
        %gather3A_790 = tpu.vector_load_idx %gather3A_789[%add3A_727, %broadcast_in_dim3A_785] : memref<2000x8xf32, #tpu.memory_space<vmem>>[vector<16xi32>, vector<16xi32>], vector<16xf32>,
        %broadcast_in_dim3A_791 = arith.constant 3 : i32
        %broadcast_in_dim3A_792 = vector.broadcast %broadcast_in_dim3A_791 : i32 to vector<16xi32>
        %gather3A_793 = arith.constant 0 : i32
        %gather3A_794 = arith.constant 0 : i32
        %gather3A_795 = tpu.memref_slice %arg10[%scan3A_231, %gather3A_793, %gather3A_794] : memref<2x2000x8xf32, #tpu.memory_space<vmem>> -> memref<1x2000x8xf32, #tpu.memory_space<vmem>>
        %gather3A_796 = tpu.memref_squeeze %gather3A_795 : memref<1x2000x8xf32, #tpu.memory_space<vmem>> -> memref<2000x8xf32, #tpu.memory_space<vmem>>
        %gather3A_797 = tpu.vector_load_idx %gather3A_796[%add3A_727, %broadcast_in_dim3A_792] : memref<2000x8xf32, #tpu.memory_space<vmem>>[vector<16xi32>, vector<16xi32>], vector<16xf32>,
        %broadcast_in_dim3A_798 = arith.constant 4 : i32
        %broadcast_in_dim3A_799 = vector.broadcast %broadcast_in_dim3A_798 : i32 to vector<16xi32>
        %gather3A_800 = arith.constant 0 : i32
        %gather3A_801 = arith.constant 0 : i32
        %gather3A_802 = tpu.memref_slice %arg10[%scan3A_231, %gather3A_800, %gather3A_801] : memref<2x2000x8xf32, #tpu.memory_space<vmem>> -> memref<1x2000x8xf32, #tpu.memory_space<vmem>>
        %gather3A_803 = tpu.memref_squeeze %gather3A_802 : memref<1x2000x8xf32, #tpu.memory_space<vmem>> -> memref<2000x8xf32, #tpu.memory_space<vmem>>
        %gather3A_804 = tpu.vector_load_idx %gather3A_803[%add3A_727, %broadcast_in_dim3A_799] : memref<2000x8xf32, #tpu.memory_space<vmem>>[vector<16xi32>, vector<16xi32>], vector<16xf32>,
        %broadcast_in_dim3A_805 = arith.constant 5 : i32
        %broadcast_in_dim3A_806 = vector.broadcast %broadcast_in_dim3A_805 : i32 to vector<16xi32>
        %gather3A_807 = arith.constant 0 : i32
        %gather3A_808 = arith.constant 0 : i32
        %gather3A_809 = tpu.memref_slice %arg10[%scan3A_231, %gather3A_807, %gather3A_808] : memref<2x2000x8xf32, #tpu.memory_space<vmem>> -> memref<1x2000x8xf32, #tpu.memory_space<vmem>>
        %gather3A_810 = tpu.memref_squeeze %gather3A_809 : memref<1x2000x8xf32, #tpu.memory_space<vmem>> -> memref<2000x8xf32, #tpu.memory_space<vmem>>
        %gather3A_811 = tpu.vector_load_idx %gather3A_810[%add3A_727, %broadcast_in_dim3A_806] : memref<2000x8xf32, #tpu.memory_space<vmem>>[vector<16xi32>, vector<16xi32>], vector<16xf32>,
        %sub3A_812 = arith.subf %gather3A_734, %gather3A_776 : vector<16xf32>
        %sub3A_813 = arith.subf %gather3A_741, %gather3A_783 : vector<16xf32>
        %sub3A_814 = arith.subf %gather3A_748, %gather3A_790 : vector<16xf32>
        %mul3A_815 = arith.mulf %sub3A_812, %mul3A_83 : vector<16xf32>
        %mul3A_816 = arith.mulf %sub3A_813, %mul3A_86 : vector<16xf32>
        %add3A_817 = arith.addf %mul3A_815, %mul3A_816 : vector<16xf32>
        %mul3A_818 = arith.mulf %sub3A_814, %mul3A_89 : vector<16xf32>
        %add3A_819 = arith.addf %add3A_817, %mul3A_818 : vector<16xf32>
        %mul3A_820 = arith.mulf %sub3A_812, %mul3A_84 : vector<16xf32>
        %mul3A_821 = arith.mulf %sub3A_813, %mul3A_87 : vector<16xf32>
        %add3A_822 = arith.addf %mul3A_820, %mul3A_821 : vector<16xf32>
        %mul3A_823 = arith.mulf %sub3A_814, %mul3A_90 : vector<16xf32>
        %add3A_824 = arith.addf %add3A_822, %mul3A_823 : vector<16xf32>
        %mul3A_825 = arith.mulf %sub3A_812, %mul3A_85 : vector<16xf32>
        %mul3A_826 = arith.mulf %sub3A_813, %mul3A_88 : vector<16xf32>
        %add3A_827 = arith.addf %mul3A_825, %mul3A_826 : vector<16xf32>
        %mul3A_828 = arith.mulf %sub3A_814, %mul3A_91 : vector<16xf32>
        %add3A_829 = arith.addf %add3A_827, %mul3A_828 : vector<16xf32>
        %add3A_830 = arith.constant 5.000000e-01 : f32
        %add3A_831 = vector.broadcast %add3A_830 : f32 to vector<16xf32>
        %add3A_832 = arith.addf %add3A_819, %add3A_831 : vector<16xf32>
        %convert_element_type3A_833 = arith.fptosi %add3A_832 : vector<16xf32> to vector<16xi32>
        %convert_element_type3A_834 = arith.sitofp %convert_element_type3A_833 : vector<16xi32> to vector<16xf32>
        %lt3A_835 = arith.cmpf olt, %add3A_832, %convert_element_type3A_834 : vector<16xf32>
        %sub3A_836 = arith.constant 1.000000e+00 : f32
        %sub3A_837 = vector.broadcast %sub3A_836 : f32 to vector<16xf32>
        %sub3A_838 = arith.subf %convert_element_type3A_834, %sub3A_837 : vector<16xf32>
        %select_n3A_839 = arith.select %lt3A_835, %sub3A_838, %convert_element_type3A_834 : vector<16xi1>, vector<16xf32>
        %sub3A_840 = arith.subf %add3A_819, %select_n3A_839 : vector<16xf32>
        %add3A_841 = arith.constant 5.000000e-01 : f32
        %add3A_842 = vector.broadcast %add3A_841 : f32 to vector<16xf32>
        %add3A_843 = arith.addf %add3A_824, %add3A_842 : vector<16xf32>
        %convert_element_type3A_844 = arith.fptosi %add3A_843 : vector<16xf32> to vector<16xi32>
        %convert_element_type3A_845 = arith.sitofp %convert_element_type3A_844 : vector<16xi32> to vector<16xf32>
        %lt3A_846 = arith.cmpf olt, %add3A_843, %convert_element_type3A_845 : vector<16xf32>
        %sub3A_847 = arith.constant 1.000000e+00 : f32
        %sub3A_848 = vector.broadcast %sub3A_847 : f32 to vector<16xf32>
        %sub3A_849 = arith.subf %convert_element_type3A_845, %sub3A_848 : vector<16xf32>
        %select_n3A_850 = arith.select %lt3A_846, %sub3A_849, %convert_element_type3A_845 : vector<16xi1>, vector<16xf32>
        %sub3A_851 = arith.subf %add3A_824, %select_n3A_850 : vector<16xf32>
        %add3A_852 = arith.constant 5.000000e-01 : f32
        %add3A_853 = vector.broadcast %add3A_852 : f32 to vector<16xf32>
        %add3A_854 = arith.addf %add3A_829, %add3A_853 : vector<16xf32>
        %convert_element_type3A_855 = arith.fptosi %add3A_854 : vector<16xf32> to vector<16xi32>
        %convert_element_type3A_856 = arith.sitofp %convert_element_type3A_855 : vector<16xi32> to vector<16xf32>
        %lt3A_857 = arith.cmpf olt, %add3A_854, %convert_element_type3A_856 : vector<16xf32>
        %sub3A_858 = arith.constant 1.000000e+00 : f32
        %sub3A_859 = vector.broadcast %sub3A_858 : f32 to vector<16xf32>
        %sub3A_860 = arith.subf %convert_element_type3A_856, %sub3A_859 : vector<16xf32>
        %select_n3A_861 = arith.select %lt3A_857, %sub3A_860, %convert_element_type3A_856 : vector<16xi1>, vector<16xf32>
        %sub3A_862 = arith.subf %add3A_829, %select_n3A_861 : vector<16xf32>
        %mul3A_863 = arith.mulf %sub3A_840, %get3A_5 : vector<16xf32>
        %mul3A_864 = arith.mulf %sub3A_851, %get3A_17 : vector<16xf32>
        %add3A_865 = arith.addf %mul3A_863, %mul3A_864 : vector<16xf32>
        %mul3A_866 = arith.mulf %sub3A_862, %get3A_29 : vector<16xf32>
        %add3A_867 = arith.addf %add3A_865, %mul3A_866 : vector<16xf32>
        %mul3A_868 = arith.mulf %sub3A_840, %get3A_9 : vector<16xf32>
        %mul3A_869 = arith.mulf %sub3A_851, %get3A_21 : vector<16xf32>
        %add3A_870 = arith.addf %mul3A_868, %mul3A_869 : vector<16xf32>
        %mul3A_871 = arith.mulf %sub3A_862, %get3A_33 : vector<16xf32>
        %add3A_872 = arith.addf %add3A_870, %mul3A_871 : vector<16xf32>
        %mul3A_873 = arith.mulf %sub3A_840, %get3A_13 : vector<16xf32>
        %mul3A_874 = arith.mulf %sub3A_851, %get3A_25 : vector<16xf32>
        %add3A_875 = arith.addf %mul3A_873, %mul3A_874 : vector<16xf32>
        %mul3A_876 = arith.mulf %sub3A_862, %get3A_37 : vector<16xf32>
        %add3A_877 = arith.addf %add3A_875, %mul3A_876 : vector<16xf32>
        %mul3A_878 = arith.mulf %add3A_867, %add3A_867 : vector<16xf32>
        %mul3A_879 = arith.mulf %add3A_872, %add3A_872 : vector<16xf32>
        %add3A_880 = arith.addf %mul3A_878, %mul3A_879 : vector<16xf32>
        %mul3A_881 = arith.mulf %add3A_877, %add3A_877 : vector<16xf32>
        %add3A_882 = arith.addf %add3A_880, %mul3A_881 : vector<16xf32>
        %mul3A_883 = arith.constant 5.000000e-01 : f32
        %mul3A_884 = vector.broadcast %mul3A_883 : f32 to vector<16xf32>
        %mul3A_885 = arith.mulf %mul3A_884, %add3A_882 : vector<16xf32>
        %bitcast_convert_type3A_886 = tpu.bitcast %add3A_882 : vector<16xf32> -> vector<16xi32>
        %shift_right_arithmetic3A_887 = arith.constant 1 : i32
        %shift_right_arithmetic3A_888 = vector.broadcast %shift_right_arithmetic3A_887 : i32 to vector<16xi32>
        %shift_right_arithmetic3A_889 = arith.shrsi %bitcast_convert_type3A_886, %shift_right_arithmetic3A_888 : vector<16xi32>
        %sub3A_890 = arith.constant 1597463007 : i32
        %sub3A_891 = vector.broadcast %sub3A_890 : i32 to vector<16xi32>
        %sub3A_892 = arith.subi %sub3A_891, %shift_right_arithmetic3A_889 : vector<16xi32>
        %bitcast_convert_type3A_893 = tpu.bitcast %sub3A_892 : vector<16xi32> -> vector<16xf32>
        %mul3A_894 = arith.mulf %mul3A_885, %bitcast_convert_type3A_893 : vector<16xf32>
        %mul3A_895 = arith.mulf %mul3A_894, %bitcast_convert_type3A_893 : vector<16xf32>
        %sub3A_896 = arith.constant 1.500000e+00 : f32
        %sub3A_897 = vector.broadcast %sub3A_896 : f32 to vector<16xf32>
        %sub3A_898 = arith.subf %sub3A_897, %mul3A_895 : vector<16xf32>
        %mul3A_899 = arith.mulf %bitcast_convert_type3A_893, %sub3A_898 : vector<16xf32>
        %mul3A_900 = arith.mulf %mul3A_885, %mul3A_899 : vector<16xf32>
        %mul3A_901 = arith.mulf %mul3A_900, %mul3A_899 : vector<16xf32>
        %sub3A_902 = arith.constant 1.500000e+00 : f32
        %sub3A_903 = vector.broadcast %sub3A_902 : f32 to vector<16xf32>
        %sub3A_904 = arith.subf %sub3A_903, %mul3A_901 : vector<16xf32>
        %mul3A_905 = arith.mulf %mul3A_899, %sub3A_904 : vector<16xf32>
        %mul3A_906 = arith.mulf %mul3A_885, %mul3A_905 : vector<16xf32>
        %mul3A_907 = arith.mulf %mul3A_906, %mul3A_905 : vector<16xf32>
        %sub3A_908 = arith.constant 1.500000e+00 : f32
        %sub3A_909 = vector.broadcast %sub3A_908 : f32 to vector<16xf32>
        %sub3A_910 = arith.subf %sub3A_909, %mul3A_907 : vector<16xf32>
        %mul3A_911 = arith.mulf %mul3A_905, %sub3A_910 : vector<16xf32>
        %mul3A_912 = arith.mulf %gather3A_755, %gather3A_797 : vector<16xf32>
        %sub3A_913 = arith.subf %mul3A_911, %div3A_92 : vector<16xf32>
        %mul3A_914 = arith.mulf %mul3A_912, %sub3A_913 : vector<16xf32>
        %mul3A_915 = arith.mulf %mul3A_914, %get3A_41 : vector<16xf32>
        %add3A_916 = arith.addf %gather3A_762, %gather3A_804 : vector<16xf32>
        %mul3A_917 = arith.constant 5.000000e-01 : f32
        %mul3A_918 = vector.broadcast %mul3A_917 : f32 to vector<16xf32>
        %mul3A_919 = arith.mulf %add3A_916, %mul3A_918 : vector<16xf32>
        %mul3A_920 = arith.mulf %mul3A_919, %mul3A_919 : vector<16xf32>
        %div3A_921 = arith.constant 1.000000e+00 : f32
        %div3A_922 = vector.broadcast %div3A_921 : f32 to vector<16xf32>
        %div3A_923 = arith.divf %div3A_922, %add3A_882 : vector<16xf32>
        %mul3A_924 = arith.mulf %mul3A_920, %div3A_923 : vector<16xf32>
        %mul3A_925 = arith.mulf %mul3A_924, %mul3A_924 : vector<16xf32>
        %mul3A_926 = arith.mulf %mul3A_925, %mul3A_924 : vector<16xf32>
        %mul3A_927 = arith.mulf %gather3A_769, %gather3A_811 : vector<16xf32>
        %mul3A_928 = arith.constant 4.000000e+00 : f32
        %mul3A_929 = vector.broadcast %mul3A_928 : f32 to vector<16xf32>
        %mul3A_930 = arith.mulf %mul3A_929, %mul3A_927 : vector<16xf32>
        %mul3A_931 = arith.mulf %mul3A_930, %mul3A_926 : vector<16xf32>
        %sub3A_932 = arith.constant 1.000000e+00 : f32
        %sub3A_933 = vector.broadcast %sub3A_932 : f32 to vector<16xf32>
        %sub3A_934 = arith.subf %mul3A_926, %sub3A_933 : vector<16xf32>
        %mul3A_935 = arith.mulf %mul3A_931, %sub3A_934 : vector<16xf32>
        %add3A_936 = arith.addf %mul3A_915, %mul3A_935 : vector<16xf32>
        %le3A_937 = arith.cmpf ole, %add3A_882, %mul3A_93 : vector<16xf32>
        %jit3A_938 = arith.constant 0.000000e+00 : f32
        %broadcast_in_dim3A_939 = vector.broadcast %jit3A_938 : f32 to vector<16xf32>
        %select_n3A_940 = arith.select %le3A_937, %add3A_936, %broadcast_in_dim3A_939 : vector<16xi1>, vector<16xf32>
        %add3A_941 = arith.addf %scan3A_723, %select_n3A_940 : vector<16xf32>
        %scan3A_942 = arith.constant 1 : i32
        %scan3A_943 = arith.addi %scan3A_722, %scan3A_942 : i32
        %mul3A_944 = arith.constant 16 : i32
        %mul3A_945 = arith.muli %scan3A_943, %mul3A_944 : i32
        %add3A_946 = vector.broadcast %mul3A_945 : i32 to vector<16xi32>
        %add3A_947 = arith.addi %add3A_946, %iota3A : vector<16xi32>
        %broadcast_in_dim3A_948 = arith.constant 0 : i32
        %broadcast_in_dim3A_949 = vector.broadcast %broadcast_in_dim3A_948 : i32 to vector<16xi32>
        %gather3A_950 = arith.constant 0 : i32
        %gather3A_951 = arith.constant 0 : i32
        %gather3A_952 = tpu.memref_slice %arg9[%scan3A_230, %gather3A_950, %gather3A_951] : memref<2x2000x8xf32, #tpu.memory_space<vmem>> -> memref<1x2000x8xf32, #tpu.memory_space<vmem>>
        %gather3A_953 = tpu.memref_squeeze %gather3A_952 : memref<1x2000x8xf32, #tpu.memory_space<vmem>> -> memref<2000x8xf32, #tpu.memory_space<vmem>>
        %gather3A_954 = tpu.vector_load_idx %gather3A_953[%add3A_947, %broadcast_in_dim3A_949] : memref<2000x8xf32, #tpu.memory_space<vmem>>[vector<16xi32>, vector<16xi32>], vector<16xf32>,
        %broadcast_in_dim3A_955 = arith.constant 1 : i32
        %broadcast_in_dim3A_956 = vector.broadcast %broadcast_in_dim3A_955 : i32 to vector<16xi32>
        %gather3A_957 = arith.constant 0 : i32
        %gather3A_958 = arith.constant 0 : i32
        %gather3A_959 = tpu.memref_slice %arg9[%scan3A_230, %gather3A_957, %gather3A_958] : memref<2x2000x8xf32, #tpu.memory_space<vmem>> -> memref<1x2000x8xf32, #tpu.memory_space<vmem>>
        %gather3A_960 = tpu.memref_squeeze %gather3A_959 : memref<1x2000x8xf32, #tpu.memory_space<vmem>> -> memref<2000x8xf32, #tpu.memory_space<vmem>>
        %gather3A_961 = tpu.vector_load_idx %gather3A_960[%add3A_947, %broadcast_in_dim3A_956] : memref<2000x8xf32, #tpu.memory_space<vmem>>[vector<16xi32>, vector<16xi32>], vector<16xf32>,
        %broadcast_in_dim3A_962 = arith.constant 2 : i32
        %broadcast_in_dim3A_963 = vector.broadcast %broadcast_in_dim3A_962 : i32 to vector<16xi32>
        %gather3A_964 = arith.constant 0 : i32
        %gather3A_965 = arith.constant 0 : i32
        %gather3A_966 = tpu.memref_slice %arg9[%scan3A_230, %gather3A_964, %gather3A_965] : memref<2x2000x8xf32, #tpu.memory_space<vmem>> -> memref<1x2000x8xf32, #tpu.memory_space<vmem>>
        %gather3A_967 = tpu.memref_squeeze %gather3A_966 : memref<1x2000x8xf32, #tpu.memory_space<vmem>> -> memref<2000x8xf32, #tpu.memory_space<vmem>>
        %gather3A_968 = tpu.vector_load_idx %gather3A_967[%add3A_947, %broadcast_in_dim3A_963] : memref<2000x8xf32, #tpu.memory_space<vmem>>[vector<16xi32>, vector<16xi32>], vector<16xf32>,
        %broadcast_in_dim3A_969 = arith.constant 3 : i32
        %broadcast_in_dim3A_970 = vector.broadcast %broadcast_in_dim3A_969 : i32 to vector<16xi32>
        %gather3A_971 = arith.constant 0 : i32
        %gather3A_972 = arith.constant 0 : i32
        %gather3A_973 = tpu.memref_slice %arg9[%scan3A_230, %gather3A_971, %gather3A_972] : memref<2x2000x8xf32, #tpu.memory_space<vmem>> -> memref<1x2000x8xf32, #tpu.memory_space<vmem>>
        %gather3A_974 = tpu.memref_squeeze %gather3A_973 : memref<1x2000x8xf32, #tpu.memory_space<vmem>> -> memref<2000x8xf32, #tpu.memory_space<vmem>>
        %gather3A_975 = tpu.vector_load_idx %gather3A_974[%add3A_947, %broadcast_in_dim3A_970] : memref<2000x8xf32, #tpu.memory_space<vmem>>[vector<16xi32>, vector<16xi32>], vector<16xf32>,
        %broadcast_in_dim3A_976 = arith.constant 4 : i32
        %broadcast_in_dim3A_977 = vector.broadcast %broadcast_in_dim3A_976 : i32 to vector<16xi32>
        %gather3A_978 = arith.constant 0 : i32
        %gather3A_979 = arith.constant 0 : i32
        %gather3A_980 = tpu.memref_slice %arg9[%scan3A_230, %gather3A_978, %gather3A_979] : memref<2x2000x8xf32, #tpu.memory_space<vmem>> -> memref<1x2000x8xf32, #tpu.memory_space<vmem>>
        %gather3A_981 = tpu.memref_squeeze %gather3A_980 : memref<1x2000x8xf32, #tpu.memory_space<vmem>> -> memref<2000x8xf32, #tpu.memory_space<vmem>>
        %gather3A_982 = tpu.vector_load_idx %gather3A_981[%add3A_947, %broadcast_in_dim3A_977] : memref<2000x8xf32, #tpu.memory_space<vmem>>[vector<16xi32>, vector<16xi32>], vector<16xf32>,
        %broadcast_in_dim3A_983 = arith.constant 5 : i32
        %broadcast_in_dim3A_984 = vector.broadcast %broadcast_in_dim3A_983 : i32 to vector<16xi32>
        %gather3A_985 = arith.constant 0 : i32
        %gather3A_986 = arith.constant 0 : i32
        %gather3A_987 = tpu.memref_slice %arg9[%scan3A_230, %gather3A_985, %gather3A_986] : memref<2x2000x8xf32, #tpu.memory_space<vmem>> -> memref<1x2000x8xf32, #tpu.memory_space<vmem>>
        %gather3A_988 = tpu.memref_squeeze %gather3A_987 : memref<1x2000x8xf32, #tpu.memory_space<vmem>> -> memref<2000x8xf32, #tpu.memory_space<vmem>>
        %gather3A_989 = tpu.vector_load_idx %gather3A_988[%add3A_947, %broadcast_in_dim3A_984] : memref<2000x8xf32, #tpu.memory_space<vmem>>[vector<16xi32>, vector<16xi32>], vector<16xf32>,
        %broadcast_in_dim3A_990 = arith.constant 0 : i32
        %broadcast_in_dim3A_991 = vector.broadcast %broadcast_in_dim3A_990 : i32 to vector<16xi32>
        %gather3A_992 = arith.constant 0 : i32
        %gather3A_993 = arith.constant 0 : i32
        %gather3A_994 = tpu.memref_slice %arg10[%scan3A_231, %gather3A_992, %gather3A_993] : memref<2x2000x8xf32, #tpu.memory_space<vmem>> -> memref<1x2000x8xf32, #tpu.memory_space<vmem>>
        %gather3A_995 = tpu.memref_squeeze %gather3A_994 : memref<1x2000x8xf32, #tpu.memory_space<vmem>> -> memref<2000x8xf32, #tpu.memory_space<vmem>>
        %gather3A_996 = tpu.vector_load_idx %gather3A_995[%add3A_947, %broadcast_in_dim3A_991] : memref<2000x8xf32, #tpu.memory_space<vmem>>[vector<16xi32>, vector<16xi32>], vector<16xf32>,
        %broadcast_in_dim3A_997 = arith.constant 1 : i32
        %broadcast_in_dim3A_998 = vector.broadcast %broadcast_in_dim3A_997 : i32 to vector<16xi32>
        %gather3A_999 = arith.constant 0 : i32
        %gather3A_1000 = arith.constant 0 : i32
        %gather3A_1001 = tpu.memref_slice %arg10[%scan3A_231, %gather3A_999, %gather3A_1000] : memref<2x2000x8xf32, #tpu.memory_space<vmem>> -> memref<1x2000x8xf32, #tpu.memory_space<vmem>>
        %gather3A_1002 = tpu.memref_squeeze %gather3A_1001 : memref<1x2000x8xf32, #tpu.memory_space<vmem>> -> memref<2000x8xf32, #tpu.memory_space<vmem>>
        %gather3A_1003 = tpu.vector_load_idx %gather3A_1002[%add3A_947, %broadcast_in_dim3A_998] : memref<2000x8xf32, #tpu.memory_space<vmem>>[vector<16xi32>, vector<16xi32>], vector<16xf32>,
        %broadcast_in_dim3A_1004 = arith.constant 2 : i32
        %broadcast_in_dim3A_1005 = vector.broadcast %broadcast_in_dim3A_1004 : i32 to vector<16xi32>
        %gather3A_1006 = arith.constant 0 : i32
        %gather3A_1007 = arith.constant 0 : i32
        %gather3A_1008 = tpu.memref_slice %arg10[%scan3A_231, %gather3A_1006, %gather3A_1007] : memref<2x2000x8xf32, #tpu.memory_space<vmem>> -> memref<1x2000x8xf32, #tpu.memory_space<vmem>>
        %gather3A_1009 = tpu.memref_squeeze %gather3A_1008 : memref<1x2000x8xf32, #tpu.memory_space<vmem>> -> memref<2000x8xf32, #tpu.memory_space<vmem>>
        %gather3A_1010 = tpu.vector_load_idx %gather3A_1009[%add3A_947, %broadcast_in_dim3A_1005] : memref<2000x8xf32, #tpu.memory_space<vmem>>[vector<16xi32>, vector<16xi32>], vector<16xf32>,
        %broadcast_in_dim3A_1011 = arith.constant 3 : i32
        %broadcast_in_dim3A_1012 = vector.broadcast %broadcast_in_dim3A_1011 : i32 to vector<16xi32>
        %gather3A_1013 = arith.constant 0 : i32
        %gather3A_1014 = arith.constant 0 : i32
        %gather3A_1015 = tpu.memref_slice %arg10[%scan3A_231, %gather3A_1013, %gather3A_1014] : memref<2x2000x8xf32, #tpu.memory_space<vmem>> -> memref<1x2000x8xf32, #tpu.memory_space<vmem>>
        %gather3A_1016 = tpu.memref_squeeze %gather3A_1015 : memref<1x2000x8xf32, #tpu.memory_space<vmem>> -> memref<2000x8xf32, #tpu.memory_space<vmem>>
        %gather3A_1017 = tpu.vector_load_idx %gather3A_1016[%add3A_947, %broadcast_in_dim3A_1012] : memref<2000x8xf32, #tpu.memory_space<vmem>>[vector<16xi32>, vector<16xi32>], vector<16xf32>,
        %broadcast_in_dim3A_1018 = arith.constant 4 : i32
        %broadcast_in_dim3A_1019 = vector.broadcast %broadcast_in_dim3A_1018 : i32 to vector<16xi32>
        %gather3A_1020 = arith.constant 0 : i32
        %gather3A_1021 = arith.constant 0 : i32
        %gather3A_1022 = tpu.memref_slice %arg10[%scan3A_231, %gather3A_1020, %gather3A_1021] : memref<2x2000x8xf32, #tpu.memory_space<vmem>> -> memref<1x2000x8xf32, #tpu.memory_space<vmem>>
        %gather3A_1023 = tpu.memref_squeeze %gather3A_1022 : memref<1x2000x8xf32, #tpu.memory_space<vmem>> -> memref<2000x8xf32, #tpu.memory_space<vmem>>
        %gather3A_1024 = tpu.vector_load_idx %gather3A_1023[%add3A_947, %broadcast_in_dim3A_1019] : memref<2000x8xf32, #tpu.memory_space<vmem>>[vector<16xi32>, vector<16xi32>], vector<16xf32>,
        %broadcast_in_dim3A_1025 = arith.constant 5 : i32
        %broadcast_in_dim3A_1026 = vector.broadcast %broadcast_in_dim3A_1025 : i32 to vector<16xi32>
        %gather3A_1027 = arith.constant 0 : i32
        %gather3A_1028 = arith.constant 0 : i32
        %gather3A_1029 = tpu.memref_slice %arg10[%scan3A_231, %gather3A_1027, %gather3A_1028] : memref<2x2000x8xf32, #tpu.memory_space<vmem>> -> memref<1x2000x8xf32, #tpu.memory_space<vmem>>
        %gather3A_1030 = tpu.memref_squeeze %gather3A_1029 : memref<1x2000x8xf32, #tpu.memory_space<vmem>> -> memref<2000x8xf32, #tpu.memory_space<vmem>>
        %gather3A_1031 = tpu.vector_load_idx %gather3A_1030[%add3A_947, %broadcast_in_dim3A_1026] : memref<2000x8xf32, #tpu.memory_space<vmem>>[vector<16xi32>, vector<16xi32>], vector<16xf32>,
        %sub3A_1032 = arith.subf %gather3A_954, %gather3A_996 : vector<16xf32>
        %sub3A_1033 = arith.subf %gather3A_961, %gather3A_1003 : vector<16xf32>
        %sub3A_1034 = arith.subf %gather3A_968, %gather3A_1010 : vector<16xf32>
        %mul3A_1035 = arith.mulf %sub3A_1032, %mul3A_83 : vector<16xf32>
        %mul3A_1036 = arith.mulf %sub3A_1033, %mul3A_86 : vector<16xf32>
        %add3A_1037 = arith.addf %mul3A_1035, %mul3A_1036 : vector<16xf32>
        %mul3A_1038 = arith.mulf %sub3A_1034, %mul3A_89 : vector<16xf32>
        %add3A_1039 = arith.addf %add3A_1037, %mul3A_1038 : vector<16xf32>
        %mul3A_1040 = arith.mulf %sub3A_1032, %mul3A_84 : vector<16xf32>
        %mul3A_1041 = arith.mulf %sub3A_1033, %mul3A_87 : vector<16xf32>
        %add3A_1042 = arith.addf %mul3A_1040, %mul3A_1041 : vector<16xf32>
        %mul3A_1043 = arith.mulf %sub3A_1034, %mul3A_90 : vector<16xf32>
        %add3A_1044 = arith.addf %add3A_1042, %mul3A_1043 : vector<16xf32>
        %mul3A_1045 = arith.mulf %sub3A_1032, %mul3A_85 : vector<16xf32>
        %mul3A_1046 = arith.mulf %sub3A_1033, %mul3A_88 : vector<16xf32>
        %add3A_1047 = arith.addf %mul3A_1045, %mul3A_1046 : vector<16xf32>
        %mul3A_1048 = arith.mulf %sub3A_1034, %mul3A_91 : vector<16xf32>
        %add3A_1049 = arith.addf %add3A_1047, %mul3A_1048 : vector<16xf32>
        %add3A_1050 = arith.constant 5.000000e-01 : f32
        %add3A_1051 = vector.broadcast %add3A_1050 : f32 to vector<16xf32>
        %add3A_1052 = arith.addf %add3A_1039, %add3A_1051 : vector<16xf32>
        %convert_element_type3A_1053 = arith.fptosi %add3A_1052 : vector<16xf32> to vector<16xi32>
        %convert_element_type3A_1054 = arith.sitofp %convert_element_type3A_1053 : vector<16xi32> to vector<16xf32>
        %lt3A_1055 = arith.cmpf olt, %add3A_1052, %convert_element_type3A_1054 : vector<16xf32>
        %sub3A_1056 = arith.constant 1.000000e+00 : f32
        %sub3A_1057 = vector.broadcast %sub3A_1056 : f32 to vector<16xf32>
        %sub3A_1058 = arith.subf %convert_element_type3A_1054, %sub3A_1057 : vector<16xf32>
        %select_n3A_1059 = arith.select %lt3A_1055, %sub3A_1058, %convert_element_type3A_1054 : vector<16xi1>, vector<16xf32>
        %sub3A_1060 = arith.subf %add3A_1039, %select_n3A_1059 : vector<16xf32>
        %add3A_1061 = arith.constant 5.000000e-01 : f32
        %add3A_1062 = vector.broadcast %add3A_1061 : f32 to vector<16xf32>
        %add3A_1063 = arith.addf %add3A_1044, %add3A_1062 : vector<16xf32>
        %convert_element_type3A_1064 = arith.fptosi %add3A_1063 : vector<16xf32> to vector<16xi32>
        %convert_element_type3A_1065 = arith.sitofp %convert_element_type3A_1064 : vector<16xi32> to vector<16xf32>
        %lt3A_1066 = arith.cmpf olt, %add3A_1063, %convert_element_type3A_1065 : vector<16xf32>
        %sub3A_1067 = arith.constant 1.000000e+00 : f32
        %sub3A_1068 = vector.broadcast %sub3A_1067 : f32 to vector<16xf32>
        %sub3A_1069 = arith.subf %convert_element_type3A_1065, %sub3A_1068 : vector<16xf32>
        %select_n3A_1070 = arith.select %lt3A_1066, %sub3A_1069, %convert_element_type3A_1065 : vector<16xi1>, vector<16xf32>
        %sub3A_1071 = arith.subf %add3A_1044, %select_n3A_1070 : vector<16xf32>
        %add3A_1072 = arith.constant 5.000000e-01 : f32
        %add3A_1073 = vector.broadcast %add3A_1072 : f32 to vector<16xf32>
        %add3A_1074 = arith.addf %add3A_1049, %add3A_1073 : vector<16xf32>
        %convert_element_type3A_1075 = arith.fptosi %add3A_1074 : vector<16xf32> to vector<16xi32>
        %convert_element_type3A_1076 = arith.sitofp %convert_element_type3A_1075 : vector<16xi32> to vector<16xf32>
        %lt3A_1077 = arith.cmpf olt, %add3A_1074, %convert_element_type3A_1076 : vector<16xf32>
        %sub3A_1078 = arith.constant 1.000000e+00 : f32
        %sub3A_1079 = vector.broadcast %sub3A_1078 : f32 to vector<16xf32>
        %sub3A_1080 = arith.subf %convert_element_type3A_1076, %sub3A_1079 : vector<16xf32>
        %select_n3A_1081 = arith.select %lt3A_1077, %sub3A_1080, %convert_element_type3A_1076 : vector<16xi1>, vector<16xf32>
        %sub3A_1082 = arith.subf %add3A_1049, %select_n3A_1081 : vector<16xf32>
        %mul3A_1083 = arith.mulf %sub3A_1060, %get3A_5 : vector<16xf32>
        %mul3A_1084 = arith.mulf %sub3A_1071, %get3A_17 : vector<16xf32>
        %add3A_1085 = arith.addf %mul3A_1083, %mul3A_1084 : vector<16xf32>
        %mul3A_1086 = arith.mulf %sub3A_1082, %get3A_29 : vector<16xf32>
        %add3A_1087 = arith.addf %add3A_1085, %mul3A_1086 : vector<16xf32>
        %mul3A_1088 = arith.mulf %sub3A_1060, %get3A_9 : vector<16xf32>
        %mul3A_1089 = arith.mulf %sub3A_1071, %get3A_21 : vector<16xf32>
        %add3A_1090 = arith.addf %mul3A_1088, %mul3A_1089 : vector<16xf32>
        %mul3A_1091 = arith.mulf %sub3A_1082, %get3A_33 : vector<16xf32>
        %add3A_1092 = arith.addf %add3A_1090, %mul3A_1091 : vector<16xf32>
        %mul3A_1093 = arith.mulf %sub3A_1060, %get3A_13 : vector<16xf32>
        %mul3A_1094 = arith.mulf %sub3A_1071, %get3A_25 : vector<16xf32>
        %add3A_1095 = arith.addf %mul3A_1093, %mul3A_1094 : vector<16xf32>
        %mul3A_1096 = arith.mulf %sub3A_1082, %get3A_37 : vector<16xf32>
        %add3A_1097 = arith.addf %add3A_1095, %mul3A_1096 : vector<16xf32>
        %mul3A_1098 = arith.mulf %add3A_1087, %add3A_1087 : vector<16xf32>
        %mul3A_1099 = arith.mulf %add3A_1092, %add3A_1092 : vector<16xf32>
        %add3A_1100 = arith.addf %mul3A_1098, %mul3A_1099 : vector<16xf32>
        %mul3A_1101 = arith.mulf %add3A_1097, %add3A_1097 : vector<16xf32>
        %add3A_1102 = arith.addf %add3A_1100, %mul3A_1101 : vector<16xf32>
        %mul3A_1103 = arith.constant 5.000000e-01 : f32
        %mul3A_1104 = vector.broadcast %mul3A_1103 : f32 to vector<16xf32>
        %mul3A_1105 = arith.mulf %mul3A_1104, %add3A_1102 : vector<16xf32>
        %bitcast_convert_type3A_1106 = tpu.bitcast %add3A_1102 : vector<16xf32> -> vector<16xi32>
        %shift_right_arithmetic3A_1107 = arith.constant 1 : i32
        %shift_right_arithmetic3A_1108 = vector.broadcast %shift_right_arithmetic3A_1107 : i32 to vector<16xi32>
        %shift_right_arithmetic3A_1109 = arith.shrsi %bitcast_convert_type3A_1106, %shift_right_arithmetic3A_1108 : vector<16xi32>
        %sub3A_1110 = arith.constant 1597463007 : i32
        %sub3A_1111 = vector.broadcast %sub3A_1110 : i32 to vector<16xi32>
        %sub3A_1112 = arith.subi %sub3A_1111, %shift_right_arithmetic3A_1109 : vector<16xi32>
        %bitcast_convert_type3A_1113 = tpu.bitcast %sub3A_1112 : vector<16xi32> -> vector<16xf32>
        %mul3A_1114 = arith.mulf %mul3A_1105, %bitcast_convert_type3A_1113 : vector<16xf32>
        %mul3A_1115 = arith.mulf %mul3A_1114, %bitcast_convert_type3A_1113 : vector<16xf32>
        %sub3A_1116 = arith.constant 1.500000e+00 : f32
        %sub3A_1117 = vector.broadcast %sub3A_1116 : f32 to vector<16xf32>
        %sub3A_1118 = arith.subf %sub3A_1117, %mul3A_1115 : vector<16xf32>
        %mul3A_1119 = arith.mulf %bitcast_convert_type3A_1113, %sub3A_1118 : vector<16xf32>
        %mul3A_1120 = arith.mulf %mul3A_1105, %mul3A_1119 : vector<16xf32>
        %mul3A_1121 = arith.mulf %mul3A_1120, %mul3A_1119 : vector<16xf32>
        %sub3A_1122 = arith.constant 1.500000e+00 : f32
        %sub3A_1123 = vector.broadcast %sub3A_1122 : f32 to vector<16xf32>
        %sub3A_1124 = arith.subf %sub3A_1123, %mul3A_1121 : vector<16xf32>
        %mul3A_1125 = arith.mulf %mul3A_1119, %sub3A_1124 : vector<16xf32>
        %mul3A_1126 = arith.mulf %mul3A_1105, %mul3A_1125 : vector<16xf32>
        %mul3A_1127 = arith.mulf %mul3A_1126, %mul3A_1125 : vector<16xf32>
        %sub3A_1128 = arith.constant 1.500000e+00 : f32
        %sub3A_1129 = vector.broadcast %sub3A_1128 : f32 to vector<16xf32>
        %sub3A_1130 = arith.subf %sub3A_1129, %mul3A_1127 : vector<16xf32>
        %mul3A_1131 = arith.mulf %mul3A_1125, %sub3A_1130 : vector<16xf32>
        %mul3A_1132 = arith.mulf %gather3A_975, %gather3A_1017 : vector<16xf32>
        %sub3A_1133 = arith.subf %mul3A_1131, %div3A_92 : vector<16xf32>
        %mul3A_1134 = arith.mulf %mul3A_1132, %sub3A_1133 : vector<16xf32>
        %mul3A_1135 = arith.mulf %mul3A_1134, %get3A_41 : vector<16xf32>
        %add3A_1136 = arith.addf %gather3A_982, %gather3A_1024 : vector<16xf32>
        %mul3A_1137 = arith.constant 5.000000e-01 : f32
        %mul3A_1138 = vector.broadcast %mul3A_1137 : f32 to vector<16xf32>
        %mul3A_1139 = arith.mulf %add3A_1136, %mul3A_1138 : vector<16xf32>
        %mul3A_1140 = arith.mulf %mul3A_1139, %mul3A_1139 : vector<16xf32>
        %div3A_1141 = arith.constant 1.000000e+00 : f32
        %div3A_1142 = vector.broadcast %div3A_1141 : f32 to vector<16xf32>
        %div3A_1143 = arith.divf %div3A_1142, %add3A_1102 : vector<16xf32>
        %mul3A_1144 = arith.mulf %mul3A_1140, %div3A_1143 : vector<16xf32>
        %mul3A_1145 = arith.mulf %mul3A_1144, %mul3A_1144 : vector<16xf32>
        %mul3A_1146 = arith.mulf %mul3A_1145, %mul3A_1144 : vector<16xf32>
        %mul3A_1147 = arith.mulf %gather3A_989, %gather3A_1031 : vector<16xf32>
        %mul3A_1148 = arith.constant 4.000000e+00 : f32
        %mul3A_1149 = vector.broadcast %mul3A_1148 : f32 to vector<16xf32>
        %mul3A_1150 = arith.mulf %mul3A_1149, %mul3A_1147 : vector<16xf32>
        %mul3A_1151 = arith.mulf %mul3A_1150, %mul3A_1146 : vector<16xf32>
        %sub3A_1152 = arith.constant 1.000000e+00 : f32
        %sub3A_1153 = vector.broadcast %sub3A_1152 : f32 to vector<16xf32>
        %sub3A_1154 = arith.subf %mul3A_1146, %sub3A_1153 : vector<16xf32>
        %mul3A_1155 = arith.mulf %mul3A_1151, %sub3A_1154 : vector<16xf32>
        %add3A_1156 = arith.addf %mul3A_1135, %mul3A_1155 : vector<16xf32>
        %le3A_1157 = arith.cmpf ole, %add3A_1102, %mul3A_93 : vector<16xf32>
        %jit3A_1158 = arith.constant 0.000000e+00 : f32
        %broadcast_in_dim3A_1159 = vector.broadcast %jit3A_1158 : f32 to vector<16xf32>
        %select_n3A_1160 = arith.select %le3A_1157, %add3A_1156, %broadcast_in_dim3A_1159 : vector<16xi1>, vector<16xf32>
        %add3A_1161 = arith.addf %add3A_941, %select_n3A_1160 : vector<16xf32>
        %scan3A_1162 = arith.constant 2 : i32
        %scan3A_1163 = arith.addi %scan3A_722, %scan3A_1162 : i32
        %mul3A_1164 = arith.constant 16 : i32
        %mul3A_1165 = arith.muli %scan3A_1163, %mul3A_1164 : i32
        %add3A_1166 = vector.broadcast %mul3A_1165 : i32 to vector<16xi32>
        %add3A_1167 = arith.addi %add3A_1166, %iota3A : vector<16xi32>
        %broadcast_in_dim3A_1168 = arith.constant 0 : i32
        %broadcast_in_dim3A_1169 = vector.broadcast %broadcast_in_dim3A_1168 : i32 to vector<16xi32>
        %gather3A_1170 = arith.constant 0 : i32
        %gather3A_1171 = arith.constant 0 : i32
        %gather3A_1172 = tpu.memref_slice %arg9[%scan3A_230, %gather3A_1170, %gather3A_1171] : memref<2x2000x8xf32, #tpu.memory_space<vmem>> -> memref<1x2000x8xf32, #tpu.memory_space<vmem>>
        %gather3A_1173 = tpu.memref_squeeze %gather3A_1172 : memref<1x2000x8xf32, #tpu.memory_space<vmem>> -> memref<2000x8xf32, #tpu.memory_space<vmem>>
        %gather3A_1174 = tpu.vector_load_idx %gather3A_1173[%add3A_1167, %broadcast_in_dim3A_1169] : memref<2000x8xf32, #tpu.memory_space<vmem>>[vector<16xi32>, vector<16xi32>], vector<16xf32>,
        %broadcast_in_dim3A_1175 = arith.constant 1 : i32
        %broadcast_in_dim3A_1176 = vector.broadcast %broadcast_in_dim3A_1175 : i32 to vector<16xi32>
        %gather3A_1177 = arith.constant 0 : i32
        %gather3A_1178 = arith.constant 0 : i32
        %gather3A_1179 = tpu.memref_slice %arg9[%scan3A_230, %gather3A_1177, %gather3A_1178] : memref<2x2000x8xf32, #tpu.memory_space<vmem>> -> memref<1x2000x8xf32, #tpu.memory_space<vmem>>
        %gather3A_1180 = tpu.memref_squeeze %gather3A_1179 : memref<1x2000x8xf32, #tpu.memory_space<vmem>> -> memref<2000x8xf32, #tpu.memory_space<vmem>>
        %gather3A_1181 = tpu.vector_load_idx %gather3A_1180[%add3A_1167, %broadcast_in_dim3A_1176] : memref<2000x8xf32, #tpu.memory_space<vmem>>[vector<16xi32>, vector<16xi32>], vector<16xf32>,
        %broadcast_in_dim3A_1182 = arith.constant 2 : i32
        %broadcast_in_dim3A_1183 = vector.broadcast %broadcast_in_dim3A_1182 : i32 to vector<16xi32>
        %gather3A_1184 = arith.constant 0 : i32
        %gather3A_1185 = arith.constant 0 : i32
        %gather3A_1186 = tpu.memref_slice %arg9[%scan3A_230, %gather3A_1184, %gather3A_1185] : memref<2x2000x8xf32, #tpu.memory_space<vmem>> -> memref<1x2000x8xf32, #tpu.memory_space<vmem>>
        %gather3A_1187 = tpu.memref_squeeze %gather3A_1186 : memref<1x2000x8xf32, #tpu.memory_space<vmem>> -> memref<2000x8xf32, #tpu.memory_space<vmem>>
        %gather3A_1188 = tpu.vector_load_idx %gather3A_1187[%add3A_1167, %broadcast_in_dim3A_1183] : memref<2000x8xf32, #tpu.memory_space<vmem>>[vector<16xi32>, vector<16xi32>], vector<16xf32>,
        %broadcast_in_dim3A_1189 = arith.constant 3 : i32
        %broadcast_in_dim3A_1190 = vector.broadcast %broadcast_in_dim3A_1189 : i32 to vector<16xi32>
        %gather3A_1191 = arith.constant 0 : i32
        %gather3A_1192 = arith.constant 0 : i32
        %gather3A_1193 = tpu.memref_slice %arg9[%scan3A_230, %gather3A_1191, %gather3A_1192] : memref<2x2000x8xf32, #tpu.memory_space<vmem>> -> memref<1x2000x8xf32, #tpu.memory_space<vmem>>
        %gather3A_1194 = tpu.memref_squeeze %gather3A_1193 : memref<1x2000x8xf32, #tpu.memory_space<vmem>> -> memref<2000x8xf32, #tpu.memory_space<vmem>>
        %gather3A_1195 = tpu.vector_load_idx %gather3A_1194[%add3A_1167, %broadcast_in_dim3A_1190] : memref<2000x8xf32, #tpu.memory_space<vmem>>[vector<16xi32>, vector<16xi32>], vector<16xf32>,
        %broadcast_in_dim3A_1196 = arith.constant 4 : i32
        %broadcast_in_dim3A_1197 = vector.broadcast %broadcast_in_dim3A_1196 : i32 to vector<16xi32>
        %gather3A_1198 = arith.constant 0 : i32
        %gather3A_1199 = arith.constant 0 : i32
        %gather3A_1200 = tpu.memref_slice %arg9[%scan3A_230, %gather3A_1198, %gather3A_1199] : memref<2x2000x8xf32, #tpu.memory_space<vmem>> -> memref<1x2000x8xf32, #tpu.memory_space<vmem>>
        %gather3A_1201 = tpu.memref_squeeze %gather3A_1200 : memref<1x2000x8xf32, #tpu.memory_space<vmem>> -> memref<2000x8xf32, #tpu.memory_space<vmem>>
        %gather3A_1202 = tpu.vector_load_idx %gather3A_1201[%add3A_1167, %broadcast_in_dim3A_1197] : memref<2000x8xf32, #tpu.memory_space<vmem>>[vector<16xi32>, vector<16xi32>], vector<16xf32>,
        %broadcast_in_dim3A_1203 = arith.constant 5 : i32
        %broadcast_in_dim3A_1204 = vector.broadcast %broadcast_in_dim3A_1203 : i32 to vector<16xi32>
        %gather3A_1205 = arith.constant 0 : i32
        %gather3A_1206 = arith.constant 0 : i32
        %gather3A_1207 = tpu.memref_slice %arg9[%scan3A_230, %gather3A_1205, %gather3A_1206] : memref<2x2000x8xf32, #tpu.memory_space<vmem>> -> memref<1x2000x8xf32, #tpu.memory_space<vmem>>
        %gather3A_1208 = tpu.memref_squeeze %gather3A_1207 : memref<1x2000x8xf32, #tpu.memory_space<vmem>> -> memref<2000x8xf32, #tpu.memory_space<vmem>>
        %gather3A_1209 = tpu.vector_load_idx %gather3A_1208[%add3A_1167, %broadcast_in_dim3A_1204] : memref<2000x8xf32, #tpu.memory_space<vmem>>[vector<16xi32>, vector<16xi32>], vector<16xf32>,
        %broadcast_in_dim3A_1210 = arith.constant 0 : i32
        %broadcast_in_dim3A_1211 = vector.broadcast %broadcast_in_dim3A_1210 : i32 to vector<16xi32>
        %gather3A_1212 = arith.constant 0 : i32
        %gather3A_1213 = arith.constant 0 : i32
        %gather3A_1214 = tpu.memref_slice %arg10[%scan3A_231, %gather3A_1212, %gather3A_1213] : memref<2x2000x8xf32, #tpu.memory_space<vmem>> -> memref<1x2000x8xf32, #tpu.memory_space<vmem>>
        %gather3A_1215 = tpu.memref_squeeze %gather3A_1214 : memref<1x2000x8xf32, #tpu.memory_space<vmem>> -> memref<2000x8xf32, #tpu.memory_space<vmem>>
        %gather3A_1216 = tpu.vector_load_idx %gather3A_1215[%add3A_1167, %broadcast_in_dim3A_1211] : memref<2000x8xf32, #tpu.memory_space<vmem>>[vector<16xi32>, vector<16xi32>], vector<16xf32>,
        %broadcast_in_dim3A_1217 = arith.constant 1 : i32
        %broadcast_in_dim3A_1218 = vector.broadcast %broadcast_in_dim3A_1217 : i32 to vector<16xi32>
        %gather3A_1219 = arith.constant 0 : i32
        %gather3A_1220 = arith.constant 0 : i32
        %gather3A_1221 = tpu.memref_slice %arg10[%scan3A_231, %gather3A_1219, %gather3A_1220] : memref<2x2000x8xf32, #tpu.memory_space<vmem>> -> memref<1x2000x8xf32, #tpu.memory_space<vmem>>
        %gather3A_1222 = tpu.memref_squeeze %gather3A_1221 : memref<1x2000x8xf32, #tpu.memory_space<vmem>> -> memref<2000x8xf32, #tpu.memory_space<vmem>>
        %gather3A_1223 = tpu.vector_load_idx %gather3A_1222[%add3A_1167, %broadcast_in_dim3A_1218] : memref<2000x8xf32, #tpu.memory_space<vmem>>[vector<16xi32>, vector<16xi32>], vector<16xf32>,
        %broadcast_in_dim3A_1224 = arith.constant 2 : i32
        %broadcast_in_dim3A_1225 = vector.broadcast %broadcast_in_dim3A_1224 : i32 to vector<16xi32>
        %gather3A_1226 = arith.constant 0 : i32
        %gather3A_1227 = arith.constant 0 : i32
        %gather3A_1228 = tpu.memref_slice %arg10[%scan3A_231, %gather3A_1226, %gather3A_1227] : memref<2x2000x8xf32, #tpu.memory_space<vmem>> -> memref<1x2000x8xf32, #tpu.memory_space<vmem>>
        %gather3A_1229 = tpu.memref_squeeze %gather3A_1228 : memref<1x2000x8xf32, #tpu.memory_space<vmem>> -> memref<2000x8xf32, #tpu.memory_space<vmem>>
        %gather3A_1230 = tpu.vector_load_idx %gather3A_1229[%add3A_1167, %broadcast_in_dim3A_1225] : memref<2000x8xf32, #tpu.memory_space<vmem>>[vector<16xi32>, vector<16xi32>], vector<16xf32>,
        %broadcast_in_dim3A_1231 = arith.constant 3 : i32
        %broadcast_in_dim3A_1232 = vector.broadcast %broadcast_in_dim3A_1231 : i32 to vector<16xi32>
        %gather3A_1233 = arith.constant 0 : i32
        %gather3A_1234 = arith.constant 0 : i32
        %gather3A_1235 = tpu.memref_slice %arg10[%scan3A_231, %gather3A_1233, %gather3A_1234] : memref<2x2000x8xf32, #tpu.memory_space<vmem>> -> memref<1x2000x8xf32, #tpu.memory_space<vmem>>
        %gather3A_1236 = tpu.memref_squeeze %gather3A_1235 : memref<1x2000x8xf32, #tpu.memory_space<vmem>> -> memref<2000x8xf32, #tpu.memory_space<vmem>>
        %gather3A_1237 = tpu.vector_load_idx %gather3A_1236[%add3A_1167, %broadcast_in_dim3A_1232] : memref<2000x8xf32, #tpu.memory_space<vmem>>[vector<16xi32>, vector<16xi32>], vector<16xf32>,
        %broadcast_in_dim3A_1238 = arith.constant 4 : i32
        %broadcast_in_dim3A_1239 = vector.broadcast %broadcast_in_dim3A_1238 : i32 to vector<16xi32>
        %gather3A_1240 = arith.constant 0 : i32
        %gather3A_1241 = arith.constant 0 : i32
        %gather3A_1242 = tpu.memref_slice %arg10[%scan3A_231, %gather3A_1240, %gather3A_1241] : memref<2x2000x8xf32, #tpu.memory_space<vmem>> -> memref<1x2000x8xf32, #tpu.memory_space<vmem>>
        %gather3A_1243 = tpu.memref_squeeze %gather3A_1242 : memref<1x2000x8xf32, #tpu.memory_space<vmem>> -> memref<2000x8xf32, #tpu.memory_space<vmem>>
        %gather3A_1244 = tpu.vector_load_idx %gather3A_1243[%add3A_1167, %broadcast_in_dim3A_1239] : memref<2000x8xf32, #tpu.memory_space<vmem>>[vector<16xi32>, vector<16xi32>], vector<16xf32>,
        %broadcast_in_dim3A_1245 = arith.constant 5 : i32
        %broadcast_in_dim3A_1246 = vector.broadcast %broadcast_in_dim3A_1245 : i32 to vector<16xi32>
        %gather3A_1247 = arith.constant 0 : i32
        %gather3A_1248 = arith.constant 0 : i32
        %gather3A_1249 = tpu.memref_slice %arg10[%scan3A_231, %gather3A_1247, %gather3A_1248] : memref<2x2000x8xf32, #tpu.memory_space<vmem>> -> memref<1x2000x8xf32, #tpu.memory_space<vmem>>
        %gather3A_1250 = tpu.memref_squeeze %gather3A_1249 : memref<1x2000x8xf32, #tpu.memory_space<vmem>> -> memref<2000x8xf32, #tpu.memory_space<vmem>>
        %gather3A_1251 = tpu.vector_load_idx %gather3A_1250[%add3A_1167, %broadcast_in_dim3A_1246] : memref<2000x8xf32, #tpu.memory_space<vmem>>[vector<16xi32>, vector<16xi32>], vector<16xf32>,
        %sub3A_1252 = arith.subf %gather3A_1174, %gather3A_1216 : vector<16xf32>
        %sub3A_1253 = arith.subf %gather3A_1181, %gather3A_1223 : vector<16xf32>
        %sub3A_1254 = arith.subf %gather3A_1188, %gather3A_1230 : vector<16xf32>
        %mul3A_1255 = arith.mulf %sub3A_1252, %mul3A_83 : vector<16xf32>
        %mul3A_1256 = arith.mulf %sub3A_1253, %mul3A_86 : vector<16xf32>
        %add3A_1257 = arith.addf %mul3A_1255, %mul3A_1256 : vector<16xf32>
        %mul3A_1258 = arith.mulf %sub3A_1254, %mul3A_89 : vector<16xf32>
        %add3A_1259 = arith.addf %add3A_1257, %mul3A_1258 : vector<16xf32>
        %mul3A_1260 = arith.mulf %sub3A_1252, %mul3A_84 : vector<16xf32>
        %mul3A_1261 = arith.mulf %sub3A_1253, %mul3A_87 : vector<16xf32>
        %add3A_1262 = arith.addf %mul3A_1260, %mul3A_1261 : vector<16xf32>
        %mul3A_1263 = arith.mulf %sub3A_1254, %mul3A_90 : vector<16xf32>
        %add3A_1264 = arith.addf %add3A_1262, %mul3A_1263 : vector<16xf32>
        %mul3A_1265 = arith.mulf %sub3A_1252, %mul3A_85 : vector<16xf32>
        %mul3A_1266 = arith.mulf %sub3A_1253, %mul3A_88 : vector<16xf32>
        %add3A_1267 = arith.addf %mul3A_1265, %mul3A_1266 : vector<16xf32>
        %mul3A_1268 = arith.mulf %sub3A_1254, %mul3A_91 : vector<16xf32>
        %add3A_1269 = arith.addf %add3A_1267, %mul3A_1268 : vector<16xf32>
        %add3A_1270 = arith.constant 5.000000e-01 : f32
        %add3A_1271 = vector.broadcast %add3A_1270 : f32 to vector<16xf32>
        %add3A_1272 = arith.addf %add3A_1259, %add3A_1271 : vector<16xf32>
        %convert_element_type3A_1273 = arith.fptosi %add3A_1272 : vector<16xf32> to vector<16xi32>
        %convert_element_type3A_1274 = arith.sitofp %convert_element_type3A_1273 : vector<16xi32> to vector<16xf32>
        %lt3A_1275 = arith.cmpf olt, %add3A_1272, %convert_element_type3A_1274 : vector<16xf32>
        %sub3A_1276 = arith.constant 1.000000e+00 : f32
        %sub3A_1277 = vector.broadcast %sub3A_1276 : f32 to vector<16xf32>
        %sub3A_1278 = arith.subf %convert_element_type3A_1274, %sub3A_1277 : vector<16xf32>
        %select_n3A_1279 = arith.select %lt3A_1275, %sub3A_1278, %convert_element_type3A_1274 : vector<16xi1>, vector<16xf32>
        %sub3A_1280 = arith.subf %add3A_1259, %select_n3A_1279 : vector<16xf32>
        %add3A_1281 = arith.constant 5.000000e-01 : f32
        %add3A_1282 = vector.broadcast %add3A_1281 : f32 to vector<16xf32>
        %add3A_1283 = arith.addf %add3A_1264, %add3A_1282 : vector<16xf32>
        %convert_element_type3A_1284 = arith.fptosi %add3A_1283 : vector<16xf32> to vector<16xi32>
        %convert_element_type3A_1285 = arith.sitofp %convert_element_type3A_1284 : vector<16xi32> to vector<16xf32>
        %lt3A_1286 = arith.cmpf olt, %add3A_1283, %convert_element_type3A_1285 : vector<16xf32>
        %sub3A_1287 = arith.constant 1.000000e+00 : f32
        %sub3A_1288 = vector.broadcast %sub3A_1287 : f32 to vector<16xf32>
        %sub3A_1289 = arith.subf %convert_element_type3A_1285, %sub3A_1288 : vector<16xf32>
        %select_n3A_1290 = arith.select %lt3A_1286, %sub3A_1289, %convert_element_type3A_1285 : vector<16xi1>, vector<16xf32>
        %sub3A_1291 = arith.subf %add3A_1264, %select_n3A_1290 : vector<16xf32>
        %add3A_1292 = arith.constant 5.000000e-01 : f32
        %add3A_1293 = vector.broadcast %add3A_1292 : f32 to vector<16xf32>
        %add3A_1294 = arith.addf %add3A_1269, %add3A_1293 : vector<16xf32>
        %convert_element_type3A_1295 = arith.fptosi %add3A_1294 : vector<16xf32> to vector<16xi32>
        %convert_element_type3A_1296 = arith.sitofp %convert_element_type3A_1295 : vector<16xi32> to vector<16xf32>
        %lt3A_1297 = arith.cmpf olt, %add3A_1294, %convert_element_type3A_1296 : vector<16xf32>
        %sub3A_1298 = arith.constant 1.000000e+00 : f32
        %sub3A_1299 = vector.broadcast %sub3A_1298 : f32 to vector<16xf32>
        %sub3A_1300 = arith.subf %convert_element_type3A_1296, %sub3A_1299 : vector<16xf32>
        %select_n3A_1301 = arith.select %lt3A_1297, %sub3A_1300, %convert_element_type3A_1296 : vector<16xi1>, vector<16xf32>
        %sub3A_1302 = arith.subf %add3A_1269, %select_n3A_1301 : vector<16xf32>
        %mul3A_1303 = arith.mulf %sub3A_1280, %get3A_5 : vector<16xf32>
        %mul3A_1304 = arith.mulf %sub3A_1291, %get3A_17 : vector<16xf32>
        %add3A_1305 = arith.addf %mul3A_1303, %mul3A_1304 : vector<16xf32>
        %mul3A_1306 = arith.mulf %sub3A_1302, %get3A_29 : vector<16xf32>
        %add3A_1307 = arith.addf %add3A_1305, %mul3A_1306 : vector<16xf32>
        %mul3A_1308 = arith.mulf %sub3A_1280, %get3A_9 : vector<16xf32>
        %mul3A_1309 = arith.mulf %sub3A_1291, %get3A_21 : vector<16xf32>
        %add3A_1310 = arith.addf %mul3A_1308, %mul3A_1309 : vector<16xf32>
        %mul3A_1311 = arith.mulf %sub3A_1302, %get3A_33 : vector<16xf32>
        %add3A_1312 = arith.addf %add3A_1310, %mul3A_1311 : vector<16xf32>
        %mul3A_1313 = arith.mulf %sub3A_1280, %get3A_13 : vector<16xf32>
        %mul3A_1314 = arith.mulf %sub3A_1291, %get3A_25 : vector<16xf32>
        %add3A_1315 = arith.addf %mul3A_1313, %mul3A_1314 : vector<16xf32>
        %mul3A_1316 = arith.mulf %sub3A_1302, %get3A_37 : vector<16xf32>
        %add3A_1317 = arith.addf %add3A_1315, %mul3A_1316 : vector<16xf32>
        %mul3A_1318 = arith.mulf %add3A_1307, %add3A_1307 : vector<16xf32>
        %mul3A_1319 = arith.mulf %add3A_1312, %add3A_1312 : vector<16xf32>
        %add3A_1320 = arith.addf %mul3A_1318, %mul3A_1319 : vector<16xf32>
        %mul3A_1321 = arith.mulf %add3A_1317, %add3A_1317 : vector<16xf32>
        %add3A_1322 = arith.addf %add3A_1320, %mul3A_1321 : vector<16xf32>
        %mul3A_1323 = arith.constant 5.000000e-01 : f32
        %mul3A_1324 = vector.broadcast %mul3A_1323 : f32 to vector<16xf32>
        %mul3A_1325 = arith.mulf %mul3A_1324, %add3A_1322 : vector<16xf32>
        %bitcast_convert_type3A_1326 = tpu.bitcast %add3A_1322 : vector<16xf32> -> vector<16xi32>
        %shift_right_arithmetic3A_1327 = arith.constant 1 : i32
        %shift_right_arithmetic3A_1328 = vector.broadcast %shift_right_arithmetic3A_1327 : i32 to vector<16xi32>
        %shift_right_arithmetic3A_1329 = arith.shrsi %bitcast_convert_type3A_1326, %shift_right_arithmetic3A_1328 : vector<16xi32>
        %sub3A_1330 = arith.constant 1597463007 : i32
        %sub3A_1331 = vector.broadcast %sub3A_1330 : i32 to vector<16xi32>
        %sub3A_1332 = arith.subi %sub3A_1331, %shift_right_arithmetic3A_1329 : vector<16xi32>
        %bitcast_convert_type3A_1333 = tpu.bitcast %sub3A_1332 : vector<16xi32> -> vector<16xf32>
        %mul3A_1334 = arith.mulf %mul3A_1325, %bitcast_convert_type3A_1333 : vector<16xf32>
        %mul3A_1335 = arith.mulf %mul3A_1334, %bitcast_convert_type3A_1333 : vector<16xf32>
        %sub3A_1336 = arith.constant 1.500000e+00 : f32
        %sub3A_1337 = vector.broadcast %sub3A_1336 : f32 to vector<16xf32>
        %sub3A_1338 = arith.subf %sub3A_1337, %mul3A_1335 : vector<16xf32>
        %mul3A_1339 = arith.mulf %bitcast_convert_type3A_1333, %sub3A_1338 : vector<16xf32>
        %mul3A_1340 = arith.mulf %mul3A_1325, %mul3A_1339 : vector<16xf32>
        %mul3A_1341 = arith.mulf %mul3A_1340, %mul3A_1339 : vector<16xf32>
        %sub3A_1342 = arith.constant 1.500000e+00 : f32
        %sub3A_1343 = vector.broadcast %sub3A_1342 : f32 to vector<16xf32>
        %sub3A_1344 = arith.subf %sub3A_1343, %mul3A_1341 : vector<16xf32>
        %mul3A_1345 = arith.mulf %mul3A_1339, %sub3A_1344 : vector<16xf32>
        %mul3A_1346 = arith.mulf %mul3A_1325, %mul3A_1345 : vector<16xf32>
        %mul3A_1347 = arith.mulf %mul3A_1346, %mul3A_1345 : vector<16xf32>
        %sub3A_1348 = arith.constant 1.500000e+00 : f32
        %sub3A_1349 = vector.broadcast %sub3A_1348 : f32 to vector<16xf32>
        %sub3A_1350 = arith.subf %sub3A_1349, %mul3A_1347 : vector<16xf32>
        %mul3A_1351 = arith.mulf %mul3A_1345, %sub3A_1350 : vector<16xf32>
        %mul3A_1352 = arith.mulf %gather3A_1195, %gather3A_1237 : vector<16xf32>
        %sub3A_1353 = arith.subf %mul3A_1351, %div3A_92 : vector<16xf32>
        %mul3A_1354 = arith.mulf %mul3A_1352, %sub3A_1353 : vector<16xf32>
        %mul3A_1355 = arith.mulf %mul3A_1354, %get3A_41 : vector<16xf32>
        %add3A_1356 = arith.addf %gather3A_1202, %gather3A_1244 : vector<16xf32>
        %mul3A_1357 = arith.constant 5.000000e-01 : f32
        %mul3A_1358 = vector.broadcast %mul3A_1357 : f32 to vector<16xf32>
        %mul3A_1359 = arith.mulf %add3A_1356, %mul3A_1358 : vector<16xf32>
        %mul3A_1360 = arith.mulf %mul3A_1359, %mul3A_1359 : vector<16xf32>
        %div3A_1361 = arith.constant 1.000000e+00 : f32
        %div3A_1362 = vector.broadcast %div3A_1361 : f32 to vector<16xf32>
        %div3A_1363 = arith.divf %div3A_1362, %add3A_1322 : vector<16xf32>
        %mul3A_1364 = arith.mulf %mul3A_1360, %div3A_1363 : vector<16xf32>
        %mul3A_1365 = arith.mulf %mul3A_1364, %mul3A_1364 : vector<16xf32>
        %mul3A_1366 = arith.mulf %mul3A_1365, %mul3A_1364 : vector<16xf32>
        %mul3A_1367 = arith.mulf %gather3A_1209, %gather3A_1251 : vector<16xf32>
        %mul3A_1368 = arith.constant 4.000000e+00 : f32
        %mul3A_1369 = vector.broadcast %mul3A_1368 : f32 to vector<16xf32>
        %mul3A_1370 = arith.mulf %mul3A_1369, %mul3A_1367 : vector<16xf32>
        %mul3A_1371 = arith.mulf %mul3A_1370, %mul3A_1366 : vector<16xf32>
        %sub3A_1372 = arith.constant 1.000000e+00 : f32
        %sub3A_1373 = vector.broadcast %sub3A_1372 : f32 to vector<16xf32>
        %sub3A_1374 = arith.subf %mul3A_1366, %sub3A_1373 : vector<16xf32>
        %mul3A_1375 = arith.mulf %mul3A_1371, %sub3A_1374 : vector<16xf32>
        %add3A_1376 = arith.addf %mul3A_1355, %mul3A_1375 : vector<16xf32>
        %le3A_1377 = arith.cmpf ole, %add3A_1322, %mul3A_93 : vector<16xf32>
        %jit3A_1378 = arith.constant 0.000000e+00 : f32
        %broadcast_in_dim3A_1379 = vector.broadcast %jit3A_1378 : f32 to vector<16xf32>
        %select_n3A_1380 = arith.select %le3A_1377, %add3A_1376, %broadcast_in_dim3A_1379 : vector<16xi1>, vector<16xf32>
        %add3A_1381 = arith.addf %add3A_1161, %select_n3A_1380 : vector<16xf32>
        %scan3A_1382 = arith.constant 3 : i32
        %scan3A_1383 = arith.addi %scan3A_722, %scan3A_1382 : i32
        %mul3A_1384 = arith.constant 16 : i32
        %mul3A_1385 = arith.muli %scan3A_1383, %mul3A_1384 : i32
        %add3A_1386 = vector.broadcast %mul3A_1385 : i32 to vector<16xi32>
        %add3A_1387 = arith.addi %add3A_1386, %iota3A : vector<16xi32>
        %broadcast_in_dim3A_1388 = arith.constant 0 : i32
        %broadcast_in_dim3A_1389 = vector.broadcast %broadcast_in_dim3A_1388 : i32 to vector<16xi32>
        %gather3A_1390 = arith.constant 0 : i32
        %gather3A_1391 = arith.constant 0 : i32
        %gather3A_1392 = tpu.memref_slice %arg9[%scan3A_230, %gather3A_1390, %gather3A_1391] : memref<2x2000x8xf32, #tpu.memory_space<vmem>> -> memref<1x2000x8xf32, #tpu.memory_space<vmem>>
        %gather3A_1393 = tpu.memref_squeeze %gather3A_1392 : memref<1x2000x8xf32, #tpu.memory_space<vmem>> -> memref<2000x8xf32, #tpu.memory_space<vmem>>
        %gather3A_1394 = tpu.vector_load_idx %gather3A_1393[%add3A_1387, %broadcast_in_dim3A_1389] : memref<2000x8xf32, #tpu.memory_space<vmem>>[vector<16xi32>, vector<16xi32>], vector<16xf32>,
        %broadcast_in_dim3A_1395 = arith.constant 1 : i32
        %broadcast_in_dim3A_1396 = vector.broadcast %broadcast_in_dim3A_1395 : i32 to vector<16xi32>
        %gather3A_1397 = arith.constant 0 : i32
        %gather3A_1398 = arith.constant 0 : i32
        %gather3A_1399 = tpu.memref_slice %arg9[%scan3A_230, %gather3A_1397, %gather3A_1398] : memref<2x2000x8xf32, #tpu.memory_space<vmem>> -> memref<1x2000x8xf32, #tpu.memory_space<vmem>>
        %gather3A_1400 = tpu.memref_squeeze %gather3A_1399 : memref<1x2000x8xf32, #tpu.memory_space<vmem>> -> memref<2000x8xf32, #tpu.memory_space<vmem>>
        %gather3A_1401 = tpu.vector_load_idx %gather3A_1400[%add3A_1387, %broadcast_in_dim3A_1396] : memref<2000x8xf32, #tpu.memory_space<vmem>>[vector<16xi32>, vector<16xi32>], vector<16xf32>,
        %broadcast_in_dim3A_1402 = arith.constant 2 : i32
        %broadcast_in_dim3A_1403 = vector.broadcast %broadcast_in_dim3A_1402 : i32 to vector<16xi32>
        %gather3A_1404 = arith.constant 0 : i32
        %gather3A_1405 = arith.constant 0 : i32
        %gather3A_1406 = tpu.memref_slice %arg9[%scan3A_230, %gather3A_1404, %gather3A_1405] : memref<2x2000x8xf32, #tpu.memory_space<vmem>> -> memref<1x2000x8xf32, #tpu.memory_space<vmem>>
        %gather3A_1407 = tpu.memref_squeeze %gather3A_1406 : memref<1x2000x8xf32, #tpu.memory_space<vmem>> -> memref<2000x8xf32, #tpu.memory_space<vmem>>
        %gather3A_1408 = tpu.vector_load_idx %gather3A_1407[%add3A_1387, %broadcast_in_dim3A_1403] : memref<2000x8xf32, #tpu.memory_space<vmem>>[vector<16xi32>, vector<16xi32>], vector<16xf32>,
        %broadcast_in_dim3A_1409 = arith.constant 3 : i32
        %broadcast_in_dim3A_1410 = vector.broadcast %broadcast_in_dim3A_1409 : i32 to vector<16xi32>
        %gather3A_1411 = arith.constant 0 : i32
        %gather3A_1412 = arith.constant 0 : i32
        %gather3A_1413 = tpu.memref_slice %arg9[%scan3A_230, %gather3A_1411, %gather3A_1412] : memref<2x2000x8xf32, #tpu.memory_space<vmem>> -> memref<1x2000x8xf32, #tpu.memory_space<vmem>>
        %gather3A_1414 = tpu.memref_squeeze %gather3A_1413 : memref<1x2000x8xf32, #tpu.memory_space<vmem>> -> memref<2000x8xf32, #tpu.memory_space<vmem>>
        %gather3A_1415 = tpu.vector_load_idx %gather3A_1414[%add3A_1387, %broadcast_in_dim3A_1410] : memref<2000x8xf32, #tpu.memory_space<vmem>>[vector<16xi32>, vector<16xi32>], vector<16xf32>,
        %broadcast_in_dim3A_1416 = arith.constant 4 : i32
        %broadcast_in_dim3A_1417 = vector.broadcast %broadcast_in_dim3A_1416 : i32 to vector<16xi32>
        %gather3A_1418 = arith.constant 0 : i32
        %gather3A_1419 = arith.constant 0 : i32
        %gather3A_1420 = tpu.memref_slice %arg9[%scan3A_230, %gather3A_1418, %gather3A_1419] : memref<2x2000x8xf32, #tpu.memory_space<vmem>> -> memref<1x2000x8xf32, #tpu.memory_space<vmem>>
        %gather3A_1421 = tpu.memref_squeeze %gather3A_1420 : memref<1x2000x8xf32, #tpu.memory_space<vmem>> -> memref<2000x8xf32, #tpu.memory_space<vmem>>
        %gather3A_1422 = tpu.vector_load_idx %gather3A_1421[%add3A_1387, %broadcast_in_dim3A_1417] : memref<2000x8xf32, #tpu.memory_space<vmem>>[vector<16xi32>, vector<16xi32>], vector<16xf32>,
        %broadcast_in_dim3A_1423 = arith.constant 5 : i32
        %broadcast_in_dim3A_1424 = vector.broadcast %broadcast_in_dim3A_1423 : i32 to vector<16xi32>
        %gather3A_1425 = arith.constant 0 : i32
        %gather3A_1426 = arith.constant 0 : i32
        %gather3A_1427 = tpu.memref_slice %arg9[%scan3A_230, %gather3A_1425, %gather3A_1426] : memref<2x2000x8xf32, #tpu.memory_space<vmem>> -> memref<1x2000x8xf32, #tpu.memory_space<vmem>>
        %gather3A_1428 = tpu.memref_squeeze %gather3A_1427 : memref<1x2000x8xf32, #tpu.memory_space<vmem>> -> memref<2000x8xf32, #tpu.memory_space<vmem>>
        %gather3A_1429 = tpu.vector_load_idx %gather3A_1428[%add3A_1387, %broadcast_in_dim3A_1424] : memref<2000x8xf32, #tpu.memory_space<vmem>>[vector<16xi32>, vector<16xi32>], vector<16xf32>,
        %broadcast_in_dim3A_1430 = arith.constant 0 : i32
        %broadcast_in_dim3A_1431 = vector.broadcast %broadcast_in_dim3A_1430 : i32 to vector<16xi32>
        %gather3A_1432 = arith.constant 0 : i32
        %gather3A_1433 = arith.constant 0 : i32
        %gather3A_1434 = tpu.memref_slice %arg10[%scan3A_231, %gather3A_1432, %gather3A_1433] : memref<2x2000x8xf32, #tpu.memory_space<vmem>> -> memref<1x2000x8xf32, #tpu.memory_space<vmem>>
        %gather3A_1435 = tpu.memref_squeeze %gather3A_1434 : memref<1x2000x8xf32, #tpu.memory_space<vmem>> -> memref<2000x8xf32, #tpu.memory_space<vmem>>
        %gather3A_1436 = tpu.vector_load_idx %gather3A_1435[%add3A_1387, %broadcast_in_dim3A_1431] : memref<2000x8xf32, #tpu.memory_space<vmem>>[vector<16xi32>, vector<16xi32>], vector<16xf32>,
        %broadcast_in_dim3A_1437 = arith.constant 1 : i32
        %broadcast_in_dim3A_1438 = vector.broadcast %broadcast_in_dim3A_1437 : i32 to vector<16xi32>
        %gather3A_1439 = arith.constant 0 : i32
        %gather3A_1440 = arith.constant 0 : i32
        %gather3A_1441 = tpu.memref_slice %arg10[%scan3A_231, %gather3A_1439, %gather3A_1440] : memref<2x2000x8xf32, #tpu.memory_space<vmem>> -> memref<1x2000x8xf32, #tpu.memory_space<vmem>>
        %gather3A_1442 = tpu.memref_squeeze %gather3A_1441 : memref<1x2000x8xf32, #tpu.memory_space<vmem>> -> memref<2000x8xf32, #tpu.memory_space<vmem>>
        %gather3A_1443 = tpu.vector_load_idx %gather3A_1442[%add3A_1387, %broadcast_in_dim3A_1438] : memref<2000x8xf32, #tpu.memory_space<vmem>>[vector<16xi32>, vector<16xi32>], vector<16xf32>,
        %broadcast_in_dim3A_1444 = arith.constant 2 : i32
        %broadcast_in_dim3A_1445 = vector.broadcast %broadcast_in_dim3A_1444 : i32 to vector<16xi32>
        %gather3A_1446 = arith.constant 0 : i32
        %gather3A_1447 = arith.constant 0 : i32
        %gather3A_1448 = tpu.memref_slice %arg10[%scan3A_231, %gather3A_1446, %gather3A_1447] : memref<2x2000x8xf32, #tpu.memory_space<vmem>> -> memref<1x2000x8xf32, #tpu.memory_space<vmem>>
        %gather3A_1449 = tpu.memref_squeeze %gather3A_1448 : memref<1x2000x8xf32, #tpu.memory_space<vmem>> -> memref<2000x8xf32, #tpu.memory_space<vmem>>
        %gather3A_1450 = tpu.vector_load_idx %gather3A_1449[%add3A_1387, %broadcast_in_dim3A_1445] : memref<2000x8xf32, #tpu.memory_space<vmem>>[vector<16xi32>, vector<16xi32>], vector<16xf32>,
        %broadcast_in_dim3A_1451 = arith.constant 3 : i32
        %broadcast_in_dim3A_1452 = vector.broadcast %broadcast_in_dim3A_1451 : i32 to vector<16xi32>
        %gather3A_1453 = arith.constant 0 : i32
        %gather3A_1454 = arith.constant 0 : i32
        %gather3A_1455 = tpu.memref_slice %arg10[%scan3A_231, %gather3A_1453, %gather3A_1454] : memref<2x2000x8xf32, #tpu.memory_space<vmem>> -> memref<1x2000x8xf32, #tpu.memory_space<vmem>>
        %gather3A_1456 = tpu.memref_squeeze %gather3A_1455 : memref<1x2000x8xf32, #tpu.memory_space<vmem>> -> memref<2000x8xf32, #tpu.memory_space<vmem>>
        %gather3A_1457 = tpu.vector_load_idx %gather3A_1456[%add3A_1387, %broadcast_in_dim3A_1452] : memref<2000x8xf32, #tpu.memory_space<vmem>>[vector<16xi32>, vector<16xi32>], vector<16xf32>,
        %broadcast_in_dim3A_1458 = arith.constant 4 : i32
        %broadcast_in_dim3A_1459 = vector.broadcast %broadcast_in_dim3A_1458 : i32 to vector<16xi32>
        %gather3A_1460 = arith.constant 0 : i32
        %gather3A_1461 = arith.constant 0 : i32
        %gather3A_1462 = tpu.memref_slice %arg10[%scan3A_231, %gather3A_1460, %gather3A_1461] : memref<2x2000x8xf32, #tpu.memory_space<vmem>> -> memref<1x2000x8xf32, #tpu.memory_space<vmem>>
        %gather3A_1463 = tpu.memref_squeeze %gather3A_1462 : memref<1x2000x8xf32, #tpu.memory_space<vmem>> -> memref<2000x8xf32, #tpu.memory_space<vmem>>
        %gather3A_1464 = tpu.vector_load_idx %gather3A_1463[%add3A_1387, %broadcast_in_dim3A_1459] : memref<2000x8xf32, #tpu.memory_space<vmem>>[vector<16xi32>, vector<16xi32>], vector<16xf32>,
        %broadcast_in_dim3A_1465 = arith.constant 5 : i32
        %broadcast_in_dim3A_1466 = vector.broadcast %broadcast_in_dim3A_1465 : i32 to vector<16xi32>
        %gather3A_1467 = arith.constant 0 : i32
        %gather3A_1468 = arith.constant 0 : i32
        %gather3A_1469 = tpu.memref_slice %arg10[%scan3A_231, %gather3A_1467, %gather3A_1468] : memref<2x2000x8xf32, #tpu.memory_space<vmem>> -> memref<1x2000x8xf32, #tpu.memory_space<vmem>>
        %gather3A_1470 = tpu.memref_squeeze %gather3A_1469 : memref<1x2000x8xf32, #tpu.memory_space<vmem>> -> memref<2000x8xf32, #tpu.memory_space<vmem>>
        %gather3A_1471 = tpu.vector_load_idx %gather3A_1470[%add3A_1387, %broadcast_in_dim3A_1466] : memref<2000x8xf32, #tpu.memory_space<vmem>>[vector<16xi32>, vector<16xi32>], vector<16xf32>,
        %sub3A_1472 = arith.subf %gather3A_1394, %gather3A_1436 : vector<16xf32>
        %sub3A_1473 = arith.subf %gather3A_1401, %gather3A_1443 : vector<16xf32>
        %sub3A_1474 = arith.subf %gather3A_1408, %gather3A_1450 : vector<16xf32>
        %mul3A_1475 = arith.mulf %sub3A_1472, %mul3A_83 : vector<16xf32>
        %mul3A_1476 = arith.mulf %sub3A_1473, %mul3A_86 : vector<16xf32>
        %add3A_1477 = arith.addf %mul3A_1475, %mul3A_1476 : vector<16xf32>
        %mul3A_1478 = arith.mulf %sub3A_1474, %mul3A_89 : vector<16xf32>
        %add3A_1479 = arith.addf %add3A_1477, %mul3A_1478 : vector<16xf32>
        %mul3A_1480 = arith.mulf %sub3A_1472, %mul3A_84 : vector<16xf32>
        %mul3A_1481 = arith.mulf %sub3A_1473, %mul3A_87 : vector<16xf32>
        %add3A_1482 = arith.addf %mul3A_1480, %mul3A_1481 : vector<16xf32>
        %mul3A_1483 = arith.mulf %sub3A_1474, %mul3A_90 : vector<16xf32>
        %add3A_1484 = arith.addf %add3A_1482, %mul3A_1483 : vector<16xf32>
        %mul3A_1485 = arith.mulf %sub3A_1472, %mul3A_85 : vector<16xf32>
        %mul3A_1486 = arith.mulf %sub3A_1473, %mul3A_88 : vector<16xf32>
        %add3A_1487 = arith.addf %mul3A_1485, %mul3A_1486 : vector<16xf32>
        %mul3A_1488 = arith.mulf %sub3A_1474, %mul3A_91 : vector<16xf32>
        %add3A_1489 = arith.addf %add3A_1487, %mul3A_1488 : vector<16xf32>
        %add3A_1490 = arith.constant 5.000000e-01 : f32
        %add3A_1491 = vector.broadcast %add3A_1490 : f32 to vector<16xf32>
        %add3A_1492 = arith.addf %add3A_1479, %add3A_1491 : vector<16xf32>
        %convert_element_type3A_1493 = arith.fptosi %add3A_1492 : vector<16xf32> to vector<16xi32>
        %convert_element_type3A_1494 = arith.sitofp %convert_element_type3A_1493 : vector<16xi32> to vector<16xf32>
        %lt3A_1495 = arith.cmpf olt, %add3A_1492, %convert_element_type3A_1494 : vector<16xf32>
        %sub3A_1496 = arith.constant 1.000000e+00 : f32
        %sub3A_1497 = vector.broadcast %sub3A_1496 : f32 to vector<16xf32>
        %sub3A_1498 = arith.subf %convert_element_type3A_1494, %sub3A_1497 : vector<16xf32>
        %select_n3A_1499 = arith.select %lt3A_1495, %sub3A_1498, %convert_element_type3A_1494 : vector<16xi1>, vector<16xf32>
        %sub3A_1500 = arith.subf %add3A_1479, %select_n3A_1499 : vector<16xf32>
        %add3A_1501 = arith.constant 5.000000e-01 : f32
        %add3A_1502 = vector.broadcast %add3A_1501 : f32 to vector<16xf32>
        %add3A_1503 = arith.addf %add3A_1484, %add3A_1502 : vector<16xf32>
        %convert_element_type3A_1504 = arith.fptosi %add3A_1503 : vector<16xf32> to vector<16xi32>
        %convert_element_type3A_1505 = arith.sitofp %convert_element_type3A_1504 : vector<16xi32> to vector<16xf32>
        %lt3A_1506 = arith.cmpf olt, %add3A_1503, %convert_element_type3A_1505 : vector<16xf32>
        %sub3A_1507 = arith.constant 1.000000e+00 : f32
        %sub3A_1508 = vector.broadcast %sub3A_1507 : f32 to vector<16xf32>
        %sub3A_1509 = arith.subf %convert_element_type3A_1505, %sub3A_1508 : vector<16xf32>
        %select_n3A_1510 = arith.select %lt3A_1506, %sub3A_1509, %convert_element_type3A_1505 : vector<16xi1>, vector<16xf32>
        %sub3A_1511 = arith.subf %add3A_1484, %select_n3A_1510 : vector<16xf32>
        %add3A_1512 = arith.constant 5.000000e-01 : f32
        %add3A_1513 = vector.broadcast %add3A_1512 : f32 to vector<16xf32>
        %add3A_1514 = arith.addf %add3A_1489, %add3A_1513 : vector<16xf32>
        %convert_element_type3A_1515 = arith.fptosi %add3A_1514 : vector<16xf32> to vector<16xi32>
        %convert_element_type3A_1516 = arith.sitofp %convert_element_type3A_1515 : vector<16xi32> to vector<16xf32>
        %lt3A_1517 = arith.cmpf olt, %add3A_1514, %convert_element_type3A_1516 : vector<16xf32>
        %sub3A_1518 = arith.constant 1.000000e+00 : f32
        %sub3A_1519 = vector.broadcast %sub3A_1518 : f32 to vector<16xf32>
        %sub3A_1520 = arith.subf %convert_element_type3A_1516, %sub3A_1519 : vector<16xf32>
        %select_n3A_1521 = arith.select %lt3A_1517, %sub3A_1520, %convert_element_type3A_1516 : vector<16xi1>, vector<16xf32>
        %sub3A_1522 = arith.subf %add3A_1489, %select_n3A_1521 : vector<16xf32>
        %mul3A_1523 = arith.mulf %sub3A_1500, %get3A_5 : vector<16xf32>
        %mul3A_1524 = arith.mulf %sub3A_1511, %get3A_17 : vector<16xf32>
        %add3A_1525 = arith.addf %mul3A_1523, %mul3A_1524 : vector<16xf32>
        %mul3A_1526 = arith.mulf %sub3A_1522, %get3A_29 : vector<16xf32>
        %add3A_1527 = arith.addf %add3A_1525, %mul3A_1526 : vector<16xf32>
        %mul3A_1528 = arith.mulf %sub3A_1500, %get3A_9 : vector<16xf32>
        %mul3A_1529 = arith.mulf %sub3A_1511, %get3A_21 : vector<16xf32>
        %add3A_1530 = arith.addf %mul3A_1528, %mul3A_1529 : vector<16xf32>
        %mul3A_1531 = arith.mulf %sub3A_1522, %get3A_33 : vector<16xf32>
        %add3A_1532 = arith.addf %add3A_1530, %mul3A_1531 : vector<16xf32>
        %mul3A_1533 = arith.mulf %sub3A_1500, %get3A_13 : vector<16xf32>
        %mul3A_1534 = arith.mulf %sub3A_1511, %get3A_25 : vector<16xf32>
        %add3A_1535 = arith.addf %mul3A_1533, %mul3A_1534 : vector<16xf32>
        %mul3A_1536 = arith.mulf %sub3A_1522, %get3A_37 : vector<16xf32>
        %add3A_1537 = arith.addf %add3A_1535, %mul3A_1536 : vector<16xf32>
        %mul3A_1538 = arith.mulf %add3A_1527, %add3A_1527 : vector<16xf32>
        %mul3A_1539 = arith.mulf %add3A_1532, %add3A_1532 : vector<16xf32>
        %add3A_1540 = arith.addf %mul3A_1538, %mul3A_1539 : vector<16xf32>
        %mul3A_1541 = arith.mulf %add3A_1537, %add3A_1537 : vector<16xf32>
        %add3A_1542 = arith.addf %add3A_1540, %mul3A_1541 : vector<16xf32>
        %mul3A_1543 = arith.constant 5.000000e-01 : f32
        %mul3A_1544 = vector.broadcast %mul3A_1543 : f32 to vector<16xf32>
        %mul3A_1545 = arith.mulf %mul3A_1544, %add3A_1542 : vector<16xf32>
        %bitcast_convert_type3A_1546 = tpu.bitcast %add3A_1542 : vector<16xf32> -> vector<16xi32>
        %shift_right_arithmetic3A_1547 = arith.constant 1 : i32
        %shift_right_arithmetic3A_1548 = vector.broadcast %shift_right_arithmetic3A_1547 : i32 to vector<16xi32>
        %shift_right_arithmetic3A_1549 = arith.shrsi %bitcast_convert_type3A_1546, %shift_right_arithmetic3A_1548 : vector<16xi32>
        %sub3A_1550 = arith.constant 1597463007 : i32
        %sub3A_1551 = vector.broadcast %sub3A_1550 : i32 to vector<16xi32>
        %sub3A_1552 = arith.subi %sub3A_1551, %shift_right_arithmetic3A_1549 : vector<16xi32>
        %bitcast_convert_type3A_1553 = tpu.bitcast %sub3A_1552 : vector<16xi32> -> vector<16xf32>
        %mul3A_1554 = arith.mulf %mul3A_1545, %bitcast_convert_type3A_1553 : vector<16xf32>
        %mul3A_1555 = arith.mulf %mul3A_1554, %bitcast_convert_type3A_1553 : vector<16xf32>
        %sub3A_1556 = arith.constant 1.500000e+00 : f32
        %sub3A_1557 = vector.broadcast %sub3A_1556 : f32 to vector<16xf32>
        %sub3A_1558 = arith.subf %sub3A_1557, %mul3A_1555 : vector<16xf32>
        %mul3A_1559 = arith.mulf %bitcast_convert_type3A_1553, %sub3A_1558 : vector<16xf32>
        %mul3A_1560 = arith.mulf %mul3A_1545, %mul3A_1559 : vector<16xf32>
        %mul3A_1561 = arith.mulf %mul3A_1560, %mul3A_1559 : vector<16xf32>
        %sub3A_1562 = arith.constant 1.500000e+00 : f32
        %sub3A_1563 = vector.broadcast %sub3A_1562 : f32 to vector<16xf32>
        %sub3A_1564 = arith.subf %sub3A_1563, %mul3A_1561 : vector<16xf32>
        %mul3A_1565 = arith.mulf %mul3A_1559, %sub3A_1564 : vector<16xf32>
        %mul3A_1566 = arith.mulf %mul3A_1545, %mul3A_1565 : vector<16xf32>
        %mul3A_1567 = arith.mulf %mul3A_1566, %mul3A_1565 : vector<16xf32>
        %sub3A_1568 = arith.constant 1.500000e+00 : f32
        %sub3A_1569 = vector.broadcast %sub3A_1568 : f32 to vector<16xf32>
        %sub3A_1570 = arith.subf %sub3A_1569, %mul3A_1567 : vector<16xf32>
        %mul3A_1571 = arith.mulf %mul3A_1565, %sub3A_1570 : vector<16xf32>
        %mul3A_1572 = arith.mulf %gather3A_1415, %gather3A_1457 : vector<16xf32>
        %sub3A_1573 = arith.subf %mul3A_1571, %div3A_92 : vector<16xf32>
        %mul3A_1574 = arith.mulf %mul3A_1572, %sub3A_1573 : vector<16xf32>
        %mul3A_1575 = arith.mulf %mul3A_1574, %get3A_41 : vector<16xf32>
        %add3A_1576 = arith.addf %gather3A_1422, %gather3A_1464 : vector<16xf32>
        %mul3A_1577 = arith.constant 5.000000e-01 : f32
        %mul3A_1578 = vector.broadcast %mul3A_1577 : f32 to vector<16xf32>
        %mul3A_1579 = arith.mulf %add3A_1576, %mul3A_1578 : vector<16xf32>
        %mul3A_1580 = arith.mulf %mul3A_1579, %mul3A_1579 : vector<16xf32>
        %div3A_1581 = arith.constant 1.000000e+00 : f32
        %div3A_1582 = vector.broadcast %div3A_1581 : f32 to vector<16xf32>
        %div3A_1583 = arith.divf %div3A_1582, %add3A_1542 : vector<16xf32>
        %mul3A_1584 = arith.mulf %mul3A_1580, %div3A_1583 : vector<16xf32>
        %mul3A_1585 = arith.mulf %mul3A_1584, %mul3A_1584 : vector<16xf32>
        %mul3A_1586 = arith.mulf %mul3A_1585, %mul3A_1584 : vector<16xf32>
        %mul3A_1587 = arith.mulf %gather3A_1429, %gather3A_1471 : vector<16xf32>
        %mul3A_1588 = arith.constant 4.000000e+00 : f32
        %mul3A_1589 = vector.broadcast %mul3A_1588 : f32 to vector<16xf32>
        %mul3A_1590 = arith.mulf %mul3A_1589, %mul3A_1587 : vector<16xf32>
        %mul3A_1591 = arith.mulf %mul3A_1590, %mul3A_1586 : vector<16xf32>
        %sub3A_1592 = arith.constant 1.000000e+00 : f32
        %sub3A_1593 = vector.broadcast %sub3A_1592 : f32 to vector<16xf32>
        %sub3A_1594 = arith.subf %mul3A_1586, %sub3A_1593 : vector<16xf32>
        %mul3A_1595 = arith.mulf %mul3A_1591, %sub3A_1594 : vector<16xf32>
        %add3A_1596 = arith.addf %mul3A_1575, %mul3A_1595 : vector<16xf32>
        %le3A_1597 = arith.cmpf ole, %add3A_1542, %mul3A_93 : vector<16xf32>
        %jit3A_1598 = arith.constant 0.000000e+00 : f32
        %broadcast_in_dim3A_1599 = vector.broadcast %jit3A_1598 : f32 to vector<16xf32>
        %select_n3A_1600 = arith.select %le3A_1597, %add3A_1596, %broadcast_in_dim3A_1599 : vector<16xi1>, vector<16xf32>
        %add3A_1601 = arith.addf %add3A_1381, %select_n3A_1600 : vector<16xf32>
        scf.yield %add3A_1601 : vector<16xf32>
      }
      %scan3A_237 = arith.constant 124 : i32
      %scan3A_238 = arith.addi %scan3A_232, %scan3A_237 : i32
      %mul3A_239 = arith.constant 16 : i32
      %mul3A_240 = arith.muli %scan3A_238, %mul3A_239 : i32
      %add3A_241 = vector.broadcast %mul3A_240 : i32 to vector<16xi32>
      %add3A_242 = arith.addi %add3A_241, %iota3A : vector<16xi32>
      %broadcast_in_dim3A_243 = arith.constant 0 : i32
      %broadcast_in_dim3A_244 = vector.broadcast %broadcast_in_dim3A_243 : i32 to vector<16xi32>
      %gather3A = arith.constant 0 : i32
      %gather3A_245 = arith.constant 0 : i32
      %gather3A_246 = tpu.memref_slice %arg9[%scan3A_230, %gather3A, %gather3A_245] : memref<2x2000x8xf32, #tpu.memory_space<vmem>> -> memref<1x2000x8xf32, #tpu.memory_space<vmem>>
      %gather3A_247 = tpu.memref_squeeze %gather3A_246 : memref<1x2000x8xf32, #tpu.memory_space<vmem>> -> memref<2000x8xf32, #tpu.memory_space<vmem>>
      %gather3A_248 = tpu.vector_load_idx %gather3A_247[%add3A_242, %broadcast_in_dim3A_244] : memref<2000x8xf32, #tpu.memory_space<vmem>>[vector<16xi32>, vector<16xi32>], vector<16xf32>,
      %broadcast_in_dim3A_249 = arith.constant 1 : i32
      %broadcast_in_dim3A_250 = vector.broadcast %broadcast_in_dim3A_249 : i32 to vector<16xi32>
      %gather3A_251 = arith.constant 0 : i32
      %gather3A_252 = arith.constant 0 : i32
      %gather3A_253 = tpu.memref_slice %arg9[%scan3A_230, %gather3A_251, %gather3A_252] : memref<2x2000x8xf32, #tpu.memory_space<vmem>> -> memref<1x2000x8xf32, #tpu.memory_space<vmem>>
      %gather3A_254 = tpu.memref_squeeze %gather3A_253 : memref<1x2000x8xf32, #tpu.memory_space<vmem>> -> memref<2000x8xf32, #tpu.memory_space<vmem>>
      %gather3A_255 = tpu.vector_load_idx %gather3A_254[%add3A_242, %broadcast_in_dim3A_250] : memref<2000x8xf32, #tpu.memory_space<vmem>>[vector<16xi32>, vector<16xi32>], vector<16xf32>,
      %broadcast_in_dim3A_256 = arith.constant 2 : i32
      %broadcast_in_dim3A_257 = vector.broadcast %broadcast_in_dim3A_256 : i32 to vector<16xi32>
      %gather3A_258 = arith.constant 0 : i32
      %gather3A_259 = arith.constant 0 : i32
      %gather3A_260 = tpu.memref_slice %arg9[%scan3A_230, %gather3A_258, %gather3A_259] : memref<2x2000x8xf32, #tpu.memory_space<vmem>> -> memref<1x2000x8xf32, #tpu.memory_space<vmem>>
      %gather3A_261 = tpu.memref_squeeze %gather3A_260 : memref<1x2000x8xf32, #tpu.memory_space<vmem>> -> memref<2000x8xf32, #tpu.memory_space<vmem>>
      %gather3A_262 = tpu.vector_load_idx %gather3A_261[%add3A_242, %broadcast_in_dim3A_257] : memref<2000x8xf32, #tpu.memory_space<vmem>>[vector<16xi32>, vector<16xi32>], vector<16xf32>,
      %broadcast_in_dim3A_263 = arith.constant 3 : i32
      %broadcast_in_dim3A_264 = vector.broadcast %broadcast_in_dim3A_263 : i32 to vector<16xi32>
      %gather3A_265 = arith.constant 0 : i32
      %gather3A_266 = arith.constant 0 : i32
      %gather3A_267 = tpu.memref_slice %arg9[%scan3A_230, %gather3A_265, %gather3A_266] : memref<2x2000x8xf32, #tpu.memory_space<vmem>> -> memref<1x2000x8xf32, #tpu.memory_space<vmem>>
      %gather3A_268 = tpu.memref_squeeze %gather3A_267 : memref<1x2000x8xf32, #tpu.memory_space<vmem>> -> memref<2000x8xf32, #tpu.memory_space<vmem>>
      %gather3A_269 = tpu.vector_load_idx %gather3A_268[%add3A_242, %broadcast_in_dim3A_264] : memref<2000x8xf32, #tpu.memory_space<vmem>>[vector<16xi32>, vector<16xi32>], vector<16xf32>,
      %broadcast_in_dim3A_270 = arith.constant 4 : i32
      %broadcast_in_dim3A_271 = vector.broadcast %broadcast_in_dim3A_270 : i32 to vector<16xi32>
      %gather3A_272 = arith.constant 0 : i32
      %gather3A_273 = arith.constant 0 : i32
      %gather3A_274 = tpu.memref_slice %arg9[%scan3A_230, %gather3A_272, %gather3A_273] : memref<2x2000x8xf32, #tpu.memory_space<vmem>> -> memref<1x2000x8xf32, #tpu.memory_space<vmem>>
      %gather3A_275 = tpu.memref_squeeze %gather3A_274 : memref<1x2000x8xf32, #tpu.memory_space<vmem>> -> memref<2000x8xf32, #tpu.memory_space<vmem>>
      %gather3A_276 = tpu.vector_load_idx %gather3A_275[%add3A_242, %broadcast_in_dim3A_271] : memref<2000x8xf32, #tpu.memory_space<vmem>>[vector<16xi32>, vector<16xi32>], vector<16xf32>,
      %broadcast_in_dim3A_277 = arith.constant 5 : i32
      %broadcast_in_dim3A_278 = vector.broadcast %broadcast_in_dim3A_277 : i32 to vector<16xi32>
      %gather3A_279 = arith.constant 0 : i32
      %gather3A_280 = arith.constant 0 : i32
      %gather3A_281 = tpu.memref_slice %arg9[%scan3A_230, %gather3A_279, %gather3A_280] : memref<2x2000x8xf32, #tpu.memory_space<vmem>> -> memref<1x2000x8xf32, #tpu.memory_space<vmem>>
      %gather3A_282 = tpu.memref_squeeze %gather3A_281 : memref<1x2000x8xf32, #tpu.memory_space<vmem>> -> memref<2000x8xf32, #tpu.memory_space<vmem>>
      %gather3A_283 = tpu.vector_load_idx %gather3A_282[%add3A_242, %broadcast_in_dim3A_278] : memref<2000x8xf32, #tpu.memory_space<vmem>>[vector<16xi32>, vector<16xi32>], vector<16xf32>,
      %broadcast_in_dim3A_284 = arith.constant 0 : i32
      %broadcast_in_dim3A_285 = vector.broadcast %broadcast_in_dim3A_284 : i32 to vector<16xi32>
      %gather3A_286 = arith.constant 0 : i32
      %gather3A_287 = arith.constant 0 : i32
      %gather3A_288 = tpu.memref_slice %arg10[%scan3A_231, %gather3A_286, %gather3A_287] : memref<2x2000x8xf32, #tpu.memory_space<vmem>> -> memref<1x2000x8xf32, #tpu.memory_space<vmem>>
      %gather3A_289 = tpu.memref_squeeze %gather3A_288 : memref<1x2000x8xf32, #tpu.memory_space<vmem>> -> memref<2000x8xf32, #tpu.memory_space<vmem>>
      %gather3A_290 = tpu.vector_load_idx %gather3A_289[%add3A_242, %broadcast_in_dim3A_285] : memref<2000x8xf32, #tpu.memory_space<vmem>>[vector<16xi32>, vector<16xi32>], vector<16xf32>,
      %broadcast_in_dim3A_291 = arith.constant 1 : i32
      %broadcast_in_dim3A_292 = vector.broadcast %broadcast_in_dim3A_291 : i32 to vector<16xi32>
      %gather3A_293 = arith.constant 0 : i32
      %gather3A_294 = arith.constant 0 : i32
      %gather3A_295 = tpu.memref_slice %arg10[%scan3A_231, %gather3A_293, %gather3A_294] : memref<2x2000x8xf32, #tpu.memory_space<vmem>> -> memref<1x2000x8xf32, #tpu.memory_space<vmem>>
      %gather3A_296 = tpu.memref_squeeze %gather3A_295 : memref<1x2000x8xf32, #tpu.memory_space<vmem>> -> memref<2000x8xf32, #tpu.memory_space<vmem>>
      %gather3A_297 = tpu.vector_load_idx %gather3A_296[%add3A_242, %broadcast_in_dim3A_292] : memref<2000x8xf32, #tpu.memory_space<vmem>>[vector<16xi32>, vector<16xi32>], vector<16xf32>,
      %broadcast_in_dim3A_298 = arith.constant 2 : i32
      %broadcast_in_dim3A_299 = vector.broadcast %broadcast_in_dim3A_298 : i32 to vector<16xi32>
      %gather3A_300 = arith.constant 0 : i32
      %gather3A_301 = arith.constant 0 : i32
      %gather3A_302 = tpu.memref_slice %arg10[%scan3A_231, %gather3A_300, %gather3A_301] : memref<2x2000x8xf32, #tpu.memory_space<vmem>> -> memref<1x2000x8xf32, #tpu.memory_space<vmem>>
      %gather3A_303 = tpu.memref_squeeze %gather3A_302 : memref<1x2000x8xf32, #tpu.memory_space<vmem>> -> memref<2000x8xf32, #tpu.memory_space<vmem>>
      %gather3A_304 = tpu.vector_load_idx %gather3A_303[%add3A_242, %broadcast_in_dim3A_299] : memref<2000x8xf32, #tpu.memory_space<vmem>>[vector<16xi32>, vector<16xi32>], vector<16xf32>,
      %broadcast_in_dim3A_305 = arith.constant 3 : i32
      %broadcast_in_dim3A_306 = vector.broadcast %broadcast_in_dim3A_305 : i32 to vector<16xi32>
      %gather3A_307 = arith.constant 0 : i32
      %gather3A_308 = arith.constant 0 : i32
      %gather3A_309 = tpu.memref_slice %arg10[%scan3A_231, %gather3A_307, %gather3A_308] : memref<2x2000x8xf32, #tpu.memory_space<vmem>> -> memref<1x2000x8xf32, #tpu.memory_space<vmem>>
      %gather3A_310 = tpu.memref_squeeze %gather3A_309 : memref<1x2000x8xf32, #tpu.memory_space<vmem>> -> memref<2000x8xf32, #tpu.memory_space<vmem>>
      %gather3A_311 = tpu.vector_load_idx %gather3A_310[%add3A_242, %broadcast_in_dim3A_306] : memref<2000x8xf32, #tpu.memory_space<vmem>>[vector<16xi32>, vector<16xi32>], vector<16xf32>,
      %broadcast_in_dim3A_312 = arith.constant 4 : i32
      %broadcast_in_dim3A_313 = vector.broadcast %broadcast_in_dim3A_312 : i32 to vector<16xi32>
      %gather3A_314 = arith.constant 0 : i32
      %gather3A_315 = arith.constant 0 : i32
      %gather3A_316 = tpu.memref_slice %arg10[%scan3A_231, %gather3A_314, %gather3A_315] : memref<2x2000x8xf32, #tpu.memory_space<vmem>> -> memref<1x2000x8xf32, #tpu.memory_space<vmem>>
      %gather3A_317 = tpu.memref_squeeze %gather3A_316 : memref<1x2000x8xf32, #tpu.memory_space<vmem>> -> memref<2000x8xf32, #tpu.memory_space<vmem>>
      %gather3A_318 = tpu.vector_load_idx %gather3A_317[%add3A_242, %broadcast_in_dim3A_313] : memref<2000x8xf32, #tpu.memory_space<vmem>>[vector<16xi32>, vector<16xi32>], vector<16xf32>,
      %broadcast_in_dim3A_319 = arith.constant 5 : i32
      %broadcast_in_dim3A_320 = vector.broadcast %broadcast_in_dim3A_319 : i32 to vector<16xi32>
      %gather3A_321 = arith.constant 0 : i32
      %gather3A_322 = arith.constant 0 : i32
      %gather3A_323 = tpu.memref_slice %arg10[%scan3A_231, %gather3A_321, %gather3A_322] : memref<2x2000x8xf32, #tpu.memory_space<vmem>> -> memref<1x2000x8xf32, #tpu.memory_space<vmem>>
      %gather3A_324 = tpu.memref_squeeze %gather3A_323 : memref<1x2000x8xf32, #tpu.memory_space<vmem>> -> memref<2000x8xf32, #tpu.memory_space<vmem>>
      %gather3A_325 = tpu.vector_load_idx %gather3A_324[%add3A_242, %broadcast_in_dim3A_320] : memref<2000x8xf32, #tpu.memory_space<vmem>>[vector<16xi32>, vector<16xi32>], vector<16xf32>,
      %sub3A_326 = arith.subf %gather3A_248, %gather3A_290 : vector<16xf32>
      %sub3A_327 = arith.subf %gather3A_255, %gather3A_297 : vector<16xf32>
      %sub3A_328 = arith.subf %gather3A_262, %gather3A_304 : vector<16xf32>
      %mul3A_329 = arith.mulf %sub3A_326, %mul3A_83 : vector<16xf32>
      %mul3A_330 = arith.mulf %sub3A_327, %mul3A_86 : vector<16xf32>
      %add3A_331 = arith.addf %mul3A_329, %mul3A_330 : vector<16xf32>
      %mul3A_332 = arith.mulf %sub3A_328, %mul3A_89 : vector<16xf32>
      %add3A_333 = arith.addf %add3A_331, %mul3A_332 : vector<16xf32>
      %mul3A_334 = arith.mulf %sub3A_326, %mul3A_84 : vector<16xf32>
      %mul3A_335 = arith.mulf %sub3A_327, %mul3A_87 : vector<16xf32>
      %add3A_336 = arith.addf %mul3A_334, %mul3A_335 : vector<16xf32>
      %mul3A_337 = arith.mulf %sub3A_328, %mul3A_90 : vector<16xf32>
      %add3A_338 = arith.addf %add3A_336, %mul3A_337 : vector<16xf32>
      %mul3A_339 = arith.mulf %sub3A_326, %mul3A_85 : vector<16xf32>
      %mul3A_340 = arith.mulf %sub3A_327, %mul3A_88 : vector<16xf32>
      %add3A_341 = arith.addf %mul3A_339, %mul3A_340 : vector<16xf32>
      %mul3A_342 = arith.mulf %sub3A_328, %mul3A_91 : vector<16xf32>
      %add3A_343 = arith.addf %add3A_341, %mul3A_342 : vector<16xf32>
      %add3A_344 = arith.constant 5.000000e-01 : f32
      %add3A_345 = vector.broadcast %add3A_344 : f32 to vector<16xf32>
      %add3A_346 = arith.addf %add3A_333, %add3A_345 : vector<16xf32>
      %convert_element_type3A_347 = arith.fptosi %add3A_346 : vector<16xf32> to vector<16xi32>
      %convert_element_type3A_348 = arith.sitofp %convert_element_type3A_347 : vector<16xi32> to vector<16xf32>
      %lt3A_349 = arith.cmpf olt, %add3A_346, %convert_element_type3A_348 : vector<16xf32>
      %sub3A_350 = arith.constant 1.000000e+00 : f32
      %sub3A_351 = vector.broadcast %sub3A_350 : f32 to vector<16xf32>
      %sub3A_352 = arith.subf %convert_element_type3A_348, %sub3A_351 : vector<16xf32>
      %select_n3A = arith.select %lt3A_349, %sub3A_352, %convert_element_type3A_348 : vector<16xi1>, vector<16xf32>
      %sub3A_353 = arith.subf %add3A_333, %select_n3A : vector<16xf32>
      %add3A_354 = arith.constant 5.000000e-01 : f32
      %add3A_355 = vector.broadcast %add3A_354 : f32 to vector<16xf32>
      %add3A_356 = arith.addf %add3A_338, %add3A_355 : vector<16xf32>
      %convert_element_type3A_357 = arith.fptosi %add3A_356 : vector<16xf32> to vector<16xi32>
      %convert_element_type3A_358 = arith.sitofp %convert_element_type3A_357 : vector<16xi32> to vector<16xf32>
      %lt3A_359 = arith.cmpf olt, %add3A_356, %convert_element_type3A_358 : vector<16xf32>
      %sub3A_360 = arith.constant 1.000000e+00 : f32
      %sub3A_361 = vector.broadcast %sub3A_360 : f32 to vector<16xf32>
      %sub3A_362 = arith.subf %convert_element_type3A_358, %sub3A_361 : vector<16xf32>
      %select_n3A_363 = arith.select %lt3A_359, %sub3A_362, %convert_element_type3A_358 : vector<16xi1>, vector<16xf32>
      %sub3A_364 = arith.subf %add3A_338, %select_n3A_363 : vector<16xf32>
      %add3A_365 = arith.constant 5.000000e-01 : f32
      %add3A_366 = vector.broadcast %add3A_365 : f32 to vector<16xf32>
      %add3A_367 = arith.addf %add3A_343, %add3A_366 : vector<16xf32>
      %convert_element_type3A_368 = arith.fptosi %add3A_367 : vector<16xf32> to vector<16xi32>
      %convert_element_type3A_369 = arith.sitofp %convert_element_type3A_368 : vector<16xi32> to vector<16xf32>
      %lt3A_370 = arith.cmpf olt, %add3A_367, %convert_element_type3A_369 : vector<16xf32>
      %sub3A_371 = arith.constant 1.000000e+00 : f32
      %sub3A_372 = vector.broadcast %sub3A_371 : f32 to vector<16xf32>
      %sub3A_373 = arith.subf %convert_element_type3A_369, %sub3A_372 : vector<16xf32>
      %select_n3A_374 = arith.select %lt3A_370, %sub3A_373, %convert_element_type3A_369 : vector<16xi1>, vector<16xf32>
      %sub3A_375 = arith.subf %add3A_343, %select_n3A_374 : vector<16xf32>
      %mul3A_376 = arith.mulf %sub3A_353, %get3A_5 : vector<16xf32>
      %mul3A_377 = arith.mulf %sub3A_364, %get3A_17 : vector<16xf32>
      %add3A_378 = arith.addf %mul3A_376, %mul3A_377 : vector<16xf32>
      %mul3A_379 = arith.mulf %sub3A_375, %get3A_29 : vector<16xf32>
      %add3A_380 = arith.addf %add3A_378, %mul3A_379 : vector<16xf32>
      %mul3A_381 = arith.mulf %sub3A_353, %get3A_9 : vector<16xf32>
      %mul3A_382 = arith.mulf %sub3A_364, %get3A_21 : vector<16xf32>
      %add3A_383 = arith.addf %mul3A_381, %mul3A_382 : vector<16xf32>
      %mul3A_384 = arith.mulf %sub3A_375, %get3A_33 : vector<16xf32>
      %add3A_385 = arith.addf %add3A_383, %mul3A_384 : vector<16xf32>
      %mul3A_386 = arith.mulf %sub3A_353, %get3A_13 : vector<16xf32>
      %mul3A_387 = arith.mulf %sub3A_364, %get3A_25 : vector<16xf32>
      %add3A_388 = arith.addf %mul3A_386, %mul3A_387 : vector<16xf32>
      %mul3A_389 = arith.mulf %sub3A_375, %get3A_37 : vector<16xf32>
      %add3A_390 = arith.addf %add3A_388, %mul3A_389 : vector<16xf32>
      %mul3A_391 = arith.mulf %add3A_380, %add3A_380 : vector<16xf32>
      %mul3A_392 = arith.mulf %add3A_385, %add3A_385 : vector<16xf32>
      %add3A_393 = arith.addf %mul3A_391, %mul3A_392 : vector<16xf32>
      %mul3A_394 = arith.mulf %add3A_390, %add3A_390 : vector<16xf32>
      %add3A_395 = arith.addf %add3A_393, %mul3A_394 : vector<16xf32>
      %mul3A_396 = arith.constant 5.000000e-01 : f32
      %mul3A_397 = vector.broadcast %mul3A_396 : f32 to vector<16xf32>
      %mul3A_398 = arith.mulf %mul3A_397, %add3A_395 : vector<16xf32>
      %bitcast_convert_type3A = tpu.bitcast %add3A_395 : vector<16xf32> -> vector<16xi32>
      %shift_right_arithmetic3A = arith.constant 1 : i32
      %shift_right_arithmetic3A_399 = vector.broadcast %shift_right_arithmetic3A : i32 to vector<16xi32>
      %shift_right_arithmetic3A_400 = arith.shrsi %bitcast_convert_type3A, %shift_right_arithmetic3A_399 : vector<16xi32>
      %sub3A_401 = arith.constant 1597463007 : i32
      %sub3A_402 = vector.broadcast %sub3A_401 : i32 to vector<16xi32>
      %sub3A_403 = arith.subi %sub3A_402, %shift_right_arithmetic3A_400 : vector<16xi32>
      %bitcast_convert_type3A_404 = tpu.bitcast %sub3A_403 : vector<16xi32> -> vector<16xf32>
      %mul3A_405 = arith.mulf %mul3A_398, %bitcast_convert_type3A_404 : vector<16xf32>
      %mul3A_406 = arith.mulf %mul3A_405, %bitcast_convert_type3A_404 : vector<16xf32>
      %sub3A_407 = arith.constant 1.500000e+00 : f32
      %sub3A_408 = vector.broadcast %sub3A_407 : f32 to vector<16xf32>
      %sub3A_409 = arith.subf %sub3A_408, %mul3A_406 : vector<16xf32>
      %mul3A_410 = arith.mulf %bitcast_convert_type3A_404, %sub3A_409 : vector<16xf32>
      %mul3A_411 = arith.mulf %mul3A_398, %mul3A_410 : vector<16xf32>
      %mul3A_412 = arith.mulf %mul3A_411, %mul3A_410 : vector<16xf32>
      %sub3A_413 = arith.constant 1.500000e+00 : f32
      %sub3A_414 = vector.broadcast %sub3A_413 : f32 to vector<16xf32>
      %sub3A_415 = arith.subf %sub3A_414, %mul3A_412 : vector<16xf32>
      %mul3A_416 = arith.mulf %mul3A_410, %sub3A_415 : vector<16xf32>
      %mul3A_417 = arith.mulf %mul3A_398, %mul3A_416 : vector<16xf32>
      %mul3A_418 = arith.mulf %mul3A_417, %mul3A_416 : vector<16xf32>
      %sub3A_419 = arith.constant 1.500000e+00 : f32
      %sub3A_420 = vector.broadcast %sub3A_419 : f32 to vector<16xf32>
      %sub3A_421 = arith.subf %sub3A_420, %mul3A_418 : vector<16xf32>
      %mul3A_422 = arith.mulf %mul3A_416, %sub3A_421 : vector<16xf32>
      %mul3A_423 = arith.mulf %gather3A_269, %gather3A_311 : vector<16xf32>
      %sub3A_424 = arith.subf %mul3A_422, %div3A_92 : vector<16xf32>
      %mul3A_425 = arith.mulf %mul3A_423, %sub3A_424 : vector<16xf32>
      %mul3A_426 = arith.mulf %mul3A_425, %get3A_41 : vector<16xf32>
      %add3A_427 = arith.addf %gather3A_276, %gather3A_318 : vector<16xf32>
      %mul3A_428 = arith.constant 5.000000e-01 : f32
      %mul3A_429 = vector.broadcast %mul3A_428 : f32 to vector<16xf32>
      %mul3A_430 = arith.mulf %add3A_427, %mul3A_429 : vector<16xf32>
      %mul3A_431 = arith.mulf %mul3A_430, %mul3A_430 : vector<16xf32>
      %div3A_432 = arith.constant 1.000000e+00 : f32
      %div3A_433 = vector.broadcast %div3A_432 : f32 to vector<16xf32>
      %div3A_434 = arith.divf %div3A_433, %add3A_395 : vector<16xf32>
      %mul3A_435 = arith.mulf %mul3A_431, %div3A_434 : vector<16xf32>
      %mul3A_436 = arith.mulf %mul3A_435, %mul3A_435 : vector<16xf32>
      %mul3A_437 = arith.mulf %mul3A_436, %mul3A_435 : vector<16xf32>
      %mul3A_438 = arith.mulf %gather3A_283, %gather3A_325 : vector<16xf32>
      %mul3A_439 = arith.constant 4.000000e+00 : f32
      %mul3A_440 = vector.broadcast %mul3A_439 : f32 to vector<16xf32>
      %mul3A_441 = arith.mulf %mul3A_440, %mul3A_438 : vector<16xf32>
      %mul3A_442 = arith.mulf %mul3A_441, %mul3A_437 : vector<16xf32>
      %sub3A_443 = arith.constant 1.000000e+00 : f32
      %sub3A_444 = vector.broadcast %sub3A_443 : f32 to vector<16xf32>
      %sub3A_445 = arith.subf %mul3A_437, %sub3A_444 : vector<16xf32>
      %mul3A_446 = arith.mulf %mul3A_442, %sub3A_445 : vector<16xf32>
      %add3A_447 = arith.addf %mul3A_426, %mul3A_446 : vector<16xf32>
      %le3A = arith.cmpf ole, %add3A_395, %mul3A_93 : vector<16xf32>
      %jit3A = arith.constant 0.000000e+00 : f32
      %broadcast_in_dim3A_448 = vector.broadcast %jit3A : f32 to vector<16xf32>
      %select_n3A_449 = arith.select %le3A, %add3A_447, %broadcast_in_dim3A_448 : vector<16xi1>, vector<16xf32>
      %add3A_450 = arith.addf %scan3A_236, %select_n3A_449 : vector<16xf32>
      %scan3A_451 = arith.constant 125 : i32
      %mul3A_452 = arith.constant 2 : i32
      %mul3A_453 = arith.muli %mul3A_452, %scan3A_187 : i32
      %add3A_454 = arith.constant 1 : i32
      %add3A_455 = arith.addi %mul3A_453, %add3A_454 : i32
      %add3A_456 = arith.constant 1 : i32
      %add3A_457 = arith.addi %add3A_455, %add3A_456 : i32
      %lt3A_458 = arith.constant 100 : i32
      %lt3A_459 = arith.cmpi slt, %add3A_457, %lt3A_458 : i32
      %convert_element_type3A_460 = arith.extui %lt3A_459 : i1 to i32
      %cond3A_461 = arith.constant 0 : i32
      %cond3A_462 = arith.cmpi ne, %convert_element_type3A_460, %cond3A_461 : i32
      scf.if %cond3A_462 {
        %dma_wait3A_722 = arith.constant 0 : i32
        %dma_wait3A_723 = arith.constant 0 : i32
        %dma_wait3A_724 = tpu.memref_slice %arg7[%dma_wait3A_722, %dma_wait3A_723] : memref<2x2000xi32, #tpu.memory_space<vmem>> -> memref<1x2000xi32, #tpu.memory_space<vmem>>
        %dma_wait3A_725 = tpu.memref_squeeze %dma_wait3A_724 : memref<1x2000xi32, #tpu.memory_space<vmem>> -> memref<2000xi32, #tpu.memory_space<vmem>>
        %dma_wait3A_726 = arith.constant 0 : i32
        %dma_wait3A_727 = tpu.memref_slice %arg3[%dma_wait3A_726] : memref<6400000xi32, #tpu.memory_space<hbm>> -> memref<2000xi32, #tpu.memory_space<hbm>>
        %dma_wait3A_728 = arith.constant 0 : i32
        %dma_wait3A_729 = tpu.memref_slice %arg7[%dma_wait3A_722, %dma_wait3A_728] : memref<2x2000xi32, #tpu.memory_space<vmem>> -> memref<1x2000xi32, #tpu.memory_space<vmem>>
        %dma_wait3A_730 = tpu.memref_squeeze %dma_wait3A_729 : memref<1x2000xi32, #tpu.memory_space<vmem>> -> memref<2000xi32, #tpu.memory_space<vmem>>
        %dma_wait3A_731 = arith.constant 0 : i32
        %dma_wait3A_732 = tpu.memref_slice %arg3[%dma_wait3A_731] : memref<6400000xi32, #tpu.memory_space<hbm>> -> memref<2000xi32, #tpu.memory_space<hbm>>
        tpu.wait_dma2 semaphore(%arg14 : memref<!tpu.dma_semaphore, #tpu.memory_space<semaphore_mem>>) src(%dma_wait3A_732 : memref<2000xi32, #tpu.memory_space<hbm>>) dst(%dma_wait3A_730 : memref<2000xi32, #tpu.memory_space<vmem>>)
        %dma_wait3A_733 = arith.constant 0 : i32
        %dma_wait3A_734 = arith.constant 0 : i32
        %dma_wait3A_735 = tpu.memref_slice %arg8[%dma_wait3A_733, %dma_wait3A_734] : memref<2x2000xi32, #tpu.memory_space<vmem>> -> memref<1x2000xi32, #tpu.memory_space<vmem>>
        %dma_wait3A_736 = tpu.memref_squeeze %dma_wait3A_735 : memref<1x2000xi32, #tpu.memory_space<vmem>> -> memref<2000xi32, #tpu.memory_space<vmem>>
        %dma_wait3A_737 = arith.constant 0 : i32
        %dma_wait3A_738 = tpu.memref_slice %arg4[%dma_wait3A_737] : memref<6400000xi32, #tpu.memory_space<hbm>> -> memref<2000xi32, #tpu.memory_space<hbm>>
        %dma_wait3A_739 = arith.constant 0 : i32
        %dma_wait3A_740 = tpu.memref_slice %arg8[%dma_wait3A_733, %dma_wait3A_739] : memref<2x2000xi32, #tpu.memory_space<vmem>> -> memref<1x2000xi32, #tpu.memory_space<vmem>>
        %dma_wait3A_741 = tpu.memref_squeeze %dma_wait3A_740 : memref<1x2000xi32, #tpu.memory_space<vmem>> -> memref<2000xi32, #tpu.memory_space<vmem>>
        %dma_wait3A_742 = arith.constant 0 : i32
        %dma_wait3A_743 = tpu.memref_slice %arg4[%dma_wait3A_742] : memref<6400000xi32, #tpu.memory_space<hbm>> -> memref<2000xi32, #tpu.memory_space<hbm>>
        tpu.wait_dma2 semaphore(%arg16 : memref<!tpu.dma_semaphore, #tpu.memory_space<semaphore_mem>>) src(%dma_wait3A_743 : memref<2000xi32, #tpu.memory_space<hbm>>) dst(%dma_wait3A_741 : memref<2000xi32, #tpu.memory_space<vmem>>)
        %dma_start3A_744 = arith.constant 0 : i32
        %dma_start3A_745 = arith.constant 0 : i32
        %dma_start3A_746 = arith.constant 0 : i32
        %dma_start3A_747 = arith.constant 0 : i32
        %dma_start3A_748 = tpu.memref_slice %arg9[%dma_start3A_745, %dma_start3A_746, %dma_start3A_747] : memref<2x2000x8xf32, #tpu.memory_space<vmem>> -> memref<1x2000x8xf32, #tpu.memory_space<vmem>>
        %dma_start3A_749 = tpu.memref_squeeze %dma_start3A_748 : memref<1x2000x8xf32, #tpu.memory_space<vmem>> -> memref<2000x8xf32, #tpu.memory_space<vmem>>
        %dma_start3A_750 = arith.constant 0 : i32
        %dma_start3A_751 = tpu.memref_slice %arg7[%dma_start3A_744, %dma_start3A_750] : memref<2x2000xi32, #tpu.memory_space<vmem>> -> memref<1x2000xi32, #tpu.memory_space<vmem>>
        %dma_start3A_752 = tpu.memref_squeeze %dma_start3A_751 : memref<1x2000xi32, #tpu.memory_space<vmem>> -> memref<2000xi32, #tpu.memory_space<vmem>>
        %dma_start3A_753 = arith.constant 0 : i32
        %dma_start3A_754 = arith.constant 0 : i32
        %dma_start3A_755 = tpu.memref_slice %arg13[%dma_start3A_753, %dma_start3A_754] : memref<100000x8xf32, #tpu.memory_space<vmem_shared>> -> memref<100000x8xf32, #tpu.memory_space<vmem_shared>>
        tpu.enqueue_indirect_dma source(%dma_start3A_755 : memref<100000x8xf32, #tpu.memory_space<vmem_shared>>) target(%dma_start3A_749 : memref<2000x8xf32, #tpu.memory_space<vmem>>) offsets(%dma_start3A_752 : memref<2000xi32, #tpu.memory_space<vmem>>) semaphore(%arg18 : memref<!tpu.dma_semaphore, #tpu.memory_space<semaphore_mem>>)
        %dma_start3A_756 = arith.constant 0 : i32
        %dma_start3A_757 = arith.constant 0 : i32
        %dma_start3A_758 = arith.constant 0 : i32
        %dma_start3A_759 = arith.constant 0 : i32
        %dma_start3A_760 = tpu.memref_slice %arg10[%dma_start3A_757, %dma_start3A_758, %dma_start3A_759] : memref<2x2000x8xf32, #tpu.memory_space<vmem>> -> memref<1x2000x8xf32, #tpu.memory_space<vmem>>
        %dma_start3A_761 = tpu.memref_squeeze %dma_start3A_760 : memref<1x2000x8xf32, #tpu.memory_space<vmem>> -> memref<2000x8xf32, #tpu.memory_space<vmem>>
        %dma_start3A_762 = arith.constant 0 : i32
        %dma_start3A_763 = tpu.memref_slice %arg8[%dma_start3A_756, %dma_start3A_762] : memref<2x2000xi32, #tpu.memory_space<vmem>> -> memref<1x2000xi32, #tpu.memory_space<vmem>>
        %dma_start3A_764 = tpu.memref_squeeze %dma_start3A_763 : memref<1x2000xi32, #tpu.memory_space<vmem>> -> memref<2000xi32, #tpu.memory_space<vmem>>
        %dma_start3A_765 = arith.constant 0 : i32
        %dma_start3A_766 = arith.constant 0 : i32
        %dma_start3A_767 = tpu.memref_slice %arg13[%dma_start3A_765, %dma_start3A_766] : memref<100000x8xf32, #tpu.memory_space<vmem_shared>> -> memref<100000x8xf32, #tpu.memory_space<vmem_shared>>
        tpu.enqueue_indirect_dma source(%dma_start3A_767 : memref<100000x8xf32, #tpu.memory_space<vmem_shared>>) target(%dma_start3A_761 : memref<2000x8xf32, #tpu.memory_space<vmem>>) offsets(%dma_start3A_764 : memref<2000xi32, #tpu.memory_space<vmem>>) semaphore(%arg20 : memref<!tpu.dma_semaphore, #tpu.memory_space<semaphore_mem>>)
      } else {
      }
      %dma_wait3A_463 = arith.constant 1 : i32
      %dma_wait3A_464 = arith.constant 1 : i32
      %dma_wait3A_465 = arith.constant 0 : i32
      %dma_wait3A_466 = arith.constant 0 : i32
      %dma_wait3A_467 = tpu.memref_slice %arg9[%dma_wait3A_464, %dma_wait3A_465, %dma_wait3A_466] : memref<2x2000x8xf32, #tpu.memory_space<vmem>> -> memref<1x2000x8xf32, #tpu.memory_space<vmem>>
      %dma_wait3A_468 = tpu.memref_squeeze %dma_wait3A_467 : memref<1x2000x8xf32, #tpu.memory_space<vmem>> -> memref<2000x8xf32, #tpu.memory_space<vmem>>
      %dma_wait3A_469 = arith.constant 0 : i32
      %dma_wait3A_470 = tpu.memref_slice %arg7[%dma_wait3A_463, %dma_wait3A_469] : memref<2x2000xi32, #tpu.memory_space<vmem>> -> memref<1x2000xi32, #tpu.memory_space<vmem>>
      %dma_wait3A_471 = tpu.memref_squeeze %dma_wait3A_470 : memref<1x2000xi32, #tpu.memory_space<vmem>> -> memref<2000xi32, #tpu.memory_space<vmem>>
      %dma_wait3A_472 = arith.constant 0 : i32
      %dma_wait3A_473 = arith.constant 0 : i32
      %dma_wait3A_474 = tpu.memref_slice %arg13[%dma_wait3A_472, %dma_wait3A_473] : memref<100000x8xf32, #tpu.memory_space<vmem_shared>> -> memref<100000x8xf32, #tpu.memory_space<vmem_shared>>
      tpu.wait_indirect_dma semaphore(%arg19 : memref<!tpu.dma_semaphore, #tpu.memory_space<semaphore_mem>>) src(%dma_wait3A_474 : memref<100000x8xf32, #tpu.memory_space<vmem_shared>>) dst(%dma_wait3A_468 : memref<2000x8xf32, #tpu.memory_space<vmem>>)
      %dma_wait3A_475 = arith.constant 1 : i32
      %dma_wait3A_476 = arith.constant 1 : i32
      %dma_wait3A_477 = arith.constant 0 : i32
      %dma_wait3A_478 = arith.constant 0 : i32
      %dma_wait3A_479 = tpu.memref_slice %arg10[%dma_wait3A_476, %dma_wait3A_477, %dma_wait3A_478] : memref<2x2000x8xf32, #tpu.memory_space<vmem>> -> memref<1x2000x8xf32, #tpu.memory_space<vmem>>
      %dma_wait3A_480 = tpu.memref_squeeze %dma_wait3A_479 : memref<1x2000x8xf32, #tpu.memory_space<vmem>> -> memref<2000x8xf32, #tpu.memory_space<vmem>>
      %dma_wait3A_481 = arith.constant 0 : i32
      %dma_wait3A_482 = tpu.memref_slice %arg8[%dma_wait3A_475, %dma_wait3A_481] : memref<2x2000xi32, #tpu.memory_space<vmem>> -> memref<1x2000xi32, #tpu.memory_space<vmem>>
      %dma_wait3A_483 = tpu.memref_squeeze %dma_wait3A_482 : memref<1x2000xi32, #tpu.memory_space<vmem>> -> memref<2000xi32, #tpu.memory_space<vmem>>
      %dma_wait3A_484 = arith.constant 0 : i32
      %dma_wait3A_485 = arith.constant 0 : i32
      %dma_wait3A_486 = tpu.memref_slice %arg13[%dma_wait3A_484, %dma_wait3A_485] : memref<100000x8xf32, #tpu.memory_space<vmem_shared>> -> memref<100000x8xf32, #tpu.memory_space<vmem_shared>>
      tpu.wait_indirect_dma semaphore(%arg21 : memref<!tpu.dma_semaphore, #tpu.memory_space<semaphore_mem>>) src(%dma_wait3A_486 : memref<100000x8xf32, #tpu.memory_space<vmem_shared>>) dst(%dma_wait3A_480 : memref<2000x8xf32, #tpu.memory_space<vmem>>)
      %add3A_487 = arith.constant 2 : i32
      %add3A_488 = arith.addi %add3A_455, %add3A_487 : i32
      %lt3A_489 = arith.constant 100 : i32
      %lt3A_490 = arith.cmpi slt, %add3A_488, %lt3A_489 : i32
      %convert_element_type3A_491 = arith.extui %lt3A_490 : i1 to i32
      %cond3A_492 = arith.constant 0 : i32
      %cond3A_493 = arith.cmpi ne, %convert_element_type3A_491, %cond3A_492 : i32
      scf.if %cond3A_493 {
        %add3A_722 = arith.constant 2 : i32
        %add3A_723 = arith.addi %add3A_455, %add3A_722 : i32
        %mul3A_724 = arith.constant 2000 : i32
        %mul3A_725 = arith.muli %add3A_723, %mul3A_724 : i32
        %add3A_726 = arith.addi %mul3A_2, %mul3A_725 : i32
        %dma_start3A_727 = arith.constant 1 : i32
        %dma_start3A_728 = arith.constant 0 : i32
        %dma_start3A_729 = tpu.memref_slice %arg7[%dma_start3A_727, %dma_start3A_728] : memref<2x2000xi32, #tpu.memory_space<vmem>> -> memref<1x2000xi32, #tpu.memory_space<vmem>>
        %dma_start3A_730 = tpu.memref_squeeze %dma_start3A_729 : memref<1x2000xi32, #tpu.memory_space<vmem>> -> memref<2000xi32, #tpu.memory_space<vmem>>
        %dma_start3A_731 = tpu.memref_slice %arg3[%add3A_726] : memref<6400000xi32, #tpu.memory_space<hbm>> -> memref<2000xi32, #tpu.memory_space<hbm>>
        %dma_start3A_732 = arith.constant 0 : i32
        %dma_start3A_733 = tpu.memref_slice %arg7[%dma_start3A_727, %dma_start3A_732] : memref<2x2000xi32, #tpu.memory_space<vmem>> -> memref<1x2000xi32, #tpu.memory_space<vmem>>
        %dma_start3A_734 = tpu.memref_squeeze %dma_start3A_733 : memref<1x2000xi32, #tpu.memory_space<vmem>> -> memref<2000xi32, #tpu.memory_space<vmem>>
        %dma_start3A_735 = tpu.memref_slice %arg3[%add3A_726] : memref<6400000xi32, #tpu.memory_space<hbm>> -> memref<2000xi32, #tpu.memory_space<hbm>>
        tpu.enqueue_dma source(%dma_start3A_735 : memref<2000xi32, #tpu.memory_space<hbm>>) target(%dma_start3A_734 : memref<2000xi32, #tpu.memory_space<vmem>>) target_semaphore(%arg15 : memref<!tpu.dma_semaphore, #tpu.memory_space<semaphore_mem>>)
        %dma_start3A_736 = arith.constant 1 : i32
        %dma_start3A_737 = arith.constant 0 : i32
        %dma_start3A_738 = tpu.memref_slice %arg8[%dma_start3A_736, %dma_start3A_737] : memref<2x2000xi32, #tpu.memory_space<vmem>> -> memref<1x2000xi32, #tpu.memory_space<vmem>>
        %dma_start3A_739 = tpu.memref_squeeze %dma_start3A_738 : memref<1x2000xi32, #tpu.memory_space<vmem>> -> memref<2000xi32, #tpu.memory_space<vmem>>
        %dma_start3A_740 = tpu.memref_slice %arg4[%add3A_726] : memref<6400000xi32, #tpu.memory_space<hbm>> -> memref<2000xi32, #tpu.memory_space<hbm>>
        %dma_start3A_741 = arith.constant 0 : i32
        %dma_start3A_742 = tpu.memref_slice %arg8[%dma_start3A_736, %dma_start3A_741] : memref<2x2000xi32, #tpu.memory_space<vmem>> -> memref<1x2000xi32, #tpu.memory_space<vmem>>
        %dma_start3A_743 = tpu.memref_squeeze %dma_start3A_742 : memref<1x2000xi32, #tpu.memory_space<vmem>> -> memref<2000xi32, #tpu.memory_space<vmem>>
        %dma_start3A_744 = tpu.memref_slice %arg4[%add3A_726] : memref<6400000xi32, #tpu.memory_space<hbm>> -> memref<2000xi32, #tpu.memory_space<hbm>>
        tpu.enqueue_dma source(%dma_start3A_744 : memref<2000xi32, #tpu.memory_space<hbm>>) target(%dma_start3A_743 : memref<2000xi32, #tpu.memory_space<vmem>>) target_semaphore(%arg17 : memref<!tpu.dma_semaphore, #tpu.memory_space<semaphore_mem>>)
      } else {
      }
      %scan3A_494 = arith.constant 1 : i32
      %scan3A_495 = arith.constant 1 : i32
      %scan3A_496 = arith.constant 0 : i32
      %scan3A_497 = arith.constant 124 : i32
      %scan3A_498 = arith.addi %scan3A_496, %scan3A_497 : i32
      %scan3A_499 = arith.constant 4 : i32
      %scan3A_500 = scf.for %scan3A_722 = %scan3A_496 to %scan3A_498 step %scan3A_499 iter_args(%scan3A_723 = %add3A_450) -> (vector<16xf32>)  : i32 {
        %mul3A_724 = arith.constant 16 : i32
        %mul3A_725 = arith.muli %scan3A_722, %mul3A_724 : i32
        %add3A_726 = vector.broadcast %mul3A_725 : i32 to vector<16xi32>
        %add3A_727 = arith.addi %add3A_726, %iota3A : vector<16xi32>
        %broadcast_in_dim3A_728 = arith.constant 0 : i32
        %broadcast_in_dim3A_729 = vector.broadcast %broadcast_in_dim3A_728 : i32 to vector<16xi32>
        %gather3A_730 = arith.constant 0 : i32
        %gather3A_731 = arith.constant 0 : i32
        %gather3A_732 = tpu.memref_slice %arg9[%scan3A_494, %gather3A_730, %gather3A_731] : memref<2x2000x8xf32, #tpu.memory_space<vmem>> -> memref<1x2000x8xf32, #tpu.memory_space<vmem>>
        %gather3A_733 = tpu.memref_squeeze %gather3A_732 : memref<1x2000x8xf32, #tpu.memory_space<vmem>> -> memref<2000x8xf32, #tpu.memory_space<vmem>>
        %gather3A_734 = tpu.vector_load_idx %gather3A_733[%add3A_727, %broadcast_in_dim3A_729] : memref<2000x8xf32, #tpu.memory_space<vmem>>[vector<16xi32>, vector<16xi32>], vector<16xf32>,
        %broadcast_in_dim3A_735 = arith.constant 1 : i32
        %broadcast_in_dim3A_736 = vector.broadcast %broadcast_in_dim3A_735 : i32 to vector<16xi32>
        %gather3A_737 = arith.constant 0 : i32
        %gather3A_738 = arith.constant 0 : i32
        %gather3A_739 = tpu.memref_slice %arg9[%scan3A_494, %gather3A_737, %gather3A_738] : memref<2x2000x8xf32, #tpu.memory_space<vmem>> -> memref<1x2000x8xf32, #tpu.memory_space<vmem>>
        %gather3A_740 = tpu.memref_squeeze %gather3A_739 : memref<1x2000x8xf32, #tpu.memory_space<vmem>> -> memref<2000x8xf32, #tpu.memory_space<vmem>>
        %gather3A_741 = tpu.vector_load_idx %gather3A_740[%add3A_727, %broadcast_in_dim3A_736] : memref<2000x8xf32, #tpu.memory_space<vmem>>[vector<16xi32>, vector<16xi32>], vector<16xf32>,
        %broadcast_in_dim3A_742 = arith.constant 2 : i32
        %broadcast_in_dim3A_743 = vector.broadcast %broadcast_in_dim3A_742 : i32 to vector<16xi32>
        %gather3A_744 = arith.constant 0 : i32
        %gather3A_745 = arith.constant 0 : i32
        %gather3A_746 = tpu.memref_slice %arg9[%scan3A_494, %gather3A_744, %gather3A_745] : memref<2x2000x8xf32, #tpu.memory_space<vmem>> -> memref<1x2000x8xf32, #tpu.memory_space<vmem>>
        %gather3A_747 = tpu.memref_squeeze %gather3A_746 : memref<1x2000x8xf32, #tpu.memory_space<vmem>> -> memref<2000x8xf32, #tpu.memory_space<vmem>>
        %gather3A_748 = tpu.vector_load_idx %gather3A_747[%add3A_727, %broadcast_in_dim3A_743] : memref<2000x8xf32, #tpu.memory_space<vmem>>[vector<16xi32>, vector<16xi32>], vector<16xf32>,
        %broadcast_in_dim3A_749 = arith.constant 3 : i32
        %broadcast_in_dim3A_750 = vector.broadcast %broadcast_in_dim3A_749 : i32 to vector<16xi32>
        %gather3A_751 = arith.constant 0 : i32
        %gather3A_752 = arith.constant 0 : i32
        %gather3A_753 = tpu.memref_slice %arg9[%scan3A_494, %gather3A_751, %gather3A_752] : memref<2x2000x8xf32, #tpu.memory_space<vmem>> -> memref<1x2000x8xf32, #tpu.memory_space<vmem>>
        %gather3A_754 = tpu.memref_squeeze %gather3A_753 : memref<1x2000x8xf32, #tpu.memory_space<vmem>> -> memref<2000x8xf32, #tpu.memory_space<vmem>>
        %gather3A_755 = tpu.vector_load_idx %gather3A_754[%add3A_727, %broadcast_in_dim3A_750] : memref<2000x8xf32, #tpu.memory_space<vmem>>[vector<16xi32>, vector<16xi32>], vector<16xf32>,
        %broadcast_in_dim3A_756 = arith.constant 4 : i32
        %broadcast_in_dim3A_757 = vector.broadcast %broadcast_in_dim3A_756 : i32 to vector<16xi32>
        %gather3A_758 = arith.constant 0 : i32
        %gather3A_759 = arith.constant 0 : i32
        %gather3A_760 = tpu.memref_slice %arg9[%scan3A_494, %gather3A_758, %gather3A_759] : memref<2x2000x8xf32, #tpu.memory_space<vmem>> -> memref<1x2000x8xf32, #tpu.memory_space<vmem>>
        %gather3A_761 = tpu.memref_squeeze %gather3A_760 : memref<1x2000x8xf32, #tpu.memory_space<vmem>> -> memref<2000x8xf32, #tpu.memory_space<vmem>>
        %gather3A_762 = tpu.vector_load_idx %gather3A_761[%add3A_727, %broadcast_in_dim3A_757] : memref<2000x8xf32, #tpu.memory_space<vmem>>[vector<16xi32>, vector<16xi32>], vector<16xf32>,
        %broadcast_in_dim3A_763 = arith.constant 5 : i32
        %broadcast_in_dim3A_764 = vector.broadcast %broadcast_in_dim3A_763 : i32 to vector<16xi32>
        %gather3A_765 = arith.constant 0 : i32
        %gather3A_766 = arith.constant 0 : i32
        %gather3A_767 = tpu.memref_slice %arg9[%scan3A_494, %gather3A_765, %gather3A_766] : memref<2x2000x8xf32, #tpu.memory_space<vmem>> -> memref<1x2000x8xf32, #tpu.memory_space<vmem>>
        %gather3A_768 = tpu.memref_squeeze %gather3A_767 : memref<1x2000x8xf32, #tpu.memory_space<vmem>> -> memref<2000x8xf32, #tpu.memory_space<vmem>>
        %gather3A_769 = tpu.vector_load_idx %gather3A_768[%add3A_727, %broadcast_in_dim3A_764] : memref<2000x8xf32, #tpu.memory_space<vmem>>[vector<16xi32>, vector<16xi32>], vector<16xf32>,
        %broadcast_in_dim3A_770 = arith.constant 0 : i32
        %broadcast_in_dim3A_771 = vector.broadcast %broadcast_in_dim3A_770 : i32 to vector<16xi32>
        %gather3A_772 = arith.constant 0 : i32
        %gather3A_773 = arith.constant 0 : i32
        %gather3A_774 = tpu.memref_slice %arg10[%scan3A_495, %gather3A_772, %gather3A_773] : memref<2x2000x8xf32, #tpu.memory_space<vmem>> -> memref<1x2000x8xf32, #tpu.memory_space<vmem>>
        %gather3A_775 = tpu.memref_squeeze %gather3A_774 : memref<1x2000x8xf32, #tpu.memory_space<vmem>> -> memref<2000x8xf32, #tpu.memory_space<vmem>>
        %gather3A_776 = tpu.vector_load_idx %gather3A_775[%add3A_727, %broadcast_in_dim3A_771] : memref<2000x8xf32, #tpu.memory_space<vmem>>[vector<16xi32>, vector<16xi32>], vector<16xf32>,
        %broadcast_in_dim3A_777 = arith.constant 1 : i32
        %broadcast_in_dim3A_778 = vector.broadcast %broadcast_in_dim3A_777 : i32 to vector<16xi32>
        %gather3A_779 = arith.constant 0 : i32
        %gather3A_780 = arith.constant 0 : i32
        %gather3A_781 = tpu.memref_slice %arg10[%scan3A_495, %gather3A_779, %gather3A_780] : memref<2x2000x8xf32, #tpu.memory_space<vmem>> -> memref<1x2000x8xf32, #tpu.memory_space<vmem>>
        %gather3A_782 = tpu.memref_squeeze %gather3A_781 : memref<1x2000x8xf32, #tpu.memory_space<vmem>> -> memref<2000x8xf32, #tpu.memory_space<vmem>>
        %gather3A_783 = tpu.vector_load_idx %gather3A_782[%add3A_727, %broadcast_in_dim3A_778] : memref<2000x8xf32, #tpu.memory_space<vmem>>[vector<16xi32>, vector<16xi32>], vector<16xf32>,
        %broadcast_in_dim3A_784 = arith.constant 2 : i32
        %broadcast_in_dim3A_785 = vector.broadcast %broadcast_in_dim3A_784 : i32 to vector<16xi32>
        %gather3A_786 = arith.constant 0 : i32
        %gather3A_787 = arith.constant 0 : i32
        %gather3A_788 = tpu.memref_slice %arg10[%scan3A_495, %gather3A_786, %gather3A_787] : memref<2x2000x8xf32, #tpu.memory_space<vmem>> -> memref<1x2000x8xf32, #tpu.memory_space<vmem>>
        %gather3A_789 = tpu.memref_squeeze %gather3A_788 : memref<1x2000x8xf32, #tpu.memory_space<vmem>> -> memref<2000x8xf32, #tpu.memory_space<vmem>>
        %gather3A_790 = tpu.vector_load_idx %gather3A_789[%add3A_727, %broadcast_in_dim3A_785] : memref<2000x8xf32, #tpu.memory_space<vmem>>[vector<16xi32>, vector<16xi32>], vector<16xf32>,
        %broadcast_in_dim3A_791 = arith.constant 3 : i32
        %broadcast_in_dim3A_792 = vector.broadcast %broadcast_in_dim3A_791 : i32 to vector<16xi32>
        %gather3A_793 = arith.constant 0 : i32
        %gather3A_794 = arith.constant 0 : i32
        %gather3A_795 = tpu.memref_slice %arg10[%scan3A_495, %gather3A_793, %gather3A_794] : memref<2x2000x8xf32, #tpu.memory_space<vmem>> -> memref<1x2000x8xf32, #tpu.memory_space<vmem>>
        %gather3A_796 = tpu.memref_squeeze %gather3A_795 : memref<1x2000x8xf32, #tpu.memory_space<vmem>> -> memref<2000x8xf32, #tpu.memory_space<vmem>>
        %gather3A_797 = tpu.vector_load_idx %gather3A_796[%add3A_727, %broadcast_in_dim3A_792] : memref<2000x8xf32, #tpu.memory_space<vmem>>[vector<16xi32>, vector<16xi32>], vector<16xf32>,
        %broadcast_in_dim3A_798 = arith.constant 4 : i32
        %broadcast_in_dim3A_799 = vector.broadcast %broadcast_in_dim3A_798 : i32 to vector<16xi32>
        %gather3A_800 = arith.constant 0 : i32
        %gather3A_801 = arith.constant 0 : i32
        %gather3A_802 = tpu.memref_slice %arg10[%scan3A_495, %gather3A_800, %gather3A_801] : memref<2x2000x8xf32, #tpu.memory_space<vmem>> -> memref<1x2000x8xf32, #tpu.memory_space<vmem>>
        %gather3A_803 = tpu.memref_squeeze %gather3A_802 : memref<1x2000x8xf32, #tpu.memory_space<vmem>> -> memref<2000x8xf32, #tpu.memory_space<vmem>>
        %gather3A_804 = tpu.vector_load_idx %gather3A_803[%add3A_727, %broadcast_in_dim3A_799] : memref<2000x8xf32, #tpu.memory_space<vmem>>[vector<16xi32>, vector<16xi32>], vector<16xf32>,
        %broadcast_in_dim3A_805 = arith.constant 5 : i32
        %broadcast_in_dim3A_806 = vector.broadcast %broadcast_in_dim3A_805 : i32 to vector<16xi32>
        %gather3A_807 = arith.constant 0 : i32
        %gather3A_808 = arith.constant 0 : i32
        %gather3A_809 = tpu.memref_slice %arg10[%scan3A_495, %gather3A_807, %gather3A_808] : memref<2x2000x8xf32, #tpu.memory_space<vmem>> -> memref<1x2000x8xf32, #tpu.memory_space<vmem>>
        %gather3A_810 = tpu.memref_squeeze %gather3A_809 : memref<1x2000x8xf32, #tpu.memory_space<vmem>> -> memref<2000x8xf32, #tpu.memory_space<vmem>>
        %gather3A_811 = tpu.vector_load_idx %gather3A_810[%add3A_727, %broadcast_in_dim3A_806] : memref<2000x8xf32, #tpu.memory_space<vmem>>[vector<16xi32>, vector<16xi32>], vector<16xf32>,
        %sub3A_812 = arith.subf %gather3A_734, %gather3A_776 : vector<16xf32>
        %sub3A_813 = arith.subf %gather3A_741, %gather3A_783 : vector<16xf32>
        %sub3A_814 = arith.subf %gather3A_748, %gather3A_790 : vector<16xf32>
        %mul3A_815 = arith.mulf %sub3A_812, %mul3A_83 : vector<16xf32>
        %mul3A_816 = arith.mulf %sub3A_813, %mul3A_86 : vector<16xf32>
        %add3A_817 = arith.addf %mul3A_815, %mul3A_816 : vector<16xf32>
        %mul3A_818 = arith.mulf %sub3A_814, %mul3A_89 : vector<16xf32>
        %add3A_819 = arith.addf %add3A_817, %mul3A_818 : vector<16xf32>
        %mul3A_820 = arith.mulf %sub3A_812, %mul3A_84 : vector<16xf32>
        %mul3A_821 = arith.mulf %sub3A_813, %mul3A_87 : vector<16xf32>
        %add3A_822 = arith.addf %mul3A_820, %mul3A_821 : vector<16xf32>
        %mul3A_823 = arith.mulf %sub3A_814, %mul3A_90 : vector<16xf32>
        %add3A_824 = arith.addf %add3A_822, %mul3A_823 : vector<16xf32>
        %mul3A_825 = arith.mulf %sub3A_812, %mul3A_85 : vector<16xf32>
        %mul3A_826 = arith.mulf %sub3A_813, %mul3A_88 : vector<16xf32>
        %add3A_827 = arith.addf %mul3A_825, %mul3A_826 : vector<16xf32>
        %mul3A_828 = arith.mulf %sub3A_814, %mul3A_91 : vector<16xf32>
        %add3A_829 = arith.addf %add3A_827, %mul3A_828 : vector<16xf32>
        %add3A_830 = arith.constant 5.000000e-01 : f32
        %add3A_831 = vector.broadcast %add3A_830 : f32 to vector<16xf32>
        %add3A_832 = arith.addf %add3A_819, %add3A_831 : vector<16xf32>
        %convert_element_type3A_833 = arith.fptosi %add3A_832 : vector<16xf32> to vector<16xi32>
        %convert_element_type3A_834 = arith.sitofp %convert_element_type3A_833 : vector<16xi32> to vector<16xf32>
        %lt3A_835 = arith.cmpf olt, %add3A_832, %convert_element_type3A_834 : vector<16xf32>
        %sub3A_836 = arith.constant 1.000000e+00 : f32
        %sub3A_837 = vector.broadcast %sub3A_836 : f32 to vector<16xf32>
        %sub3A_838 = arith.subf %convert_element_type3A_834, %sub3A_837 : vector<16xf32>
        %select_n3A_839 = arith.select %lt3A_835, %sub3A_838, %convert_element_type3A_834 : vector<16xi1>, vector<16xf32>
        %sub3A_840 = arith.subf %add3A_819, %select_n3A_839 : vector<16xf32>
        %add3A_841 = arith.constant 5.000000e-01 : f32
        %add3A_842 = vector.broadcast %add3A_841 : f32 to vector<16xf32>
        %add3A_843 = arith.addf %add3A_824, %add3A_842 : vector<16xf32>
        %convert_element_type3A_844 = arith.fptosi %add3A_843 : vector<16xf32> to vector<16xi32>
        %convert_element_type3A_845 = arith.sitofp %convert_element_type3A_844 : vector<16xi32> to vector<16xf32>
        %lt3A_846 = arith.cmpf olt, %add3A_843, %convert_element_type3A_845 : vector<16xf32>
        %sub3A_847 = arith.constant 1.000000e+00 : f32
        %sub3A_848 = vector.broadcast %sub3A_847 : f32 to vector<16xf32>
        %sub3A_849 = arith.subf %convert_element_type3A_845, %sub3A_848 : vector<16xf32>
        %select_n3A_850 = arith.select %lt3A_846, %sub3A_849, %convert_element_type3A_845 : vector<16xi1>, vector<16xf32>
        %sub3A_851 = arith.subf %add3A_824, %select_n3A_850 : vector<16xf32>
        %add3A_852 = arith.constant 5.000000e-01 : f32
        %add3A_853 = vector.broadcast %add3A_852 : f32 to vector<16xf32>
        %add3A_854 = arith.addf %add3A_829, %add3A_853 : vector<16xf32>
        %convert_element_type3A_855 = arith.fptosi %add3A_854 : vector<16xf32> to vector<16xi32>
        %convert_element_type3A_856 = arith.sitofp %convert_element_type3A_855 : vector<16xi32> to vector<16xf32>
        %lt3A_857 = arith.cmpf olt, %add3A_854, %convert_element_type3A_856 : vector<16xf32>
        %sub3A_858 = arith.constant 1.000000e+00 : f32
        %sub3A_859 = vector.broadcast %sub3A_858 : f32 to vector<16xf32>
        %sub3A_860 = arith.subf %convert_element_type3A_856, %sub3A_859 : vector<16xf32>
        %select_n3A_861 = arith.select %lt3A_857, %sub3A_860, %convert_element_type3A_856 : vector<16xi1>, vector<16xf32>
        %sub3A_862 = arith.subf %add3A_829, %select_n3A_861 : vector<16xf32>
        %mul3A_863 = arith.mulf %sub3A_840, %get3A_5 : vector<16xf32>
        %mul3A_864 = arith.mulf %sub3A_851, %get3A_17 : vector<16xf32>
        %add3A_865 = arith.addf %mul3A_863, %mul3A_864 : vector<16xf32>
        %mul3A_866 = arith.mulf %sub3A_862, %get3A_29 : vector<16xf32>
        %add3A_867 = arith.addf %add3A_865, %mul3A_866 : vector<16xf32>
        %mul3A_868 = arith.mulf %sub3A_840, %get3A_9 : vector<16xf32>
        %mul3A_869 = arith.mulf %sub3A_851, %get3A_21 : vector<16xf32>
        %add3A_870 = arith.addf %mul3A_868, %mul3A_869 : vector<16xf32>
        %mul3A_871 = arith.mulf %sub3A_862, %get3A_33 : vector<16xf32>
        %add3A_872 = arith.addf %add3A_870, %mul3A_871 : vector<16xf32>
        %mul3A_873 = arith.mulf %sub3A_840, %get3A_13 : vector<16xf32>
        %mul3A_874 = arith.mulf %sub3A_851, %get3A_25 : vector<16xf32>
        %add3A_875 = arith.addf %mul3A_873, %mul3A_874 : vector<16xf32>
        %mul3A_876 = arith.mulf %sub3A_862, %get3A_37 : vector<16xf32>
        %add3A_877 = arith.addf %add3A_875, %mul3A_876 : vector<16xf32>
        %mul3A_878 = arith.mulf %add3A_867, %add3A_867 : vector<16xf32>
        %mul3A_879 = arith.mulf %add3A_872, %add3A_872 : vector<16xf32>
        %add3A_880 = arith.addf %mul3A_878, %mul3A_879 : vector<16xf32>
        %mul3A_881 = arith.mulf %add3A_877, %add3A_877 : vector<16xf32>
        %add3A_882 = arith.addf %add3A_880, %mul3A_881 : vector<16xf32>
        %mul3A_883 = arith.constant 5.000000e-01 : f32
        %mul3A_884 = vector.broadcast %mul3A_883 : f32 to vector<16xf32>
        %mul3A_885 = arith.mulf %mul3A_884, %add3A_882 : vector<16xf32>
        %bitcast_convert_type3A_886 = tpu.bitcast %add3A_882 : vector<16xf32> -> vector<16xi32>
        %shift_right_arithmetic3A_887 = arith.constant 1 : i32
        %shift_right_arithmetic3A_888 = vector.broadcast %shift_right_arithmetic3A_887 : i32 to vector<16xi32>
        %shift_right_arithmetic3A_889 = arith.shrsi %bitcast_convert_type3A_886, %shift_right_arithmetic3A_888 : vector<16xi32>
        %sub3A_890 = arith.constant 1597463007 : i32
        %sub3A_891 = vector.broadcast %sub3A_890 : i32 to vector<16xi32>
        %sub3A_892 = arith.subi %sub3A_891, %shift_right_arithmetic3A_889 : vector<16xi32>
        %bitcast_convert_type3A_893 = tpu.bitcast %sub3A_892 : vector<16xi32> -> vector<16xf32>
        %mul3A_894 = arith.mulf %mul3A_885, %bitcast_convert_type3A_893 : vector<16xf32>
        %mul3A_895 = arith.mulf %mul3A_894, %bitcast_convert_type3A_893 : vector<16xf32>
        %sub3A_896 = arith.constant 1.500000e+00 : f32
        %sub3A_897 = vector.broadcast %sub3A_896 : f32 to vector<16xf32>
        %sub3A_898 = arith.subf %sub3A_897, %mul3A_895 : vector<16xf32>
        %mul3A_899 = arith.mulf %bitcast_convert_type3A_893, %sub3A_898 : vector<16xf32>
        %mul3A_900 = arith.mulf %mul3A_885, %mul3A_899 : vector<16xf32>
        %mul3A_901 = arith.mulf %mul3A_900, %mul3A_899 : vector<16xf32>
        %sub3A_902 = arith.constant 1.500000e+00 : f32
        %sub3A_903 = vector.broadcast %sub3A_902 : f32 to vector<16xf32>
        %sub3A_904 = arith.subf %sub3A_903, %mul3A_901 : vector<16xf32>
        %mul3A_905 = arith.mulf %mul3A_899, %sub3A_904 : vector<16xf32>
        %mul3A_906 = arith.mulf %mul3A_885, %mul3A_905 : vector<16xf32>
        %mul3A_907 = arith.mulf %mul3A_906, %mul3A_905 : vector<16xf32>
        %sub3A_908 = arith.constant 1.500000e+00 : f32
        %sub3A_909 = vector.broadcast %sub3A_908 : f32 to vector<16xf32>
        %sub3A_910 = arith.subf %sub3A_909, %mul3A_907 : vector<16xf32>
        %mul3A_911 = arith.mulf %mul3A_905, %sub3A_910 : vector<16xf32>
        %mul3A_912 = arith.mulf %gather3A_755, %gather3A_797 : vector<16xf32>
        %sub3A_913 = arith.subf %mul3A_911, %div3A_92 : vector<16xf32>
        %mul3A_914 = arith.mulf %mul3A_912, %sub3A_913 : vector<16xf32>
        %mul3A_915 = arith.mulf %mul3A_914, %get3A_41 : vector<16xf32>
        %add3A_916 = arith.addf %gather3A_762, %gather3A_804 : vector<16xf32>
        %mul3A_917 = arith.constant 5.000000e-01 : f32
        %mul3A_918 = vector.broadcast %mul3A_917 : f32 to vector<16xf32>
        %mul3A_919 = arith.mulf %add3A_916, %mul3A_918 : vector<16xf32>
        %mul3A_920 = arith.mulf %mul3A_919, %mul3A_919 : vector<16xf32>
        %div3A_921 = arith.constant 1.000000e+00 : f32
        %div3A_922 = vector.broadcast %div3A_921 : f32 to vector<16xf32>
        %div3A_923 = arith.divf %div3A_922, %add3A_882 : vector<16xf32>
        %mul3A_924 = arith.mulf %mul3A_920, %div3A_923 : vector<16xf32>
        %mul3A_925 = arith.mulf %mul3A_924, %mul3A_924 : vector<16xf32>
        %mul3A_926 = arith.mulf %mul3A_925, %mul3A_924 : vector<16xf32>
        %mul3A_927 = arith.mulf %gather3A_769, %gather3A_811 : vector<16xf32>
        %mul3A_928 = arith.constant 4.000000e+00 : f32
        %mul3A_929 = vector.broadcast %mul3A_928 : f32 to vector<16xf32>
        %mul3A_930 = arith.mulf %mul3A_929, %mul3A_927 : vector<16xf32>
        %mul3A_931 = arith.mulf %mul3A_930, %mul3A_926 : vector<16xf32>
        %sub3A_932 = arith.constant 1.000000e+00 : f32
        %sub3A_933 = vector.broadcast %sub3A_932 : f32 to vector<16xf32>
        %sub3A_934 = arith.subf %mul3A_926, %sub3A_933 : vector<16xf32>
        %mul3A_935 = arith.mulf %mul3A_931, %sub3A_934 : vector<16xf32>
        %add3A_936 = arith.addf %mul3A_915, %mul3A_935 : vector<16xf32>
        %le3A_937 = arith.cmpf ole, %add3A_882, %mul3A_93 : vector<16xf32>
        %jit3A_938 = arith.constant 0.000000e+00 : f32
        %broadcast_in_dim3A_939 = vector.broadcast %jit3A_938 : f32 to vector<16xf32>
        %select_n3A_940 = arith.select %le3A_937, %add3A_936, %broadcast_in_dim3A_939 : vector<16xi1>, vector<16xf32>
        %add3A_941 = arith.addf %scan3A_723, %select_n3A_940 : vector<16xf32>
        %scan3A_942 = arith.constant 1 : i32
        %scan3A_943 = arith.addi %scan3A_722, %scan3A_942 : i32
        %mul3A_944 = arith.constant 16 : i32
        %mul3A_945 = arith.muli %scan3A_943, %mul3A_944 : i32
        %add3A_946 = vector.broadcast %mul3A_945 : i32 to vector<16xi32>
        %add3A_947 = arith.addi %add3A_946, %iota3A : vector<16xi32>
        %broadcast_in_dim3A_948 = arith.constant 0 : i32
        %broadcast_in_dim3A_949 = vector.broadcast %broadcast_in_dim3A_948 : i32 to vector<16xi32>
        %gather3A_950 = arith.constant 0 : i32
        %gather3A_951 = arith.constant 0 : i32
        %gather3A_952 = tpu.memref_slice %arg9[%scan3A_494, %gather3A_950, %gather3A_951] : memref<2x2000x8xf32, #tpu.memory_space<vmem>> -> memref<1x2000x8xf32, #tpu.memory_space<vmem>>
        %gather3A_953 = tpu.memref_squeeze %gather3A_952 : memref<1x2000x8xf32, #tpu.memory_space<vmem>> -> memref<2000x8xf32, #tpu.memory_space<vmem>>
        %gather3A_954 = tpu.vector_load_idx %gather3A_953[%add3A_947, %broadcast_in_dim3A_949] : memref<2000x8xf32, #tpu.memory_space<vmem>>[vector<16xi32>, vector<16xi32>], vector<16xf32>,
        %broadcast_in_dim3A_955 = arith.constant 1 : i32
        %broadcast_in_dim3A_956 = vector.broadcast %broadcast_in_dim3A_955 : i32 to vector<16xi32>
        %gather3A_957 = arith.constant 0 : i32
        %gather3A_958 = arith.constant 0 : i32
        %gather3A_959 = tpu.memref_slice %arg9[%scan3A_494, %gather3A_957, %gather3A_958] : memref<2x2000x8xf32, #tpu.memory_space<vmem>> -> memref<1x2000x8xf32, #tpu.memory_space<vmem>>
        %gather3A_960 = tpu.memref_squeeze %gather3A_959 : memref<1x2000x8xf32, #tpu.memory_space<vmem>> -> memref<2000x8xf32, #tpu.memory_space<vmem>>
        %gather3A_961 = tpu.vector_load_idx %gather3A_960[%add3A_947, %broadcast_in_dim3A_956] : memref<2000x8xf32, #tpu.memory_space<vmem>>[vector<16xi32>, vector<16xi32>], vector<16xf32>,
        %broadcast_in_dim3A_962 = arith.constant 2 : i32
        %broadcast_in_dim3A_963 = vector.broadcast %broadcast_in_dim3A_962 : i32 to vector<16xi32>
        %gather3A_964 = arith.constant 0 : i32
        %gather3A_965 = arith.constant 0 : i32
        %gather3A_966 = tpu.memref_slice %arg9[%scan3A_494, %gather3A_964, %gather3A_965] : memref<2x2000x8xf32, #tpu.memory_space<vmem>> -> memref<1x2000x8xf32, #tpu.memory_space<vmem>>
        %gather3A_967 = tpu.memref_squeeze %gather3A_966 : memref<1x2000x8xf32, #tpu.memory_space<vmem>> -> memref<2000x8xf32, #tpu.memory_space<vmem>>
        %gather3A_968 = tpu.vector_load_idx %gather3A_967[%add3A_947, %broadcast_in_dim3A_963] : memref<2000x8xf32, #tpu.memory_space<vmem>>[vector<16xi32>, vector<16xi32>], vector<16xf32>,
        %broadcast_in_dim3A_969 = arith.constant 3 : i32
        %broadcast_in_dim3A_970 = vector.broadcast %broadcast_in_dim3A_969 : i32 to vector<16xi32>
        %gather3A_971 = arith.constant 0 : i32
        %gather3A_972 = arith.constant 0 : i32
        %gather3A_973 = tpu.memref_slice %arg9[%scan3A_494, %gather3A_971, %gather3A_972] : memref<2x2000x8xf32, #tpu.memory_space<vmem>> -> memref<1x2000x8xf32, #tpu.memory_space<vmem>>
        %gather3A_974 = tpu.memref_squeeze %gather3A_973 : memref<1x2000x8xf32, #tpu.memory_space<vmem>> -> memref<2000x8xf32, #tpu.memory_space<vmem>>
        %gather3A_975 = tpu.vector_load_idx %gather3A_974[%add3A_947, %broadcast_in_dim3A_970] : memref<2000x8xf32, #tpu.memory_space<vmem>>[vector<16xi32>, vector<16xi32>], vector<16xf32>,
        %broadcast_in_dim3A_976 = arith.constant 4 : i32
        %broadcast_in_dim3A_977 = vector.broadcast %broadcast_in_dim3A_976 : i32 to vector<16xi32>
        %gather3A_978 = arith.constant 0 : i32
        %gather3A_979 = arith.constant 0 : i32
        %gather3A_980 = tpu.memref_slice %arg9[%scan3A_494, %gather3A_978, %gather3A_979] : memref<2x2000x8xf32, #tpu.memory_space<vmem>> -> memref<1x2000x8xf32, #tpu.memory_space<vmem>>
        %gather3A_981 = tpu.memref_squeeze %gather3A_980 : memref<1x2000x8xf32, #tpu.memory_space<vmem>> -> memref<2000x8xf32, #tpu.memory_space<vmem>>
        %gather3A_982 = tpu.vector_load_idx %gather3A_981[%add3A_947, %broadcast_in_dim3A_977] : memref<2000x8xf32, #tpu.memory_space<vmem>>[vector<16xi32>, vector<16xi32>], vector<16xf32>,
        %broadcast_in_dim3A_983 = arith.constant 5 : i32
        %broadcast_in_dim3A_984 = vector.broadcast %broadcast_in_dim3A_983 : i32 to vector<16xi32>
        %gather3A_985 = arith.constant 0 : i32
        %gather3A_986 = arith.constant 0 : i32
        %gather3A_987 = tpu.memref_slice %arg9[%scan3A_494, %gather3A_985, %gather3A_986] : memref<2x2000x8xf32, #tpu.memory_space<vmem>> -> memref<1x2000x8xf32, #tpu.memory_space<vmem>>
        %gather3A_988 = tpu.memref_squeeze %gather3A_987 : memref<1x2000x8xf32, #tpu.memory_space<vmem>> -> memref<2000x8xf32, #tpu.memory_space<vmem>>
        %gather3A_989 = tpu.vector_load_idx %gather3A_988[%add3A_947, %broadcast_in_dim3A_984] : memref<2000x8xf32, #tpu.memory_space<vmem>>[vector<16xi32>, vector<16xi32>], vector<16xf32>,
        %broadcast_in_dim3A_990 = arith.constant 0 : i32
        %broadcast_in_dim3A_991 = vector.broadcast %broadcast_in_dim3A_990 : i32 to vector<16xi32>
        %gather3A_992 = arith.constant 0 : i32
        %gather3A_993 = arith.constant 0 : i32
        %gather3A_994 = tpu.memref_slice %arg10[%scan3A_495, %gather3A_992, %gather3A_993] : memref<2x2000x8xf32, #tpu.memory_space<vmem>> -> memref<1x2000x8xf32, #tpu.memory_space<vmem>>
        %gather3A_995 = tpu.memref_squeeze %gather3A_994 : memref<1x2000x8xf32, #tpu.memory_space<vmem>> -> memref<2000x8xf32, #tpu.memory_space<vmem>>
        %gather3A_996 = tpu.vector_load_idx %gather3A_995[%add3A_947, %broadcast_in_dim3A_991] : memref<2000x8xf32, #tpu.memory_space<vmem>>[vector<16xi32>, vector<16xi32>], vector<16xf32>,
        %broadcast_in_dim3A_997 = arith.constant 1 : i32
        %broadcast_in_dim3A_998 = vector.broadcast %broadcast_in_dim3A_997 : i32 to vector<16xi32>
        %gather3A_999 = arith.constant 0 : i32
        %gather3A_1000 = arith.constant 0 : i32
        %gather3A_1001 = tpu.memref_slice %arg10[%scan3A_495, %gather3A_999, %gather3A_1000] : memref<2x2000x8xf32, #tpu.memory_space<vmem>> -> memref<1x2000x8xf32, #tpu.memory_space<vmem>>
        %gather3A_1002 = tpu.memref_squeeze %gather3A_1001 : memref<1x2000x8xf32, #tpu.memory_space<vmem>> -> memref<2000x8xf32, #tpu.memory_space<vmem>>
        %gather3A_1003 = tpu.vector_load_idx %gather3A_1002[%add3A_947, %broadcast_in_dim3A_998] : memref<2000x8xf32, #tpu.memory_space<vmem>>[vector<16xi32>, vector<16xi32>], vector<16xf32>,
        %broadcast_in_dim3A_1004 = arith.constant 2 : i32
        %broadcast_in_dim3A_1005 = vector.broadcast %broadcast_in_dim3A_1004 : i32 to vector<16xi32>
        %gather3A_1006 = arith.constant 0 : i32
        %gather3A_1007 = arith.constant 0 : i32
        %gather3A_1008 = tpu.memref_slice %arg10[%scan3A_495, %gather3A_1006, %gather3A_1007] : memref<2x2000x8xf32, #tpu.memory_space<vmem>> -> memref<1x2000x8xf32, #tpu.memory_space<vmem>>
        %gather3A_1009 = tpu.memref_squeeze %gather3A_1008 : memref<1x2000x8xf32, #tpu.memory_space<vmem>> -> memref<2000x8xf32, #tpu.memory_space<vmem>>
        %gather3A_1010 = tpu.vector_load_idx %gather3A_1009[%add3A_947, %broadcast_in_dim3A_1005] : memref<2000x8xf32, #tpu.memory_space<vmem>>[vector<16xi32>, vector<16xi32>], vector<16xf32>,
        %broadcast_in_dim3A_1011 = arith.constant 3 : i32
        %broadcast_in_dim3A_1012 = vector.broadcast %broadcast_in_dim3A_1011 : i32 to vector<16xi32>
        %gather3A_1013 = arith.constant 0 : i32
        %gather3A_1014 = arith.constant 0 : i32
        %gather3A_1015 = tpu.memref_slice %arg10[%scan3A_495, %gather3A_1013, %gather3A_1014] : memref<2x2000x8xf32, #tpu.memory_space<vmem>> -> memref<1x2000x8xf32, #tpu.memory_space<vmem>>
        %gather3A_1016 = tpu.memref_squeeze %gather3A_1015 : memref<1x2000x8xf32, #tpu.memory_space<vmem>> -> memref<2000x8xf32, #tpu.memory_space<vmem>>
        %gather3A_1017 = tpu.vector_load_idx %gather3A_1016[%add3A_947, %broadcast_in_dim3A_1012] : memref<2000x8xf32, #tpu.memory_space<vmem>>[vector<16xi32>, vector<16xi32>], vector<16xf32>,
        %broadcast_in_dim3A_1018 = arith.constant 4 : i32
        %broadcast_in_dim3A_1019 = vector.broadcast %broadcast_in_dim3A_1018 : i32 to vector<16xi32>
        %gather3A_1020 = arith.constant 0 : i32
        %gather3A_1021 = arith.constant 0 : i32
        %gather3A_1022 = tpu.memref_slice %arg10[%scan3A_495, %gather3A_1020, %gather3A_1021] : memref<2x2000x8xf32, #tpu.memory_space<vmem>> -> memref<1x2000x8xf32, #tpu.memory_space<vmem>>
        %gather3A_1023 = tpu.memref_squeeze %gather3A_1022 : memref<1x2000x8xf32, #tpu.memory_space<vmem>> -> memref<2000x8xf32, #tpu.memory_space<vmem>>
        %gather3A_1024 = tpu.vector_load_idx %gather3A_1023[%add3A_947, %broadcast_in_dim3A_1019] : memref<2000x8xf32, #tpu.memory_space<vmem>>[vector<16xi32>, vector<16xi32>], vector<16xf32>,
        %broadcast_in_dim3A_1025 = arith.constant 5 : i32
        %broadcast_in_dim3A_1026 = vector.broadcast %broadcast_in_dim3A_1025 : i32 to vector<16xi32>
        %gather3A_1027 = arith.constant 0 : i32
        %gather3A_1028 = arith.constant 0 : i32
        %gather3A_1029 = tpu.memref_slice %arg10[%scan3A_495, %gather3A_1027, %gather3A_1028] : memref<2x2000x8xf32, #tpu.memory_space<vmem>> -> memref<1x2000x8xf32, #tpu.memory_space<vmem>>
        %gather3A_1030 = tpu.memref_squeeze %gather3A_1029 : memref<1x2000x8xf32, #tpu.memory_space<vmem>> -> memref<2000x8xf32, #tpu.memory_space<vmem>>
        %gather3A_1031 = tpu.vector_load_idx %gather3A_1030[%add3A_947, %broadcast_in_dim3A_1026] : memref<2000x8xf32, #tpu.memory_space<vmem>>[vector<16xi32>, vector<16xi32>], vector<16xf32>,
        %sub3A_1032 = arith.subf %gather3A_954, %gather3A_996 : vector<16xf32>
        %sub3A_1033 = arith.subf %gather3A_961, %gather3A_1003 : vector<16xf32>
        %sub3A_1034 = arith.subf %gather3A_968, %gather3A_1010 : vector<16xf32>
        %mul3A_1035 = arith.mulf %sub3A_1032, %mul3A_83 : vector<16xf32>
        %mul3A_1036 = arith.mulf %sub3A_1033, %mul3A_86 : vector<16xf32>
        %add3A_1037 = arith.addf %mul3A_1035, %mul3A_1036 : vector<16xf32>
        %mul3A_1038 = arith.mulf %sub3A_1034, %mul3A_89 : vector<16xf32>
        %add3A_1039 = arith.addf %add3A_1037, %mul3A_1038 : vector<16xf32>
        %mul3A_1040 = arith.mulf %sub3A_1032, %mul3A_84 : vector<16xf32>
        %mul3A_1041 = arith.mulf %sub3A_1033, %mul3A_87 : vector<16xf32>
        %add3A_1042 = arith.addf %mul3A_1040, %mul3A_1041 : vector<16xf32>
        %mul3A_1043 = arith.mulf %sub3A_1034, %mul3A_90 : vector<16xf32>
        %add3A_1044 = arith.addf %add3A_1042, %mul3A_1043 : vector<16xf32>
        %mul3A_1045 = arith.mulf %sub3A_1032, %mul3A_85 : vector<16xf32>
        %mul3A_1046 = arith.mulf %sub3A_1033, %mul3A_88 : vector<16xf32>
        %add3A_1047 = arith.addf %mul3A_1045, %mul3A_1046 : vector<16xf32>
        %mul3A_1048 = arith.mulf %sub3A_1034, %mul3A_91 : vector<16xf32>
        %add3A_1049 = arith.addf %add3A_1047, %mul3A_1048 : vector<16xf32>
        %add3A_1050 = arith.constant 5.000000e-01 : f32
        %add3A_1051 = vector.broadcast %add3A_1050 : f32 to vector<16xf32>
        %add3A_1052 = arith.addf %add3A_1039, %add3A_1051 : vector<16xf32>
        %convert_element_type3A_1053 = arith.fptosi %add3A_1052 : vector<16xf32> to vector<16xi32>
        %convert_element_type3A_1054 = arith.sitofp %convert_element_type3A_1053 : vector<16xi32> to vector<16xf32>
        %lt3A_1055 = arith.cmpf olt, %add3A_1052, %convert_element_type3A_1054 : vector<16xf32>
        %sub3A_1056 = arith.constant 1.000000e+00 : f32
        %sub3A_1057 = vector.broadcast %sub3A_1056 : f32 to vector<16xf32>
        %sub3A_1058 = arith.subf %convert_element_type3A_1054, %sub3A_1057 : vector<16xf32>
        %select_n3A_1059 = arith.select %lt3A_1055, %sub3A_1058, %convert_element_type3A_1054 : vector<16xi1>, vector<16xf32>
        %sub3A_1060 = arith.subf %add3A_1039, %select_n3A_1059 : vector<16xf32>
        %add3A_1061 = arith.constant 5.000000e-01 : f32
        %add3A_1062 = vector.broadcast %add3A_1061 : f32 to vector<16xf32>
        %add3A_1063 = arith.addf %add3A_1044, %add3A_1062 : vector<16xf32>
        %convert_element_type3A_1064 = arith.fptosi %add3A_1063 : vector<16xf32> to vector<16xi32>
        %convert_element_type3A_1065 = arith.sitofp %convert_element_type3A_1064 : vector<16xi32> to vector<16xf32>
        %lt3A_1066 = arith.cmpf olt, %add3A_1063, %convert_element_type3A_1065 : vector<16xf32>
        %sub3A_1067 = arith.constant 1.000000e+00 : f32
        %sub3A_1068 = vector.broadcast %sub3A_1067 : f32 to vector<16xf32>
        %sub3A_1069 = arith.subf %convert_element_type3A_1065, %sub3A_1068 : vector<16xf32>
        %select_n3A_1070 = arith.select %lt3A_1066, %sub3A_1069, %convert_element_type3A_1065 : vector<16xi1>, vector<16xf32>
        %sub3A_1071 = arith.subf %add3A_1044, %select_n3A_1070 : vector<16xf32>
        %add3A_1072 = arith.constant 5.000000e-01 : f32
        %add3A_1073 = vector.broadcast %add3A_1072 : f32 to vector<16xf32>
        %add3A_1074 = arith.addf %add3A_1049, %add3A_1073 : vector<16xf32>
        %convert_element_type3A_1075 = arith.fptosi %add3A_1074 : vector<16xf32> to vector<16xi32>
        %convert_element_type3A_1076 = arith.sitofp %convert_element_type3A_1075 : vector<16xi32> to vector<16xf32>
        %lt3A_1077 = arith.cmpf olt, %add3A_1074, %convert_element_type3A_1076 : vector<16xf32>
        %sub3A_1078 = arith.constant 1.000000e+00 : f32
        %sub3A_1079 = vector.broadcast %sub3A_1078 : f32 to vector<16xf32>
        %sub3A_1080 = arith.subf %convert_element_type3A_1076, %sub3A_1079 : vector<16xf32>
        %select_n3A_1081 = arith.select %lt3A_1077, %sub3A_1080, %convert_element_type3A_1076 : vector<16xi1>, vector<16xf32>
        %sub3A_1082 = arith.subf %add3A_1049, %select_n3A_1081 : vector<16xf32>
        %mul3A_1083 = arith.mulf %sub3A_1060, %get3A_5 : vector<16xf32>
        %mul3A_1084 = arith.mulf %sub3A_1071, %get3A_17 : vector<16xf32>
        %add3A_1085 = arith.addf %mul3A_1083, %mul3A_1084 : vector<16xf32>
        %mul3A_1086 = arith.mulf %sub3A_1082, %get3A_29 : vector<16xf32>
        %add3A_1087 = arith.addf %add3A_1085, %mul3A_1086 : vector<16xf32>
        %mul3A_1088 = arith.mulf %sub3A_1060, %get3A_9 : vector<16xf32>
        %mul3A_1089 = arith.mulf %sub3A_1071, %get3A_21 : vector<16xf32>
        %add3A_1090 = arith.addf %mul3A_1088, %mul3A_1089 : vector<16xf32>
        %mul3A_1091 = arith.mulf %sub3A_1082, %get3A_33 : vector<16xf32>
        %add3A_1092 = arith.addf %add3A_1090, %mul3A_1091 : vector<16xf32>
        %mul3A_1093 = arith.mulf %sub3A_1060, %get3A_13 : vector<16xf32>
        %mul3A_1094 = arith.mulf %sub3A_1071, %get3A_25 : vector<16xf32>
        %add3A_1095 = arith.addf %mul3A_1093, %mul3A_1094 : vector<16xf32>
        %mul3A_1096 = arith.mulf %sub3A_1082, %get3A_37 : vector<16xf32>
        %add3A_1097 = arith.addf %add3A_1095, %mul3A_1096 : vector<16xf32>
        %mul3A_1098 = arith.mulf %add3A_1087, %add3A_1087 : vector<16xf32>
        %mul3A_1099 = arith.mulf %add3A_1092, %add3A_1092 : vector<16xf32>
        %add3A_1100 = arith.addf %mul3A_1098, %mul3A_1099 : vector<16xf32>
        %mul3A_1101 = arith.mulf %add3A_1097, %add3A_1097 : vector<16xf32>
        %add3A_1102 = arith.addf %add3A_1100, %mul3A_1101 : vector<16xf32>
        %mul3A_1103 = arith.constant 5.000000e-01 : f32
        %mul3A_1104 = vector.broadcast %mul3A_1103 : f32 to vector<16xf32>
        %mul3A_1105 = arith.mulf %mul3A_1104, %add3A_1102 : vector<16xf32>
        %bitcast_convert_type3A_1106 = tpu.bitcast %add3A_1102 : vector<16xf32> -> vector<16xi32>
        %shift_right_arithmetic3A_1107 = arith.constant 1 : i32
        %shift_right_arithmetic3A_1108 = vector.broadcast %shift_right_arithmetic3A_1107 : i32 to vector<16xi32>
        %shift_right_arithmetic3A_1109 = arith.shrsi %bitcast_convert_type3A_1106, %shift_right_arithmetic3A_1108 : vector<16xi32>
        %sub3A_1110 = arith.constant 1597463007 : i32
        %sub3A_1111 = vector.broadcast %sub3A_1110 : i32 to vector<16xi32>
        %sub3A_1112 = arith.subi %sub3A_1111, %shift_right_arithmetic3A_1109 : vector<16xi32>
        %bitcast_convert_type3A_1113 = tpu.bitcast %sub3A_1112 : vector<16xi32> -> vector<16xf32>
        %mul3A_1114 = arith.mulf %mul3A_1105, %bitcast_convert_type3A_1113 : vector<16xf32>
        %mul3A_1115 = arith.mulf %mul3A_1114, %bitcast_convert_type3A_1113 : vector<16xf32>
        %sub3A_1116 = arith.constant 1.500000e+00 : f32
        %sub3A_1117 = vector.broadcast %sub3A_1116 : f32 to vector<16xf32>
        %sub3A_1118 = arith.subf %sub3A_1117, %mul3A_1115 : vector<16xf32>
        %mul3A_1119 = arith.mulf %bitcast_convert_type3A_1113, %sub3A_1118 : vector<16xf32>
        %mul3A_1120 = arith.mulf %mul3A_1105, %mul3A_1119 : vector<16xf32>
        %mul3A_1121 = arith.mulf %mul3A_1120, %mul3A_1119 : vector<16xf32>
        %sub3A_1122 = arith.constant 1.500000e+00 : f32
        %sub3A_1123 = vector.broadcast %sub3A_1122 : f32 to vector<16xf32>
        %sub3A_1124 = arith.subf %sub3A_1123, %mul3A_1121 : vector<16xf32>
        %mul3A_1125 = arith.mulf %mul3A_1119, %sub3A_1124 : vector<16xf32>
        %mul3A_1126 = arith.mulf %mul3A_1105, %mul3A_1125 : vector<16xf32>
        %mul3A_1127 = arith.mulf %mul3A_1126, %mul3A_1125 : vector<16xf32>
        %sub3A_1128 = arith.constant 1.500000e+00 : f32
        %sub3A_1129 = vector.broadcast %sub3A_1128 : f32 to vector<16xf32>
        %sub3A_1130 = arith.subf %sub3A_1129, %mul3A_1127 : vector<16xf32>
        %mul3A_1131 = arith.mulf %mul3A_1125, %sub3A_1130 : vector<16xf32>
        %mul3A_1132 = arith.mulf %gather3A_975, %gather3A_1017 : vector<16xf32>
        %sub3A_1133 = arith.subf %mul3A_1131, %div3A_92 : vector<16xf32>
        %mul3A_1134 = arith.mulf %mul3A_1132, %sub3A_1133 : vector<16xf32>
        %mul3A_1135 = arith.mulf %mul3A_1134, %get3A_41 : vector<16xf32>
        %add3A_1136 = arith.addf %gather3A_982, %gather3A_1024 : vector<16xf32>
        %mul3A_1137 = arith.constant 5.000000e-01 : f32
        %mul3A_1138 = vector.broadcast %mul3A_1137 : f32 to vector<16xf32>
        %mul3A_1139 = arith.mulf %add3A_1136, %mul3A_1138 : vector<16xf32>
        %mul3A_1140 = arith.mulf %mul3A_1139, %mul3A_1139 : vector<16xf32>
        %div3A_1141 = arith.constant 1.000000e+00 : f32
        %div3A_1142 = vector.broadcast %div3A_1141 : f32 to vector<16xf32>
        %div3A_1143 = arith.divf %div3A_1142, %add3A_1102 : vector<16xf32>
        %mul3A_1144 = arith.mulf %mul3A_1140, %div3A_1143 : vector<16xf32>
        %mul3A_1145 = arith.mulf %mul3A_1144, %mul3A_1144 : vector<16xf32>
        %mul3A_1146 = arith.mulf %mul3A_1145, %mul3A_1144 : vector<16xf32>
        %mul3A_1147 = arith.mulf %gather3A_989, %gather3A_1031 : vector<16xf32>
        %mul3A_1148 = arith.constant 4.000000e+00 : f32
        %mul3A_1149 = vector.broadcast %mul3A_1148 : f32 to vector<16xf32>
        %mul3A_1150 = arith.mulf %mul3A_1149, %mul3A_1147 : vector<16xf32>
        %mul3A_1151 = arith.mulf %mul3A_1150, %mul3A_1146 : vector<16xf32>
        %sub3A_1152 = arith.constant 1.000000e+00 : f32
        %sub3A_1153 = vector.broadcast %sub3A_1152 : f32 to vector<16xf32>
        %sub3A_1154 = arith.subf %mul3A_1146, %sub3A_1153 : vector<16xf32>
        %mul3A_1155 = arith.mulf %mul3A_1151, %sub3A_1154 : vector<16xf32>
        %add3A_1156 = arith.addf %mul3A_1135, %mul3A_1155 : vector<16xf32>
        %le3A_1157 = arith.cmpf ole, %add3A_1102, %mul3A_93 : vector<16xf32>
        %jit3A_1158 = arith.constant 0.000000e+00 : f32
        %broadcast_in_dim3A_1159 = vector.broadcast %jit3A_1158 : f32 to vector<16xf32>
        %select_n3A_1160 = arith.select %le3A_1157, %add3A_1156, %broadcast_in_dim3A_1159 : vector<16xi1>, vector<16xf32>
        %add3A_1161 = arith.addf %add3A_941, %select_n3A_1160 : vector<16xf32>
        %scan3A_1162 = arith.constant 2 : i32
        %scan3A_1163 = arith.addi %scan3A_722, %scan3A_1162 : i32
        %mul3A_1164 = arith.constant 16 : i32
        %mul3A_1165 = arith.muli %scan3A_1163, %mul3A_1164 : i32
        %add3A_1166 = vector.broadcast %mul3A_1165 : i32 to vector<16xi32>
        %add3A_1167 = arith.addi %add3A_1166, %iota3A : vector<16xi32>
        %broadcast_in_dim3A_1168 = arith.constant 0 : i32
        %broadcast_in_dim3A_1169 = vector.broadcast %broadcast_in_dim3A_1168 : i32 to vector<16xi32>
        %gather3A_1170 = arith.constant 0 : i32
        %gather3A_1171 = arith.constant 0 : i32
        %gather3A_1172 = tpu.memref_slice %arg9[%scan3A_494, %gather3A_1170, %gather3A_1171] : memref<2x2000x8xf32, #tpu.memory_space<vmem>> -> memref<1x2000x8xf32, #tpu.memory_space<vmem>>
        %gather3A_1173 = tpu.memref_squeeze %gather3A_1172 : memref<1x2000x8xf32, #tpu.memory_space<vmem>> -> memref<2000x8xf32, #tpu.memory_space<vmem>>
        %gather3A_1174 = tpu.vector_load_idx %gather3A_1173[%add3A_1167, %broadcast_in_dim3A_1169] : memref<2000x8xf32, #tpu.memory_space<vmem>>[vector<16xi32>, vector<16xi32>], vector<16xf32>,
        %broadcast_in_dim3A_1175 = arith.constant 1 : i32
        %broadcast_in_dim3A_1176 = vector.broadcast %broadcast_in_dim3A_1175 : i32 to vector<16xi32>
        %gather3A_1177 = arith.constant 0 : i32
        %gather3A_1178 = arith.constant 0 : i32
        %gather3A_1179 = tpu.memref_slice %arg9[%scan3A_494, %gather3A_1177, %gather3A_1178] : memref<2x2000x8xf32, #tpu.memory_space<vmem>> -> memref<1x2000x8xf32, #tpu.memory_space<vmem>>
        %gather3A_1180 = tpu.memref_squeeze %gather3A_1179 : memref<1x2000x8xf32, #tpu.memory_space<vmem>> -> memref<2000x8xf32, #tpu.memory_space<vmem>>
        %gather3A_1181 = tpu.vector_load_idx %gather3A_1180[%add3A_1167, %broadcast_in_dim3A_1176] : memref<2000x8xf32, #tpu.memory_space<vmem>>[vector<16xi32>, vector<16xi32>], vector<16xf32>,
        %broadcast_in_dim3A_1182 = arith.constant 2 : i32
        %broadcast_in_dim3A_1183 = vector.broadcast %broadcast_in_dim3A_1182 : i32 to vector<16xi32>
        %gather3A_1184 = arith.constant 0 : i32
        %gather3A_1185 = arith.constant 0 : i32
        %gather3A_1186 = tpu.memref_slice %arg9[%scan3A_494, %gather3A_1184, %gather3A_1185] : memref<2x2000x8xf32, #tpu.memory_space<vmem>> -> memref<1x2000x8xf32, #tpu.memory_space<vmem>>
        %gather3A_1187 = tpu.memref_squeeze %gather3A_1186 : memref<1x2000x8xf32, #tpu.memory_space<vmem>> -> memref<2000x8xf32, #tpu.memory_space<vmem>>
        %gather3A_1188 = tpu.vector_load_idx %gather3A_1187[%add3A_1167, %broadcast_in_dim3A_1183] : memref<2000x8xf32, #tpu.memory_space<vmem>>[vector<16xi32>, vector<16xi32>], vector<16xf32>,
        %broadcast_in_dim3A_1189 = arith.constant 3 : i32
        %broadcast_in_dim3A_1190 = vector.broadcast %broadcast_in_dim3A_1189 : i32 to vector<16xi32>
        %gather3A_1191 = arith.constant 0 : i32
        %gather3A_1192 = arith.constant 0 : i32
        %gather3A_1193 = tpu.memref_slice %arg9[%scan3A_494, %gather3A_1191, %gather3A_1192] : memref<2x2000x8xf32, #tpu.memory_space<vmem>> -> memref<1x2000x8xf32, #tpu.memory_space<vmem>>
        %gather3A_1194 = tpu.memref_squeeze %gather3A_1193 : memref<1x2000x8xf32, #tpu.memory_space<vmem>> -> memref<2000x8xf32, #tpu.memory_space<vmem>>
        %gather3A_1195 = tpu.vector_load_idx %gather3A_1194[%add3A_1167, %broadcast_in_dim3A_1190] : memref<2000x8xf32, #tpu.memory_space<vmem>>[vector<16xi32>, vector<16xi32>], vector<16xf32>,
        %broadcast_in_dim3A_1196 = arith.constant 4 : i32
        %broadcast_in_dim3A_1197 = vector.broadcast %broadcast_in_dim3A_1196 : i32 to vector<16xi32>
        %gather3A_1198 = arith.constant 0 : i32
        %gather3A_1199 = arith.constant 0 : i32
        %gather3A_1200 = tpu.memref_slice %arg9[%scan3A_494, %gather3A_1198, %gather3A_1199] : memref<2x2000x8xf32, #tpu.memory_space<vmem>> -> memref<1x2000x8xf32, #tpu.memory_space<vmem>>
        %gather3A_1201 = tpu.memref_squeeze %gather3A_1200 : memref<1x2000x8xf32, #tpu.memory_space<vmem>> -> memref<2000x8xf32, #tpu.memory_space<vmem>>
        %gather3A_1202 = tpu.vector_load_idx %gather3A_1201[%add3A_1167, %broadcast_in_dim3A_1197] : memref<2000x8xf32, #tpu.memory_space<vmem>>[vector<16xi32>, vector<16xi32>], vector<16xf32>,
        %broadcast_in_dim3A_1203 = arith.constant 5 : i32
        %broadcast_in_dim3A_1204 = vector.broadcast %broadcast_in_dim3A_1203 : i32 to vector<16xi32>
        %gather3A_1205 = arith.constant 0 : i32
        %gather3A_1206 = arith.constant 0 : i32
        %gather3A_1207 = tpu.memref_slice %arg9[%scan3A_494, %gather3A_1205, %gather3A_1206] : memref<2x2000x8xf32, #tpu.memory_space<vmem>> -> memref<1x2000x8xf32, #tpu.memory_space<vmem>>
        %gather3A_1208 = tpu.memref_squeeze %gather3A_1207 : memref<1x2000x8xf32, #tpu.memory_space<vmem>> -> memref<2000x8xf32, #tpu.memory_space<vmem>>
        %gather3A_1209 = tpu.vector_load_idx %gather3A_1208[%add3A_1167, %broadcast_in_dim3A_1204] : memref<2000x8xf32, #tpu.memory_space<vmem>>[vector<16xi32>, vector<16xi32>], vector<16xf32>,
        %broadcast_in_dim3A_1210 = arith.constant 0 : i32
        %broadcast_in_dim3A_1211 = vector.broadcast %broadcast_in_dim3A_1210 : i32 to vector<16xi32>
        %gather3A_1212 = arith.constant 0 : i32
        %gather3A_1213 = arith.constant 0 : i32
        %gather3A_1214 = tpu.memref_slice %arg10[%scan3A_495, %gather3A_1212, %gather3A_1213] : memref<2x2000x8xf32, #tpu.memory_space<vmem>> -> memref<1x2000x8xf32, #tpu.memory_space<vmem>>
        %gather3A_1215 = tpu.memref_squeeze %gather3A_1214 : memref<1x2000x8xf32, #tpu.memory_space<vmem>> -> memref<2000x8xf32, #tpu.memory_space<vmem>>
        %gather3A_1216 = tpu.vector_load_idx %gather3A_1215[%add3A_1167, %broadcast_in_dim3A_1211] : memref<2000x8xf32, #tpu.memory_space<vmem>>[vector<16xi32>, vector<16xi32>], vector<16xf32>,
        %broadcast_in_dim3A_1217 = arith.constant 1 : i32
        %broadcast_in_dim3A_1218 = vector.broadcast %broadcast_in_dim3A_1217 : i32 to vector<16xi32>
        %gather3A_1219 = arith.constant 0 : i32
        %gather3A_1220 = arith.constant 0 : i32
        %gather3A_1221 = tpu.memref_slice %arg10[%scan3A_495, %gather3A_1219, %gather3A_1220] : memref<2x2000x8xf32, #tpu.memory_space<vmem>> -> memref<1x2000x8xf32, #tpu.memory_space<vmem>>
        %gather3A_1222 = tpu.memref_squeeze %gather3A_1221 : memref<1x2000x8xf32, #tpu.memory_space<vmem>> -> memref<2000x8xf32, #tpu.memory_space<vmem>>
        %gather3A_1223 = tpu.vector_load_idx %gather3A_1222[%add3A_1167, %broadcast_in_dim3A_1218] : memref<2000x8xf32, #tpu.memory_space<vmem>>[vector<16xi32>, vector<16xi32>], vector<16xf32>,
        %broadcast_in_dim3A_1224 = arith.constant 2 : i32
        %broadcast_in_dim3A_1225 = vector.broadcast %broadcast_in_dim3A_1224 : i32 to vector<16xi32>
        %gather3A_1226 = arith.constant 0 : i32
        %gather3A_1227 = arith.constant 0 : i32
        %gather3A_1228 = tpu.memref_slice %arg10[%scan3A_495, %gather3A_1226, %gather3A_1227] : memref<2x2000x8xf32, #tpu.memory_space<vmem>> -> memref<1x2000x8xf32, #tpu.memory_space<vmem>>
        %gather3A_1229 = tpu.memref_squeeze %gather3A_1228 : memref<1x2000x8xf32, #tpu.memory_space<vmem>> -> memref<2000x8xf32, #tpu.memory_space<vmem>>
        %gather3A_1230 = tpu.vector_load_idx %gather3A_1229[%add3A_1167, %broadcast_in_dim3A_1225] : memref<2000x8xf32, #tpu.memory_space<vmem>>[vector<16xi32>, vector<16xi32>], vector<16xf32>,
        %broadcast_in_dim3A_1231 = arith.constant 3 : i32
        %broadcast_in_dim3A_1232 = vector.broadcast %broadcast_in_dim3A_1231 : i32 to vector<16xi32>
        %gather3A_1233 = arith.constant 0 : i32
        %gather3A_1234 = arith.constant 0 : i32
        %gather3A_1235 = tpu.memref_slice %arg10[%scan3A_495, %gather3A_1233, %gather3A_1234] : memref<2x2000x8xf32, #tpu.memory_space<vmem>> -> memref<1x2000x8xf32, #tpu.memory_space<vmem>>
        %gather3A_1236 = tpu.memref_squeeze %gather3A_1235 : memref<1x2000x8xf32, #tpu.memory_space<vmem>> -> memref<2000x8xf32, #tpu.memory_space<vmem>>
        %gather3A_1237 = tpu.vector_load_idx %gather3A_1236[%add3A_1167, %broadcast_in_dim3A_1232] : memref<2000x8xf32, #tpu.memory_space<vmem>>[vector<16xi32>, vector<16xi32>], vector<16xf32>,
        %broadcast_in_dim3A_1238 = arith.constant 4 : i32
        %broadcast_in_dim3A_1239 = vector.broadcast %broadcast_in_dim3A_1238 : i32 to vector<16xi32>
        %gather3A_1240 = arith.constant 0 : i32
        %gather3A_1241 = arith.constant 0 : i32
        %gather3A_1242 = tpu.memref_slice %arg10[%scan3A_495, %gather3A_1240, %gather3A_1241] : memref<2x2000x8xf32, #tpu.memory_space<vmem>> -> memref<1x2000x8xf32, #tpu.memory_space<vmem>>
        %gather3A_1243 = tpu.memref_squeeze %gather3A_1242 : memref<1x2000x8xf32, #tpu.memory_space<vmem>> -> memref<2000x8xf32, #tpu.memory_space<vmem>>
        %gather3A_1244 = tpu.vector_load_idx %gather3A_1243[%add3A_1167, %broadcast_in_dim3A_1239] : memref<2000x8xf32, #tpu.memory_space<vmem>>[vector<16xi32>, vector<16xi32>], vector<16xf32>,
        %broadcast_in_dim3A_1245 = arith.constant 5 : i32
        %broadcast_in_dim3A_1246 = vector.broadcast %broadcast_in_dim3A_1245 : i32 to vector<16xi32>
        %gather3A_1247 = arith.constant 0 : i32
        %gather3A_1248 = arith.constant 0 : i32
        %gather3A_1249 = tpu.memref_slice %arg10[%scan3A_495, %gather3A_1247, %gather3A_1248] : memref<2x2000x8xf32, #tpu.memory_space<vmem>> -> memref<1x2000x8xf32, #tpu.memory_space<vmem>>
        %gather3A_1250 = tpu.memref_squeeze %gather3A_1249 : memref<1x2000x8xf32, #tpu.memory_space<vmem>> -> memref<2000x8xf32, #tpu.memory_space<vmem>>
        %gather3A_1251 = tpu.vector_load_idx %gather3A_1250[%add3A_1167, %broadcast_in_dim3A_1246] : memref<2000x8xf32, #tpu.memory_space<vmem>>[vector<16xi32>, vector<16xi32>], vector<16xf32>,
        %sub3A_1252 = arith.subf %gather3A_1174, %gather3A_1216 : vector<16xf32>
        %sub3A_1253 = arith.subf %gather3A_1181, %gather3A_1223 : vector<16xf32>
        %sub3A_1254 = arith.subf %gather3A_1188, %gather3A_1230 : vector<16xf32>
        %mul3A_1255 = arith.mulf %sub3A_1252, %mul3A_83 : vector<16xf32>
        %mul3A_1256 = arith.mulf %sub3A_1253, %mul3A_86 : vector<16xf32>
        %add3A_1257 = arith.addf %mul3A_1255, %mul3A_1256 : vector<16xf32>
        %mul3A_1258 = arith.mulf %sub3A_1254, %mul3A_89 : vector<16xf32>
        %add3A_1259 = arith.addf %add3A_1257, %mul3A_1258 : vector<16xf32>
        %mul3A_1260 = arith.mulf %sub3A_1252, %mul3A_84 : vector<16xf32>
        %mul3A_1261 = arith.mulf %sub3A_1253, %mul3A_87 : vector<16xf32>
        %add3A_1262 = arith.addf %mul3A_1260, %mul3A_1261 : vector<16xf32>
        %mul3A_1263 = arith.mulf %sub3A_1254, %mul3A_90 : vector<16xf32>
        %add3A_1264 = arith.addf %add3A_1262, %mul3A_1263 : vector<16xf32>
        %mul3A_1265 = arith.mulf %sub3A_1252, %mul3A_85 : vector<16xf32>
        %mul3A_1266 = arith.mulf %sub3A_1253, %mul3A_88 : vector<16xf32>
        %add3A_1267 = arith.addf %mul3A_1265, %mul3A_1266 : vector<16xf32>
        %mul3A_1268 = arith.mulf %sub3A_1254, %mul3A_91 : vector<16xf32>
        %add3A_1269 = arith.addf %add3A_1267, %mul3A_1268 : vector<16xf32>
        %add3A_1270 = arith.constant 5.000000e-01 : f32
        %add3A_1271 = vector.broadcast %add3A_1270 : f32 to vector<16xf32>
        %add3A_1272 = arith.addf %add3A_1259, %add3A_1271 : vector<16xf32>
        %convert_element_type3A_1273 = arith.fptosi %add3A_1272 : vector<16xf32> to vector<16xi32>
        %convert_element_type3A_1274 = arith.sitofp %convert_element_type3A_1273 : vector<16xi32> to vector<16xf32>
        %lt3A_1275 = arith.cmpf olt, %add3A_1272, %convert_element_type3A_1274 : vector<16xf32>
        %sub3A_1276 = arith.constant 1.000000e+00 : f32
        %sub3A_1277 = vector.broadcast %sub3A_1276 : f32 to vector<16xf32>
        %sub3A_1278 = arith.subf %convert_element_type3A_1274, %sub3A_1277 : vector<16xf32>
        %select_n3A_1279 = arith.select %lt3A_1275, %sub3A_1278, %convert_element_type3A_1274 : vector<16xi1>, vector<16xf32>
        %sub3A_1280 = arith.subf %add3A_1259, %select_n3A_1279 : vector<16xf32>
        %add3A_1281 = arith.constant 5.000000e-01 : f32
        %add3A_1282 = vector.broadcast %add3A_1281 : f32 to vector<16xf32>
        %add3A_1283 = arith.addf %add3A_1264, %add3A_1282 : vector<16xf32>
        %convert_element_type3A_1284 = arith.fptosi %add3A_1283 : vector<16xf32> to vector<16xi32>
        %convert_element_type3A_1285 = arith.sitofp %convert_element_type3A_1284 : vector<16xi32> to vector<16xf32>
        %lt3A_1286 = arith.cmpf olt, %add3A_1283, %convert_element_type3A_1285 : vector<16xf32>
        %sub3A_1287 = arith.constant 1.000000e+00 : f32
        %sub3A_1288 = vector.broadcast %sub3A_1287 : f32 to vector<16xf32>
        %sub3A_1289 = arith.subf %convert_element_type3A_1285, %sub3A_1288 : vector<16xf32>
        %select_n3A_1290 = arith.select %lt3A_1286, %sub3A_1289, %convert_element_type3A_1285 : vector<16xi1>, vector<16xf32>
        %sub3A_1291 = arith.subf %add3A_1264, %select_n3A_1290 : vector<16xf32>
        %add3A_1292 = arith.constant 5.000000e-01 : f32
        %add3A_1293 = vector.broadcast %add3A_1292 : f32 to vector<16xf32>
        %add3A_1294 = arith.addf %add3A_1269, %add3A_1293 : vector<16xf32>
        %convert_element_type3A_1295 = arith.fptosi %add3A_1294 : vector<16xf32> to vector<16xi32>
        %convert_element_type3A_1296 = arith.sitofp %convert_element_type3A_1295 : vector<16xi32> to vector<16xf32>
        %lt3A_1297 = arith.cmpf olt, %add3A_1294, %convert_element_type3A_1296 : vector<16xf32>
        %sub3A_1298 = arith.constant 1.000000e+00 : f32
        %sub3A_1299 = vector.broadcast %sub3A_1298 : f32 to vector<16xf32>
        %sub3A_1300 = arith.subf %convert_element_type3A_1296, %sub3A_1299 : vector<16xf32>
        %select_n3A_1301 = arith.select %lt3A_1297, %sub3A_1300, %convert_element_type3A_1296 : vector<16xi1>, vector<16xf32>
        %sub3A_1302 = arith.subf %add3A_1269, %select_n3A_1301 : vector<16xf32>
        %mul3A_1303 = arith.mulf %sub3A_1280, %get3A_5 : vector<16xf32>
        %mul3A_1304 = arith.mulf %sub3A_1291, %get3A_17 : vector<16xf32>
        %add3A_1305 = arith.addf %mul3A_1303, %mul3A_1304 : vector<16xf32>
        %mul3A_1306 = arith.mulf %sub3A_1302, %get3A_29 : vector<16xf32>
        %add3A_1307 = arith.addf %add3A_1305, %mul3A_1306 : vector<16xf32>
        %mul3A_1308 = arith.mulf %sub3A_1280, %get3A_9 : vector<16xf32>
        %mul3A_1309 = arith.mulf %sub3A_1291, %get3A_21 : vector<16xf32>
        %add3A_1310 = arith.addf %mul3A_1308, %mul3A_1309 : vector<16xf32>
        %mul3A_1311 = arith.mulf %sub3A_1302, %get3A_33 : vector<16xf32>
        %add3A_1312 = arith.addf %add3A_1310, %mul3A_1311 : vector<16xf32>
        %mul3A_1313 = arith.mulf %sub3A_1280, %get3A_13 : vector<16xf32>
        %mul3A_1314 = arith.mulf %sub3A_1291, %get3A_25 : vector<16xf32>
        %add3A_1315 = arith.addf %mul3A_1313, %mul3A_1314 : vector<16xf32>
        %mul3A_1316 = arith.mulf %sub3A_1302, %get3A_37 : vector<16xf32>
        %add3A_1317 = arith.addf %add3A_1315, %mul3A_1316 : vector<16xf32>
        %mul3A_1318 = arith.mulf %add3A_1307, %add3A_1307 : vector<16xf32>
        %mul3A_1319 = arith.mulf %add3A_1312, %add3A_1312 : vector<16xf32>
        %add3A_1320 = arith.addf %mul3A_1318, %mul3A_1319 : vector<16xf32>
        %mul3A_1321 = arith.mulf %add3A_1317, %add3A_1317 : vector<16xf32>
        %add3A_1322 = arith.addf %add3A_1320, %mul3A_1321 : vector<16xf32>
        %mul3A_1323 = arith.constant 5.000000e-01 : f32
        %mul3A_1324 = vector.broadcast %mul3A_1323 : f32 to vector<16xf32>
        %mul3A_1325 = arith.mulf %mul3A_1324, %add3A_1322 : vector<16xf32>
        %bitcast_convert_type3A_1326 = tpu.bitcast %add3A_1322 : vector<16xf32> -> vector<16xi32>
        %shift_right_arithmetic3A_1327 = arith.constant 1 : i32
        %shift_right_arithmetic3A_1328 = vector.broadcast %shift_right_arithmetic3A_1327 : i32 to vector<16xi32>
        %shift_right_arithmetic3A_1329 = arith.shrsi %bitcast_convert_type3A_1326, %shift_right_arithmetic3A_1328 : vector<16xi32>
        %sub3A_1330 = arith.constant 1597463007 : i32
        %sub3A_1331 = vector.broadcast %sub3A_1330 : i32 to vector<16xi32>
        %sub3A_1332 = arith.subi %sub3A_1331, %shift_right_arithmetic3A_1329 : vector<16xi32>
        %bitcast_convert_type3A_1333 = tpu.bitcast %sub3A_1332 : vector<16xi32> -> vector<16xf32>
        %mul3A_1334 = arith.mulf %mul3A_1325, %bitcast_convert_type3A_1333 : vector<16xf32>
        %mul3A_1335 = arith.mulf %mul3A_1334, %bitcast_convert_type3A_1333 : vector<16xf32>
        %sub3A_1336 = arith.constant 1.500000e+00 : f32
        %sub3A_1337 = vector.broadcast %sub3A_1336 : f32 to vector<16xf32>
        %sub3A_1338 = arith.subf %sub3A_1337, %mul3A_1335 : vector<16xf32>
        %mul3A_1339 = arith.mulf %bitcast_convert_type3A_1333, %sub3A_1338 : vector<16xf32>
        %mul3A_1340 = arith.mulf %mul3A_1325, %mul3A_1339 : vector<16xf32>
        %mul3A_1341 = arith.mulf %mul3A_1340, %mul3A_1339 : vector<16xf32>
        %sub3A_1342 = arith.constant 1.500000e+00 : f32
        %sub3A_1343 = vector.broadcast %sub3A_1342 : f32 to vector<16xf32>
        %sub3A_1344 = arith.subf %sub3A_1343, %mul3A_1341 : vector<16xf32>
        %mul3A_1345 = arith.mulf %mul3A_1339, %sub3A_1344 : vector<16xf32>
        %mul3A_1346 = arith.mulf %mul3A_1325, %mul3A_1345 : vector<16xf32>
        %mul3A_1347 = arith.mulf %mul3A_1346, %mul3A_1345 : vector<16xf32>
        %sub3A_1348 = arith.constant 1.500000e+00 : f32
        %sub3A_1349 = vector.broadcast %sub3A_1348 : f32 to vector<16xf32>
        %sub3A_1350 = arith.subf %sub3A_1349, %mul3A_1347 : vector<16xf32>
        %mul3A_1351 = arith.mulf %mul3A_1345, %sub3A_1350 : vector<16xf32>
        %mul3A_1352 = arith.mulf %gather3A_1195, %gather3A_1237 : vector<16xf32>
        %sub3A_1353 = arith.subf %mul3A_1351, %div3A_92 : vector<16xf32>
        %mul3A_1354 = arith.mulf %mul3A_1352, %sub3A_1353 : vector<16xf32>
        %mul3A_1355 = arith.mulf %mul3A_1354, %get3A_41 : vector<16xf32>
        %add3A_1356 = arith.addf %gather3A_1202, %gather3A_1244 : vector<16xf32>
        %mul3A_1357 = arith.constant 5.000000e-01 : f32
        %mul3A_1358 = vector.broadcast %mul3A_1357 : f32 to vector<16xf32>
        %mul3A_1359 = arith.mulf %add3A_1356, %mul3A_1358 : vector<16xf32>
        %mul3A_1360 = arith.mulf %mul3A_1359, %mul3A_1359 : vector<16xf32>
        %div3A_1361 = arith.constant 1.000000e+00 : f32
        %div3A_1362 = vector.broadcast %div3A_1361 : f32 to vector<16xf32>
        %div3A_1363 = arith.divf %div3A_1362, %add3A_1322 : vector<16xf32>
        %mul3A_1364 = arith.mulf %mul3A_1360, %div3A_1363 : vector<16xf32>
        %mul3A_1365 = arith.mulf %mul3A_1364, %mul3A_1364 : vector<16xf32>
        %mul3A_1366 = arith.mulf %mul3A_1365, %mul3A_1364 : vector<16xf32>
        %mul3A_1367 = arith.mulf %gather3A_1209, %gather3A_1251 : vector<16xf32>
        %mul3A_1368 = arith.constant 4.000000e+00 : f32
        %mul3A_1369 = vector.broadcast %mul3A_1368 : f32 to vector<16xf32>
        %mul3A_1370 = arith.mulf %mul3A_1369, %mul3A_1367 : vector<16xf32>
        %mul3A_1371 = arith.mulf %mul3A_1370, %mul3A_1366 : vector<16xf32>
        %sub3A_1372 = arith.constant 1.000000e+00 : f32
        %sub3A_1373 = vector.broadcast %sub3A_1372 : f32 to vector<16xf32>
        %sub3A_1374 = arith.subf %mul3A_1366, %sub3A_1373 : vector<16xf32>
        %mul3A_1375 = arith.mulf %mul3A_1371, %sub3A_1374 : vector<16xf32>
        %add3A_1376 = arith.addf %mul3A_1355, %mul3A_1375 : vector<16xf32>
        %le3A_1377 = arith.cmpf ole, %add3A_1322, %mul3A_93 : vector<16xf32>
        %jit3A_1378 = arith.constant 0.000000e+00 : f32
        %broadcast_in_dim3A_1379 = vector.broadcast %jit3A_1378 : f32 to vector<16xf32>
        %select_n3A_1380 = arith.select %le3A_1377, %add3A_1376, %broadcast_in_dim3A_1379 : vector<16xi1>, vector<16xf32>
        %add3A_1381 = arith.addf %add3A_1161, %select_n3A_1380 : vector<16xf32>
        %scan3A_1382 = arith.constant 3 : i32
        %scan3A_1383 = arith.addi %scan3A_722, %scan3A_1382 : i32
        %mul3A_1384 = arith.constant 16 : i32
        %mul3A_1385 = arith.muli %scan3A_1383, %mul3A_1384 : i32
        %add3A_1386 = vector.broadcast %mul3A_1385 : i32 to vector<16xi32>
        %add3A_1387 = arith.addi %add3A_1386, %iota3A : vector<16xi32>
        %broadcast_in_dim3A_1388 = arith.constant 0 : i32
        %broadcast_in_dim3A_1389 = vector.broadcast %broadcast_in_dim3A_1388 : i32 to vector<16xi32>
        %gather3A_1390 = arith.constant 0 : i32
        %gather3A_1391 = arith.constant 0 : i32
        %gather3A_1392 = tpu.memref_slice %arg9[%scan3A_494, %gather3A_1390, %gather3A_1391] : memref<2x2000x8xf32, #tpu.memory_space<vmem>> -> memref<1x2000x8xf32, #tpu.memory_space<vmem>>
        %gather3A_1393 = tpu.memref_squeeze %gather3A_1392 : memref<1x2000x8xf32, #tpu.memory_space<vmem>> -> memref<2000x8xf32, #tpu.memory_space<vmem>>
        %gather3A_1394 = tpu.vector_load_idx %gather3A_1393[%add3A_1387, %broadcast_in_dim3A_1389] : memref<2000x8xf32, #tpu.memory_space<vmem>>[vector<16xi32>, vector<16xi32>], vector<16xf32>,
        %broadcast_in_dim3A_1395 = arith.constant 1 : i32
        %broadcast_in_dim3A_1396 = vector.broadcast %broadcast_in_dim3A_1395 : i32 to vector<16xi32>
        %gather3A_1397 = arith.constant 0 : i32
        %gather3A_1398 = arith.constant 0 : i32
        %gather3A_1399 = tpu.memref_slice %arg9[%scan3A_494, %gather3A_1397, %gather3A_1398] : memref<2x2000x8xf32, #tpu.memory_space<vmem>> -> memref<1x2000x8xf32, #tpu.memory_space<vmem>>
        %gather3A_1400 = tpu.memref_squeeze %gather3A_1399 : memref<1x2000x8xf32, #tpu.memory_space<vmem>> -> memref<2000x8xf32, #tpu.memory_space<vmem>>
        %gather3A_1401 = tpu.vector_load_idx %gather3A_1400[%add3A_1387, %broadcast_in_dim3A_1396] : memref<2000x8xf32, #tpu.memory_space<vmem>>[vector<16xi32>, vector<16xi32>], vector<16xf32>,
        %broadcast_in_dim3A_1402 = arith.constant 2 : i32
        %broadcast_in_dim3A_1403 = vector.broadcast %broadcast_in_dim3A_1402 : i32 to vector<16xi32>
        %gather3A_1404 = arith.constant 0 : i32
        %gather3A_1405 = arith.constant 0 : i32
        %gather3A_1406 = tpu.memref_slice %arg9[%scan3A_494, %gather3A_1404, %gather3A_1405] : memref<2x2000x8xf32, #tpu.memory_space<vmem>> -> memref<1x2000x8xf32, #tpu.memory_space<vmem>>
        %gather3A_1407 = tpu.memref_squeeze %gather3A_1406 : memref<1x2000x8xf32, #tpu.memory_space<vmem>> -> memref<2000x8xf32, #tpu.memory_space<vmem>>
        %gather3A_1408 = tpu.vector_load_idx %gather3A_1407[%add3A_1387, %broadcast_in_dim3A_1403] : memref<2000x8xf32, #tpu.memory_space<vmem>>[vector<16xi32>, vector<16xi32>], vector<16xf32>,
        %broadcast_in_dim3A_1409 = arith.constant 3 : i32
        %broadcast_in_dim3A_1410 = vector.broadcast %broadcast_in_dim3A_1409 : i32 to vector<16xi32>
        %gather3A_1411 = arith.constant 0 : i32
        %gather3A_1412 = arith.constant 0 : i32
        %gather3A_1413 = tpu.memref_slice %arg9[%scan3A_494, %gather3A_1411, %gather3A_1412] : memref<2x2000x8xf32, #tpu.memory_space<vmem>> -> memref<1x2000x8xf32, #tpu.memory_space<vmem>>
        %gather3A_1414 = tpu.memref_squeeze %gather3A_1413 : memref<1x2000x8xf32, #tpu.memory_space<vmem>> -> memref<2000x8xf32, #tpu.memory_space<vmem>>
        %gather3A_1415 = tpu.vector_load_idx %gather3A_1414[%add3A_1387, %broadcast_in_dim3A_1410] : memref<2000x8xf32, #tpu.memory_space<vmem>>[vector<16xi32>, vector<16xi32>], vector<16xf32>,
        %broadcast_in_dim3A_1416 = arith.constant 4 : i32
        %broadcast_in_dim3A_1417 = vector.broadcast %broadcast_in_dim3A_1416 : i32 to vector<16xi32>
        %gather3A_1418 = arith.constant 0 : i32
        %gather3A_1419 = arith.constant 0 : i32
        %gather3A_1420 = tpu.memref_slice %arg9[%scan3A_494, %gather3A_1418, %gather3A_1419] : memref<2x2000x8xf32, #tpu.memory_space<vmem>> -> memref<1x2000x8xf32, #tpu.memory_space<vmem>>
        %gather3A_1421 = tpu.memref_squeeze %gather3A_1420 : memref<1x2000x8xf32, #tpu.memory_space<vmem>> -> memref<2000x8xf32, #tpu.memory_space<vmem>>
        %gather3A_1422 = tpu.vector_load_idx %gather3A_1421[%add3A_1387, %broadcast_in_dim3A_1417] : memref<2000x8xf32, #tpu.memory_space<vmem>>[vector<16xi32>, vector<16xi32>], vector<16xf32>,
        %broadcast_in_dim3A_1423 = arith.constant 5 : i32
        %broadcast_in_dim3A_1424 = vector.broadcast %broadcast_in_dim3A_1423 : i32 to vector<16xi32>
        %gather3A_1425 = arith.constant 0 : i32
        %gather3A_1426 = arith.constant 0 : i32
        %gather3A_1427 = tpu.memref_slice %arg9[%scan3A_494, %gather3A_1425, %gather3A_1426] : memref<2x2000x8xf32, #tpu.memory_space<vmem>> -> memref<1x2000x8xf32, #tpu.memory_space<vmem>>
        %gather3A_1428 = tpu.memref_squeeze %gather3A_1427 : memref<1x2000x8xf32, #tpu.memory_space<vmem>> -> memref<2000x8xf32, #tpu.memory_space<vmem>>
        %gather3A_1429 = tpu.vector_load_idx %gather3A_1428[%add3A_1387, %broadcast_in_dim3A_1424] : memref<2000x8xf32, #tpu.memory_space<vmem>>[vector<16xi32>, vector<16xi32>], vector<16xf32>,
        %broadcast_in_dim3A_1430 = arith.constant 0 : i32
        %broadcast_in_dim3A_1431 = vector.broadcast %broadcast_in_dim3A_1430 : i32 to vector<16xi32>
        %gather3A_1432 = arith.constant 0 : i32
        %gather3A_1433 = arith.constant 0 : i32
        %gather3A_1434 = tpu.memref_slice %arg10[%scan3A_495, %gather3A_1432, %gather3A_1433] : memref<2x2000x8xf32, #tpu.memory_space<vmem>> -> memref<1x2000x8xf32, #tpu.memory_space<vmem>>
        %gather3A_1435 = tpu.memref_squeeze %gather3A_1434 : memref<1x2000x8xf32, #tpu.memory_space<vmem>> -> memref<2000x8xf32, #tpu.memory_space<vmem>>
        %gather3A_1436 = tpu.vector_load_idx %gather3A_1435[%add3A_1387, %broadcast_in_dim3A_1431] : memref<2000x8xf32, #tpu.memory_space<vmem>>[vector<16xi32>, vector<16xi32>], vector<16xf32>,
        %broadcast_in_dim3A_1437 = arith.constant 1 : i32
        %broadcast_in_dim3A_1438 = vector.broadcast %broadcast_in_dim3A_1437 : i32 to vector<16xi32>
        %gather3A_1439 = arith.constant 0 : i32
        %gather3A_1440 = arith.constant 0 : i32
        %gather3A_1441 = tpu.memref_slice %arg10[%scan3A_495, %gather3A_1439, %gather3A_1440] : memref<2x2000x8xf32, #tpu.memory_space<vmem>> -> memref<1x2000x8xf32, #tpu.memory_space<vmem>>
        %gather3A_1442 = tpu.memref_squeeze %gather3A_1441 : memref<1x2000x8xf32, #tpu.memory_space<vmem>> -> memref<2000x8xf32, #tpu.memory_space<vmem>>
        %gather3A_1443 = tpu.vector_load_idx %gather3A_1442[%add3A_1387, %broadcast_in_dim3A_1438] : memref<2000x8xf32, #tpu.memory_space<vmem>>[vector<16xi32>, vector<16xi32>], vector<16xf32>,
        %broadcast_in_dim3A_1444 = arith.constant 2 : i32
        %broadcast_in_dim3A_1445 = vector.broadcast %broadcast_in_dim3A_1444 : i32 to vector<16xi32>
        %gather3A_1446 = arith.constant 0 : i32
        %gather3A_1447 = arith.constant 0 : i32
        %gather3A_1448 = tpu.memref_slice %arg10[%scan3A_495, %gather3A_1446, %gather3A_1447] : memref<2x2000x8xf32, #tpu.memory_space<vmem>> -> memref<1x2000x8xf32, #tpu.memory_space<vmem>>
        %gather3A_1449 = tpu.memref_squeeze %gather3A_1448 : memref<1x2000x8xf32, #tpu.memory_space<vmem>> -> memref<2000x8xf32, #tpu.memory_space<vmem>>
        %gather3A_1450 = tpu.vector_load_idx %gather3A_1449[%add3A_1387, %broadcast_in_dim3A_1445] : memref<2000x8xf32, #tpu.memory_space<vmem>>[vector<16xi32>, vector<16xi32>], vector<16xf32>,
        %broadcast_in_dim3A_1451 = arith.constant 3 : i32
        %broadcast_in_dim3A_1452 = vector.broadcast %broadcast_in_dim3A_1451 : i32 to vector<16xi32>
        %gather3A_1453 = arith.constant 0 : i32
        %gather3A_1454 = arith.constant 0 : i32
        %gather3A_1455 = tpu.memref_slice %arg10[%scan3A_495, %gather3A_1453, %gather3A_1454] : memref<2x2000x8xf32, #tpu.memory_space<vmem>> -> memref<1x2000x8xf32, #tpu.memory_space<vmem>>
        %gather3A_1456 = tpu.memref_squeeze %gather3A_1455 : memref<1x2000x8xf32, #tpu.memory_space<vmem>> -> memref<2000x8xf32, #tpu.memory_space<vmem>>
        %gather3A_1457 = tpu.vector_load_idx %gather3A_1456[%add3A_1387, %broadcast_in_dim3A_1452] : memref<2000x8xf32, #tpu.memory_space<vmem>>[vector<16xi32>, vector<16xi32>], vector<16xf32>,
        %broadcast_in_dim3A_1458 = arith.constant 4 : i32
        %broadcast_in_dim3A_1459 = vector.broadcast %broadcast_in_dim3A_1458 : i32 to vector<16xi32>
        %gather3A_1460 = arith.constant 0 : i32
        %gather3A_1461 = arith.constant 0 : i32
        %gather3A_1462 = tpu.memref_slice %arg10[%scan3A_495, %gather3A_1460, %gather3A_1461] : memref<2x2000x8xf32, #tpu.memory_space<vmem>> -> memref<1x2000x8xf32, #tpu.memory_space<vmem>>
        %gather3A_1463 = tpu.memref_squeeze %gather3A_1462 : memref<1x2000x8xf32, #tpu.memory_space<vmem>> -> memref<2000x8xf32, #tpu.memory_space<vmem>>
        %gather3A_1464 = tpu.vector_load_idx %gather3A_1463[%add3A_1387, %broadcast_in_dim3A_1459] : memref<2000x8xf32, #tpu.memory_space<vmem>>[vector<16xi32>, vector<16xi32>], vector<16xf32>,
        %broadcast_in_dim3A_1465 = arith.constant 5 : i32
        %broadcast_in_dim3A_1466 = vector.broadcast %broadcast_in_dim3A_1465 : i32 to vector<16xi32>
        %gather3A_1467 = arith.constant 0 : i32
        %gather3A_1468 = arith.constant 0 : i32
        %gather3A_1469 = tpu.memref_slice %arg10[%scan3A_495, %gather3A_1467, %gather3A_1468] : memref<2x2000x8xf32, #tpu.memory_space<vmem>> -> memref<1x2000x8xf32, #tpu.memory_space<vmem>>
        %gather3A_1470 = tpu.memref_squeeze %gather3A_1469 : memref<1x2000x8xf32, #tpu.memory_space<vmem>> -> memref<2000x8xf32, #tpu.memory_space<vmem>>
        %gather3A_1471 = tpu.vector_load_idx %gather3A_1470[%add3A_1387, %broadcast_in_dim3A_1466] : memref<2000x8xf32, #tpu.memory_space<vmem>>[vector<16xi32>, vector<16xi32>], vector<16xf32>,
        %sub3A_1472 = arith.subf %gather3A_1394, %gather3A_1436 : vector<16xf32>
        %sub3A_1473 = arith.subf %gather3A_1401, %gather3A_1443 : vector<16xf32>
        %sub3A_1474 = arith.subf %gather3A_1408, %gather3A_1450 : vector<16xf32>
        %mul3A_1475 = arith.mulf %sub3A_1472, %mul3A_83 : vector<16xf32>
        %mul3A_1476 = arith.mulf %sub3A_1473, %mul3A_86 : vector<16xf32>
        %add3A_1477 = arith.addf %mul3A_1475, %mul3A_1476 : vector<16xf32>
        %mul3A_1478 = arith.mulf %sub3A_1474, %mul3A_89 : vector<16xf32>
        %add3A_1479 = arith.addf %add3A_1477, %mul3A_1478 : vector<16xf32>
        %mul3A_1480 = arith.mulf %sub3A_1472, %mul3A_84 : vector<16xf32>
        %mul3A_1481 = arith.mulf %sub3A_1473, %mul3A_87 : vector<16xf32>
        %add3A_1482 = arith.addf %mul3A_1480, %mul3A_1481 : vector<16xf32>
        %mul3A_1483 = arith.mulf %sub3A_1474, %mul3A_90 : vector<16xf32>
        %add3A_1484 = arith.addf %add3A_1482, %mul3A_1483 : vector<16xf32>
        %mul3A_1485 = arith.mulf %sub3A_1472, %mul3A_85 : vector<16xf32>
        %mul3A_1486 = arith.mulf %sub3A_1473, %mul3A_88 : vector<16xf32>
        %add3A_1487 = arith.addf %mul3A_1485, %mul3A_1486 : vector<16xf32>
        %mul3A_1488 = arith.mulf %sub3A_1474, %mul3A_91 : vector<16xf32>
        %add3A_1489 = arith.addf %add3A_1487, %mul3A_1488 : vector<16xf32>
        %add3A_1490 = arith.constant 5.000000e-01 : f32
        %add3A_1491 = vector.broadcast %add3A_1490 : f32 to vector<16xf32>
        %add3A_1492 = arith.addf %add3A_1479, %add3A_1491 : vector<16xf32>
        %convert_element_type3A_1493 = arith.fptosi %add3A_1492 : vector<16xf32> to vector<16xi32>
        %convert_element_type3A_1494 = arith.sitofp %convert_element_type3A_1493 : vector<16xi32> to vector<16xf32>
        %lt3A_1495 = arith.cmpf olt, %add3A_1492, %convert_element_type3A_1494 : vector<16xf32>
        %sub3A_1496 = arith.constant 1.000000e+00 : f32
        %sub3A_1497 = vector.broadcast %sub3A_1496 : f32 to vector<16xf32>
        %sub3A_1498 = arith.subf %convert_element_type3A_1494, %sub3A_1497 : vector<16xf32>
        %select_n3A_1499 = arith.select %lt3A_1495, %sub3A_1498, %convert_element_type3A_1494 : vector<16xi1>, vector<16xf32>
        %sub3A_1500 = arith.subf %add3A_1479, %select_n3A_1499 : vector<16xf32>
        %add3A_1501 = arith.constant 5.000000e-01 : f32
        %add3A_1502 = vector.broadcast %add3A_1501 : f32 to vector<16xf32>
        %add3A_1503 = arith.addf %add3A_1484, %add3A_1502 : vector<16xf32>
        %convert_element_type3A_1504 = arith.fptosi %add3A_1503 : vector<16xf32> to vector<16xi32>
        %convert_element_type3A_1505 = arith.sitofp %convert_element_type3A_1504 : vector<16xi32> to vector<16xf32>
        %lt3A_1506 = arith.cmpf olt, %add3A_1503, %convert_element_type3A_1505 : vector<16xf32>
        %sub3A_1507 = arith.constant 1.000000e+00 : f32
        %sub3A_1508 = vector.broadcast %sub3A_1507 : f32 to vector<16xf32>
        %sub3A_1509 = arith.subf %convert_element_type3A_1505, %sub3A_1508 : vector<16xf32>
        %select_n3A_1510 = arith.select %lt3A_1506, %sub3A_1509, %convert_element_type3A_1505 : vector<16xi1>, vector<16xf32>
        %sub3A_1511 = arith.subf %add3A_1484, %select_n3A_1510 : vector<16xf32>
        %add3A_1512 = arith.constant 5.000000e-01 : f32
        %add3A_1513 = vector.broadcast %add3A_1512 : f32 to vector<16xf32>
        %add3A_1514 = arith.addf %add3A_1489, %add3A_1513 : vector<16xf32>
        %convert_element_type3A_1515 = arith.fptosi %add3A_1514 : vector<16xf32> to vector<16xi32>
        %convert_element_type3A_1516 = arith.sitofp %convert_element_type3A_1515 : vector<16xi32> to vector<16xf32>
        %lt3A_1517 = arith.cmpf olt, %add3A_1514, %convert_element_type3A_1516 : vector<16xf32>
        %sub3A_1518 = arith.constant 1.000000e+00 : f32
        %sub3A_1519 = vector.broadcast %sub3A_1518 : f32 to vector<16xf32>
        %sub3A_1520 = arith.subf %convert_element_type3A_1516, %sub3A_1519 : vector<16xf32>
        %select_n3A_1521 = arith.select %lt3A_1517, %sub3A_1520, %convert_element_type3A_1516 : vector<16xi1>, vector<16xf32>
        %sub3A_1522 = arith.subf %add3A_1489, %select_n3A_1521 : vector<16xf32>
        %mul3A_1523 = arith.mulf %sub3A_1500, %get3A_5 : vector<16xf32>
        %mul3A_1524 = arith.mulf %sub3A_1511, %get3A_17 : vector<16xf32>
        %add3A_1525 = arith.addf %mul3A_1523, %mul3A_1524 : vector<16xf32>
        %mul3A_1526 = arith.mulf %sub3A_1522, %get3A_29 : vector<16xf32>
        %add3A_1527 = arith.addf %add3A_1525, %mul3A_1526 : vector<16xf32>
        %mul3A_1528 = arith.mulf %sub3A_1500, %get3A_9 : vector<16xf32>
        %mul3A_1529 = arith.mulf %sub3A_1511, %get3A_21 : vector<16xf32>
        %add3A_1530 = arith.addf %mul3A_1528, %mul3A_1529 : vector<16xf32>
        %mul3A_1531 = arith.mulf %sub3A_1522, %get3A_33 : vector<16xf32>
        %add3A_1532 = arith.addf %add3A_1530, %mul3A_1531 : vector<16xf32>
        %mul3A_1533 = arith.mulf %sub3A_1500, %get3A_13 : vector<16xf32>
        %mul3A_1534 = arith.mulf %sub3A_1511, %get3A_25 : vector<16xf32>
        %add3A_1535 = arith.addf %mul3A_1533, %mul3A_1534 : vector<16xf32>
        %mul3A_1536 = arith.mulf %sub3A_1522, %get3A_37 : vector<16xf32>
        %add3A_1537 = arith.addf %add3A_1535, %mul3A_1536 : vector<16xf32>
        %mul3A_1538 = arith.mulf %add3A_1527, %add3A_1527 : vector<16xf32>
        %mul3A_1539 = arith.mulf %add3A_1532, %add3A_1532 : vector<16xf32>
        %add3A_1540 = arith.addf %mul3A_1538, %mul3A_1539 : vector<16xf32>
        %mul3A_1541 = arith.mulf %add3A_1537, %add3A_1537 : vector<16xf32>
        %add3A_1542 = arith.addf %add3A_1540, %mul3A_1541 : vector<16xf32>
        %mul3A_1543 = arith.constant 5.000000e-01 : f32
        %mul3A_1544 = vector.broadcast %mul3A_1543 : f32 to vector<16xf32>
        %mul3A_1545 = arith.mulf %mul3A_1544, %add3A_1542 : vector<16xf32>
        %bitcast_convert_type3A_1546 = tpu.bitcast %add3A_1542 : vector<16xf32> -> vector<16xi32>
        %shift_right_arithmetic3A_1547 = arith.constant 1 : i32
        %shift_right_arithmetic3A_1548 = vector.broadcast %shift_right_arithmetic3A_1547 : i32 to vector<16xi32>
        %shift_right_arithmetic3A_1549 = arith.shrsi %bitcast_convert_type3A_1546, %shift_right_arithmetic3A_1548 : vector<16xi32>
        %sub3A_1550 = arith.constant 1597463007 : i32
        %sub3A_1551 = vector.broadcast %sub3A_1550 : i32 to vector<16xi32>
        %sub3A_1552 = arith.subi %sub3A_1551, %shift_right_arithmetic3A_1549 : vector<16xi32>
        %bitcast_convert_type3A_1553 = tpu.bitcast %sub3A_1552 : vector<16xi32> -> vector<16xf32>
        %mul3A_1554 = arith.mulf %mul3A_1545, %bitcast_convert_type3A_1553 : vector<16xf32>
        %mul3A_1555 = arith.mulf %mul3A_1554, %bitcast_convert_type3A_1553 : vector<16xf32>
        %sub3A_1556 = arith.constant 1.500000e+00 : f32
        %sub3A_1557 = vector.broadcast %sub3A_1556 : f32 to vector<16xf32>
        %sub3A_1558 = arith.subf %sub3A_1557, %mul3A_1555 : vector<16xf32>
        %mul3A_1559 = arith.mulf %bitcast_convert_type3A_1553, %sub3A_1558 : vector<16xf32>
        %mul3A_1560 = arith.mulf %mul3A_1545, %mul3A_1559 : vector<16xf32>
        %mul3A_1561 = arith.mulf %mul3A_1560, %mul3A_1559 : vector<16xf32>
        %sub3A_1562 = arith.constant 1.500000e+00 : f32
        %sub3A_1563 = vector.broadcast %sub3A_1562 : f32 to vector<16xf32>
        %sub3A_1564 = arith.subf %sub3A_1563, %mul3A_1561 : vector<16xf32>
        %mul3A_1565 = arith.mulf %mul3A_1559, %sub3A_1564 : vector<16xf32>
        %mul3A_1566 = arith.mulf %mul3A_1545, %mul3A_1565 : vector<16xf32>
        %mul3A_1567 = arith.mulf %mul3A_1566, %mul3A_1565 : vector<16xf32>
        %sub3A_1568 = arith.constant 1.500000e+00 : f32
        %sub3A_1569 = vector.broadcast %sub3A_1568 : f32 to vector<16xf32>
        %sub3A_1570 = arith.subf %sub3A_1569, %mul3A_1567 : vector<16xf32>
        %mul3A_1571 = arith.mulf %mul3A_1565, %sub3A_1570 : vector<16xf32>
        %mul3A_1572 = arith.mulf %gather3A_1415, %gather3A_1457 : vector<16xf32>
        %sub3A_1573 = arith.subf %mul3A_1571, %div3A_92 : vector<16xf32>
        %mul3A_1574 = arith.mulf %mul3A_1572, %sub3A_1573 : vector<16xf32>
        %mul3A_1575 = arith.mulf %mul3A_1574, %get3A_41 : vector<16xf32>
        %add3A_1576 = arith.addf %gather3A_1422, %gather3A_1464 : vector<16xf32>
        %mul3A_1577 = arith.constant 5.000000e-01 : f32
        %mul3A_1578 = vector.broadcast %mul3A_1577 : f32 to vector<16xf32>
        %mul3A_1579 = arith.mulf %add3A_1576, %mul3A_1578 : vector<16xf32>
        %mul3A_1580 = arith.mulf %mul3A_1579, %mul3A_1579 : vector<16xf32>
        %div3A_1581 = arith.constant 1.000000e+00 : f32
        %div3A_1582 = vector.broadcast %div3A_1581 : f32 to vector<16xf32>
        %div3A_1583 = arith.divf %div3A_1582, %add3A_1542 : vector<16xf32>
        %mul3A_1584 = arith.mulf %mul3A_1580, %div3A_1583 : vector<16xf32>
        %mul3A_1585 = arith.mulf %mul3A_1584, %mul3A_1584 : vector<16xf32>
        %mul3A_1586 = arith.mulf %mul3A_1585, %mul3A_1584 : vector<16xf32>
        %mul3A_1587 = arith.mulf %gather3A_1429, %gather3A_1471 : vector<16xf32>
        %mul3A_1588 = arith.constant 4.000000e+00 : f32
        %mul3A_1589 = vector.broadcast %mul3A_1588 : f32 to vector<16xf32>
        %mul3A_1590 = arith.mulf %mul3A_1589, %mul3A_1587 : vector<16xf32>
        %mul3A_1591 = arith.mulf %mul3A_1590, %mul3A_1586 : vector<16xf32>
        %sub3A_1592 = arith.constant 1.000000e+00 : f32
        %sub3A_1593 = vector.broadcast %sub3A_1592 : f32 to vector<16xf32>
        %sub3A_1594 = arith.subf %mul3A_1586, %sub3A_1593 : vector<16xf32>
        %mul3A_1595 = arith.mulf %mul3A_1591, %sub3A_1594 : vector<16xf32>
        %add3A_1596 = arith.addf %mul3A_1575, %mul3A_1595 : vector<16xf32>
        %le3A_1597 = arith.cmpf ole, %add3A_1542, %mul3A_93 : vector<16xf32>
        %jit3A_1598 = arith.constant 0.000000e+00 : f32
        %broadcast_in_dim3A_1599 = vector.broadcast %jit3A_1598 : f32 to vector<16xf32>
        %select_n3A_1600 = arith.select %le3A_1597, %add3A_1596, %broadcast_in_dim3A_1599 : vector<16xi1>, vector<16xf32>
        %add3A_1601 = arith.addf %add3A_1381, %select_n3A_1600 : vector<16xf32>
        scf.yield %add3A_1601 : vector<16xf32>
      }
      %scan3A_501 = arith.constant 124 : i32
      %scan3A_502 = arith.addi %scan3A_496, %scan3A_501 : i32
      %mul3A_503 = arith.constant 16 : i32
      %mul3A_504 = arith.muli %scan3A_502, %mul3A_503 : i32
      %add3A_505 = vector.broadcast %mul3A_504 : i32 to vector<16xi32>
      %add3A_506 = arith.addi %add3A_505, %iota3A : vector<16xi32>
      %broadcast_in_dim3A_507 = arith.constant 0 : i32
      %broadcast_in_dim3A_508 = vector.broadcast %broadcast_in_dim3A_507 : i32 to vector<16xi32>
      %gather3A_509 = arith.constant 0 : i32
      %gather3A_510 = arith.constant 0 : i32
      %gather3A_511 = tpu.memref_slice %arg9[%scan3A_494, %gather3A_509, %gather3A_510] : memref<2x2000x8xf32, #tpu.memory_space<vmem>> -> memref<1x2000x8xf32, #tpu.memory_space<vmem>>
      %gather3A_512 = tpu.memref_squeeze %gather3A_511 : memref<1x2000x8xf32, #tpu.memory_space<vmem>> -> memref<2000x8xf32, #tpu.memory_space<vmem>>
      %gather3A_513 = tpu.vector_load_idx %gather3A_512[%add3A_506, %broadcast_in_dim3A_508] : memref<2000x8xf32, #tpu.memory_space<vmem>>[vector<16xi32>, vector<16xi32>], vector<16xf32>,
      %broadcast_in_dim3A_514 = arith.constant 1 : i32
      %broadcast_in_dim3A_515 = vector.broadcast %broadcast_in_dim3A_514 : i32 to vector<16xi32>
      %gather3A_516 = arith.constant 0 : i32
      %gather3A_517 = arith.constant 0 : i32
      %gather3A_518 = tpu.memref_slice %arg9[%scan3A_494, %gather3A_516, %gather3A_517] : memref<2x2000x8xf32, #tpu.memory_space<vmem>> -> memref<1x2000x8xf32, #tpu.memory_space<vmem>>
      %gather3A_519 = tpu.memref_squeeze %gather3A_518 : memref<1x2000x8xf32, #tpu.memory_space<vmem>> -> memref<2000x8xf32, #tpu.memory_space<vmem>>
      %gather3A_520 = tpu.vector_load_idx %gather3A_519[%add3A_506, %broadcast_in_dim3A_515] : memref<2000x8xf32, #tpu.memory_space<vmem>>[vector<16xi32>, vector<16xi32>], vector<16xf32>,
      %broadcast_in_dim3A_521 = arith.constant 2 : i32
      %broadcast_in_dim3A_522 = vector.broadcast %broadcast_in_dim3A_521 : i32 to vector<16xi32>
      %gather3A_523 = arith.constant 0 : i32
      %gather3A_524 = arith.constant 0 : i32
      %gather3A_525 = tpu.memref_slice %arg9[%scan3A_494, %gather3A_523, %gather3A_524] : memref<2x2000x8xf32, #tpu.memory_space<vmem>> -> memref<1x2000x8xf32, #tpu.memory_space<vmem>>
      %gather3A_526 = tpu.memref_squeeze %gather3A_525 : memref<1x2000x8xf32, #tpu.memory_space<vmem>> -> memref<2000x8xf32, #tpu.memory_space<vmem>>
      %gather3A_527 = tpu.vector_load_idx %gather3A_526[%add3A_506, %broadcast_in_dim3A_522] : memref<2000x8xf32, #tpu.memory_space<vmem>>[vector<16xi32>, vector<16xi32>], vector<16xf32>,
      %broadcast_in_dim3A_528 = arith.constant 3 : i32
      %broadcast_in_dim3A_529 = vector.broadcast %broadcast_in_dim3A_528 : i32 to vector<16xi32>
      %gather3A_530 = arith.constant 0 : i32
      %gather3A_531 = arith.constant 0 : i32
      %gather3A_532 = tpu.memref_slice %arg9[%scan3A_494, %gather3A_530, %gather3A_531] : memref<2x2000x8xf32, #tpu.memory_space<vmem>> -> memref<1x2000x8xf32, #tpu.memory_space<vmem>>
      %gather3A_533 = tpu.memref_squeeze %gather3A_532 : memref<1x2000x8xf32, #tpu.memory_space<vmem>> -> memref<2000x8xf32, #tpu.memory_space<vmem>>
      %gather3A_534 = tpu.vector_load_idx %gather3A_533[%add3A_506, %broadcast_in_dim3A_529] : memref<2000x8xf32, #tpu.memory_space<vmem>>[vector<16xi32>, vector<16xi32>], vector<16xf32>,
      %broadcast_in_dim3A_535 = arith.constant 4 : i32
      %broadcast_in_dim3A_536 = vector.broadcast %broadcast_in_dim3A_535 : i32 to vector<16xi32>
      %gather3A_537 = arith.constant 0 : i32
      %gather3A_538 = arith.constant 0 : i32
      %gather3A_539 = tpu.memref_slice %arg9[%scan3A_494, %gather3A_537, %gather3A_538] : memref<2x2000x8xf32, #tpu.memory_space<vmem>> -> memref<1x2000x8xf32, #tpu.memory_space<vmem>>
      %gather3A_540 = tpu.memref_squeeze %gather3A_539 : memref<1x2000x8xf32, #tpu.memory_space<vmem>> -> memref<2000x8xf32, #tpu.memory_space<vmem>>
      %gather3A_541 = tpu.vector_load_idx %gather3A_540[%add3A_506, %broadcast_in_dim3A_536] : memref<2000x8xf32, #tpu.memory_space<vmem>>[vector<16xi32>, vector<16xi32>], vector<16xf32>,
      %broadcast_in_dim3A_542 = arith.constant 5 : i32
      %broadcast_in_dim3A_543 = vector.broadcast %broadcast_in_dim3A_542 : i32 to vector<16xi32>
      %gather3A_544 = arith.constant 0 : i32
      %gather3A_545 = arith.constant 0 : i32
      %gather3A_546 = tpu.memref_slice %arg9[%scan3A_494, %gather3A_544, %gather3A_545] : memref<2x2000x8xf32, #tpu.memory_space<vmem>> -> memref<1x2000x8xf32, #tpu.memory_space<vmem>>
      %gather3A_547 = tpu.memref_squeeze %gather3A_546 : memref<1x2000x8xf32, #tpu.memory_space<vmem>> -> memref<2000x8xf32, #tpu.memory_space<vmem>>
      %gather3A_548 = tpu.vector_load_idx %gather3A_547[%add3A_506, %broadcast_in_dim3A_543] : memref<2000x8xf32, #tpu.memory_space<vmem>>[vector<16xi32>, vector<16xi32>], vector<16xf32>,
      %broadcast_in_dim3A_549 = arith.constant 0 : i32
      %broadcast_in_dim3A_550 = vector.broadcast %broadcast_in_dim3A_549 : i32 to vector<16xi32>
      %gather3A_551 = arith.constant 0 : i32
      %gather3A_552 = arith.constant 0 : i32
      %gather3A_553 = tpu.memref_slice %arg10[%scan3A_495, %gather3A_551, %gather3A_552] : memref<2x2000x8xf32, #tpu.memory_space<vmem>> -> memref<1x2000x8xf32, #tpu.memory_space<vmem>>
      %gather3A_554 = tpu.memref_squeeze %gather3A_553 : memref<1x2000x8xf32, #tpu.memory_space<vmem>> -> memref<2000x8xf32, #tpu.memory_space<vmem>>
      %gather3A_555 = tpu.vector_load_idx %gather3A_554[%add3A_506, %broadcast_in_dim3A_550] : memref<2000x8xf32, #tpu.memory_space<vmem>>[vector<16xi32>, vector<16xi32>], vector<16xf32>,
      %broadcast_in_dim3A_556 = arith.constant 1 : i32
      %broadcast_in_dim3A_557 = vector.broadcast %broadcast_in_dim3A_556 : i32 to vector<16xi32>
      %gather3A_558 = arith.constant 0 : i32
      %gather3A_559 = arith.constant 0 : i32
      %gather3A_560 = tpu.memref_slice %arg10[%scan3A_495, %gather3A_558, %gather3A_559] : memref<2x2000x8xf32, #tpu.memory_space<vmem>> -> memref<1x2000x8xf32, #tpu.memory_space<vmem>>
      %gather3A_561 = tpu.memref_squeeze %gather3A_560 : memref<1x2000x8xf32, #tpu.memory_space<vmem>> -> memref<2000x8xf32, #tpu.memory_space<vmem>>
      %gather3A_562 = tpu.vector_load_idx %gather3A_561[%add3A_506, %broadcast_in_dim3A_557] : memref<2000x8xf32, #tpu.memory_space<vmem>>[vector<16xi32>, vector<16xi32>], vector<16xf32>,
      %broadcast_in_dim3A_563 = arith.constant 2 : i32
      %broadcast_in_dim3A_564 = vector.broadcast %broadcast_in_dim3A_563 : i32 to vector<16xi32>
      %gather3A_565 = arith.constant 0 : i32
      %gather3A_566 = arith.constant 0 : i32
      %gather3A_567 = tpu.memref_slice %arg10[%scan3A_495, %gather3A_565, %gather3A_566] : memref<2x2000x8xf32, #tpu.memory_space<vmem>> -> memref<1x2000x8xf32, #tpu.memory_space<vmem>>
      %gather3A_568 = tpu.memref_squeeze %gather3A_567 : memref<1x2000x8xf32, #tpu.memory_space<vmem>> -> memref<2000x8xf32, #tpu.memory_space<vmem>>
      %gather3A_569 = tpu.vector_load_idx %gather3A_568[%add3A_506, %broadcast_in_dim3A_564] : memref<2000x8xf32, #tpu.memory_space<vmem>>[vector<16xi32>, vector<16xi32>], vector<16xf32>,
      %broadcast_in_dim3A_570 = arith.constant 3 : i32
      %broadcast_in_dim3A_571 = vector.broadcast %broadcast_in_dim3A_570 : i32 to vector<16xi32>
      %gather3A_572 = arith.constant 0 : i32
      %gather3A_573 = arith.constant 0 : i32
      %gather3A_574 = tpu.memref_slice %arg10[%scan3A_495, %gather3A_572, %gather3A_573] : memref<2x2000x8xf32, #tpu.memory_space<vmem>> -> memref<1x2000x8xf32, #tpu.memory_space<vmem>>
      %gather3A_575 = tpu.memref_squeeze %gather3A_574 : memref<1x2000x8xf32, #tpu.memory_space<vmem>> -> memref<2000x8xf32, #tpu.memory_space<vmem>>
      %gather3A_576 = tpu.vector_load_idx %gather3A_575[%add3A_506, %broadcast_in_dim3A_571] : memref<2000x8xf32, #tpu.memory_space<vmem>>[vector<16xi32>, vector<16xi32>], vector<16xf32>,
      %broadcast_in_dim3A_577 = arith.constant 4 : i32
      %broadcast_in_dim3A_578 = vector.broadcast %broadcast_in_dim3A_577 : i32 to vector<16xi32>
      %gather3A_579 = arith.constant 0 : i32
      %gather3A_580 = arith.constant 0 : i32
      %gather3A_581 = tpu.memref_slice %arg10[%scan3A_495, %gather3A_579, %gather3A_580] : memref<2x2000x8xf32, #tpu.memory_space<vmem>> -> memref<1x2000x8xf32, #tpu.memory_space<vmem>>
      %gather3A_582 = tpu.memref_squeeze %gather3A_581 : memref<1x2000x8xf32, #tpu.memory_space<vmem>> -> memref<2000x8xf32, #tpu.memory_space<vmem>>
      %gather3A_583 = tpu.vector_load_idx %gather3A_582[%add3A_506, %broadcast_in_dim3A_578] : memref<2000x8xf32, #tpu.memory_space<vmem>>[vector<16xi32>, vector<16xi32>], vector<16xf32>,
      %broadcast_in_dim3A_584 = arith.constant 5 : i32
      %broadcast_in_dim3A_585 = vector.broadcast %broadcast_in_dim3A_584 : i32 to vector<16xi32>
      %gather3A_586 = arith.constant 0 : i32
      %gather3A_587 = arith.constant 0 : i32
      %gather3A_588 = tpu.memref_slice %arg10[%scan3A_495, %gather3A_586, %gather3A_587] : memref<2x2000x8xf32, #tpu.memory_space<vmem>> -> memref<1x2000x8xf32, #tpu.memory_space<vmem>>
      %gather3A_589 = tpu.memref_squeeze %gather3A_588 : memref<1x2000x8xf32, #tpu.memory_space<vmem>> -> memref<2000x8xf32, #tpu.memory_space<vmem>>
      %gather3A_590 = tpu.vector_load_idx %gather3A_589[%add3A_506, %broadcast_in_dim3A_585] : memref<2000x8xf32, #tpu.memory_space<vmem>>[vector<16xi32>, vector<16xi32>], vector<16xf32>,
      %sub3A_591 = arith.subf %gather3A_513, %gather3A_555 : vector<16xf32>
      %sub3A_592 = arith.subf %gather3A_520, %gather3A_562 : vector<16xf32>
      %sub3A_593 = arith.subf %gather3A_527, %gather3A_569 : vector<16xf32>
      %mul3A_594 = arith.mulf %sub3A_591, %mul3A_83 : vector<16xf32>
      %mul3A_595 = arith.mulf %sub3A_592, %mul3A_86 : vector<16xf32>
      %add3A_596 = arith.addf %mul3A_594, %mul3A_595 : vector<16xf32>
      %mul3A_597 = arith.mulf %sub3A_593, %mul3A_89 : vector<16xf32>
      %add3A_598 = arith.addf %add3A_596, %mul3A_597 : vector<16xf32>
      %mul3A_599 = arith.mulf %sub3A_591, %mul3A_84 : vector<16xf32>
      %mul3A_600 = arith.mulf %sub3A_592, %mul3A_87 : vector<16xf32>
      %add3A_601 = arith.addf %mul3A_599, %mul3A_600 : vector<16xf32>
      %mul3A_602 = arith.mulf %sub3A_593, %mul3A_90 : vector<16xf32>
      %add3A_603 = arith.addf %add3A_601, %mul3A_602 : vector<16xf32>
      %mul3A_604 = arith.mulf %sub3A_591, %mul3A_85 : vector<16xf32>
      %mul3A_605 = arith.mulf %sub3A_592, %mul3A_88 : vector<16xf32>
      %add3A_606 = arith.addf %mul3A_604, %mul3A_605 : vector<16xf32>
      %mul3A_607 = arith.mulf %sub3A_593, %mul3A_91 : vector<16xf32>
      %add3A_608 = arith.addf %add3A_606, %mul3A_607 : vector<16xf32>
      %add3A_609 = arith.constant 5.000000e-01 : f32
      %add3A_610 = vector.broadcast %add3A_609 : f32 to vector<16xf32>
      %add3A_611 = arith.addf %add3A_598, %add3A_610 : vector<16xf32>
      %convert_element_type3A_612 = arith.fptosi %add3A_611 : vector<16xf32> to vector<16xi32>
      %convert_element_type3A_613 = arith.sitofp %convert_element_type3A_612 : vector<16xi32> to vector<16xf32>
      %lt3A_614 = arith.cmpf olt, %add3A_611, %convert_element_type3A_613 : vector<16xf32>
      %sub3A_615 = arith.constant 1.000000e+00 : f32
      %sub3A_616 = vector.broadcast %sub3A_615 : f32 to vector<16xf32>
      %sub3A_617 = arith.subf %convert_element_type3A_613, %sub3A_616 : vector<16xf32>
      %select_n3A_618 = arith.select %lt3A_614, %sub3A_617, %convert_element_type3A_613 : vector<16xi1>, vector<16xf32>
      %sub3A_619 = arith.subf %add3A_598, %select_n3A_618 : vector<16xf32>
      %add3A_620 = arith.constant 5.000000e-01 : f32
      %add3A_621 = vector.broadcast %add3A_620 : f32 to vector<16xf32>
      %add3A_622 = arith.addf %add3A_603, %add3A_621 : vector<16xf32>
      %convert_element_type3A_623 = arith.fptosi %add3A_622 : vector<16xf32> to vector<16xi32>
      %convert_element_type3A_624 = arith.sitofp %convert_element_type3A_623 : vector<16xi32> to vector<16xf32>
      %lt3A_625 = arith.cmpf olt, %add3A_622, %convert_element_type3A_624 : vector<16xf32>
      %sub3A_626 = arith.constant 1.000000e+00 : f32
      %sub3A_627 = vector.broadcast %sub3A_626 : f32 to vector<16xf32>
      %sub3A_628 = arith.subf %convert_element_type3A_624, %sub3A_627 : vector<16xf32>
      %select_n3A_629 = arith.select %lt3A_625, %sub3A_628, %convert_element_type3A_624 : vector<16xi1>, vector<16xf32>
      %sub3A_630 = arith.subf %add3A_603, %select_n3A_629 : vector<16xf32>
      %add3A_631 = arith.constant 5.000000e-01 : f32
      %add3A_632 = vector.broadcast %add3A_631 : f32 to vector<16xf32>
      %add3A_633 = arith.addf %add3A_608, %add3A_632 : vector<16xf32>
      %convert_element_type3A_634 = arith.fptosi %add3A_633 : vector<16xf32> to vector<16xi32>
      %convert_element_type3A_635 = arith.sitofp %convert_element_type3A_634 : vector<16xi32> to vector<16xf32>
      %lt3A_636 = arith.cmpf olt, %add3A_633, %convert_element_type3A_635 : vector<16xf32>
      %sub3A_637 = arith.constant 1.000000e+00 : f32
      %sub3A_638 = vector.broadcast %sub3A_637 : f32 to vector<16xf32>
      %sub3A_639 = arith.subf %convert_element_type3A_635, %sub3A_638 : vector<16xf32>
      %select_n3A_640 = arith.select %lt3A_636, %sub3A_639, %convert_element_type3A_635 : vector<16xi1>, vector<16xf32>
      %sub3A_641 = arith.subf %add3A_608, %select_n3A_640 : vector<16xf32>
      %mul3A_642 = arith.mulf %sub3A_619, %get3A_5 : vector<16xf32>
      %mul3A_643 = arith.mulf %sub3A_630, %get3A_17 : vector<16xf32>
      %add3A_644 = arith.addf %mul3A_642, %mul3A_643 : vector<16xf32>
      %mul3A_645 = arith.mulf %sub3A_641, %get3A_29 : vector<16xf32>
      %add3A_646 = arith.addf %add3A_644, %mul3A_645 : vector<16xf32>
      %mul3A_647 = arith.mulf %sub3A_619, %get3A_9 : vector<16xf32>
      %mul3A_648 = arith.mulf %sub3A_630, %get3A_21 : vector<16xf32>
      %add3A_649 = arith.addf %mul3A_647, %mul3A_648 : vector<16xf32>
      %mul3A_650 = arith.mulf %sub3A_641, %get3A_33 : vector<16xf32>
      %add3A_651 = arith.addf %add3A_649, %mul3A_650 : vector<16xf32>
      %mul3A_652 = arith.mulf %sub3A_619, %get3A_13 : vector<16xf32>
      %mul3A_653 = arith.mulf %sub3A_630, %get3A_25 : vector<16xf32>
      %add3A_654 = arith.addf %mul3A_652, %mul3A_653 : vector<16xf32>
      %mul3A_655 = arith.mulf %sub3A_641, %get3A_37 : vector<16xf32>
      %add3A_656 = arith.addf %add3A_654, %mul3A_655 : vector<16xf32>
      %mul3A_657 = arith.mulf %add3A_646, %add3A_646 : vector<16xf32>
      %mul3A_658 = arith.mulf %add3A_651, %add3A_651 : vector<16xf32>
      %add3A_659 = arith.addf %mul3A_657, %mul3A_658 : vector<16xf32>
      %mul3A_660 = arith.mulf %add3A_656, %add3A_656 : vector<16xf32>
      %add3A_661 = arith.addf %add3A_659, %mul3A_660 : vector<16xf32>
      %mul3A_662 = arith.constant 5.000000e-01 : f32
      %mul3A_663 = vector.broadcast %mul3A_662 : f32 to vector<16xf32>
      %mul3A_664 = arith.mulf %mul3A_663, %add3A_661 : vector<16xf32>
      %bitcast_convert_type3A_665 = tpu.bitcast %add3A_661 : vector<16xf32> -> vector<16xi32>
      %shift_right_arithmetic3A_666 = arith.constant 1 : i32
      %shift_right_arithmetic3A_667 = vector.broadcast %shift_right_arithmetic3A_666 : i32 to vector<16xi32>
      %shift_right_arithmetic3A_668 = arith.shrsi %bitcast_convert_type3A_665, %shift_right_arithmetic3A_667 : vector<16xi32>
      %sub3A_669 = arith.constant 1597463007 : i32
      %sub3A_670 = vector.broadcast %sub3A_669 : i32 to vector<16xi32>
      %sub3A_671 = arith.subi %sub3A_670, %shift_right_arithmetic3A_668 : vector<16xi32>
      %bitcast_convert_type3A_672 = tpu.bitcast %sub3A_671 : vector<16xi32> -> vector<16xf32>
      %mul3A_673 = arith.mulf %mul3A_664, %bitcast_convert_type3A_672 : vector<16xf32>
      %mul3A_674 = arith.mulf %mul3A_673, %bitcast_convert_type3A_672 : vector<16xf32>
      %sub3A_675 = arith.constant 1.500000e+00 : f32
      %sub3A_676 = vector.broadcast %sub3A_675 : f32 to vector<16xf32>
      %sub3A_677 = arith.subf %sub3A_676, %mul3A_674 : vector<16xf32>
      %mul3A_678 = arith.mulf %bitcast_convert_type3A_672, %sub3A_677 : vector<16xf32>
      %mul3A_679 = arith.mulf %mul3A_664, %mul3A_678 : vector<16xf32>
      %mul3A_680 = arith.mulf %mul3A_679, %mul3A_678 : vector<16xf32>
      %sub3A_681 = arith.constant 1.500000e+00 : f32
      %sub3A_682 = vector.broadcast %sub3A_681 : f32 to vector<16xf32>
      %sub3A_683 = arith.subf %sub3A_682, %mul3A_680 : vector<16xf32>
      %mul3A_684 = arith.mulf %mul3A_678, %sub3A_683 : vector<16xf32>
      %mul3A_685 = arith.mulf %mul3A_664, %mul3A_684 : vector<16xf32>
      %mul3A_686 = arith.mulf %mul3A_685, %mul3A_684 : vector<16xf32>
      %sub3A_687 = arith.constant 1.500000e+00 : f32
      %sub3A_688 = vector.broadcast %sub3A_687 : f32 to vector<16xf32>
      %sub3A_689 = arith.subf %sub3A_688, %mul3A_686 : vector<16xf32>
      %mul3A_690 = arith.mulf %mul3A_684, %sub3A_689 : vector<16xf32>
      %mul3A_691 = arith.mulf %gather3A_534, %gather3A_576 : vector<16xf32>
      %sub3A_692 = arith.subf %mul3A_690, %div3A_92 : vector<16xf32>
      %mul3A_693 = arith.mulf %mul3A_691, %sub3A_692 : vector<16xf32>
      %mul3A_694 = arith.mulf %mul3A_693, %get3A_41 : vector<16xf32>
      %add3A_695 = arith.addf %gather3A_541, %gather3A_583 : vector<16xf32>
      %mul3A_696 = arith.constant 5.000000e-01 : f32
      %mul3A_697 = vector.broadcast %mul3A_696 : f32 to vector<16xf32>
      %mul3A_698 = arith.mulf %add3A_695, %mul3A_697 : vector<16xf32>
      %mul3A_699 = arith.mulf %mul3A_698, %mul3A_698 : vector<16xf32>
      %div3A_700 = arith.constant 1.000000e+00 : f32
      %div3A_701 = vector.broadcast %div3A_700 : f32 to vector<16xf32>
      %div3A_702 = arith.divf %div3A_701, %add3A_661 : vector<16xf32>
      %mul3A_703 = arith.mulf %mul3A_699, %div3A_702 : vector<16xf32>
      %mul3A_704 = arith.mulf %mul3A_703, %mul3A_703 : vector<16xf32>
      %mul3A_705 = arith.mulf %mul3A_704, %mul3A_703 : vector<16xf32>
      %mul3A_706 = arith.mulf %gather3A_548, %gather3A_590 : vector<16xf32>
      %mul3A_707 = arith.constant 4.000000e+00 : f32
      %mul3A_708 = vector.broadcast %mul3A_707 : f32 to vector<16xf32>
      %mul3A_709 = arith.mulf %mul3A_708, %mul3A_706 : vector<16xf32>
      %mul3A_710 = arith.mulf %mul3A_709, %mul3A_705 : vector<16xf32>
      %sub3A_711 = arith.constant 1.000000e+00 : f32
      %sub3A_712 = vector.broadcast %sub3A_711 : f32 to vector<16xf32>
      %sub3A_713 = arith.subf %mul3A_705, %sub3A_712 : vector<16xf32>
      %mul3A_714 = arith.mulf %mul3A_710, %sub3A_713 : vector<16xf32>
      %add3A_715 = arith.addf %mul3A_694, %mul3A_714 : vector<16xf32>
      %le3A_716 = arith.cmpf ole, %add3A_661, %mul3A_93 : vector<16xf32>
      %jit3A_717 = arith.constant 0.000000e+00 : f32
      %broadcast_in_dim3A_718 = vector.broadcast %jit3A_717 : f32 to vector<16xf32>
      %select_n3A_719 = arith.select %le3A_716, %add3A_715, %broadcast_in_dim3A_718 : vector<16xi1>, vector<16xf32>
      %add3A_720 = arith.addf %scan3A_500, %select_n3A_719 : vector<16xf32>
      %scan3A_721 = arith.constant 125 : i32
      scf.yield %add3A_720 : vector<16xf32>
    }
    %scan3A_185 = arith.constant 50 : i32
    %swap3A = arith.constant 0 : index
    %swap3A_186 = tpu.vector_load %arg12[%swap3A] {strides = array<i32>} : memref<16xf32, #tpu.memory_space<vmem>>, vector<16xf32>,
    tpu.vector_store %arg12[%swap3A], %scan3A_184 {strides = array<i32>} : memref<16xf32, #tpu.memory_space<vmem>>, vector<16xf32>,
    "tpu.region"() ({
      %run_scoped3A = tpu.sem_alloc : memref<!tpu.dma_semaphore, #tpu.memory_space<semaphore_mem>>
      %dma_start3A_187 = arith.constant 0 : i32
      %dma_start3A_188 = tpu.memref_slice %arg6[%add3A, %dma_start3A_187] : memref<32x16xf32, #tpu.memory_space<hbm>> -> memref<1x16xf32, #tpu.memory_space<hbm>>
      %dma_start3A_189 = tpu.memref_squeeze %dma_start3A_188 : memref<1x16xf32, #tpu.memory_space<hbm>> -> memref<16xf32, #tpu.memory_space<hbm>>
      %dma_start3A_190 = arith.constant 0 : i32
      %dma_start3A_191 = tpu.memref_slice %arg6[%add3A, %dma_start3A_190] : memref<32x16xf32, #tpu.memory_space<hbm>> -> memref<1x16xf32, #tpu.memory_space<hbm>>
      %dma_start3A_192 = tpu.memref_squeeze %dma_start3A_191 : memref<1x16xf32, #tpu.memory_space<hbm>> -> memref<16xf32, #tpu.memory_space<hbm>>
      tpu.enqueue_dma source(%arg12 : memref<16xf32, #tpu.memory_space<vmem>>) target(%dma_start3A_192 : memref<16xf32, #tpu.memory_space<hbm>>) target_semaphore(%run_scoped3A : memref<!tpu.dma_semaphore, #tpu.memory_space<semaphore_mem>>)
      %dma_wait3A_193 = arith.constant 0 : i32
      %dma_wait3A_194 = tpu.memref_slice %arg6[%add3A, %dma_wait3A_193] : memref<32x16xf32, #tpu.memory_space<hbm>> -> memref<1x16xf32, #tpu.memory_space<hbm>>
      %dma_wait3A_195 = tpu.memref_squeeze %dma_wait3A_194 : memref<1x16xf32, #tpu.memory_space<hbm>> -> memref<16xf32, #tpu.memory_space<hbm>>
      %dma_wait3A_196 = arith.constant 0 : i32
      %dma_wait3A_197 = tpu.memref_slice %arg6[%add3A, %dma_wait3A_196] : memref<32x16xf32, #tpu.memory_space<hbm>> -> memref<1x16xf32, #tpu.memory_space<hbm>>
      %dma_wait3A_198 = tpu.memref_squeeze %dma_wait3A_197 : memref<1x16xf32, #tpu.memory_space<hbm>> -> memref<16xf32, #tpu.memory_space<hbm>>
      tpu.wait_dma2 semaphore(%run_scoped3A : memref<!tpu.dma_semaphore, #tpu.memory_space<semaphore_mem>>) src(%arg12 : memref<16xf32, #tpu.memory_space<vmem>>) dst(%dma_wait3A_198 : memref<16xf32, #tpu.memory_space<hbm>>)
      tpu.yield
    }) : () -> ()
    return
  }
}

</mosaic_0001>

<sc_bundles>
// kernel: kernel.3.cloned.1.call-start
scs
__scs_entry_jumppad:
0x0: {  	(pc) =	sbr.rel $0x88, $3  }
0x1: {  	(tag) =	ssettag $0x0;
	lr =	simm.s32 $0x1  }
0x2: {  	[smem:$0x3F98] =	sst lr;
	_ =	strace $0xD0000000  }
0x3: {  	_ = 	snop  }
0x4: {  	_ = 	snop  }
0x5: {  	_ = 	snop  }
0x6: {  	_ = 	snop  }
0x7: {  	_ = 	snop  }
__scs_overlays_trampoline_lowered:
0x8: {  	[smem:$0x3FA7] =	sst s0  }
0x9: {  	[smem:$0x3FA8] =	sst s1  }
0xa: {  	[smem:$0x3FA9] =	sst s2  }
0xb: {  	[smem:$0x3FAA] =	sst s3  }
0xc: {  	[smem:$0x3FAB] =	sst s4  }
0xd: {  	[smem:$0x3FAC] =	sst s5  }
0xe: {  	[smem:$0x3FAD] =	sst s6  }
0xf: {  	[smem:$0x3FAE] =	sst s7  }
0x10: {  	[smem:$0x3FAF] =	sst s8  }
0x11: {  	[smem:$0x3FB0] =	sst s9;
	s0 =	simm.s32 @!p0 $0x0  }
0x12: {  	s1 =	sld [smem:$0x3F96];
	s0 =	simm.s32 @p0 $0x1  }
0x13: {  	[smem:$0x3FB1] =	sst s0;
	s0 =	simm.s32 @!p1 $0x0  }
0x14: {  	s2 =	sld [smem:$0x3F95];
	s0 =	simm.s32 @p1 $0x1  }
0x15: {  	[smem:$0x3FB2] =	sst s0;
	s0 =	simm.s32 @!p2 $0x0  }
0x16: {  	s3 =	sld [smem:$0x3FDB];
	s0 =	simm.s32 @p2 $0x1  }
0x17: {  	s4 =	simm.s32 $0x1BF5;
	[smem:$0x3FB4] =	sst s0  }
0x18: {  	s0 =	sld [smem:$0x3F97];
	_ =	swait.ge [sflag:s4], $0x0  }
0x19: {  	s7 =	sld [smem:$0x3F98]  }
0x1a: {  	s8 =	sadd.s32 $0xFFFFE003, lr  }
0x1b: {  	s9 =	sadd.s32 $0xFFFFFEF7, lr;
	s5 =	simm.s32 $0xFFFFFFFF;
	p2 =	slt.u32 s8, $0xFFFFF086  }
0x1c: {  	p1 =	slt.u32 s9, $0xF7A;
	s5 =	simm.s32 @!p2 $0x0  }
0x1d: {  	s5 =	simm.s32 @p1 $0x1;
	p0 =	seq.s32 s7, s2  }
0x1e: {  	s7 =	smul.u32 @!p0 $0xF7A, s2;
	p2 =	seq.s32 @!p0 s5, $0x0  }
0x1f: {  	s9 =	smul.u32 $0xF7A, s1;
	s8 =	simm.s32 @!p0 $0x1BF5;
	p2 =	por !p2, p0  }
0x20: {  	[sflag:s8] =	ssyncset.s32 @!p0 $0xFFFFF086;
	s6 =	sadd.s32 @!p0 s3, s7;
	s7 =	simm.s32 @!p0 $0x108  }
0x21: {  	s3 =	sadd.s32 s3, s9;
	s6 =	sadd.s32 @!p0 $0x88, s6;
	s7 =	simm.s32 @p2 $0x1082  }
0x22: {  	[simem:s7], [sflag:s8] =	dma.local @!p0 [hbm:s6], $0xF7A  }
0x23: {  	s9 =	sor.u32 $0xD0000000, s2;
	s6 =	simm.s32 $0x108;
	_ =	swait.ge @!p0 [sflag:s8], $0x0  }
0x24: {  	s3 =	sadd.s32 $0x88, s3;
	s6 =	simm.s32 @!p1 $0x1082;
	[sflag:s4] =	ssyncset.s32 $0xFFFFF086  }
0x25: {  	[simem:s6], [sflag:s4] =	dma.local [hbm:s3], $0xF7A  }
0x26: {  	[smem:$0x3F98] =	sst s1;
	(tag) =	ssettag s2;
	_ =	strace s9  }
0x27: {  	s1 =	sld [smem:$0x3FA8]  }
0x28: {  	s2 =	sld [smem:$0x3FA9]  }
0x29: {  	s4 =	sld [smem:$0x3FAB]  }
0x2a: {  	p0 =	seq.s32 s5, $0x0;
	s5 =	sld [smem:$0x3FAC]  }
0x2b: {  	s6 =	sld [smem:$0x3FAD]  }
0x2c: {  	s7 =	sld [smem:$0x3FAE]  }
0x2d: {  	s3 =	simm.s32 $0x108;
	s8 =	sld [smem:$0x3FAF]  }
0x2e: {  	s3 =	simm.s32 @!p0 $0x1082;
	s9 =	sld [smem:$0x3FB0]  }
0x2f: {  	lr =	sadd.s32 s0, s3;
	s0 =	sld [smem:$0x3FA7]  }
0x30: {  	s3 =	sld [smem:$0x3FAA]  }
0x31: {  	[smem:$0x3FB3] =	sst s10  }
0x32: {  	s10 =	sld [smem:$0x3FB1];
	_ =	sdelay $0x3  }
0x33: {  	p0 =	seq.s32 s10, $0x1;
	s10 =	sld [smem:$0x3FB3];
	_ =	sdelay $0x3  }
0x34: {  	[smem:$0x3FB3] =	sst s10  }
0x35: {  	s10 =	sld [smem:$0x3FB2];
	_ =	sdelay $0x3  }
0x36: {  	p1 =	seq.s32 s10, $0x1;
	s10 =	sld [smem:$0x3FB3];
	_ =	sdelay $0x3  }
0x37: {  	[smem:$0x3FB3] =	sst s10  }
0x38: {  	s10 =	sld [smem:$0x3FB4]  }
0x39: {  	_ = 	snop;
	(pc) =	sbr.ind lr, $3  }
0x3a: {  	_ = 	snop  }
0x3b: {  	_ = 	snop  }
0x3c: {  	p2 =	seq.s32 s10, $0x1;
	s10 =	sld [smem:$0x3FB3]  }
0x3d: {  	_ =	shalt  }
0x3e: {  	_ =	shalt  }
0x3f: {  	_ =	shalt  }
0x40: {  	_ =	shalt  }
0x41: {  	_ =	shalt  }
0x42: {  	_ =	shalt  }
0x43: {  	_ =	shalt  }
0x44: {  	_ =	shalt  }
0x45: {  	_ =	shalt  }
0x46: {  	_ =	shalt  }
0x47: {  	_ =	shalt  }
0x48: {  	_ =	shalt  }
0x49: {  	_ =	shalt  }
0x4a: {  	_ =	shalt  }
0x4b: {  	_ =	shalt  }
0x4c: {  	_ =	shalt  }
0x4d: {  	_ =	shalt  }
0x4e: {  	_ =	shalt  }
0x4f: {  	_ =	shalt  }
0x50: {  	_ =	shalt  }
0x51: {  	_ =	shalt  }
0x52: {  	_ =	shalt  }
0x53: {  	_ =	shalt  }
0x54: {  	_ =	shalt  }
0x55: {  	_ =	shalt  }
0x56: {  	_ =	shalt  }
0x57: {  	_ =	shalt  }
0x58: {  	_ =	shalt  }
0x59: {  	_ =	shalt  }
0x5a: {  	_ =	shalt  }
0x5b: {  	_ =	shalt  }
0x5c: {  	_ =	shalt  }
0x5d: {  	_ =	shalt  }
0x5e: {  	_ =	shalt  }
0x5f: {  	_ =	shalt  }
0x60: {  	_ =	shalt  }
0x61: {  	_ =	shalt  }
0x62: {  	_ =	shalt  }
0x63: {  	_ =	shalt  }
0x64: {  	_ =	shalt  }
0x65: {  	_ =	shalt  }
0x66: {  	_ =	shalt  }
0x67: {  	_ =	shalt  }
0x68: {  	_ =	shalt  }
0x69: {  	_ =	shalt  }
0x6a: {  	_ =	shalt  }
0x6b: {  	_ =	shalt  }
0x6c: {  	_ =	shalt  }
0x6d: {  	_ =	shalt  }
0x6e: {  	_ =	shalt  }
0x6f: {  	_ =	shalt  }
0x70: {  	_ =	shalt  }
0x71: {  	_ =	shalt  }
0x72: {  	_ =	shalt  }
0x73: {  	_ =	shalt  }
0x74: {  	_ =	shalt  }
0x75: {  	_ =	shalt  }
0x76: {  	_ =	shalt  }
0x77: {  	_ =	shalt  }
0x78: {  	_ =	shalt  }
0x79: {  	_ =	shalt  }
0x7a: {  	_ =	shalt  }
0x7b: {  	_ =	shalt  }
0x7c: {  	_ =	shalt  }
0x7d: {  	_ =	shalt  }
0x7e: {  	_ =	shalt  }
0x7f: {  	_ =	shalt  }
0x80: {  	_ =	shalt  }
0x81: {  	_ =	shalt  }
0x82: {  	_ =	shalt  }
0x83: {  	_ =	shalt  }
0x84: {  	_ =	shalt  }
0x85: {  	_ =	shalt  }
0x86: {  	_ =	shalt  }
0x87: {  	_ =	shalt  }
.Lfunc_end0:
.L_simem_size_0:
called_computation_lowered:
.L_overlay_start_0:
0x88: {  	s2 =	sld [smem:$0x3FD9]  }
0x89: {  	s3 =	sld [smem:$0x3FFE];
	_ =	sdelay $0x1  }
0x8a: {  	s1 =	srdreg.scid  }
0x8b: {  	s0 =	sand.u32 $0x1, s1  }
0x8c: {  	s16 =	sshll.u32 s0, $0xA;
	s2 =	sadd.s32 s3, s2  }
0x8d: {  	s2 =	sadd.s32 s2, s16  }
0x8e: {  	[smem:$0x3FBF] =	sst s2  }
0x8f: {  	_ = 	snop  }
0x90: {  	(tm) =	ssettm $0x1  }
0x91: {  	s17 =	sld [smem:$0x3FFB];
	_ =	sdelay $0x3  }
0x92: {  	_ =	strace s17  }
0x93: {  	s2 =	sld [smem:$0x3FFC];
	_ =	sdelay $0x3  }
0x94: {  	_ =	strace s2  }
0x95: {  	s2 =	sld [smem:$0x3FFD];
	_ =	sdelay $0x3  }
0x96: {  	_ =	strace s2  }
0x97: {  	_ =	strace $0x8FFFFFFF  }
0x98: {  	s18 =	sld [smem:$0x3FDB];
	_ =	sdelay $0x1  }
0x99: {  	s19 =	simm.s32 $_scs_section_size  }
0x9a: {  	s4 =	simm.s32 $_size__tile_overlayer_lowered;
	s5 =	simm.s32 $_tile_overlayer_lowered  }
0x9b: {  	s22 =	simm.s32 $0x1BFF;
	s21 =	sshll.u32 s5, $0x1;
	s2 =	sadd.s32 s19, s18  }
0x9c: {  	s6 =	simm.s32 $0x0;
	s20 =	sshll.u32 s4, $0x1;
	s4 =	sadd.s32 s21, s2  }
0x9d: {  	[timem:s6], [sflag:s22] =	dma.local [hbm:s4], s20  }
0x9e: {  	_ =	swait.ge [sflag:s22], s20  }
0x9f: {  	s3 =	ssub.s32 $0x0, s20;
	[sflag:s22] =	ssyncset.done $0x0  }
0xa0: {  	[sflag:s22] =	ssyncadd.s32 s3;
	_ =	sdelay $0x1  }
0xa1: {  	s23 =	simm.s32 $0x1B8B  }
0xa2: {  	_ =	swait.ge [sflag:s23], $0x1  }
0xa3: {  	[sflag:s23] =	ssyncset.done $0x0  }
0xa4: {  	s25 =	simm.s32 $0x1B8E;
	s24 =	sld [smem:$0x3FFE];
	[sflag:s23] =	ssyncadd.s32 $0xFFFFFFFF  }
0xa5: {  	s26 =	simm.s32 $execute0_lowered;
	[smem:$0x3FD2] =	sst s25  }
0xa6: {  	s4 =	sshll.u32 s26, $0x1;
	_ =	strace $0x80000046;
	[dreg:$0x1] =	wrdreg $0xFFFFFFFF  }
0xa7: {  	s28 =	simm.s32 $_size_execute0_lowered;
	s2 =	sadd.s32 s2, s4;
	[dreg:$0x0] =	wrdreg $0x0  }
0xa8: {  	s4 =	sshll.u32 s28, $0x1;
	[dreg:$0x2] =	wrdreg s2  }
0xa9: {  	[dreg:$0x3] =	wrdreg s4  }
0xaa: {  	[dreg:$0x4] =	wrdreg $0xC0  }
0xab: {  	_ =	task [dreg:s6], $0x5FFFF  }
0xac: {  	[dreg:$0x1] =	wrdreg $0xFFFFFFFF  }
0xad: {  	[dreg:$0x0] =	wrdreg $0x60  }
0xae: {  	[dreg:$0x2] =	wrdreg s24  }
0xaf: {  	[dreg:$0x3] =	wrdreg $0x11A500  }
0xb0: {  	[dreg:$0x4] =	wrdreg $0x9  }
0xb1: {  	_ =	task.clear_ibuf [dreg:s6], $0x5FFFF;
	_ =	strace $0x90000046  }
0xb2: {  	s29 =	simm.s32 $0x9;
	_ =	strace $0x80000048  }
0xb3: {  	_ =	swait.ge [sflag:s29], $0x1  }
0xb4: {  	[sflag:s29] =	ssyncadd.s32 $0xFFFFFFFF  }
0xb5: {  	_ =	strace $0x90000048  }
0xb6: {  	_ =	sfence  }
0xb7: {  	s30 =	sld [smem:$0x0];
	_ =	sdelay $0x2  }
0xb8: {  	s31 =	sshll.u32 s1, $0xD;
	s1 =	sshrl.u32 s1, $0x2  }
0xb9: {  	s3 =	sand.u32 $0x4000, s31;
	s1 =	sadd.s32 s1, s30  }
0xba: {  	s0 =	sor.u32 s3, s0;
	s1 =	sshll.u32 s1, $0x11  }
0xbb: {  	s0 =	sor.u32 s1, s0  }
0xbc: {  	s0 =	sadd.s32 $0x8F2B, s0  }
0xbd: {  	[sflag:s0] =	ssyncadd.remote.s32 $0x1  }
0xbe: {  	_ =	sfence.sel $0xFFFF  }
0xbf: {  	[dreg:$0x0] =	wrdreg $0xFFFFFFFF;
	(pc) =	sbr.abs _section_cstart, $3  }
0xc0: {  	[dreg:$0x1] =	wrdreg $0xFFFFFFFF  }
0xc1: {  	_ =	task.clear_ibuf [dreg:s6], $0x2FFFF;
	_ =	strace $0x9FFFFFFF  }
0xc2: {  	(tm) =	ssettm $0x7FFFFFFF  }
0xc3: {  	_ =	shalt  }
tec
execute0_lowered:
.L_overlay_start_1:
0x0: {  	(tag) =	ssettag $0x1  }
0x1: {  	s0 =	rddreg [dreg:$0x0]  }
0x2: {  	s1 =	rddreg [dreg:$0x1]  }
0x3: {  	s3 =	srdreg.scid;
	s2 =	simm.s32 $0x0;
	s6 =	stileid.u32  }
0x4: {  	s16 =	simm.s32 $0x9;
	s19 =	simm.s32 $0x1;
	s20 =	simm.s32 $0x3  }
0x5: {  	s21 =	simm.s32 $0x7D0;
	s22 =	simm.s32 $0x1F40;
	s23 =	simm.s32 $0x9C40  }
0x6: {  	s28 =	simm.s32 $0x5DC0;
	s29 =	simm.s32 $0xDAC0;
	s30 =	simm.s32 $0x5  }
0x7: {  	s31 =	simm.s32 $0x7;
	s15 =	simm.s32 $0x0;
	s3 =	sand.u32 $0x1, s3  }
0x8: {  	[smem:$0x7FF] =	sst s2;
	s5 =	sadd.s32 $0x186E00, s0;
	s8 =	sadd.s32 $0x200, s0  }
0x9: {  	p0 =	sne.s32 s6, $0x0;
	_ =	strace $0x80000047;
	[dreg:$0x3] =	wrdreg s5  }
0xa: {  	s4 =	sshll.u32 s3, $0x4;
	s5 =	sadd.s32 $0x400, s0;
	[dreg:$0x4] =	wrdreg s8  }
0xb: {  	s3 =	ssub.s32 $0x2, s3;
	s17 =	sshrl.u32 @!p0 s1, $0x3;
	s7 =	sor.u32 s6, s4  }
0xc: {  	s4 =	sadd.s32 $0x19F600, s0;
	s24 =	sshrl.u32 s3, $0x1;
	s12 =	smul.u32 $0x30D40, s7  }
0xd: {  	s7 =	sshll.u32 s7, $0x1;
	s3 =	ssub.s32 s3, s24;
	s24 =	simm.s32 $0x1770  }
0xe: {  	s0 =	sadd.s32 s7, s0;
	s14 =	smax.u32 s3, $0x1;
	s9 =	sshrl.u32 s12, $0x3  }
0xf: {  	v0 =	vlaneseq.u32;
	s11 =	sadd.s32 $0xFA0, s12;
	s12 =	sadd.s32 $0x1770, s12;
	s25 =	sadd.s32 s4, s9  }
0x10: {  	v0 =	vmul.u32 $0x8, v0;
	s10 =	sadd.s32 $0xFA, s9;
	s26 =	sadd.s32 s5, s9;
	[dreg:$0x5] =	wrdreg s25  }
0x11: {  	s13 =	sadd.s32 $0xC3A00, s0;
	[dreg:$0x6] =	wrdreg s26;
	s9 =	sadd.s32 s4, s10  }
0x12: {  	[tilespmem:$0x1FFF0] =	vst v0;
	s10 =	sadd.s32 s5, s10;
	s25 =	simm.s32 $0x2;
	s26 =	simm.s32 $0x4  }
.LBB2_1:
0x13: {  	s0 =	rddreg [dreg:$0x4];
	s3 =	simm.s32 $0x11940  }
0x14: {  	[tilespmem:s3], [sflag:$0x9] =	stream.linear.gather [hbm4b:s0+s2], $0x100, $0x38;
	[tilespmem:$0x1DDA0] =	vst v63  }
0x15: {  	_ =	swait.ge [sflag:s16], $0x100  }
0x16: {  	[sflag:s16] =	ssyncset.done $0x0  }
0x17: {  	[sflag:s16] =	ssyncadd.s32 $0xFFFFFF00  }
0x18: {  	v26 =	vld [tilespmem:$0x11970]  }
0x19: {  	v1 =	vld [tilespmem:$0x11980]  }
0x1a: {  	v2 =	vld [tilespmem:$0x11990]  }
0x1b: {  	v3 =	vld [tilespmem:$0x119B0]  }
0x1c: {  	v4 =	vld [tilespmem:$0x119C0]  }
0x1d: {  	v5 =	vld [tilespmem:$0x119A0];
	_ =	sdelay $0x2  }
0x1e: {  	v6 =	vld [tilespmem:$0x11940]  }
0x1f: {  	v7 =	vld [tilespmem:$0x11950];
	v10 =	vmul.f32 v4, v1;
	v11 =	vmul.f32 v3, v2  }
0x20: {  	v12 =	vmul.f32 v5, v2;
	v13 =	vmul.f32 v4, v26  }
0x21: {  	v9 =	vld [tilespmem:$0x11960];
	v11 =	vsub.f32 v10, v11  }
0x22: {  	v14 =	vsub.f32 v12, v13;
	v10 =	vmul.f32 v3, v26;
	v12 =	vmul.f32 v5, v1;
	_ =	sdelay $0x1  }
0x23: {  	v17 =	vsub.f32 v10, v12;
	v10 =	vmul.f32 v11, v6;
	v12 =	vmul.f32 v14, v7;
	_ =	sdelay $0x1  }
0x24: {  	v21 =	vld [tilespmem:$0x119E0];
	v10 =	vadd.f32 v12, v10;
	v12 =	vmul.f32 v17, v9;
	_ =	sdelay $0x1  }
0x25: {  	v10 =	vadd.f32 v10, v12;
	_ =	sdelay $0x1  }
0x26: {  	(erf) = vrcp.f32 v10  }
0x27: {  	(erf) = vrcp.f32 v21;
	_ =	sdelay $0x7  }
0x28: {  	v19 =	vpop (erf)  }
0x29: {  	s0 =	simm.s32 @!p0 $0x1C09;
	s3 =	rddreg [dreg:$0x3];
	v8 =	vld [tilespmem:$0x119D0];
	v22 =	vpop (erf)  }
0x2a: {  	v20 =	vld [tilespmem:$0x119F0];
	[spmem:s17], [sflag:s0] =	dma.local @!p0 [hbm:s3], $0x186A0  }
0x2b: {  	s0 =	simm.s32 @!p0 $0x9  }
0x2c: {  	_ =	swait.ge @!p0 [sflag:s0], $0x186A0  }
0x2d: {  	[sflag:s0] =	ssyncset.done @!p0 $0x0  }
0x2e: {  	[sflag:s0] =	ssyncadd.s32 @!p0 $0xFFFE7960  }
0x2f: {  	[bflag:$0x0] =	sbarrier.arrive $0xFFFF  }
0x30: {  	s7 =	rddreg [dreg:$0x5]  }
0x31: {  	[tilespmem:s2], [sflag:$0x1] =	stream.linear.gather [hbm4b:s7+s2], $0x7D0, $0x38;
	[tilespmem:$0x1DDA0] =	vst v63  }
0x32: {  	s18 =	simm.s32 $0xFA0;
	s8 =	rddreg [dreg:$0x6]  }
0x33: {  	[tilespmem:s18], [sflag:$0x3] =	stream.linear.gather [hbm4b:s8+s2], $0x7D0, $0x38;
	[tilespmem:$0x1DDA0] =	vst v63  }
0x34: {  	_ =	swait.ge [sflag:s19], $0x7D0  }
0x35: {  	[sflag:s19] =	ssyncset.done $0x0  }
0x36: {  	[sflag:s19] =	ssyncadd.s32 $0xFFFFF830  }
0x37: {  	_ =	swait.ge [sflag:s20], $0x7D0  }
0x38: {  	[tilespmem:$0x1FF30] =	vst v4  }
0x39: {  	[tilespmem:$0x1FF40] =	vst v9  }
0x3a: {  	[tilespmem:$0x1FF50] =	vst v2  }
0x3b: {  	[tilespmem:$0x1FF60] =	vst v5  }
0x3c: {  	v15 =	vmul.f32 v2, v7;
	[tilespmem:$0x1FF70] =	vst v3  }
0x3d: {  	v13 =	vmul.f32 v4, v7;
	v12 =	vmul.f32 v3, v9;
	[tilespmem:$0x1FF80] =	vst v1  }
0x3e: {  	v16 =	vmul.f32 v1, v9;
	v18 =	vmul.f32 v4, v6;
	[tilespmem:$0x1FF90] =	vst v6  }
0x3f: {  	v23 =	vmul.f32 v26, v9;
	v12 =	vsub.f32 v12, v13;
	v13 =	vmul.f32 v5, v9;
	[sflag:s20] =	ssyncset.done $0x0;
	[tilespmem:$0x1FFA0] =	vst v7  }
0x40: {  	v24 =	vmul.f32 v5, v7;
	v15 =	vsub.f32 v15, v16;
	v16 =	vmul.f32 v2, v6;
	[tilespmem:$0x1FFB0] =	vst v26;
	[sflag:s20] =	ssyncadd.s32 $0xFFFFF830  }
0x41: {  	v25 =	vmul.f32 v1, v6;
	v18 =	vsub.f32 v18, v13;
	v13 =	vmul.f32 v3, v6;
	[tilespmem:s22], [sflag:$0x5] =	stream.indirect.gather [spmem:s1], $0x8, s2, s21, $0xb8;
	[tilespmem:$0x1DDA0] =	vst v63  }
0x42: {  	v16 =	vsub.f32 v23, v16;
	v23 =	vmul.f32 v26, v7;
	v1 =	vmul.f32 v19, v11;
	[tilespmem:$0x1FFE0] =	vst v8  }
0x43: {  	v21 =	vmul.f32 v21, v21;
	v24 =	vsub.f32 v24, v13;
	v13 =	vmul.f32 v19, v15;
	[tilespmem:s23], [sflag:$0x7] =	stream.indirect.gather [spmem:s1], $0x8, s18, s21, $0xb8;
	[tilespmem:$0x1DDA0] =	vst v63  }
0x44: {  	v14 =	vmul.f32 v19, v14;
	[tilespmem:$0x1FFC0] =	vst v1;
	v1 =	vmul.f32 v19, v12  }
0x45: {  	v23 =	vsub.f32 v25, v23;
	v15 =	vmul.f32 v19, v18;
	v16 =	vmul.f32 v19, v16;
	[tilespmem:s21], [sflag:$0x2] =	stream.linear.gather [hbm4b:s9+s2], $0x7D0, $0x38;
	[tilespmem:$0x1DDA0] =	vst v63  }
0x46: {  	v17 =	vmul.f32 v19, v17;
	v18 =	vmul.f32 v19, v24;
	s0 =	simm.s32 $0x0;
	[tilespmem:$0x1FFD0] =	vst v1  }
0x47: {  	v28 =	vimm.f32 $0.0e+00;
	v20 =	vmul.f32 v22, v20;
	v19 =	vmul.f32 v19, v23;
	[tilespmem:s24], [sflag:$0x4] =	stream.linear.gather [hbm4b:s10+s2], $0x7D0, $0x38;
	[tilespmem:$0x1DDA0] =	vst v63  }
.LBB2_2:
0x48: {  	_ =	swait.ge [sflag:s25], $0x7D0  }
0x49: {  	[sflag:s25] =	ssyncset.done $0x0  }
0x4a: {  	[sflag:s25] =	ssyncadd.s32 $0xFFFFF830  }
0x4b: {  	_ =	swait.ge [sflag:s26], $0x7D0  }
0x4c: {  	[sflag:s26] =	ssyncset.done $0x0  }
0x4d: {  	[sflag:s26] =	ssyncadd.s32 $0xFFFFF830  }
0x4e: {  	[tilespmem:s28], [sflag:$0x6] =	stream.indirect.gather [spmem:s1], $0x8, s21, s21, $0xb8;
	[tilespmem:$0x1DDA0] =	vst v63  }
0x4f: {  	_ = 	snop  }
0x50: {  	[tilespmem:s29], [sflag:$0x8] =	stream.indirect.gather [spmem:s1], $0x8, s24, s21, $0xb8;
	[tilespmem:$0x1DDA0] =	vst v63  }
0x51: {  	p1 =	seq.s32 s0, $0x31;
	_ =	swait.ge [sflag:s30], $0x3E80  }
0x52: {  	s3 =	simm.s32 $0x30;
	s18 =	smul.u32 @!p1 $0xFA0, s0;
	[sflag:s30] =	ssyncset.done $0x0  }
0x53: {  	v22 =	vmov s3;
	[sflag:s30] =	ssyncadd.s32 $0xFFFFC180  }
0x54: {  	v22 =	vshll.u32 v22, $0x3;
	s3 =	sadd.s32 @!p1 s18, s11;
	_ =	swait.ge [sflag:s31], $0x3E80  }
0x55: {  	v22 =	vor.u32 v0, v22;
	s3 =	sshrl.u32 @!p1 s3, $0x3;
	[sflag:s31] =	ssyncset.done $0x0  }
0x56: {  	s7 =	simm.s32 @!p1 $0x0;
	s6 =	sadd.s32 @!p1 s4, s3;
	[sflag:s31] =	ssyncadd.s32 $0xFFFFC180  }
0x57: {  	v23 =	vor.u32 $0x3, v22;
	[tilespmem:s7], [sflag:$0x1] =	stream.linear.gather @!p1 [hbm4b:s6+s7], $0x7D0, $0x38;
	[tilespmem:$0x1DDA0] =	vst v63  }
0x58: {  	s3 =	sadd.s32 @!p1 s5, s3;
	s6 =	simm.s32 @!p1 $0xFA0  }
0x59: {  	v24 =	vor.u32 $0x5, v22;
	v2 =	vld [tilespmem:$0x1FFD0];
	[tilespmem:s6], [sflag:$0x3] =	stream.linear.gather @!p1 [hbm4b:s3+s7], $0x7D0, $0x38  }
0x5a: {  	v25 =	vld.idx.msk [tilespmem:v22+s22+$0x0], $0xffff  }
0x5b: {  	v26 =	vor.u32 $0x4, v22;
	v27 =	vld.idx.msk [tilespmem:v22+s23+$0x0], $0xffff  }
0x5c: {  	v29 =	vld.idx.msk [tilespmem:v23+s22+$0x0], $0xffff  }
0x5d: {  	v30 =	vor.u32 $0x2, v22;
	v23 =	vld.idx.msk [tilespmem:v23+s23+$0x0], $0xffff  }
0x5e: {  	s6 =	simm.s32 $0x20;
	v31 =	vld.idx.msk [tilespmem:v24+s22+$0x0], $0xffff  }
0x5f: {  	v32 =	vmov s6;
	v22 =	vor.u32 $0x1, v22;
	v24 =	vld.idx.msk [tilespmem:v24+s23+$0x0], $0xffff  }
0x60: {  	s7 =	simm.s32 $0x10;
	v33 =	vld.idx.msk [tilespmem:v26+s22+$0x0], $0xffff;
	v32 =	vshll.u32 v32, $0x3  }
0x61: {  	v34 =	vmov s7;
	v26 =	vld.idx.msk [tilespmem:v26+s23+$0x0], $0xffff;
	v35 =	vor.u32 v0, v32  }
0x62: {  	s8 =	simm.s32 $0x0;
	v38 =	vld.idx.msk [tilespmem:v30+s23+$0x0], $0xffff;
	v4 =	vshll.u32 v34, $0x3  }
0x63: {  	v36 =	vmov s8;
	v34 =	vld.idx.msk [tilespmem:v30+s22+$0x0], $0xffff;
	v37 =	vor.u32 v0, v4  }
0x64: {  	v30 =	vshll.u32 v36, $0x3;
	v5 =	vld.idx.msk [tilespmem:v22+s22+$0x0], $0xffff  }
0x65: {  	v39 =	vor.u32 v0, v30;
	v40 =	vld.idx.msk [tilespmem:v22+s23+$0x0], $0xffff  }
0x66: {  	v41 =	vld.idx.msk [tilespmem:v35+s22+$0x0], $0xffff  }
0x67: {  	v30 =	vor.u32 $0x3, v37;
	v42 =	vld.idx.msk [tilespmem:v35+s23+$0x0], $0xffff  }
0x68: {  	v43 =	vld.idx.msk [tilespmem:v37+s22+$0x0], $0xffff  }
0x69: {  	v63 =	vor.u32 $0x5, v35;
	v44 =	vld.idx.msk [tilespmem:v37+s23+$0x0], $0xffff  }
0x6a: {  	v45 =	vld.idx.msk [tilespmem:v39+s22+$0x0], $0xffff  }
0x6b: {  	v48 =	vor.u32 $0x3, v39;
	v46 =	vld.idx.msk [tilespmem:v39+s23+$0x0], $0xffff  }
0x6c: {  	v49 =	vld.idx.msk [tilespmem:v30+s22+$0x0], $0xffff  }
0x6d: {  	v50 =	vor.u32 $0x5, v39;
	v30 =	vld.idx.msk [tilespmem:v30+s23+$0x0], $0xffff  }
0x6e: {  	v51 =	vld.idx.msk [tilespmem:v63+s22+$0x0], $0xffff  }
0x6f: {  	v4 =	vor.u32 $0x2, v35;
	v52 =	vld.idx.msk [tilespmem:v63+s23+$0x0], $0xffff  }
0x70: {  	v53 =	vld.idx.msk [tilespmem:v48+s22+$0x0], $0xffff  }
0x71: {  	v22 =	vor.u32 $0x3, v35;
	v48 =	vld.idx.msk [tilespmem:v48+s23+$0x0], $0xffff  }
0x72: {  	v55 =	vld.idx.msk [tilespmem:v50+s22+$0x0], $0xffff  }
0x73: {  	v60 =	vor.u32 $0x1, v37;
	v50 =	vld.idx.msk [tilespmem:v50+s23+$0x0], $0xffff  }
0x74: {  	v25 =	vsub.f32 v25, v27;
	v27 =	vor.u32 $0x1, v39;
	v59 =	vld.idx.msk [tilespmem:v4+s22+$0x0], $0xffff  }
0x75: {  	v61 =	vld.idx.msk [tilespmem:v4+s23+$0x0], $0xffff  }
0x76: {  	v56 =	vor.u32 $0x1, v35;
	v47 =	vld.idx.msk [tilespmem:v22+s22+$0x0], $0xffff  }
0x77: {  	v22 =	vld.idx.msk [tilespmem:v22+s23+$0x0], $0xffff  }
0x78: {  	v36 =	vsub.f32 v5, v40;
	v40 =	vld.idx.msk [tilespmem:v60+s22+$0x0], $0xffff  }
0x79: {  	v5 =	vld.idx.msk [tilespmem:v27+s22+$0x0], $0xffff  }
0x7a: {  	v54 =	vor.u32 $0x2, v37;
	v57 =	vor.u32 $0x5, v37;
	v29 =	vmul.f32 v23, v29;
	v27 =	vld.idx.msk [tilespmem:v27+s23+$0x0], $0xffff  }
0x7b: {  	v58 =	vor.u32 $0x2, v39;
	v10 =	vmul.f32 v24, v31;
	v31 =	vmul.f32 v30, v49;
	v49 =	vld.idx.msk [tilespmem:v56+s22+$0x0], $0xffff  }
0x7c: {  	v12 =	vadd.f32 v26, v33;
	v11 =	vmul.f32 v52, v51;
	v1 =	vmul.f32 v50, v55;
	v51 =	vld.idx.msk [tilespmem:v56+s23+$0x0], $0xffff  }
0x7d: {  	v43 =	vsub.f32 v43, v44;
	v32 =	vmul.f32 v48, v53;
	v50 =	vmul.f32 v25, v13;
	v53 =	vld.idx.msk [tilespmem:v60+s23+$0x0], $0xffff  }
0x7e: {  	v45 =	vsub.f32 v45, v46;
	v52 =	vmul.f32 v25, v2;
	v55 =	vmul.f32 v36, v16;
	[tilespmem:$0x1FF10] =	vst v1;
	v1 =	vld [tilespmem:$0x1FFC0]  }
0x7f: {  	v48 =	vld.idx.msk [tilespmem:v54+s23+$0x0], $0xffff;
	v56 =	vmul.f32 v36, v14;
	v36 =	vmul.f32 v36, v15;
	v59 =	vsub.f32 v59, v61  }
0x80: {  	v60 =	vmul.f32 v43, v13;
	v30 =	vmul.f32 v22, v47;
	v47 =	vld.idx.msk [tilespmem:v54+s22+$0x0], $0xffff;
	v27 =	vsub.f32 v5, v27  }
0x81: {  	v34 =	vsub.f32 v34, v38;
	v23 =	vmul.f32 v45, v2;
	v26 =	vmul.f32 v59, v19  }
0x82: {  	v33 =	vmul.f32 v59, v17;
	v36 =	vadd.f32 v36, v52;
	v52 =	vmul.f32 v27, v14  }
0x83: {  	v4 =	vld.idx.msk [tilespmem:v58+s22+$0x0], $0xffff;
	v49 =	vsub.f32 v49, v51;
	v40 =	vsub.f32 v40, v53;
	v38 =	vmul.f32 v25, v1  }
0x84: {  	v58 =	vld.idx.msk [tilespmem:v58+s23+$0x0], $0xffff;
	v25 =	vsub.f32 v41, v42;
	v41 =	vmul.f32 v34, v19;
	v42 =	vmul.f32 v34, v17  }
0x85: {  	v34 =	vmul.f32 v34, v18;
	v47 =	vsub.f32 v47, v48;
	v48 =	vmul.f32 v43, v1  }
0x86: {  	v35 =	vor.u32 $0x4, v35;
	v43 =	vmul.f32 v43, v2;
	v61 =	vmul.f32 v45, v1  }
0x87: {  	v37 =	vor.u32 $0x4, v37;
	v5 =	vmul.f32 v49, v16;
	v24 =	vmul.f32 v40, v16  }
0x88: {  	v39 =	vor.u32 $0x4, v39;
	v22 =	vmul.f32 v49, v14;
	v49 =	vmul.f32 v49, v15  }
0x89: {  	v46 =	vsub.f32 v4, v58;
	v44 =	vmul.f32 v25, v13;
	v62 =	vmul.f32 v25, v1  }
0x8a: {  	v50 =	vadd.f32 v55, v50;
	v63 =	vmul.f32 v25, v2;
	v51 =	vmul.f32 v47, v19  }
0x8b: {  	v25 =	vmul.f32 v40, v14;
	v38 =	vadd.f32 v56, v38;
	v60 =	vadd.f32 v24, v60  }
0x8c: {  	v4 =	vld.idx.msk [tilespmem:v57+s22+$0x0], $0xffff;
	v40 =	vmul.f32 v40, v15;
	v52 =	vadd.f32 v52, v61;
	v34 =	vadd.f32 v34, v36  }
0x8d: {  	v24 =	vld.idx.msk [tilespmem:v57+s23+$0x0], $0xffff;
	v57 =	vmul.f32 v47, v17;
	v44 =	vadd.f32 v5, v44;
	v22 =	vadd.f32 v22, v62  }
0x8e: {  	v58 =	vmul.f32 v47, v18;
	v49 =	vadd.f32 v49, v63;
	v48 =	vadd.f32 v25, v48  }
0x8f: {  	v5 =	vmul.f32 v27, v15;
	v40 =	vadd.f32 v40, v43;
	v38 =	vadd.f32 v42, v38  }
0x90: {  	v25 =	vmul.f32 v59, v18;
	v42 =	vadd.f32 v41, v50;
	v47 =	vadd.f32 v51, v60  }
0x91: {  	v59 =	vmul.f32 v46, v17;
	v51 =	vadd.f32 $5.000000000e-01, v34;
	v23 =	vadd.f32 v5, v23  }
0x92: {  	v60 =	vmul.f32 v46, v18;
	v44 =	vadd.f32 v26, v44;
	v2 =	vadd.f32 v33, v22  }
0x93: {  	v41 =	vmul.f32 v27, v16;
	v43 =	vadd.f32 v25, v49;
	v48 =	vadd.f32 v57, v48  }
0x94: {  	v46 =	vmul.f32 v46, v19;
	v40 =	vadd.f32 v58, v40;
	v36 =	vadd.f32 v59, v52  }
0x95: {  	v33 =	vmul.f32 v45, v13;
	v45 =	vadd.f32 $5.000000000e-01, v38;
	v49 =	vadd.f32 $5.000000000e-01, v42  }
0x96: {  	v27 =	vld.idx.msk [tilespmem:v35+s22+$0x0], $0xffff;
	v52 =	vadd.f32 $5.000000000e-01, v47;
	v63 =	vtrunc.f32 v51;
	v1 =	vmul.f32 v24, v4  }
0x97: {  	v35 =	vld.idx.msk [tilespmem:v35+s23+$0x0], $0xffff;
	v58 =	vcvt.f32.s32 v63;
	v9 =	vadd.f32 v60, v23;
	v50 =	vadd.f32 $5.000000000e-01, v44  }
0x98: {  	v57 =	vld.idx.msk [tilespmem:v37+s22+$0x0], $0xffff;
	v53 =	vadd.f32 $5.000000000e-01, v2;
	v54 =	vadd.f32 $5.000000000e-01, v43;
	v62 =	vtrunc.f32 v49  }
0x99: {  	v37 =	vld.idx.msk [tilespmem:v37+s23+$0x0], $0xffff;
	v61 =	vtrunc.f32 v45;
	v59 =	vadd.f32 $5.000000000e-01, v48;
	v56 =	vcvt.f32.s32 v62  }
0x9a: {  	v5 =	vld.idx.msk [tilespmem:v39+s22+$0x0], $0xffff;
	v60 =	vadd.f32 $5.000000000e-01, v40;
	v55 =	vcvt.f32.s32 v61;
	v61 =	vtrunc.f32 v52  }
0x9b: {  	v39 =	vld.idx.msk [tilespmem:v39+s23+$0x0], $0xffff;
	v63 =	vadd.f32 $5.000000000e-01, v36;
	v4 =	vtrunc.f32 v50;
	v22 =	vtrunc.f32 v53  }
0x9c: {  	[tilespmem:$0x1FF00] =	vst v1;
	v1 =	vadd.f32 v35, v27;
	v23 =	vtrunc.f32 v54;
	v35 =	vtrunc.f32 v59  }
0x9d: {  	v33 =	vadd.f32 v41, v33;
	v26 =	vtrunc.f32 v63;
	v41 =	vtrunc.f32 v60  }
0x9e: {  	v61 =	vcvt.f32.s32 v61;
	v57 =	vadd.f32 v37, v57;
	v37 =	vcvt.f32.s32 v4  }
0x9f: {  	v4 =	vcvt.f32.s32 v22;
	v55 =	vcvt.s32.f32 v55  }
0xa0: {  	v22 =	vadd.f32 v39, v5;
	v23 =	vcvt.f32.s32 v23;
	v5 =	vcvt.s32.f32 v56  }
0xa1: {  	v25 =	vadd.f32 $5.000000000e-01, v9;
	v35 =	vcvt.f32.s32 v35;
	v56 =	vcvt.s32.f32 v58  }
0xa2: {  	v41 =	vcvt.f32.s32 v41;
	v26 =	vcvt.f32.s32 v26  }
0xa3: {  	v33 =	vadd.f32 v46, v33;
	v27 =	vtrunc.f32 v25;
	v58 =	vcvt.s32.f32 v61  }
0xa4: {  	vm1 =	vlt.f32 v45, v55;
	v37 =	vcvt.s32.f32 v37;
	v46 =	vcvt.s32.f32 v4  }
0xa5: {  	vm2 =	vlt.f32 v49, v5;
	v23 =	vcvt.s32.f32 v23;
	v27 =	vcvt.f32.s32 v27  }
0xa6: {  	vm3 =	vlt.f32 v51, v56;
	v35 =	vcvt.s32.f32 v35;
	v41 =	vcvt.s32.f32 v41  }
0xa7: {  	v26 =	vcvt.s32.f32 v26;
	v61 =	vadd.f32 $-1.000000000e+00, v56;
	v51 =	vadd.f32 $5.000000000e-01, v33  }
0xa8: {  	vm4 =	vlt.f32 v52, v58;
	vm5 =	vlt.f32 v50, v37;
	vm6 =	vlt.f32 v53, v46  }
0xa9: {  	vm7 =	vlt.f32 v54, v23;
	v27 =	vcvt.s32.f32 v27;
	vm8 =	vlt.f32 v59, v35  }
0xaa: {  	v59 =	vadd.f32 $-1.000000000e+00, v5;
	vm9 =	vlt.f32 v60, v41;
	v60 =	vadd.f32 $-1.000000000e+00, v55  }
0xab: {  	vm10 =	vlt.f32 v63, v26;
	v62 =	vadd.f32 $-1.000000000e+00, v37;
	v63 =	vadd.f32 $-1.000000000e+00, v58  }
0xac: {  	v4 =	vadd.f32 $-1.000000000e+00, v46;
	v52 =	vadd.f32 $-1.000000000e+00, v23;
	vm0 =	vlt.f32 v25, v27  }
0xad: {  	v24 =	vsel vm2, v59, v5;
	v50 =	vsel vm1, v60, v55;
	v25 =	vsel vm3, v61, v56  }
0xae: {  	v37 =	vsel vm5, v62, v37;
	v5 =	vtrunc.f32 v51;
	v55 =	vadd.f32 $-1.000000000e+00, v26  }
0xaf: {  	v3 =	vld [tilespmem:$0x1FF30];
	v53 =	vsel vm4, v63, v58;
	v56 =	vadd.f32 $-1.000000000e+00, v35;
	v58 =	vadd.f32 $-1.000000000e+00, v41  }
0xb0: {  	v6 =	vld [tilespmem:$0x1FF40];
	v23 =	vsel vm7, v52, v23;
	v60 =	vadd.f32 $-1.000000000e+00, v27;
	v24 =	vsub.f32 v42, v24  }
0xb1: {  	v7 =	vld [tilespmem:$0x1FFB0];
	v38 =	vsub.f32 v38, v50;
	v25 =	vsub.f32 v34, v25;
	v54 =	vcvt.f32.s32 v5  }
0xb2: {  	v42 =	vsel vm6, v4, v46;
	v37 =	vsub.f32 v44, v37;
	v34 =	vsub.f32 v47, v53  }
0xb3: {  	v23 =	vsub.f32 v43, v23;
	v4 =	vld [tilespmem:$0x1FF90];
	v26 =	vsel vm10, v55, v26;
	v35 =	vsel vm8, v56, v35  }
0xb4: {  	v5 =	vld [tilespmem:$0x1FFA0];
	v42 =	vsub.f32 v2, v42;
	v41 =	vsel vm9, v58, v41;
	v39 =	vcvt.s32.f32 v54  }
0xb5: {  	v27 =	vsel vm0, v60, v27;
	v2 =	vld [tilespmem:$0x1FF50];
	v43 =	vmul.f32 v24, v3;
	v61 =	vmul.f32 v38, v6  }
0xb6: {  	[tilespmem:$0x1FF20] =	vst v1;
	v1 =	vld [tilespmem:$0x1FF80];
	v35 =	vsub.f32 v48, v35;
	v52 =	vmul.f32 v25, v7;
	v58 =	vmul.f32 v23, v7  }
0xb7: {  	v40 =	vsub.f32 v40, v41;
	v49 =	vmul.f32 v34, v3;
	v53 =	vmul.f32 v42, v6  }
0xb8: {  	v26 =	vsub.f32 v36, v26;
	v48 =	vmul.f32 v35, v6;
	v62 =	vmul.f32 v38, v4  }
0xb9: {  	v27 =	vsub.f32 v9, v27;
	v38 =	vmul.f32 v38, v5;
	v56 =	vmul.f32 v42, v4  }
0xba: {  	v59 =	vadd.f32 $-1.000000000e+00, v39;
	v42 =	vmul.f32 v42, v5;
	v63 =	vmul.f32 v25, v2  }
0xbb: {  	vm15 =	vlt.f32 v51, v39;
	v25 =	vmul.f32 v25, v1;
	v54 =	vmul.f32 v23, v2  }
0xbc: {  	v39 =	vsel vm15, v59, v39;
	v55 =	vmul.f32 v40, v2;
	v23 =	vmul.f32 v23, v1  }
0xbd: {  	v60 =	vmul.f32 v27, v2;
	v39 =	vsub.f32 v33, v39;
	v36 =	vadd.f32 v52, v62  }
0xbe: {  	v2 =	vld [tilespmem:$0x1FF60];
	v41 =	vadd.f32 v58, v56;
	v62 =	vmul.f32 v40, v7;
	v40 =	vmul.f32 v40, v1  }
0xbf: {  	v45 =	vadd.f32 v63, v61;
	v61 =	vmul.f32 v35, v4;
	v63 =	vmul.f32 v26, v4  }
0xc0: {  	v25 =	vadd.f32 v25, v38;
	v4 =	vmul.f32 v27, v7;
	v27 =	vmul.f32 v27, v1;
	v1 =	vld [tilespmem:$0x1FF70]  }
0xc1: {  	v59 =	vmul.f32 v26, v6;
	v33 =	vadd.f32 v55, v48;
	v44 =	vadd.f32 v54, v53  }
0xc2: {  	v35 =	vmul.f32 v35, v5;
	v23 =	vadd.f32 v23, v42;
	v26 =	vmul.f32 v26, v5  }
0xc3: {  	v38 =	vadd.f32 v60, v59;
	v48 =	vmul.f32 v37, v3;
	v47 =	vmul.f32 v24, v2  }
0xc4: {  	v46 =	vadd.f32 v62, v61;
	v50 =	vmul.f32 v37, v2;
	v53 =	vmul.f32 v34, v2  }
0xc5: {  	v42 =	vadd.f32 v4, v63;
	v24 =	vmul.f32 v24, v1;
	v37 =	vmul.f32 v37, v1  }
0xc6: {  	v35 =	vadd.f32 v40, v35;
	v34 =	vmul.f32 v34, v1;
	v59 =	vmul.f32 v39, v1;
	v1 =	vld [tilespmem:$0x1FF00]  }
0xc7: {  	v55 =	vmul.f32 $5.000000000e-01, v12;
	v26 =	vadd.f32 v27, v26;
	v27 =	vadd.f32 v45, v43  }
0xc8: {  	v52 =	vmul.f32 v39, v3;
	v51 =	vadd.f32 v33, v49;
	v43 =	vadd.f32 v44, v48  }
0xc9: {  	v33 =	vmul.f32 $4.000000000e+00, v10;
	v44 =	vmul.f32 v55, v55;
	v40 =	vadd.f32 v36, v47  }
0xca: {  	v58 =	vmul.f32 v39, v2;
	v24 =	vadd.f32 v25, v24;
	v25 =	vadd.f32 v41, v50  }
0xcb: {  	v23 =	vadd.f32 v23, v37;
	v34 =	vadd.f32 v35, v34;
	v35 =	vmul.f32 $4.000000000e+00, v1;
	v1 =	vld [tilespmem:$0x1FF10]  }
0xcc: {  	v61 =	vmul.f32 v43, v43;
	v56 =	vadd.f32 v46, v53;
	v60 =	vmul.f32 v40, v40  }
0xcd: {  	v54 =	vadd.f32 v38, v52;
	v25 =	vmul.f32 v25, v25;
	v23 =	vmul.f32 v23, v23  }
0xce: {  	v38 =	vadd.f32 v42, v58;
	v37 =	vmul.f32 v56, v56;
	v34 =	vmul.f32 v34, v34  }
0xcf: {  	v26 =	vadd.f32 v26, v59;
	v24 =	vmul.f32 v24, v24;
	v25 =	vadd.f32 v23, v25  }
0xd0: {  	v23 =	vmul.f32 v27, v27;
	v27 =	vadd.f32 v34, v37;
	v34 =	vmul.f32 $4.000000000e+00, v1;
	v1 =	vld [tilespmem:$0x1FF20]  }
0xd1: {  	v62 =	vmul.f32 v51, v51;
	v36 =	vmul.f32 $4.000000000e+00, v11;
	v24 =	vadd.f32 v24, v60  }
0xd2: {  	v38 =	vmul.f32 v38, v38;
	v26 =	vmul.f32 v26, v26  }
0xd3: {  	v63 =	vmul.f32 v54, v54;
	v47 =	vmul.f32 $5.000000000e-01, v22;
	v37 =	vadd.f32 v24, v23  }
0xd4: {  	v40 =	vmul.f32 $5.000000000e-01, v57;
	v26 =	vadd.f32 v26, v38;
	v38 =	vadd.f32 v25, v61  }
0xd5: {  	(erf) = vrcp.f32 v37;
	v23 =	vmul.f32 $5.000000000e-01, v1  }
0xd6: {  	s3 =	simm.s32 $0x0;
	s6 =	simm.s32 $0x70;
	v39 =	vadd.f32 v27, v62;
	v41 =	vadd.f32 v26, v63;
	(erf) = vrcp.f32 v38  }
.LBB2_3:
0xd7: {  	v23 =	vmul.f32 v23, v23;
	v24 =	vmul.f32 $5.000000000e-01, v37;
	v25 =	vshra.s32 v37, $0x1  }
0xd8: {  	v26 =	vmul.f32 $5.000000000e-01, v38;
	v27 =	vshra.s32 v38, $0x1;
	v40 =	vmul.f32 v40, v40  }
0xd9: {  	(erf) = vrcp.f32 v39;
	v25 =	vsub.s32 $0x5F3759DF, v25;
	v42 =	vmul.f32 $5.000000000e-01, v41  }
0xda: {  	v43 =	vmul.f32 $5.000000000e-01, v39;
	v46 =	vshra.s32 v41, $0x1;
	v27 =	vsub.s32 $0x5F3759DF, v27  }
0xdb: {  	v45 =	vshra.s32 v39, $0x1;
	v46 =	vsub.s32 $0x5F3759DF, v46;
	v49 =	vmul.f32 v27, v26  }
0xdc: {  	v48 =	vmul.f32 v25, v24;
	v45 =	vsub.s32 $0x5F3759DF, v45;
	v50 =	vmul.f32 v46, v42  }
0xdd: {  	v22 =	vmov s6;
	v51 =	vmul.f32 v45, v43;
	v49 =	vmul.f32 v27, v49  }
0xde: {  	v22 =	vshll.u32 v22, $0x3;
	(erf) = vrcp.f32 v41;
	v48 =	vmul.f32 v25, v48  }
0xdf: {  	s7 =	sadd.s32 $0xFFFFFFF0, s6;
	v50 =	vmul.f32 v46, v50;
	v51 =	vmul.f32 v45, v51;
	v49 =	vsub.f32 $1.500000000e+00, v49  }
0xe0: {  	v52 =	vmov s7;
	v47 =	vmul.f32 v47, v47;
	v48 =	vsub.f32 $1.500000000e+00, v48  }
0xe1: {  	s8 =	sadd.s32 $0xFFFFFFE0, s6;
	v53 =	vpop (erf);
	v50 =	vsub.f32 $1.500000000e+00, v50;
	v51 =	vsub.f32 $1.500000000e+00, v51;
	v27 =	vmul.f32 v27, v49  }
0xe2: {  	v54 =	vmov s8;
	v48 =	vmul.f32 v25, v48;
	v44 =	vmul.f32 v53, v44  }
0xe3: {  	s8 =	sadd.s32 $0xFFFFFFD0, s6;
	v55 =	vpop (erf);
	v49 =	vor.u32 v0, v22;
	v22 =	vmul.f32 v46, v50;
	v25 =	vmul.f32 v45, v51  }
0xe4: {  	v58 =	vmov s8;
	v23 =	vmul.f32 v55, v23;
	v61 =	vmul.f32 v48, v24  }
0xe5: {  	v45 =	vshll.u32 v52, $0x3;
	v56 =	vpop (erf);
	v5 =	vmul.f32 v27, v26;
	v4 =	vmul.f32 v44, v44  }
0xe6: {  	v50 =	vshll.u32 v54, $0x3;
	v40 =	vmul.f32 v56, v40;
	v62 =	vmul.f32 v22, v42  }
0xe7: {  	v51 =	vshll.u32 v58, $0x3;
	v57 =	vpop (erf);
	v63 =	vmul.f32 v25, v43;
	v59 =	vmul.f32 v23, v23  }
0xe8: {  	v53 =	vor.u32 $0x3, v49;
	v47 =	vmul.f32 v57, v47;
	v46 =	vmul.f32 v61, v48  }
0xe9: {  	v58 =	vor.u32 $0x4, v49;
	v55 =	vmul.f32 v5, v27;
	v52 =	vmul.f32 v62, v22  }
0xea: {  	v56 =	vor.u32 $0x5, v49;
	v54 =	vmul.f32 v63, v25;
	v60 =	vmul.f32 v40, v40  }
0xeb: {  	v62 =	vmul.f32 v47, v47;
	v5 =	vsub.f32 $1.500000000e+00, v55;
	v46 =	vsub.f32 $1.500000000e+00, v46  }
0xec: {  	v55 =	vmul.f32 v59, v23;
	v52 =	vsub.f32 $1.500000000e+00, v52;
	v40 =	vmul.f32 v60, v40  }
0xed: {  	v2 =	vld [tilespmem:$0x1FFC0];
	v57 =	vor.u32 $0x1, v49;
	v27 =	vmul.f32 v5, v27;
	v63 =	vmul.f32 v46, v48  }
0xee: {  	v3 =	vld [tilespmem:$0x1FFD0];
	v52 =	vmul.f32 v52, v22;
	v22 =	vsub.f32 $1.500000000e+00, v54;
	v35 =	vmul.f32 v40, v35  }
0xef: {  	v40 =	vadd.f32 $-1.000000000e+00, v40;
	v26 =	vmul.f32 v27, v26;
	v48 =	vmul.f32 v63, v24;
	v24 =	vld.idx.msk [tilespmem:v49+s22+$0x0], $0xffff  }
0xf0: {  	v60 =	vmul.f32 v22, v25;
	v22 =	vor.u32 v0, v45;
	v25 =	vor.u32 v0, v50;
	v50 =	vld.idx.msk [tilespmem:v56+s22+$0x0], $0xffff  }
0xf1: {  	vm12 =	vle.f32 v38, v21;
	v47 =	vmul.f32 v62, v47;
	v23 =	vmul.f32 v52, v42;
	v45 =	vld.idx.msk [tilespmem:v58+s22+$0x0], $0xffff  }
0xf2: {  	vm11 =	vle.f32 v39, v21;
	v35 =	vmul.f32 v40, v35;
	v40 =	vld.idx.msk [tilespmem:v57+s22+$0x0], $0xffff;
	v5 =	vmul.f32 v26, v27  }
0xf3: {  	v26 =	vld.idx.msk [tilespmem:v49+s23+$0x0], $0xffff;
	v62 =	vor.u32 $0x5, v25;
	v23 =	vmul.f32 v23, v52;
	v43 =	vmul.f32 v60, v43  }
0xf4: {  	v61 =	vor.u32 $0x2, v49;
	v44 =	vmul.f32 v4, v44;
	v49 =	vld.idx.msk [tilespmem:v53+s23+$0x0], $0xffff;
	v54 =	vsub.f32 $1.500000000e+00, v5  }
0xf5: {  	v5 =	vor.u32 $0x2, v25;
	v4 =	vsub.f32 $1.500000000e+00, v23;
	v43 =	vmul.f32 v43, v60;
	v39 =	vld.idx.msk [tilespmem:v22+s23+$0x0], $0xffff  }
0xf6: {  	v34 =	vmul.f32 v47, v34;
	v47 =	vadd.f32 $-1.000000000e+00, v47;
	v23 =	vor.u32 v0, v51;
	v38 =	vld.idx.msk [tilespmem:v25+s22+$0x0], $0xffff  }
0xf7: {  	v46 =	vmul.f32 v4, v52;
	v43 =	vsub.f32 $1.500000000e+00, v43;
	v52 =	vmul.f32 v48, v63;
	v48 =	vld.idx.msk [tilespmem:v53+s22+$0x0], $0xffff  }
0xf8: {  	v34 =	vmul.f32 v47, v34;
	v47 =	vld.idx.msk [tilespmem:v62+s23+$0x0], $0xffff  }
0xf9: {  	v4 =	vor.u32 $0x2, v22;
	v42 =	vmul.f32 v43, v60;
	v43 =	vld.idx.msk [tilespmem:v56+s23+$0x0], $0xffff  }
0xfa: {  	v24 =	vsub.f32 v24, v26;
	v26 =	vld.idx.msk [tilespmem:v5+s23+$0x0], $0xffff  }
0xfb: {  	vm13 =	vle.f32 v37, v21;
	vm0 =	vle.f32 v41, v21;
	v46 =	vsub.f32 v46, v20;
	v37 =	vld.idx.msk [tilespmem:v23+s22+$0x0], $0xffff  }
0xfc: {  	v33 =	vmul.f32 v44, v33;
	v59 =	vadd.f32 $-1.000000000e+00, v44;
	v56 =	vor.u32 $0x4, v25;
	v44 =	vld.idx.msk [tilespmem:v23+s23+$0x0], $0xffff  }
0xfd: {  	v41 =	vsub.f32 $1.500000000e+00, v52;
	v32 =	vmul.f32 v46, v32;
	v42 =	vsub.f32 v42, v20;
	v46 =	vld.idx.msk [tilespmem:v61+s22+$0x0], $0xffff  }
0xfe: {  	v36 =	vmul.f32 v55, v36;
	v27 =	vmul.f32 v54, v27;
	v1 =	vld.idx.msk [tilespmem:v4+s22+$0x0], $0xffff  }
0xff: {  	v41 =	vmul.f32 v41, v63;
	v31 =	vmul.f32 v42, v31;
	v42 =	vld.idx.msk [tilespmem:v58+s23+$0x0], $0xffff  }
0x100: {  	v27 =	vsub.f32 v27, v20;
	v32 =	vmul.f32 v32, v8;
	v58 =	vadd.f32 $-1.000000000e+00, v55;
	v55 =	vld.idx.msk [tilespmem:v62+s22+$0x0], $0xffff  }
0x101: {  	v63 =	vor.u32 $0x5, v23;
	v41 =	vsub.f32 v41, v20;
	v62 =	vld.idx.msk [tilespmem:v56+s22+$0x0], $0xffff  }
0x102: {  	v27 =	vmul.f32 v27, v30;
	v32 =	vadd.f32 v32, v34;
	v31 =	vmul.f32 v31, v8;
	v34 =	vld.idx.msk [tilespmem:v61+s23+$0x0], $0xffff  }
0x103: {  	v30 =	vmul.f32 v58, v36;
	v29 =	vmul.f32 v41, v29;
	v36 =	vld.idx.msk [tilespmem:v22+s22+$0x0], $0xffff;
	v61 =	vor.u32 $0x3, v23  }
0x104: {  	v27 =	vmul.f32 v27, v8;
	v41 =	vld.idx.msk [tilespmem:v25+s23+$0x0], $0xffff;
	v32 =	vnsel vm0, $0x0, v32  }
0x105: {  	v31 =	vadd.f32 v31, v35;
	v35 =	vld.idx.msk [tilespmem:v57+s23+$0x0], $0xffff;
	v29 =	vmul.f32 v29, v8;
	v8 =	vmovc v0;
	v0 =	vor.u32 $0x1, v25  }
0x106: {  	v60 =	vmul.f32 v59, v33;
	v52 =	vld.idx.msk [tilespmem:v63+s23+$0x0], $0xffff;
	v28 =	vadd.f32 v32, v28  }
0x107: {  	v27 =	vadd.f32 v27, v30;
	v30 =	vor.u32 $0x3, v22;
	v57 =	vld.idx.msk [tilespmem:v63+s22+$0x0], $0xffff;
	v31 =	vnsel vm11, $0x0, v31  }
0x108: {  	v28 =	vadd.f32 v31, v28;
	v54 =	vld.idx.msk [tilespmem:v61+s22+$0x0], $0xffff  }
0x109: {  	v27 =	vnsel vm12, $0x0, v27;
	v29 =	vadd.f32 v29, v60;
	v31 =	vor.u32 $0x3, v25;
	v32 =	vld.idx.msk [tilespmem:v61+s23+$0x0], $0xffff  }
0x10a: {  	v27 =	vadd.f32 v27, v28;
	v35 =	vsub.f32 v40, v35;
	v40 =	vld.idx.msk [tilespmem:v0+s22+$0x0], $0xffff  }
0x10b: {  	v28 =	vnsel vm13, $0x0, v29;
	v29 =	vor.u32 $0x5, v22;
	v0 =	vld.idx.msk [tilespmem:v0+s23+$0x0], $0xffff  }
0x10c: {  	v11 =	vadd.f32 v28, v27;
	v27 =	vld.idx.msk [tilespmem:v30+s22+$0x0], $0xffff  }
0x10d: {  	v37 =	vsub.f32 v37, v44;
	v30 =	vld.idx.msk [tilespmem:v30+s23+$0x0], $0xffff  }
0x10e: {  	v63 =	vor.u32 $0x2, v23;
	v33 =	vld.idx.msk [tilespmem:v31+s22+$0x0], $0xffff  }
0x10f: {  	v60 =	vmul.f32 v37, v13;
	v34 =	vsub.f32 v46, v34;
	v31 =	vld.idx.msk [tilespmem:v31+s23+$0x0], $0xffff  }
0x110: {  	v25 =	vmul.f32 v43, v50;
	v46 =	vmul.f32 v24, v2;
	v36 =	vsub.f32 v36, v39;
	v51 =	vld.idx.msk [tilespmem:v29+s22+$0x0], $0xffff  }
0x111: {  	v50 =	vmul.f32 v52, v57;
	v39 =	vmul.f32 v34, v19;
	v53 =	vld.idx.msk [tilespmem:v29+s23+$0x0], $0xffff;
	v29 =	vor.u32 $0x4, v22  }
0x112: {  	v56 =	vld.idx.msk [tilespmem:v56+s23+$0x0], $0xffff;
	v38 =	vsub.f32 v38, v41;
	v41 =	vmul.f32 v36, v13;
	v57 =	vmul.f32 v36, v2  }
0x113: {  	v36 =	vmul.f32 v36, v3;
	v32 =	vmul.f32 v32, v54;
	v54 =	vld.idx.msk [tilespmem:v63+s22+$0x0], $0xffff;
	v0 =	vsub.f32 v40, v0  }
0x114: {  	v44 =	vmul.f32 v35, v14;
	v22 =	vor.u32 $0x1, v22;
	v30 =	vmul.f32 v30, v27;
	v27 =	vld.idx.msk [tilespmem:v5+s22+$0x0], $0xffff  }
0x115: {  	v43 =	vor.u32 $0x1, v23;
	v5 =	vld.idx.msk [tilespmem:v63+s23+$0x0], $0xffff;
	v63 =	vmul.f32 v0, v16;
	v31 =	vmul.f32 v31, v33  }
0x116: {  	v33 =	vmul.f32 $4.000000000e+00, v25;
	v25 =	vor.u32 $0x4, v23;
	v23 =	vmul.f32 v34, v17;
	v59 =	vld.idx.msk [tilespmem:v29+s22+$0x0], $0xffff  }
0x117: {  	v34 =	vmul.f32 v34, v18;
	v61 =	vld.idx.msk [tilespmem:v29+s23+$0x0], $0xffff;
	v29 =	vmul.f32 v49, v48  }
0x118: {  	v42 =	vadd.f32 v42, v45;
	v48 =	vld.idx.msk [tilespmem:v4+s23+$0x0], $0xffff;
	v49 =	vmul.f32 v53, v51;
	v51 =	vmul.f32 v47, v55  }
0x119: {  	v45 =	vld.idx.msk [tilespmem:v22+s22+$0x0], $0xffff;
	v47 =	vmul.f32 v24, v13;
	v24 =	vmul.f32 v24, v3  }
0x11a: {  	v56 =	vadd.f32 v56, v62;
	v52 =	vld.idx.msk [tilespmem:v22+s23+$0x0], $0xffff;
	v22 =	vmul.f32 $5.000000000e-01, v42;
	v53 =	vmul.f32 v35, v16  }
0x11b: {  	v44 =	vadd.f32 v44, v46;
	v4 =	vld.idx.msk [tilespmem:v43+s22+$0x0], $0xffff;
	v35 =	vmul.f32 v35, v15;
	v55 =	vmul.f32 v38, v13  }
0x11c: {  	v43 =	vld.idx.msk [tilespmem:v43+s23+$0x0], $0xffff;
	v26 =	vsub.f32 v27, v26;
	v27 =	vmul.f32 v38, v2;
	v54 =	vsub.f32 v54, v5  }
0x11d: {  	v38 =	vmul.f32 v38, v3;
	v24 =	vadd.f32 v35, v24;
	v35 =	vmul.f32 $4.000000000e+00, v51  }
0x11e: {  	v46 =	vadd.f32 v53, v47;
	v40 =	vmul.f32 v26, v19;
	v62 =	vmul.f32 v54, v17  }
0x11f: {  	v58 =	vadd.f32 v61, v59;
	v1 =	vsub.f32 v1, v48;
	v48 =	vmul.f32 v37, v2  }
0x120: {  	v37 =	vmul.f32 v37, v3;
	v45 =	vsub.f32 v45, v52;
	v2 =	vmul.f32 v0, v14  }
0x121: {  	v42 =	vsub.f32 v4, v43;
	v0 =	vmul.f32 v0, v15;
	v59 =	vmul.f32 v54, v19  }
0x122: {  	v63 =	vadd.f32 v63, v55;
	v43 =	vmul.f32 v45, v16;
	v4 =	vmul.f32 v45, v14  }
0x123: {  	v5 =	vmul.f32 v42, v16;
	v45 =	vmul.f32 v45, v15;
	v2 =	vadd.f32 v2, v27  }
0x124: {  	v47 =	vmul.f32 v42, v14;
	v0 =	vadd.f32 v0, v38;
	v41 =	vadd.f32 v43, v41  }
0x125: {  	v42 =	vmul.f32 v42, v15;
	v4 =	vadd.f32 v4, v57;
	v5 =	vadd.f32 v5, v60  }
0x126: {  	v52 =	vmul.f32 v1, v19;
	v36 =	vadd.f32 v45, v36;
	v27 =	vadd.f32 v47, v48  }
0x127: {  	v61 =	vmul.f32 v1, v17;
	v57 =	vadd.f32 v42, v37;
	v45 =	vadd.f32 v23, v44  }
0x128: {  	v1 =	vmul.f32 v1, v18;
	v47 =	vadd.f32 v39, v46;
	v46 =	vadd.f32 v34, v24  }
0x129: {  	v60 =	vmul.f32 v26, v17;
	v43 =	vadd.f32 v40, v63;
	v44 =	vadd.f32 v52, v41  }
0x12a: {  	v23 =	vmul.f32 v26, v18;
	v39 =	vadd.f32 v61, v4;
	v24 =	vadd.f32 v59, v5  }
0x12b: {  	v63 =	vmul.f32 v54, v18;
	v41 =	vadd.f32 v1, v36;
	v38 =	vadd.f32 v60, v2  }
0x12c: {  	v34 =	vmul.f32 $4.000000000e+00, v50;
	v37 =	vadd.f32 v23, v0;
	v27 =	vadd.f32 v62, v27  }
0x12d: {  	v40 =	vmul.f32 $5.000000000e-01, v56;
	v26 =	vadd.f32 v63, v57;
	v0 =	vadd.f32 $5.000000000e-01, v45  }
0x12e: {  	v36 =	vmul.f32 $4.000000000e+00, v49;
	v1 =	vadd.f32 $5.000000000e-01, v47;
	v48 =	vadd.f32 $5.000000000e-01, v46  }
0x12f: {  	v23 =	vmul.f32 $5.000000000e-01, v58;
	v49 =	vadd.f32 $5.000000000e-01, v43;
	v2 =	vadd.f32 $5.000000000e-01, v44  }
0x130: {  	v50 =	vadd.f32 $5.000000000e-01, v39;
	v51 =	vadd.f32 $5.000000000e-01, v41;
	v4 =	vtrunc.f32 v0  }
0x131: {  	v5 =	vtrunc.f32 v1;
	v42 =	vadd.f32 $5.000000000e-01, v24;
	v57 =	vtrunc.f32 v48  }
0x132: {  	v55 =	vadd.f32 $5.000000000e-01, v38;
	v53 =	vcvt.f32.s32 v5;
	v52 =	vcvt.f32.s32 v4  }
0x133: {  	v56 =	vadd.f32 $5.000000000e-01, v37;
	v54 =	vcvt.f32.s32 v57;
	v57 =	vtrunc.f32 v49  }
0x134: {  	v59 =	vadd.f32 $5.000000000e-01, v27;
	v58 =	vtrunc.f32 v2;
	v60 =	vtrunc.f32 v50  }
0x135: {  	v62 =	vadd.f32 $5.000000000e-01, v26;
	v61 =	vtrunc.f32 v51;
	v63 =	vtrunc.f32 v42  }
0x136: {  	v3 =	vtrunc.f32 v55;
	v4 =	vtrunc.f32 v59  }
0x137: {  	v5 =	vtrunc.f32 v56;
	v6 =	vtrunc.f32 v62  }
0x138: {  	v57 =	vcvt.f32.s32 v57;
	v58 =	vcvt.f32.s32 v58  }
0x139: {  	v60 =	vcvt.f32.s32 v60;
	v63 =	vcvt.f32.s32 v63  }
0x13a: {  	v61 =	vcvt.f32.s32 v61;
	v3 =	vcvt.f32.s32 v3  }
0x13b: {  	v7 =	vld.idx.msk [tilespmem:v25+s22+$0x0], $0xffff;
	v5 =	vcvt.f32.s32 v5;
	v4 =	vcvt.f32.s32 v4  }
0x13c: {  	v25 =	vld.idx.msk [tilespmem:v25+s23+$0x0], $0xffff;
	v6 =	vcvt.f32.s32 v6;
	v52 =	vcvt.s32.f32 v52  }
0x13d: {  	v53 =	vcvt.s32.f32 v53;
	v54 =	vcvt.s32.f32 v54  }
0x13e: {  	v57 =	vcvt.s32.f32 v57;
	v58 =	vcvt.s32.f32 v58  }
0x13f: {  	v60 =	vcvt.s32.f32 v60;
	v63 =	vcvt.s32.f32 v63  }
0x140: {  	v61 =	vcvt.s32.f32 v61;
	v3 =	vcvt.s32.f32 v3  }
0x141: {  	v25 =	vadd.f32 v25, v7;
	v5 =	vcvt.s32.f32 v5;
	v4 =	vcvt.s32.f32 v4  }
0x142: {  	v6 =	vcvt.s32.f32 v6;
	vm2 =	vlt.f32 v0, v52;
	vm3 =	vlt.f32 v1, v53  }
0x143: {  	v0 =	vadd.f32 $-1.000000000e+00, v53;
	v1 =	vadd.f32 $-1.000000000e+00, v52;
	vm4 =	vlt.f32 v48, v54  }
0x144: {  	v7 =	vadd.f32 $-1.000000000e+00, v54;
	vm1 =	vlt.f32 v49, v57;
	v48 =	vadd.f32 $-1.000000000e+00, v57  }
0x145: {  	vm5 =	vlt.f32 v2, v58;
	v2 =	vadd.f32 $-1.000000000e+00, v58;
	vm6 =	vlt.f32 v50, v60  }
0x146: {  	vm7 =	vlt.f32 v51, v61;
	v49 =	vadd.f32 $-1.000000000e+00, v60;
	v50 =	vadd.f32 $-1.000000000e+00, v61  }
0x147: {  	vm8 =	vlt.f32 v55, v3;
	v51 =	vadd.f32 $-1.000000000e+00, v63;
	v55 =	vadd.f32 $-1.000000000e+00, v3  }
0x148: {  	vm9 =	vlt.f32 v56, v5;
	vm10 =	vlt.f32 v59, v4;
	v56 =	vadd.f32 $-1.000000000e+00, v5  }
0x149: {  	vm14 =	vlt.f32 v62, v6;
	v59 =	vadd.f32 $-1.000000000e+00, v4;
	v62 =	vadd.f32 $-1.000000000e+00, v6  }
0x14a: {  	v9 =	vld [tilespmem:$0x1FF60];
	v0 =	vsel vm3, v0, v53;
	v1 =	vsel vm2, v1, v52;
	v7 =	vsel vm4, v7, v54  }
0x14b: {  	v28 =	vld [tilespmem:$0x1FF90];
	vm15 =	vlt.f32 v42, v63;
	v0 =	vsub.f32 v47, v0;
	v1 =	vsub.f32 v45, v1  }
0x14c: {  	v10 =	vld [tilespmem:$0x1FFA0];
	v7 =	vsub.f32 v46, v7;
	v2 =	vsel vm5, v2, v58;
	v58 =	vsel vm1, v48, v57  }
0x14d: {  	v52 =	vsel vm6, v49, v60;
	v53 =	vsel vm7, v50, v61;
	v4 =	vsel vm10, v59, v4;
	v61 =	vld [tilespmem:$0x1FF30]  }
0x14e: {  	v3 =	vsel vm8, v55, v3;
	v5 =	vsel vm9, v56, v5;
	v60 =	vld [tilespmem:$0x1FF70];
	v6 =	vsel vm14, v62, v6  }
0x14f: {  	v57 =	vld [tilespmem:$0x1FF40];
	v42 =	vsel vm15, v51, v63;
	v2 =	vsub.f32 v44, v2;
	v44 =	vmul.f32 v0, v9  }
0x150: {  	v56 =	vld [tilespmem:$0x1FF50];
	v39 =	vsub.f32 v39, v52;
	v46 =	vmul.f32 v1, v28;
	v3 =	vsub.f32 v38, v3  }
0x151: {  	v4 =	vsub.f32 v27, v4;
	v6 =	vsub.f32 v26, v6;
	v50 =	vmul.f32 v2, v9  }
0x152: {  	v24 =	vsub.f32 v24, v42;
	v26 =	vmul.f32 v39, v28;
	v42 =	vmul.f32 v3, v28  }
0x153: {  	v63 =	vmul.f32 v4, v28;
	v48 =	vmul.f32 v0, v61  }
0x154: {  	v43 =	vsub.f32 v43, v58;
	v0 =	vmul.f32 v0, v60;
	v45 =	vmul.f32 v1, v57  }
0x155: {  	v41 =	vsub.f32 v41, v53;
	v49 =	vmul.f32 v7, v56;
	v1 =	vmul.f32 v1, v10  }
0x156: {  	v5 =	vsub.f32 v37, v5;
	v38 =	vmul.f32 v2, v61;
	v37 =	vmul.f32 v43, v61  }
0x157: {  	v58 =	vld [tilespmem:$0x1FFB0];
	v52 =	vmul.f32 v39, v57;
	v53 =	vmul.f32 v41, v56  }
0x158: {  	v59 =	vld [tilespmem:$0x1FF80];
	v27 =	vmul.f32 v3, v57;
	v54 =	vmul.f32 v5, v56  }
0x159: {  	v39 =	vmul.f32 v39, v10;
	v51 =	vmul.f32 v4, v57  }
0x15a: {  	v56 =	vmul.f32 v6, v56;
	v3 =	vmul.f32 v3, v10  }
0x15b: {  	v4 =	vmul.f32 v4, v10;
	v2 =	vmul.f32 v2, v60  }
0x15c: {  	v57 =	vmul.f32 v43, v9;
	v47 =	vmul.f32 v7, v58  }
0x15d: {  	v7 =	vmul.f32 v7, v59;
	v55 =	vmul.f32 v41, v58;
	v45 =	vadd.f32 v49, v45  }
0x15e: {  	v41 =	vmul.f32 v41, v59;
	v27 =	vadd.f32 v54, v27;
	v54 =	vadd.f32 v53, v52  }
0x15f: {  	v62 =	vmul.f32 v5, v58;
	v46 =	vadd.f32 v47, v46;
	v1 =	vadd.f32 v7, v1  }
0x160: {  	v5 =	vmul.f32 v5, v59;
	v26 =	vadd.f32 v55, v26;
	v39 =	vadd.f32 v41, v39  }
0x161: {  	v7 =	vmul.f32 v6, v58;
	v55 =	vadd.f32 v56, v51;
	v42 =	vadd.f32 v62, v42  }
0x162: {  	v6 =	vmul.f32 v6, v59;
	v3 =	vadd.f32 v5, v3;
	v27 =	vadd.f32 v27, v37  }
0x163: {  	v56 =	vmul.f32 v24, v61;
	v58 =	vadd.f32 v54, v38;
	v7 =	vadd.f32 v7, v63  }
0x164: {  	v59 =	vmul.f32 v24, v9;
	v4 =	vadd.f32 v6, v4;
	v6 =	vadd.f32 v45, v48  }
0x165: {  	v24 =	vmul.f32 v24, v60;
	v44 =	vadd.f32 v46, v44;
	v0 =	vadd.f32 v1, v0  }
0x166: {  	v1 =	vmul.f32 v43, v60;
	v26 =	vadd.f32 v26, v50;
	v2 =	vadd.f32 v39, v2  }
0x167: {  	v47 =	vmul.f32 $5.000000000e-01, v25;
	v5 =	vadd.f32 v55, v56;
	v60 =	vadd.f32 v42, v57  }
0x168: {  	v61 =	vmul.f32 v58, v58;
	v1 =	vadd.f32 v3, v1;
	v3 =	vmul.f32 v44, v44  }
0x169: {  	v6 =	vmul.f32 v6, v6;
	v7 =	vadd.f32 v7, v59;
	v0 =	vmul.f32 v0, v0  }
0x16a: {  	s3 =	sadd.s32 $0x4, s3;
	v4 =	vadd.f32 v4, v24;
	v62 =	vmul.f32 v26, v26;
	v2 =	vmul.f32 v2, v2  }
0x16b: {  	p2 =	slt.u32 s3, $0x78;
	v63 =	vmul.f32 v60, v60;
	v1 =	vmul.f32 v1, v1;
	v0 =	vadd.f32 v0, v3  }
.Ltmp0:
0x16c: {  	v3 =	vmul.f32 v7, v7;
	v4 =	vmul.f32 v4, v4;
	v2 =	vadd.f32 v2, v62;
	(pc) =	sbr.rel @p2 .LBB2_3-.Ltmp0, $4  }
0x16d: {  	v7 =	vmul.f32 v27, v27;
	v1 =	vadd.f32 v1, v63;
	v37 =	vadd.f32 v0, v6  }
0x16e: {  	v4 =	vadd.f32 v4, v3;
	v3 =	vmul.f32 v5, v5;
	v38 =	vadd.f32 v2, v61  }
0x16f: {  	v44 =	vmul.f32 v22, v22;
	(erf) = vrcp.f32 v37  }
0x170: {  	s6 =	sadd.s32 $0x40, s6;
	v28 =	vmovc v11;
	v39 =	vadd.f32 v1, v7;
	v41 =	vadd.f32 v4, v3;
	v0 =	vmovc v8;
	v8 =	vld [tilespmem:$0x1FFE0];
	(erf) = vrcp.f32 v38  }
0x171: {  	v2 =	vor.u32 $0x3E00, v0  }
0x172: {  	v3 =	vor.u32 $0x3E01, v0;
	_ =	sdelay $0x2  }
0x173: {  	v5 =	vor.u32 $0x3E02, v0;
	v12 =	vld [tilespmem:$0x1FFD0]  }
0x174: {  	v55 =	vld.idx.msk [tilespmem:v2+s22+$0x0], $0xffff  }
0x175: {  	v1 =	vld.idx.msk [tilespmem:v3+s22+$0x0], $0xffff  }
0x176: {  	[tilespmem:$0x1FEA0] =	vst v2;
	v2 =	vld.idx.msk [tilespmem:v2+s23+$0x0], $0xffff  }
0x177: {  	[tilespmem:$0x1FEB0] =	vst v3;
	v3 =	vld.idx.msk [tilespmem:v3+s23+$0x0], $0xffff  }
0x178: {  	v4 =	vld.idx.msk [tilespmem:v5+s22+$0x0], $0xffff  }
0x179: {  	[tilespmem:$0x1FEC0] =	vst v5;
	v5 =	vld.idx.msk [tilespmem:v5+s23+$0x0], $0xffff  }
0x17a: {  	v11 =	vld [tilespmem:$0x1FFC0];
	_ =	sdelay $0x1  }
0x17b: {  	v25 =	vmov v0;
	v0 =	vsub.f32 v55, v2;
	v1 =	vsub.f32 v1, v3;
	_ =	sdelay $0x1  }
0x17c: {  	v56 =	vsub.f32 v4, v5;
	v59 =	vmul.f32 v0, v12;
	v6 =	vmul.f32 v1, v15  }
0x17d: {  	v57 =	vmul.f32 v0, v11  }
0x17e: {  	v58 =	vmul.f32 v1, v14;
	v7 =	vmul.f32 v56, v18;
	v5 =	vadd.f32 v6, v59;
	_ =	sdelay $0x1  }
0x17f: {  	v60 =	vmul.f32 v56, v17;
	v3 =	vadd.f32 v58, v57;
	v61 =	vadd.f32 v7, v5;
	_ =	sdelay $0x1  }
0x180: {  	v3 =	vadd.f32 v60, v3;
	v45 =	vadd.f32 $5.000000000e-01, v61  }
0x181: {  	v0 =	vmul.f32 v0, v13  }
0x182: {  	v1 =	vmul.f32 v1, v16;
	v63 =	vadd.f32 $5.000000000e-01, v3;
	v6 =	vtrunc.f32 v45  }
0x183: {  	v6 =	vcvt.f32.s32 v6  }
0x184: {  	v62 =	vmul.f32 v56, v19;
	v0 =	vadd.f32 v1, v0;
	v46 =	vtrunc.f32 v63  }
0x185: {  	v5 =	vcvt.f32.s32 v46;
	v6 =	vcvt.s32.f32 v6  }
0x186: {  	v0 =	vadd.f32 v62, v0  }
0x187: {  	v5 =	vcvt.s32.f32 v5;
	v42 =	vadd.f32 $-1.000000000e+00, v6  }
0x188: {  	v53 =	vld [tilespmem:$0x1FFA0];
	v7 =	vadd.f32 $5.000000000e-01, v0;
	vm1 =	vlt.f32 v45, v6  }
0x189: {  	v24 =	vadd.f32 $-1.000000000e+00, v5;
	v49 =	vsel vm1, v42, v6;
	v6 =	vld [tilespmem:$0x1FF80]  }
0x18a: {  	v22 =	vtrunc.f32 v7;
	vm0 =	vlt.f32 v63, v5  }
0x18b: {  	v52 =	vld [tilespmem:$0x1FF90];
	v22 =	vcvt.f32.s32 v22;
	v48 =	vsel vm0, v24, v5  }
0x18c: {  	v9 =	vld [tilespmem:$0x1FFB0];
	v1 =	vsub.f32 v3, v48;
	v2 =	vsub.f32 v61, v49  }
0x18d: {  	v54 =	vld [tilespmem:$0x1FF60];
	v22 =	vcvt.s32.f32 v22  }
0x18e: {  	v10 =	vld [tilespmem:$0x1FF40];
	v5 =	vmul.f32 v1, v53;
	v6 =	vmul.f32 v2, v6  }
0x18f: {  	v50 =	vadd.f32 $-1.000000000e+00, v22;
	vm7 =	vlt.f32 v7, v22;
	v7 =	vld [tilespmem:$0x1FF70]  }
0x190: {  	v5 =	vadd.f32 v6, v5;
	v6 =	vld [tilespmem:$0x1FF50]  }
0x191: {  	v51 =	vsel vm7, v50, v22  }
0x192: {  	v56 =	vld [tilespmem:$0x1FF30];
	v0 =	vsub.f32 v0, v51;
	v3 =	vmul.f32 v1, v52;
	v4 =	vmul.f32 v2, v9;
	_ =	sdelay $0x1  }
0x193: {  	v7 =	vmul.f32 v0, v7;
	v3 =	vadd.f32 v4, v3;
	v4 =	vmul.f32 v0, v54  }
0x194: {  	v1 =	vmul.f32 v1, v10;
	v2 =	vmul.f32 v2, v6  }
0x195: {  	v3 =	vadd.f32 v3, v4  }
0x196: {  	v0 =	vmul.f32 v0, v56;
	v55 =	vadd.f32 v5, v7;
	v1 =	vadd.f32 v2, v1;
	_ =	sdelay $0x1  }
0x197: {  	v57 =	vmul.f32 v3, v3;
	v58 =	vmul.f32 v55, v55;
	v0 =	vadd.f32 v1, v0;
	_ =	sdelay $0x1  }
0x198: {  	v1 =	vadd.f32 v58, v57;
	v0 =	vmul.f32 v0, v0;
	_ =	sdelay $0x1  }
0x199: {  	(erf) = vrcp.f32 v39;
	v42 =	vadd.f32 v1, v0  }
0x19a: {  	(erf) = vrcp.f32 v41  }
0x19b: {  	v43 =	vshra.s32 v41, $0x1;
	v60 =	vor.u32 $0x3E04, v25;
	(erf) = vrcp.f32 v42  }
0x19c: {  	v22 =	vor.u32 $0x3E03, v25;
	v5 =	vmul.f32 $5.000000000e-01, v41;
	v7 =	vshra.s32 v39, $0x1  }
0x19d: {  	v50 =	vsub.s32 $0x5F3759DF, v43;
	v7 =	vsub.s32 $0x5F3759DF, v7;
	v6 =	vmul.f32 $5.000000000e-01, v39  }
0x19e: {  	v51 =	vpop (erf);
	v49 =	vmul.f32 v50, v5;
	v2 =	vmul.f32 v23, v23;
	v23 =	vor.u32 $0x3E05, v25  }
0x19f: {  	v59 =	vshra.s32 v37, $0x1;
	v44 =	vmul.f32 v51, v44;
	v52 =	vmul.f32 v7, v6  }
0x1a0: {  	v61 =	vshra.s32 v38, $0x1;
	v48 =	vld.idx.msk [tilespmem:v60+s22+$0x0], $0xffff;
	v3 =	vmul.f32 $5.000000000e-01, v37;
	v56 =	vmul.f32 v50, v49  }
0x1a1: {  	v43 =	vld.idx.msk [tilespmem:v22+s22+$0x0], $0xffff;
	v55 =	vpop (erf);
	v52 =	vmul.f32 v7, v52;
	v1 =	vmul.f32 $5.000000000e-01, v38;
	v0 =	vsub.s32 $0x5F3759DF, v59  }
0x1a2: {  	[tilespmem:$0x1FEE0] =	vst v60;
	v4 =	vsub.s32 $0x5F3759DF, v61;
	v49 =	vld.idx.msk [tilespmem:v60+s23+$0x0], $0xffff;
	v60 =	vmul.f32 v47, v47;
	v57 =	vpop (erf);
	v45 =	vmul.f32 v0, v3  }
0x1a3: {  	[tilespmem:$0x1FED0] =	vst v22;
	v58 =	vmul.f32 v40, v40;
	v52 =	vsub.f32 $1.500000000e+00, v52;
	v40 =	vld.idx.msk [tilespmem:v23+s23+$0x0], $0xffff;
	v59 =	vpop (erf);
	v46 =	vmul.f32 v4, v1  }
0x1a4: {  	s3 =	simm.s32 @p1 $0x6;
	v56 =	vsub.f32 $1.500000000e+00, v56;
	[tilespmem:$0x1FEF0] =	vst v23;
	v2 =	vmul.f32 v55, v2;
	v54 =	vmul.f32 v0, v45;
	v45 =	vld.idx.msk [tilespmem:v23+s22+$0x0], $0xffff;
	v47 =	vpop (erf)  }
0x1a5: {  	v7 =	vmul.f32 v7, v52;
	v53 =	vmul.f32 v4, v46;
	v46 =	vld.idx.msk [tilespmem:v22+s23+$0x0], $0xffff;
	_ =	swait.ge @p1 [sflag:s3], $0x3E80  }
0x1a6: {  	v50 =	vmul.f32 v50, v56;
	v51 =	vmul.f32 v57, v58;
	[sflag:s3] =	ssyncset.done @p1 $0x0  }
0x1a7: {  	v58 =	vmul.f32 v2, v2;
	v24 =	vmul.f32 v7, v6;
	[sflag:s3] =	ssyncadd.s32 @p1 $0xFFFFC180;
	s3 =	simm.s32 @p1 $0x8  }
0x1a8: {  	v57 =	vmul.f32 v44, v44;
	v63 =	vmul.f32 v50, v5;
	v53 =	vsub.f32 $1.500000000e+00, v53;
	_ =	swait.ge @p1 [sflag:s3], $0x3E80  }
0x1a9: {  	v2 =	vmul.f32 v58, v2;
	v55 =	vmul.f32 v24, v7;
	v54 =	vsub.f32 $1.500000000e+00, v54;
	[sflag:s3] =	ssyncset.done @p1 $0x0  }
0x1aa: {  	v4 =	vmul.f32 v4, v53;
	v53 =	vmul.f32 v63, v50;
	[sflag:s3] =	ssyncadd.s32 @p1 $0xFFFFC180;
	s3 =	simm.s32 @!p1 $0x1  }
0x1ab: {  	v0 =	vmul.f32 v0, v54;
	v54 =	vmul.f32 v59, v60;
	_ =	swait.ge @!p1 [sflag:s3], $0x7D0  }
0x1ac: {  	v24 =	vmul.f32 v51, v51;
	v45 =	vmul.f32 v40, v45;
	v53 =	vsub.f32 $1.500000000e+00, v53;
	[sflag:s3] =	ssyncset.done @!p1 $0x0  }
0x1ad: {  	v62 =	vmul.f32 v0, v3;
	v60 =	vmul.f32 v54, v54;
	[sflag:s3] =	ssyncadd.s32 @!p1 $0xFFFFF830;
	s3 =	simm.s32 @!p1 $0x3  }
0x1ae: {  	v26 =	vmul.f32 v4, v1;
	v50 =	vmul.f32 v53, v50;
	_ =	swait.ge @!p1 [sflag:s3], $0x7D0  }
0x1af: {  	s6 =	simm.s32 @!p1 $0x0;
	vm10 =	vle.f32 v38, v21;
	v52 =	vmul.f32 v62, v0;
	v60 =	vmul.f32 v60, v54;
	[sflag:s3] =	ssyncset.done @!p1 $0x0  }
0x1b0: {  	s7 =	simm.s32 @!p1 $0x1F40;
	vm8 =	vle.f32 v41, v21;
	v56 =	vmul.f32 v26, v4;
	v5 =	vmul.f32 v50, v5;
	[sflag:s3] =	ssyncadd.s32 @!p1 $0xFFFFF830;
	s3 =	simm.s32 @!p1 $0x7D0  }
0x1b1: {  	v26 =	vsub.f32 $1.500000000e+00, v55;
	v55 =	vmul.f32 v57, v44;
	v57 =	vmul.f32 v24, v51;
	[tilespmem:s7], [sflag:$0x5] =	stream.indirect.gather @!p1 [spmem:s1], $0x8, s6, s3, $0xb8;
	[tilespmem:$0x1DDA0] =	vst v63  }
0x1b2: {  	s8 =	simm.s32 @!p1 $0x9C40;
	v62 =	vshra.s32 v42, $0x1;
	v51 =	vmul.f32 v2, v36;
	v5 =	vmul.f32 v5, v50;
	s7 =	simm.s32 @!p1 $0xFA0  }
0x1b3: {  	v34 =	vmul.f32 v60, v34;
	v59 =	vsub.f32 $1.500000000e+00, v56;
	v7 =	vmul.f32 v26, v7;
	[tilespmem:s8], [sflag:$0x7] =	stream.indirect.gather @!p1 [spmem:s1], $0x8, s7, s3, $0xb8;
	[tilespmem:$0x1DDA0] =	vst v63  }
0x1b4: {  	v33 =	vmul.f32 v55, v33;
	v35 =	vmul.f32 v57, v35;
	v5 =	vsub.f32 $1.500000000e+00, v5;
	s7 =	simm.s32 @!p1 $0x6  }
0x1b5: {  	v61 =	vsub.f32 $1.500000000e+00, v52;
	v4 =	vmul.f32 v59, v4;
	v6 =	vmul.f32 v7, v6;
	_ =	swait.ge @!p1 [sflag:s7], $0x3E80  }
0x1b6: {  	v36 =	vsub.s32 $0x5F3759DF, v62;
	v5 =	vmul.f32 v5, v50;
	v50 =	vmul.f32 $5.000000000e-01, v42;
	s8 =	simm.s32 $0x30;
	[sflag:s7] =	ssyncset.done @!p1 $0x0  }
0x1b7: {  	v0 =	vmul.f32 v61, v0;
	v6 =	vmul.f32 v6, v7;
	v63 =	vmov s8;
	[sflag:s7] =	ssyncadd.s32 @!p1 $0xFFFFC180;
	s7 =	simm.s32 @!p1 $0x8  }
0x1b8: {  	v1 =	vmul.f32 v4, v1;
	v24 =	vmul.f32 v36, v50;
	s8 =	sadd.s32 @!p1 s18, s12;
	v52 =	vshll.u32 v63, $0x3;
	_ =	swait.ge @!p1 [sflag:s7], $0x3E80  }
0x1b9: {  	v3 =	vmul.f32 v0, v3;
	v6 =	vsub.f32 $1.500000000e+00, v6;
	s8 =	sshrl.u32 @!p1 s8, $0x3;
	v26 =	vor.u32 v25, v52;
	[sflag:s7] =	ssyncset.done @!p1 $0x0  }
0x1ba: {  	v53 =	vadd.f32 $-1.000000000e+00, v60;
	v1 =	vmul.f32 v1, v4;
	v59 =	vmul.f32 v36, v24;
	[sflag:s7] =	ssyncadd.s32 @!p1 $0xFFFFC180;
	s7 =	sadd.s32 @!p1 s4, s8  }
0x1bb: {  	v3 =	vmul.f32 v3, v0;
	v6 =	vmul.f32 v6, v7;
	v7 =	vor.u32 $0x3, v26;
	[tilespmem:s3], [sflag:$0x2] =	stream.linear.gather @!p1 [hbm4b:s7+s6], $0x7D0, $0x38;
	[tilespmem:$0x1DDA0] =	vst v63  }
0x1bc: {  	v34 =	vmul.f32 v53, v34;
	v1 =	vsub.f32 $1.500000000e+00, v1;
	v52 =	vsub.f32 $1.500000000e+00, v59;
	s3 =	sadd.s32 @!p1 s5, s8;
	s7 =	simm.s32 @!p1 $0x1770  }
0x1bd: {  	v61 =	vadd.f32 $-1.000000000e+00, v57;
	v3 =	vsub.f32 $1.500000000e+00, v3;
	v60 =	vor.u32 $0x5, v26;
	[tilespmem:s7], [sflag:$0x4] =	stream.linear.gather @!p1 [hbm4b:s3+s6], $0x7D0, $0x38;
	[tilespmem:$0x1DDA0] =	vst v63  }
0x1be: {  	v5 =	vsub.f32 v5, v20;
	v1 =	vmul.f32 v1, v4;
	v4 =	vmul.f32 v36, v52;
	v52 =	vld.idx.msk [tilespmem:v26+s28+$0x0], $0xffff  }
0x1bf: {  	v0 =	vmul.f32 v3, v0;
	v6 =	vsub.f32 v6, v20;
	v3 =	vor.u32 $0x4, v26;
	v53 =	vld.idx.msk [tilespmem:v26+s29+$0x0], $0xffff  }
0x1c0: {  	v2 =	vadd.f32 $-1.000000000e+00, v2;
	v5 =	vmul.f32 v5, v32;
	v62 =	vmul.f32 v4, v50;
	v54 =	vld.idx.msk [tilespmem:v7+s28+$0x0], $0xffff  }
0x1c1: {  	v35 =	vmul.f32 v61, v35;
	v6 =	vmul.f32 v6, v31;
	v31 =	vor.u32 $0x2, v26;
	v7 =	vld.idx.msk [tilespmem:v7+s29+$0x0], $0xffff  }
0x1c2: {  	v0 =	vsub.f32 v0, v20;
	v5 =	vmul.f32 v5, v8;
	v63 =	vmul.f32 v62, v4;
	s7 =	simm.s32 $0x20;
	v56 =	vld.idx.msk [tilespmem:v60+s28+$0x0], $0xffff  }
0x1c3: {  	v1 =	vsub.f32 v1, v20;
	v57 =	vor.u32 $0x1, v26;
	s8 =	simm.s32 $0x10;
	v24 =	vmov s7;
	v32 =	vld.idx.msk [tilespmem:v60+s29+$0x0], $0xffff  }
0x1c4: {  	v61 =	vmov s8;
	v36 =	vld.idx.msk [tilespmem:v3+s28+$0x0], $0xffff;
	v26 =	vsub.f32 $1.500000000e+00, v63;
	v60 =	vshll.u32 v24, $0x3  }
0x1c5: {  	s18 =	simm.s32 $0x0;
	v5 =	vadd.f32 v5, v34;
	v44 =	vld.idx.msk [tilespmem:v3+s29+$0x0], $0xffff;
	v63 =	vshll.u32 v61, $0x3;
	v59 =	vor.u32 v25, v60  }
0x1c6: {  	v58 =	vld.idx.msk [tilespmem:v31+s28+$0x0], $0xffff;
	v24 =	vmov s18;
	v62 =	vmul.f32 v26, v4;
	v4 =	vor.u32 v25, v63  }
0x1c7: {  	v1 =	vmul.f32 v1, v30;
	v30 =	vadd.f32 v49, v48;
	v48 =	vld.idx.msk [tilespmem:v31+s29+$0x0], $0xffff;
	v34 =	vshll.u32 v24, $0x3  }
0x1c8: {  	v2 =	vmul.f32 v2, v51;
	v0 =	vmul.f32 v0, v29;
	v49 =	vld.idx.msk [tilespmem:v57+s28+$0x0], $0xffff;
	v41 =	vor.u32 v25, v34  }
0x1c9: {  	vm9 =	vle.f32 v39, v21;
	v29 =	vmul.f32 $5.000000000e-01, v30;
	v31 =	vmul.f32 v62, v50;
	v50 =	vld.idx.msk [tilespmem:v57+s29+$0x0], $0xffff  }
0x1ca: {  	v6 =	vmul.f32 v6, v8;
	v30 =	vadd.f32 $-1.000000000e+00, v55;
	v26 =	vor.u32 $0x3, v59;
	v51 =	vld.idx.msk [tilespmem:v59+s28+$0x0], $0xffff  }
0x1cb: {  	v0 =	vmul.f32 v0, v8;
	v5 =	vnsel vm8, $0x0, v5;
	v29 =	vmul.f32 v29, v29;
	v57 =	vld.idx.msk [tilespmem:v4+s28+$0x0], $0xffff  }
0x1cc: {  	v6 =	vadd.f32 v6, v35;
	v30 =	vmul.f32 v30, v33;
	v60 =	vor.u32 $0x5, v59;
	v39 =	vld.idx.msk [tilespmem:v4+s29+$0x0], $0xffff  }
0x1cd: {  	v1 =	vmul.f32 v1, v8;
	v5 =	vadd.f32 v5, v28;
	v29 =	vmul.f32 v47, v29;
	v47 =	vld.idx.msk [tilespmem:v41+s28+$0x0], $0xffff  }
0x1ce: {  	v6 =	vnsel vm9, $0x0, v6;
	v0 =	vadd.f32 v0, v30;
	v30 =	vor.u32 $0x2, v59;
	v40 =	vld.idx.msk [tilespmem:v41+s29+$0x0], $0xffff  }
0x1cf: {  	v1 =	vadd.f32 v1, v2;
	v61 =	vmul.f32 v46, v43;
	v25 =	vor.u32 $0x1, v59;
	v43 =	vld.idx.msk [tilespmem:v26+s28+$0x0], $0xffff  }
0x1d0: {  	v5 =	vadd.f32 v6, v5;
	v63 =	vor.u32 $0x5, v41;
	v31 =	vmul.f32 v31, v62;
	v34 =	vld.idx.msk [tilespmem:v26+s29+$0x0], $0xffff  }
0x1d1: {  	vm11 =	vle.f32 v37, v21;
	v1 =	vnsel vm10, $0x0, v1;
	v6 =	vld.idx.msk [tilespmem:v60+s28+$0x0], $0xffff  }
0x1d2: {  	vm12 =	vle.f32 v42, v21;
	v1 =	vadd.f32 v1, v5;
	v35 =	vld.idx.msk [tilespmem:v60+s29+$0x0], $0xffff;
	v28 =	vsub.f32 $1.500000000e+00, v31  }
0x1d3: {  	v0 =	vnsel vm11, $0x0, v0;
	v33 =	vmul.f32 v32, v56;
	v46 =	vld.idx.msk [tilespmem:v30+s28+$0x0], $0xffff;
	v31 =	vor.u32 $0x3, v4  }
0x1d4: {  	v0 =	vadd.f32 v0, v1;
	v1 =	vld.idx.msk [tilespmem:v25+s28+$0x0], $0xffff;
	v3 =	vmul.f32 v28, v62;
	v28 =	vmul.f32 v29, v29  }
0x1d5: {  	v33 =	vmul.f32 $4.000000000e+00, v33;
	v26 =	vor.u32 $0x1, v4;
	v24 =	vld.idx.msk [tilespmem:v63+s28+$0x0], $0xffff;
	v62 =	vor.u32 $0x3, v41  }
0x1d6: {  	v38 =	vld.idx.msk [tilespmem:v63+s29+$0x0], $0xffff;
	v63 =	vsub.f32 v49, v50;
	v3 =	vsub.f32 v3, v20;
	v28 =	vmul.f32 v28, v29  }
0x1d7: {  	v42 =	vld.idx.msk [tilespmem:v25+s29+$0x0], $0xffff;
	v29 =	vmul.f32 $4.000000000e+00, v45;
	v35 =	vmul.f32 v35, v6;
	v6 =	vsub.f32 v58, v48  }
0x1d8: {  	v39 =	vsub.f32 v57, v39;
	v57 =	vmul.f32 v63, v16;
	v2 =	vmul.f32 v3, v61;
	v3 =	vld.idx.msk [tilespmem:v31+s28+$0x0], $0xffff  }
0x1d9: {  	v58 =	vmul.f32 v63, v14;
	v29 =	vmul.f32 v28, v29;
	v28 =	vadd.f32 $-1.000000000e+00, v28;
	v31 =	vld.idx.msk [tilespmem:v31+s29+$0x0], $0xffff  }
0x1da: {  	v45 =	vor.u32 $0x2, v4;
	v48 =	vmul.f32 v63, v15;
	v50 =	vmul.f32 v6, v19;
	v5 =	vld.idx.msk [tilespmem:v62+s28+$0x0], $0xffff  }
0x1db: {  	v61 =	vsub.f32 v52, v53;
	v37 =	vld.idx.msk [tilespmem:v62+s29+$0x0], $0xffff;
	v2 =	vmul.f32 v2, v8;
	v28 =	vmul.f32 v28, v29  }
0x1dc: {  	v1 =	vsub.f32 v1, v42;
	v29 =	vmul.f32 v7, v54;
	v7 =	vld.idx.msk [tilespmem:v30+s29+$0x0], $0xffff;
	v30 =	vmul.f32 v34, v43  }
0x1dd: {  	v36 =	vadd.f32 v44, v36;
	v55 =	vld.idx.msk [tilespmem:v59+s29+$0x0], $0xffff;
	v34 =	vmul.f32 v38, v24;
	v38 =	vmul.f32 v61, v13  }
0x1de: {  	v40 =	vsub.f32 v47, v40;
	v63 =	vmul.f32 v1, v14;
	v43 =	vmul.f32 v61, v12  }
0x1df: {  	v49 =	vld.idx.msk [tilespmem:v26+s28+$0x0], $0xffff;
	v62 =	vor.u32 $0x1, v41;
	v2 =	vadd.f32 v2, v28;
	v38 =	vadd.f32 v57, v38  }
0x1e0: {  	v24 =	vld.idx.msk [tilespmem:v26+s29+$0x0], $0xffff;
	v43 =	vadd.f32 v48, v43;
	v34 =	vmul.f32 $4.000000000e+00, v34;
	v31 =	vmul.f32 v31, v3  }
0x1e1: {  	v3 =	vld.idx.msk [tilespmem:v45+s28+$0x0], $0xffff;
	v2 =	vnsel vm12, $0x0, v2;
	v32 =	vmul.f32 v37, v5;
	v37 =	vmul.f32 v61, v11  }
0x1e2: {  	v5 =	vld.idx.msk [tilespmem:v45+s29+$0x0], $0xffff;
	v45 =	vsub.f32 v51, v55;
	v51 =	vmul.f32 v6, v17;
	v6 =	vmul.f32 v6, v18  }
0x1e3: {  	v55 =	vor.u32 $0x4, v59;
	v59 =	vmul.f32 v39, v13;
	v61 =	vmul.f32 v40, v12  }
0x1e4: {  	v48 =	vadd.f32 v50, v38;
	v28 =	vadd.f32 v2, v0;
	v0 =	vor.u32 $0x5, v4  }
0x1e5: {  	v25 =	vld.idx.msk [tilespmem:v62+s28+$0x0], $0xffff;
	v2 =	vor.u32 $0x2, v41;
	v4 =	vor.u32 $0x4, v4;
	v7 =	vsub.f32 v46, v7  }
0x1e6: {  	v52 =	vld.idx.msk [tilespmem:v62+s29+$0x0], $0xffff;
	v46 =	vmul.f32 v40, v11;
	v24 =	vsub.f32 v49, v24;
	v54 =	vmul.f32 v45, v13  }
0x1e7: {  	v60 =	vmul.f32 v45, v11;
	v45 =	vmul.f32 v45, v12;
	v37 =	vadd.f32 v58, v37  }
0x1e8: {  	v6 =	vadd.f32 v6, v43;
	v44 =	vmul.f32 v7, v19;
	v53 =	vmul.f32 v7, v17  }
0x1e9: {  	v62 =	vmul.f32 v24, v16;
	v47 =	vmul.f32 v24, v14;
	v63 =	vadd.f32 v63, v60  }
0x1ea: {  	v42 =	vmul.f32 v24, v15;
	v50 =	vadd.f32 $5.000000000e-01, v6;
	v3 =	vsub.f32 v3, v5  }
0x1eb: {  	v52 =	vsub.f32 v25, v52;
	v25 =	vmul.f32 v1, v16;
	v1 =	vmul.f32 v1, v15  }
0x1ec: {  	v5 =	vmul.f32 v39, v11;
	v39 =	vmul.f32 v39, v12;
	v56 =	vadd.f32 v62, v59;
	v26 =	vld.idx.msk [tilespmem:v2+s28+$0x0], $0xffff  }
0x1ed: {  	v7 =	vmul.f32 v7, v18;
	v2 =	vld.idx.msk [tilespmem:v2+s29+$0x0], $0xffff;
	v54 =	vadd.f32 v25, v54;
	v1 =	vadd.f32 v1, v45  }
0x1ee: {  	v24 =	vld.idx.msk [tilespmem:v0+s28+$0x0], $0xffff;
	v25 =	vmul.f32 v52, v15;
	v5 =	vadd.f32 v47, v5;
	v39 =	vadd.f32 v42, v39  }
0x1ef: {  	v0 =	vld.idx.msk [tilespmem:v0+s29+$0x0], $0xffff;
	v49 =	vmul.f32 v3, v19;
	v47 =	vadd.f32 v51, v37;
	v45 =	vadd.f32 $5.000000000e-01, v48  }
0x1f0: {  	v60 =	vadd.f32 v25, v61;
	v61 =	vmul.f32 v3, v17;
	v44 =	vadd.f32 v44, v54  }
0x1f1: {  	v57 =	vld.idx.msk [tilespmem:v4+s28+$0x0], $0xffff;
	v3 =	vmul.f32 v3, v18;
	v43 =	vadd.f32 v49, v56;
	v49 =	vadd.f32 v53, v63  }
0x1f2: {  	v4 =	vld.idx.msk [tilespmem:v4+s29+$0x0], $0xffff;
	v1 =	vadd.f32 v7, v1;
	v42 =	vadd.f32 $5.000000000e-01, v47;
	v25 =	vtrunc.f32 v45  }
0x1f3: {  	v56 =	vcvt.f32.s32 v25;
	v2 =	vsub.f32 v26, v2;
	v26 =	vmul.f32 v52, v14  }
0x1f4: {  	v37 =	vmul.f32 v0, v24;
	v0 =	vadd.f32 v61, v5;
	v3 =	vadd.f32 v3, v39  }
0x1f5: {  	v38 =	vld.idx.msk [tilespmem:v55+s28+$0x0], $0xffff;
	v5 =	vor.u32 $0x4, v41;
	v39 =	vmul.f32 v40, v13;
	v40 =	vmul.f32 v52, v16  }
0x1f6: {  	v53 =	vld.idx.msk [tilespmem:v55+s29+$0x0], $0xffff;
	v51 =	vadd.f32 $5.000000000e-01, v43;
	v52 =	vadd.f32 $5.000000000e-01, v49;
	v24 =	vtrunc.f32 v42  }
0x1f7: {  	v54 =	vadd.f32 $5.000000000e-01, v1;
	v4 =	vadd.f32 v4, v57;
	v55 =	vcvt.f32.s32 v24  }
0x1f8: {  	v26 =	vadd.f32 v26, v46;
	v62 =	vmul.f32 v2, v17;
	v63 =	vmul.f32 v2, v18  }
0x1f9: {  	v46 =	vadd.f32 $5.000000000e-01, v44;
	v2 =	vmul.f32 v2, v19;
	v61 =	vtrunc.f32 v51  }
0x1fa: {  	v59 =	vadd.f32 $5.000000000e-01, v0;
	v23 =	vtrunc.f32 v52;
	v24 =	vtrunc.f32 v54  }
0x1fb: {  	v40 =	vadd.f32 v40, v39;
	v38 =	vadd.f32 v53, v38;
	v61 =	vcvt.f32.s32 v61  }
0x1fc: {  	v23 =	vcvt.f32.s32 v23;
	v55 =	vcvt.s32.f32 v55;
	v7 =	vadd.f32 v62, v26  }
0x1fd: {  	v41 =	vadd.f32 v63, v60;
	v26 =	vtrunc.f32 v50;
	v60 =	vadd.f32 $5.000000000e-01, v3  }
0x1fe: {  	v62 =	vtrunc.f32 v46;
	v53 =	vtrunc.f32 v59;
	v2 =	vadd.f32 v2, v40  }
0x1ff: {  	v58 =	vcvt.f32.s32 v26;
	v22 =	vld.idx.msk [tilespmem:v5+s28+$0x0], $0xffff;
	v57 =	vcvt.f32.s32 v62;
	vm13 =	vlt.f32 v42, v55  }
0x200: {  	v5 =	vld.idx.msk [tilespmem:v5+s29+$0x0], $0xffff;
	v53 =	vcvt.f32.s32 v53;
	v23 =	vcvt.s32.f32 v23;
	v63 =	vadd.f32 $5.000000000e-01, v7  }
0x201: {  	v25 =	vadd.f32 $5.000000000e-01, v41;
	v27 =	vtrunc.f32 v60;
	v62 =	vcvt.s32.f32 v58  }
0x202: {  	v27 =	vcvt.f32.s32 v27;
	v57 =	vcvt.s32.f32 v57;
	vm6 =	vlt.f32 v52, v23  }
0x203: {  	v52 =	vadd.f32 $5.000000000e-01, v2;
	v26 =	vtrunc.f32 v63;
	v39 =	vtrunc.f32 v25  }
0x204: {  	vm3 =	vlt.f32 v50, v62;
	v26 =	vcvt.f32.s32 v26;
	v39 =	vcvt.f32.s32 v39  }
0x205: {  	v27 =	vcvt.s32.f32 v27;
	v40 =	vadd.f32 v5, v22;
	v5 =	vcvt.f32.s32 v24  }
0x206: {  	vm5 =	vlt.f32 v46, v57;
	v22 =	vcvt.s32.f32 v56;
	v56 =	vcvt.s32.f32 v61  }
0x207: {  	v24 =	vcvt.s32.f32 v53;
	v61 =	vadd.f32 $-1.000000000e+00, v57;
	v26 =	vcvt.s32.f32 v26  }
0x208: {  	v39 =	vcvt.s32.f32 v39;
	vm9 =	vlt.f32 v60, v27;
	v60 =	vadd.f32 $-1.000000000e+00, v62  }
0x209: {  	vm2 =	vlt.f32 v45, v22;
	vm4 =	vlt.f32 v51, v56;
	v5 =	vcvt.s32.f32 v5  }
0x20a: {  	vm8 =	vlt.f32 v59, v24;
	v58 =	vadd.f32 $-1.000000000e+00, v22;
	v59 =	vadd.f32 $-1.000000000e+00, v55  }
0x20b: {  	v46 =	vsel vm5, v61, v57;
	vm10 =	vlt.f32 v63, v26;
	vm14 =	vlt.f32 v25, v39  }
0x20c: {  	v25 =	vsel vm3, v60, v62;
	v62 =	vadd.f32 $-1.000000000e+00, v56;
	v63 =	vadd.f32 $-1.000000000e+00, v23  }
0x20d: {  	v44 =	vsub.f32 v44, v46;
	v60 =	vadd.f32 $-1.000000000e+00, v27;
	vm7 =	vlt.f32 v54, v5  }
0x20e: {  	v51 =	vsel vm13, v59, v55;
	v55 =	vadd.f32 $-1.000000000e+00, v5;
	v6 =	vsub.f32 v6, v25  }
0x20f: {  	v53 =	vld [tilespmem:$0x1FF50];
	v22 =	vsel vm2, v58, v22;
	v58 =	vadd.f32 $-1.000000000e+00, v26;
	v59 =	vadd.f32 $-1.000000000e+00, v24  }
0x210: {  	v12 =	vld [tilespmem:$0x1FF80];
	v54 =	vtrunc.f32 v52;
	v22 =	vsub.f32 v48, v22;
	v47 =	vsub.f32 v47, v51  }
0x211: {  	v56 =	vsel vm4, v62, v56;
	v57 =	vcvt.f32.s32 v54;
	v23 =	vsel vm6, v63, v23  }
0x212: {  	v11 =	vld [tilespmem:$0x1FFA0];
	v27 =	vsel vm9, v60, v27;
	v62 =	vadd.f32 $-1.000000000e+00, v39;
	v5 =	vsel vm7, v55, v5  }
0x213: {  	v26 =	vsel vm10, v58, v26;
	v25 =	vsub.f32 v43, v56;
	v24 =	vsel vm8, v59, v24  }
0x214: {  	v23 =	vsub.f32 v49, v23;
	v54 =	vmul.f32 v6, v53;
	v55 =	vmul.f32 v6, v9  }
0x215: {  	v3 =	vsub.f32 v3, v27;
	v6 =	vmul.f32 v6, v12;
	v42 =	vcvt.s32.f32 v57  }
0x216: {  	v48 =	vld [tilespmem:$0x1FF90];
	v1 =	vsub.f32 v1, v5;
	v0 =	vsub.f32 v0, v24;
	v63 =	vmul.f32 v47, v10  }
0x217: {  	v39 =	vsel vm14, v62, v39;
	v56 =	vmul.f32 v47, v11;
	v57 =	vmul.f32 v23, v10  }
0x218: {  	v7 =	vsub.f32 v7, v26;
	v60 =	vmul.f32 v3, v53;
	v51 =	vmul.f32 v3, v9  }
0x219: {  	v49 =	vld [tilespmem:$0x1FF30];
	v39 =	vsub.f32 v41, v39;
	v3 =	vmul.f32 v3, v12;
	v58 =	vmul.f32 v1, v53  }
0x21a: {  	v61 =	vadd.f32 $-1.000000000e+00, v42;
	v59 =	vmul.f32 v0, v10;
	v62 =	vmul.f32 v7, v10  }
0x21b: {  	v24 =	vadd.f32 v54, v63;
	v27 =	vmul.f32 v47, v48;
	v63 =	vmul.f32 v39, v53  }
0x21c: {  	vm15 =	vlt.f32 v52, v42;
	v50 =	vmul.f32 v0, v48;
	v0 =	vmul.f32 v0, v11  }
0x21d: {  	v6 =	vadd.f32 v6, v56;
	v52 =	vmul.f32 v39, v9;
	v39 =	vmul.f32 v39, v12  }
0x21e: {  	v5 =	vmul.f32 v22, v49;
	v42 =	vsel vm15, v61, v42;
	v61 =	vmul.f32 v23, v48  }
0x21f: {  	v23 =	vmul.f32 v23, v11;
	v41 =	vadd.f32 v60, v59;
	v54 =	vmul.f32 v44, v49  }
0x220: {  	v10 =	vld [tilespmem:$0x1FF60];
	v45 =	vadd.f32 v58, v57;
	v59 =	vmul.f32 $5.000000000e-01, v36;
	v36 =	vmul.f32 $4.000000000e+00, v35  }
0x221: {  	v35 =	vmul.f32 $4.000000000e+00, v37;
	v2 =	vsub.f32 v2, v42;
	v26 =	vadd.f32 v55, v27  }
0x222: {  	v27 =	vmul.f32 v1, v9;
	v1 =	vmul.f32 v1, v12;
	v42 =	vadd.f32 v63, v62;
	v9 =	vld [tilespmem:$0x1FF70]  }
0x223: {  	v55 =	vmul.f32 v25, v49;
	v5 =	vadd.f32 v24, v5;
	v24 =	vadd.f32 v45, v54  }
0x224: {  	v45 =	vmul.f32 v59, v59;
	v1 =	vadd.f32 v1, v23;
	v23 =	vmul.f32 v7, v48  }
0x225: {  	v43 =	vadd.f32 v51, v50;
	v7 =	vmul.f32 v7, v11;
	v53 =	vmul.f32 v22, v10  }
0x226: {  	v0 =	vadd.f32 v3, v0;
	v57 =	vmul.f32 v2, v49;
	v60 =	vmul.f32 v2, v10  }
0x227: {  	v27 =	vadd.f32 v27, v61;
	v5 =	vmul.f32 v5, v5;
	v22 =	vmul.f32 v22, v9  }
0x228: {  	v61 =	vmul.f32 v24, v24;
	v23 =	vadd.f32 v52, v23;
	v7 =	vadd.f32 v39, v7  }
0x229: {  	v3 =	vadd.f32 v26, v53;
	v6 =	vadd.f32 v6, v22;
	v22 =	vmul.f32 v44, v10  }
0x22a: {  	v26 =	vadd.f32 v41, v55;
	v56 =	vmul.f32 v44, v9;
	v2 =	vmul.f32 v2, v9  }
0x22b: {  	v22 =	vadd.f32 v27, v22;
	v27 =	vmul.f32 v25, v10;
	v25 =	vmul.f32 v25, v9  }
0x22c: {  	v23 =	vadd.f32 v23, v60;
	v3 =	vmul.f32 v3, v3;
	v1 =	vadd.f32 v1, v56  }
0x22d: {  	v6 =	vmul.f32 v6, v6;
	v27 =	vadd.f32 v43, v27;
	v0 =	vadd.f32 v0, v25  }
0x22e: {  	v2 =	vadd.f32 v7, v2;
	v1 =	vmul.f32 v1, v1;
	v7 =	vmul.f32 v22, v22  }
0x22f: {  	v3 =	vadd.f32 v6, v3;
	v6 =	vmul.f32 v27, v27;
	v0 =	vmul.f32 v0, v0  }
0x230: {  	v58 =	vadd.f32 v42, v57;
	v41 =	vmul.f32 $5.000000000e-01, v4;
	v2 =	vmul.f32 v2, v2  }
0x231: {  	v1 =	vadd.f32 v1, v7;
	v0 =	vadd.f32 v0, v6;
	v6 =	vmul.f32 v23, v23  }
0x232: {  	v62 =	vmul.f32 v26, v26;
	v63 =	vmul.f32 v58, v58;
	v37 =	vadd.f32 v3, v5  }
0x233: {  	v43 =	vmul.f32 $5.000000000e-01, v38;
	v38 =	vadd.f32 v1, v61;
	v2 =	vadd.f32 v2, v6  }
0x234: {  	v44 =	vmul.f32 $5.000000000e-01, v40;
	(erf) = vrcp.f32 v37  }
0x235: {  	s3 =	simm.s32 $0x0;
	s6 =	simm.s32 $0x70;
	v39 =	vadd.f32 v0, v62;
	(erf) = vrcp.f32 v38;
	v42 =	vadd.f32 v2, v63  }
.LBB2_5:
0x236: {  	v0 =	vmov s6;
	v1 =	vmul.f32 v43, v43;
	v2 =	vmul.f32 $5.000000000e-01, v37  }
0x237: {  	v3 =	vshra.s32 v37, $0x1;
	v4 =	vmul.f32 $5.000000000e-01, v38;
	v5 =	vshra.s32 v38, $0x1  }
0x238: {  	v41 =	vmul.f32 v41, v41;
	vm12 =	vle.f32 v38, v21;
	vm13 =	vle.f32 v37, v21  }
0x239: {  	(erf) = vrcp.f32 v39;
	v3 =	vsub.s32 $0x5F3759DF, v3;
	v6 =	vmul.f32 $5.000000000e-01, v42  }
0x23a: {  	v7 =	vmul.f32 $5.000000000e-01, v39;
	v22 =	vshra.s32 v39, $0x1;
	v23 =	vshra.s32 v42, $0x1  }
0x23b: {  	v5 =	vsub.s32 $0x5F3759DF, v5;
	(erf) = vrcp.f32 v42;
	v24 =	vmul.f32 v3, v2  }
0x23c: {  	v23 =	vsub.s32 $0x5F3759DF, v23;
	v22 =	vsub.s32 $0x5F3759DF, v22;
	v25 =	vmul.f32 v5, v4  }
0x23d: {  	s7 =	sadd.s32 $0xFFFFFFF0, s6;
	v0 =	vshll.u32 v0, $0x3;
	v26 =	vmul.f32 v23, v6;
	v27 =	vmul.f32 v22, v7  }
0x23e: {  	s8 =	sadd.s32 $0xFFFFFFE0, s6;
	v40 =	vmov s7;
	v25 =	vmul.f32 v5, v25;
	v24 =	vmul.f32 v3, v24  }
0x23f: {  	v9 =	vld [tilespmem:$0x1FFF0];
	v46 =	vmov s8;
	v26 =	vmul.f32 v23, v26;
	v27 =	vmul.f32 v22, v27  }
0x240: {  	s18 =	sadd.s32 $0xFFFFFFD0, s6;
	v44 =	vmul.f32 v44, v44;
	v25 =	vsub.f32 $1.500000000e+00, v25;
	v24 =	vsub.f32 $1.500000000e+00, v24  }
0x241: {  	v50 =	vmov s18;
	v26 =	vsub.f32 $1.500000000e+00, v26;
	v27 =	vsub.f32 $1.500000000e+00, v27  }
0x242: {  	vm0 =	vle.f32 v42, v21;
	v61 =	vpop (erf);
	v5 =	vmul.f32 v5, v25;
	v3 =	vmul.f32 v3, v24  }
0x243: {  	vm11 =	vle.f32 v39, v21;
	v47 =	vpop (erf);
	v23 =	vmul.f32 v23, v26;
	v22 =	vmul.f32 v22, v27  }
0x244: {  	v0 =	vor.u32 v9, v0;
	v26 =	vmul.f32 v61, v45;
	v1 =	vmul.f32 v47, v1  }
0x245: {  	v59 =	vor.u32 $0x5, v0;
	v48 =	vpop (erf);
	v62 =	vmul.f32 v3, v2;
	v58 =	vmul.f32 v5, v4  }
0x246: {  	v53 =	vor.u32 $0x2, v0;
	v63 =	vmul.f32 v48, v41;
	v56 =	vmul.f32 v23, v6  }
0x247: {  	v24 =	vshll.u32 v40, $0x3;
	v49 =	vpop (erf);
	v57 =	vmul.f32 v22, v7;
	v60 =	vmul.f32 v26, v26  }
0x248: {  	v40 =	vor.u32 v9, v24;
	v51 =	vmul.f32 v1, v1;
	v44 =	vmul.f32 v49, v44  }
0x249: {  	v27 =	vshll.u32 v46, $0x3;
	v25 =	vmul.f32 v62, v3;
	v47 =	vmul.f32 v58, v5  }
0x24a: {  	v61 =	vor.u32 $0x4, v0;
	v43 =	vmul.f32 v56, v23;
	v46 =	vmul.f32 v57, v22  }
0x24b: {  	v41 =	vshll.u32 v50, $0x3;
	v52 =	vmul.f32 v63, v63;
	v26 =	vmul.f32 v60, v26  }
0x24c: {  	v42 =	vld.idx.msk [tilespmem:v53+s28+$0x0], $0xffff;
	v41 =	vor.u32 v9, v41;
	v1 =	vmul.f32 v51, v1;
	v54 =	vmul.f32 v44, v44  }
0x24d: {  	v49 =	vsub.f32 $1.500000000e+00, v47;
	v25 =	vsub.f32 $1.500000000e+00, v25;
	v39 =	vld.idx.msk [tilespmem:v40+s29+$0x0], $0xffff;
	v63 =	vmul.f32 v52, v63  }
0x24e: {  	v43 =	vsub.f32 $1.500000000e+00, v43;
	v52 =	vmul.f32 v26, v33;
	v33 =	vld.idx.msk [tilespmem:v0+s28+$0x0], $0xffff;
	v44 =	vmul.f32 v54, v44  }
0x24f: {  	v62 =	vsub.f32 $1.500000000e+00, v46;
	v5 =	vmul.f32 v49, v5;
	v54 =	vmul.f32 v1, v36;
	v36 =	vld.idx.msk [tilespmem:v0+s29+$0x0], $0xffff  }
0x250: {  	v51 =	vor.u32 $0x1, v0;
	v3 =	vmul.f32 v25, v3;
	v25 =	vld.idx.msk [tilespmem:v40+s28+$0x0], $0xffff;
	v23 =	vmul.f32 v43, v23  }
0x251: {  	v22 =	vmul.f32 v62, v22;
	v43 =	vor.u32 v9, v27;
	v55 =	vmul.f32 v63, v35;
	v35 =	vld.idx.msk [tilespmem:v59+s28+$0x0], $0xffff  }
0x252: {  	v57 =	vadd.f32 $-1.000000000e+00, v63;
	v37 =	vld.idx.msk [tilespmem:v41+s29+$0x0], $0xffff;
	v62 =	vor.u32 $0x5, v41;
	v4 =	vmul.f32 v5, v4  }
0x253: {  	v9 =	vld [tilespmem:$0x1FFD0];
	v2 =	vmul.f32 v3, v2;
	v27 =	vmul.f32 v44, v34;
	v63 =	vor.u32 $0x4, v43  }
0x254: {  	v45 =	vor.u32 $0x3, v0;
	v34 =	vld.idx.msk [tilespmem:v61+s29+$0x0], $0xffff;
	v6 =	vmul.f32 v23, v6;
	v7 =	vmul.f32 v22, v7  }
0x255: {  	v58 =	vadd.f32 $-1.000000000e+00, v26;
	v26 =	vld.idx.msk [tilespmem:v51+s28+$0x0], $0xffff;
	v4 =	vmul.f32 v4, v5;
	v2 =	vmul.f32 v2, v3  }
0x256: {  	v1 =	vadd.f32 $-1.000000000e+00, v1;
	v6 =	vmul.f32 v6, v23;
	v7 =	vmul.f32 v7, v22;
	v38 =	vld.idx.msk [tilespmem:v43+s29+$0x0], $0xffff  }
0x257: {  	v24 =	vmul.f32 v58, v52;
	v4 =	vsub.f32 $1.500000000e+00, v4;
	v2 =	vsub.f32 $1.500000000e+00, v2;
	v50 =	vld.idx.msk [tilespmem:v62+s28+$0x0], $0xffff  }
0x258: {  	v0 =	vmul.f32 v57, v55;
	v6 =	vsub.f32 $1.500000000e+00, v6;
	v7 =	vsub.f32 $1.500000000e+00, v7;
	v55 =	vld.idx.msk [tilespmem:v63+s28+$0x0], $0xffff  }
0x259: {  	v60 =	vor.u32 $0x3, v43;
	v48 =	vld.idx.msk [tilespmem:v63+s29+$0x0], $0xffff;
	v4 =	vmul.f32 v4, v5;
	v2 =	vmul.f32 v2, v3  }
0x25a: {  	v3 =	vld.idx.msk [tilespmem:v61+s28+$0x0], $0xffff;
	v61 =	vor.u32 $0x3, v41;
	v6 =	vmul.f32 v6, v23;
	v7 =	vmul.f32 v7, v22  }
0x25b: {  	v1 =	vmul.f32 v1, v54;
	v5 =	vld.idx.msk [tilespmem:v59+s29+$0x0], $0xffff;
	v4 =	vsub.f32 v4, v20;
	v2 =	vsub.f32 v2, v20  }
0x25c: {  	v59 =	vor.u32 $0x3, v40;
	v23 =	vld.idx.msk [tilespmem:v45+s28+$0x0], $0xffff;
	v6 =	vsub.f32 v6, v20;
	v7 =	vsub.f32 v7, v20  }
0x25d: {  	v22 =	vld.idx.msk [tilespmem:v45+s29+$0x0], $0xffff;
	v4 =	vmul.f32 v4, v30;
	v2 =	vmul.f32 v2, v29  }
0x25e: {  	v30 =	vld.idx.msk [tilespmem:v60+s28+$0x0], $0xffff;
	v6 =	vmul.f32 v6, v32;
	v7 =	vmul.f32 v7, v31  }
0x25f: {  	v46 =	vld.idx.msk [tilespmem:v61+s28+$0x0], $0xffff;
	v4 =	vmul.f32 v4, v8;
	v2 =	vmul.f32 v2, v8  }
0x260: {  	v56 =	vadd.f32 $-1.000000000e+00, v44;
	v6 =	vmul.f32 v6, v8;
	v7 =	vmul.f32 v7, v8;
	v8 =	vld [tilespmem:$0x1FFC0]  }
0x261: {  	v29 =	vor.u32 $0x5, v40;
	v1 =	vadd.f32 v4, v1;
	v4 =	vld.idx.msk [tilespmem:v59+s29+$0x0], $0xffff  }
0x262: {  	v27 =	vmul.f32 v56, v27;
	v2 =	vadd.f32 v2, v24;
	v24 =	vld.idx.msk [tilespmem:v60+s29+$0x0], $0xffff  }
0x263: {  	v31 =	vor.u32 $0x5, v43;
	v60 =	vld.idx.msk [tilespmem:v62+s29+$0x0], $0xffff  }
0x264: {  	v6 =	vadd.f32 v6, v27;
	v27 =	vld.idx.msk [tilespmem:v53+s29+$0x0], $0xffff  }
0x265: {  	v62 =	vor.u32 $0x2, v43;
	v0 =	vadd.f32 v7, v0;
	v7 =	vld.idx.msk [tilespmem:v51+s29+$0x0], $0xffff  }
0x266: {  	v44 =	vld.idx.msk [tilespmem:v29+s28+$0x0], $0xffff  }
0x267: {  	v45 =	vld.idx.msk [tilespmem:v29+s29+$0x0], $0xffff;
	v29 =	vor.u32 $0x4, v40;
	v6 =	vnsel vm0, $0x0, v6  }
0x268: {  	v47 =	vld.idx.msk [tilespmem:v31+s28+$0x0], $0xffff;
	v6 =	vadd.f32 v6, v28  }
0x269: {  	v49 =	vld.idx.msk [tilespmem:v31+s29+$0x0], $0xffff;
	v0 =	vnsel vm11, $0x0, v0  }
0x26a: {  	v5 =	vmul.f32 v5, v35;
	v35 =	vld.idx.msk [tilespmem:v62+s29+$0x0], $0xffff;
	v0 =	vadd.f32 v0, v6  }
0x26b: {  	v1 =	vnsel vm12, $0x0, v1;
	v6 =	vld.idx.msk [tilespmem:v43+s28+$0x0], $0xffff  }
0x26c: {  	v52 =	vld.idx.msk [tilespmem:v29+s28+$0x0], $0xffff;
	v43 =	vor.u32 $0x1, v43;
	v0 =	vadd.f32 v1, v0  }
0x26d: {  	v2 =	vnsel vm13, $0x0, v2;
	v54 =	vld.idx.msk [tilespmem:v29+s29+$0x0], $0xffff  }
0x26e: {  	v63 =	vsub.f32 v33, v36;
	v12 =	vadd.f32 v2, v0;
	v2 =	vld.idx.msk [tilespmem:v61+s29+$0x0], $0xffff;
	v61 =	vor.u32 $0x2, v40  }
0x26f: {  	v56 =	vor.u32 $0x2, v41;
	v25 =	vsub.f32 v25, v39;
	v1 =	vld.idx.msk [tilespmem:v41+s28+$0x0], $0xffff  }
0x270: {  	v39 =	vor.u32 $0x4, v41;
	v33 =	vmul.f32 $4.000000000e+00, v5;
	v36 =	vmul.f32 v63, v8;
	v0 =	vld.idx.msk [tilespmem:v59+s28+$0x0], $0xffff  }
0x271: {  	v31 =	vmul.f32 v24, v30;
	v24 =	vmul.f32 v60, v50;
	v40 =	vor.u32 $0x1, v40;
	v59 =	vld.idx.msk [tilespmem:v43+s28+$0x0], $0xffff  }
0x272: {  	v29 =	vmul.f32 v22, v23;
	v27 =	vsub.f32 v42, v27;
	v42 =	vmul.f32 v63, v13;
	v60 =	vld.idx.msk [tilespmem:v43+s29+$0x0], $0xffff  }
0x273: {  	v22 =	vor.u32 $0x1, v41;
	v58 =	vmul.f32 v49, v47;
	v49 =	vmul.f32 v25, v8;
	v57 =	vld.idx.msk [tilespmem:v61+s28+$0x0], $0xffff  }
0x274: {  	v7 =	vsub.f32 v26, v7;
	v26 =	vmul.f32 v27, v19;
	v41 =	vmul.f32 v27, v17;
	v23 =	vld.idx.msk [tilespmem:v61+s29+$0x0], $0xffff  }
0x275: {  	v3 =	vadd.f32 v34, v3;
	v27 =	vmul.f32 v27, v18;
	v30 =	vmul.f32 v4, v0;
	v0 =	vld.idx.msk [tilespmem:v62+s28+$0x0], $0xffff  }
0x276: {  	v6 =	vsub.f32 v6, v38;
	v38 =	vmul.f32 v25, v13;
	v25 =	vmul.f32 v25, v9;
	v34 =	vld.idx.msk [tilespmem:v40+s28+$0x0], $0xffff  }
0x277: {  	v32 =	vmul.f32 v2, v46;
	v2 =	vmul.f32 v45, v44;
	v44 =	vld.idx.msk [tilespmem:v40+s29+$0x0], $0xffff  }
0x278: {  	v1 =	vsub.f32 v1, v37;
	v37 =	vmul.f32 v7, v14;
	v47 =	vmul.f32 v6, v13;
	v61 =	vld.idx.msk [tilespmem:v22+s28+$0x0], $0xffff  }
0x279: {  	v48 =	vadd.f32 v48, v55;
	v4 =	vmul.f32 v63, v9;
	v40 =	vmul.f32 $5.000000000e-01, v3;
	v62 =	vld.idx.msk [tilespmem:v56+s28+$0x0], $0xffff  }
0x27a: {  	v54 =	vadd.f32 v54, v52;
	v45 =	vmul.f32 v7, v16;
	v7 =	vmul.f32 v7, v15;
	v63 =	vld.idx.msk [tilespmem:v56+s29+$0x0], $0xffff  }
0x27b: {  	v22 =	vld.idx.msk [tilespmem:v22+s29+$0x0], $0xffff;
	v51 =	vmul.f32 v1, v13;
	v52 =	vmul.f32 v1, v8;
	v3 =	vsub.f32 v59, v60  }
0x27c: {  	v1 =	vmul.f32 v1, v9;
	v36 =	vadd.f32 v37, v36;
	v59 =	vadd.f32 v45, v42  }
0x27d: {  	v60 =	vmul.f32 v3, v16;
	v23 =	vsub.f32 v57, v23;
	v0 =	vsub.f32 v0, v35  }
0x27e: {  	v35 =	vmul.f32 v6, v8;
	v6 =	vmul.f32 v6, v9;
	v34 =	vsub.f32 v34, v44  }
0x27f: {  	v57 =	vsub.f32 v62, v63;
	v63 =	vmul.f32 v3, v14;
	v3 =	vmul.f32 v3, v15  }
0x280: {  	v22 =	vsub.f32 v61, v22;
	v5 =	vmul.f32 v0, v19;
	v44 =	vmul.f32 v23, v19  }
0x281: {  	v4 =	vadd.f32 v7, v4;
	v43 =	vmul.f32 v23, v17;
	v53 =	vmul.f32 v34, v16  }
0x282: {  	v60 =	vadd.f32 v60, v47;
	v61 =	vmul.f32 v34, v14;
	v62 =	vmul.f32 v22, v16  }
0x283: {  	v34 =	vmul.f32 v34, v15;
	v7 =	vmul.f32 v22, v14;
	v63 =	vadd.f32 v63, v35  }
0x284: {  	v22 =	vmul.f32 v22, v15;
	v3 =	vadd.f32 v3, v6;
	v38 =	vadd.f32 v53, v38  }
0x285: {  	v6 =	vmul.f32 v23, v18;
	v61 =	vadd.f32 v61, v49;
	v62 =	vadd.f32 v62, v51  }
0x286: {  	v23 =	vmul.f32 v0, v17;
	v25 =	vadd.f32 v34, v25;
	v7 =	vadd.f32 v7, v52  }
0x287: {  	v0 =	vmul.f32 v0, v18;
	v1 =	vadd.f32 v22, v1;
	v51 =	vadd.f32 v41, v36  }
0x288: {  	v55 =	vmul.f32 v57, v17;
	v53 =	vadd.f32 v26, v59;
	v52 =	vadd.f32 v27, v4  }
0x289: {  	v22 =	vmul.f32 v57, v19;
	v49 =	vadd.f32 v5, v60;
	v45 =	vadd.f32 v23, v63  }
0x28a: {  	v56 =	vmul.f32 v57, v18;
	v50 =	vadd.f32 v44, v38;
	v46 =	vadd.f32 v43, v61  }
0x28b: {  	v35 =	vmul.f32 $4.000000000e+00, v58;
	v37 =	vadd.f32 v22, v62;
	v47 =	vadd.f32 v6, v25  }
0x28c: {  	v36 =	vmul.f32 $4.000000000e+00, v2;
	v44 =	vadd.f32 v0, v3;
	v42 =	vadd.f32 v55, v7  }
0x28d: {  	v34 =	vmul.f32 $4.000000000e+00, v24;
	v38 =	vadd.f32 v56, v1;
	v0 =	vadd.f32 $5.000000000e-01, v51  }
0x28e: {  	v41 =	vmul.f32 $5.000000000e-01, v48;
	v1 =	vadd.f32 $5.000000000e-01, v53;
	v3 =	vadd.f32 $5.000000000e-01, v52  }
0x28f: {  	v43 =	vmul.f32 $5.000000000e-01, v54;
	v4 =	vadd.f32 $5.000000000e-01, v49;
	v24 =	vadd.f32 $5.000000000e-01, v45  }
0x290: {  	v2 =	vadd.f32 $5.000000000e-01, v50;
	v7 =	vtrunc.f32 v0;
	v22 =	vtrunc.f32 v1  }
0x291: {  	v5 =	vadd.f32 $5.000000000e-01, v46;
	v23 =	vtrunc.f32 v3;
	v26 =	vtrunc.f32 v4  }
0x292: {  	v6 =	vadd.f32 $5.000000000e-01, v47;
	v59 =	vtrunc.f32 v24;
	v22 =	vcvt.f32.s32 v22  }
0x293: {  	v48 =	vadd.f32 $5.000000000e-01, v37;
	v7 =	vcvt.f32.s32 v7;
	v23 =	vcvt.f32.s32 v23  }
0x294: {  	v25 =	vadd.f32 $5.000000000e-01, v44;
	v26 =	vcvt.f32.s32 v26;
	v59 =	vcvt.f32.s32 v59  }
0x295: {  	v54 =	vadd.f32 $5.000000000e-01, v42;
	v27 =	vtrunc.f32 v2;
	v55 =	vtrunc.f32 v5  }
0x296: {  	v57 =	vadd.f32 $5.000000000e-01, v38;
	v56 =	vtrunc.f32 v6;
	v58 =	vtrunc.f32 v48  }
0x297: {  	v60 =	vtrunc.f32 v54;
	v61 =	vtrunc.f32 v25  }
0x298: {  	v62 =	vtrunc.f32 v57;
	v27 =	vcvt.f32.s32 v27  }
0x299: {  	v55 =	vcvt.f32.s32 v55;
	v58 =	vcvt.f32.s32 v58  }
0x29a: {  	v63 =	vld.idx.msk [tilespmem:v39+s28+$0x0], $0xffff;
	v56 =	vcvt.f32.s32 v56;
	v61 =	vcvt.f32.s32 v61  }
0x29b: {  	v39 =	vld.idx.msk [tilespmem:v39+s29+$0x0], $0xffff;
	v60 =	vcvt.f32.s32 v60;
	v62 =	vcvt.f32.s32 v62  }
0x29c: {  	v7 =	vcvt.s32.f32 v7;
	v22 =	vcvt.s32.f32 v22  }
0x29d: {  	v23 =	vcvt.s32.f32 v23;
	v26 =	vcvt.s32.f32 v26  }
0x29e: {  	v59 =	vcvt.s32.f32 v59;
	v27 =	vcvt.s32.f32 v27  }
0x29f: {  	v55 =	vcvt.s32.f32 v55;
	v58 =	vcvt.s32.f32 v58  }
0x2a0: {  	v39 =	vadd.f32 v39, v63;
	v56 =	vcvt.s32.f32 v56;
	v61 =	vcvt.s32.f32 v61  }
0x2a1: {  	v60 =	vcvt.s32.f32 v60;
	v62 =	vcvt.s32.f32 v62;
	vm2 =	vlt.f32 v0, v7  }
0x2a2: {  	vm3 =	vlt.f32 v1, v22;
	v0 =	vadd.f32 $-1.000000000e+00, v22;
	v1 =	vadd.f32 $-1.000000000e+00, v7  }
0x2a3: {  	vm4 =	vlt.f32 v3, v23;
	v3 =	vadd.f32 $-1.000000000e+00, v23;
	vm1 =	vlt.f32 v4, v26  }
0x2a4: {  	vm8 =	vlt.f32 v24, v59;
	v63 =	vadd.f32 $-1.000000000e+00, v59;
	vm5 =	vlt.f32 v2, v27  }
0x2a5: {  	v2 =	vadd.f32 $-1.000000000e+00, v27;
	vm6 =	vlt.f32 v5, v55;
	v5 =	vadd.f32 $-1.000000000e+00, v55  }
0x2a6: {  	vm7 =	vlt.f32 v6, v56;
	v6 =	vadd.f32 $-1.000000000e+00, v56;
	v24 =	vadd.f32 $-1.000000000e+00, v58  }
0x2a7: {  	vm9 =	vlt.f32 v25, v61;
	vm10 =	vlt.f32 v54, v60;
	v25 =	vadd.f32 $-1.000000000e+00, v61  }
0x2a8: {  	v9 =	vld [tilespmem:$0x1FF60];
	vm14 =	vlt.f32 v57, v62;
	v54 =	vadd.f32 $-1.000000000e+00, v60;
	v57 =	vadd.f32 $-1.000000000e+00, v62  }
0x2a9: {  	v8 =	vld [tilespmem:$0x1FF40];
	v0 =	vsel vm3, v0, v22;
	v1 =	vsel vm2, v1, v7;
	v3 =	vsel vm4, v3, v23  }
0x2aa: {  	v11 =	vld [tilespmem:$0x1FFB0];
	v22 =	vsel vm8, v63, v59;
	v0 =	vsub.f32 v53, v0;
	v1 =	vsub.f32 v51, v1  }
0x2ab: {  	v63 =	vld [tilespmem:$0x1FF90];
	vm15 =	vlt.f32 v48, v58;
	v3 =	vsub.f32 v52, v3;
	v22 =	vsub.f32 v45, v22  }
0x2ac: {  	v10 =	vld [tilespmem:$0x1FFA0];
	v2 =	vsel vm5, v2, v27;
	v5 =	vsel vm6, v5, v55;
	v6 =	vsel vm7, v6, v56  }
0x2ad: {  	v7 =	vsel vm10, v54, v60;
	v23 =	vsel vm9, v25, v61;
	v57 =	vsel vm14, v57, v62  }
0x2ae: {  	v2 =	vsub.f32 v50, v2;
	v25 =	vmul.f32 v0, v9;
	v27 =	vmul.f32 v1, v8  }
0x2af: {  	v5 =	vsub.f32 v46, v5;
	v6 =	vsub.f32 v47, v6;
	v47 =	vmul.f32 v3, v11  }
0x2b0: {  	v7 =	vsub.f32 v42, v7;
	v42 =	vmul.f32 v22, v8;
	v46 =	vmul.f32 v1, v63  }
0x2b1: {  	v61 =	vld [tilespmem:$0x1FF30];
	v24 =	vsel vm15, v24, v58;
	v1 =	vmul.f32 v1, v10;
	v50 =	vmul.f32 v2, v9  }
0x2b2: {  	v60 =	vld [tilespmem:$0x1FF70];
	v23 =	vsub.f32 v44, v23;
	v52 =	vmul.f32 v5, v8;
	v51 =	vmul.f32 v5, v63  }
0x2b3: {  	v56 =	vld [tilespmem:$0x1FF50];
	v38 =	vsub.f32 v38, v57;
	v55 =	vmul.f32 v6, v11;
	v5 =	vmul.f32 v5, v10  }
0x2b4: {  	v59 =	vld [tilespmem:$0x1FF80];
	v24 =	vsub.f32 v37, v24;
	v48 =	vmul.f32 v7, v8;
	v37 =	vmul.f32 v22, v63  }
0x2b5: {  	v4 =	vadd.f32 $-1.000000000e+00, v26;
	v57 =	vmul.f32 v23, v11;
	v22 =	vmul.f32 v22, v10  }
0x2b6: {  	v58 =	vmul.f32 v7, v63;
	v62 =	vmul.f32 v38, v11  }
0x2b7: {  	v4 =	vsel vm1, v4, v26;
	v7 =	vmul.f32 v7, v10;
	v26 =	vmul.f32 v0, v61  }
0x2b8: {  	v4 =	vsub.f32 v49, v4;
	v0 =	vmul.f32 v0, v60;
	v49 =	vmul.f32 v3, v56  }
0x2b9: {  	v45 =	vmul.f32 v2, v61;
	v3 =	vmul.f32 v3, v59  }
0x2ba: {  	v44 =	vmul.f32 v4, v61;
	v53 =	vmul.f32 v6, v56  }
0x2bb: {  	v54 =	vmul.f32 v23, v56;
	v6 =	vmul.f32 v6, v59;
	v46 =	vadd.f32 v47, v46  }
0x2bc: {  	v56 =	vmul.f32 v38, v56;
	v51 =	vadd.f32 v55, v51;
	v37 =	vadd.f32 v57, v37  }
0x2bd: {  	v23 =	vmul.f32 v23, v59;
	v27 =	vadd.f32 v49, v27;
	v1 =	vadd.f32 v3, v1  }
0x2be: {  	v2 =	vmul.f32 v2, v60;
	v42 =	vadd.f32 v54, v42;
	v63 =	vadd.f32 v53, v52  }
0x2bf: {  	v55 =	vmul.f32 v4, v60;
	v5 =	vadd.f32 v6, v5;
	v53 =	vadd.f32 v56, v48  }
0x2c0: {  	v6 =	vmul.f32 v38, v59;
	v3 =	vadd.f32 v62, v58;
	v22 =	vadd.f32 v23, v22  }
0x2c1: {  	v57 =	vmul.f32 v24, v9;
	v25 =	vadd.f32 v46, v25;
	v58 =	vadd.f32 v51, v50  }
0x2c2: {  	v54 =	vmul.f32 v4, v9;
	v6 =	vadd.f32 v6, v7;
	v23 =	vadd.f32 v27, v26  }
0x2c3: {  	v28 =	vmovc v21;
	v59 =	vmul.f32 v24, v60;
	v0 =	vadd.f32 v1, v0;
	v56 =	vadd.f32 v42, v44  }
0x2c4: {  	v21 =	vmovc v20;
	v7 =	vmul.f32 v24, v61;
	v27 =	vadd.f32 v63, v45;
	v2 =	vadd.f32 v5, v2  }
0x2c5: {  	v20 =	vmovc v19;
	v60 =	vadd.f32 v37, v54;
	v1 =	vadd.f32 v22, v55;
	v22 =	vmul.f32 v25, v25  }
0x2c6: {  	v19 =	vmovc v18;
	v18 =	vmovc v17;
	v3 =	vadd.f32 v3, v57;
	v44 =	vmul.f32 $5.000000000e-01, v39;
	v23 =	vmul.f32 v23, v23  }
0x2c7: {  	v17 =	vmovc v16;
	v7 =	vadd.f32 v53, v7;
	v61 =	vmul.f32 v27, v27;
	v0 =	vmul.f32 v0, v0  }
0x2c8: {  	s3 =	sadd.s32 $0x4, s3;
	v16 =	vmovc v15;
	v5 =	vadd.f32 v6, v59;
	v6 =	vmul.f32 v58, v58;
	v2 =	vmul.f32 v2, v2  }
0x2c9: {  	p1 =	slt.u32 s3, $0x78;
	v24 =	vmul.f32 v60, v60;
	v1 =	vmul.f32 v1, v1;
	v0 =	vadd.f32 v0, v22  }
.Ltmp1:
0x2ca: {  	v15 =	vmovc v16;
	v3 =	vmul.f32 v3, v3;
	v5 =	vmul.f32 v5, v5;
	v2 =	vadd.f32 v2, v6;
	(pc) =	sbr.rel @p1 .LBB2_5-.Ltmp1, $4  }
0x2cb: {  	v16 =	vmovc v17;
	v4 =	vmul.f32 v56, v56;
	v1 =	vadd.f32 v1, v24;
	v37 =	vadd.f32 v0, v23  }
0x2cc: {  	v17 =	vmovc v18;
	v63 =	vmul.f32 v7, v7;
	v62 =	vadd.f32 v5, v3;
	v38 =	vadd.f32 v2, v61  }
0x2cd: {  	v18 =	vmovc v19;
	v19 =	vmovc v20;
	v20 =	vmov v21;
	v45 =	vmul.f32 v40, v40;
	(erf) = vrcp.f32 v37  }
0x2ce: {  	s6 =	sadd.s32 $0x40, s6;
	v21 =	vmovc v28;
	v28 =	vmovc v12;
	v8 =	vld [tilespmem:$0x1FFE0];
	v39 =	vadd.f32 v1, v4;
	v42 =	vadd.f32 v62, v63;
	(erf) = vrcp.f32 v38  }
0x2cf: {  	v4 =	vld [tilespmem:$0x1FEA0];
	_ =	sdelay $0x1  }
0x2d0: {  	v9 =	vld [tilespmem:$0x1FEC0];
	_ =	sdelay $0x3  }
0x2d1: {  	v6 =	vld [tilespmem:$0x1FEB0];
	_ =	sdelay $0x1  }
0x2d2: {  	v0 =	vld.idx.msk [tilespmem:v4+s28+$0x0], $0xffff  }
0x2d3: {  	v4 =	vld.idx.msk [tilespmem:v4+s29+$0x0], $0xffff  }
0x2d4: {  	v24 =	vld.idx.msk [tilespmem:v9+s28+$0x0], $0xffff  }
0x2d5: {  	v52 =	vld.idx.msk [tilespmem:v9+s29+$0x0], $0xffff  }
0x2d6: {  	v9 =	vld [tilespmem:$0x1FFC0];
	_ =	sdelay $0x1  }
0x2d7: {  	v2 =	vld.idx.msk [tilespmem:v6+s28+$0x0], $0xffff  }
0x2d8: {  	v6 =	vld.idx.msk [tilespmem:v6+s29+$0x0], $0xffff;
	v0 =	vsub.f32 v0, v4;
	_ =	sdelay $0x1  }
0x2d9: {  	v7 =	vmul.f32 $5.000000000e-01, v42;
	v25 =	vshra.s32 v42, $0x1;
	v54 =	vmul.f32 v0, v9;
	v9 =	vld [tilespmem:$0x1FFD0]  }
0x2da: {  	v25 =	vsub.s32 $0x5F3759DF, v25  }
0x2db: {  	v47 =	vmul.f32 v25, v7  }
0x2dc: {  	v1 =	vmul.f32 v43, v43;
	v2 =	vsub.f32 v2, v6  }
0x2dd: {  	v40 =	vmul.f32 $5.000000000e-01, v37;
	v6 =	vmul.f32 v25, v47;
	v24 =	vsub.f32 v24, v52  }
0x2de: {  	v3 =	vshra.s32 v37, $0x1;
	v49 =	vmul.f32 v2, v15;
	v56 =	vmul.f32 v0, v9  }
0x2df: {  	v3 =	vsub.s32 $0x5F3759DF, v3;
	v55 =	vmul.f32 v2, v14;
	v50 =	vmul.f32 v24, v18  }
0x2e0: {  	v2 =	vmul.f32 v2, v16;
	v0 =	vmul.f32 v0, v13;
	v47 =	vadd.f32 v49, v56  }
0x2e1: {  	v22 =	vmul.f32 $5.000000000e-01, v39;
	v23 =	vshra.s32 v39, $0x1;
	v26 =	vmul.f32 v3, v40  }
0x2e2: {  	v0 =	vadd.f32 v2, v0;
	v2 =	vmul.f32 v24, v19;
	v43 =	vadd.f32 v50, v47  }
0x2e3: {  	v23 =	vsub.s32 $0x5F3759DF, v23;
	v53 =	vmul.f32 v3, v26;
	v26 =	vadd.f32 v55, v54  }
0x2e4: {  	v57 =	vmul.f32 v24, v17;
	v0 =	vadd.f32 v2, v0;
	v2 =	vadd.f32 $5.000000000e-01, v43  }
0x2e5: {  	v27 =	vmul.f32 $5.000000000e-01, v38;
	v5 =	vshra.s32 v38, $0x1;
	v48 =	vmul.f32 v23, v22  }
0x2e6: {  	v4 =	vsub.f32 $1.500000000e+00, v53;
	v26 =	vadd.f32 v57, v26;
	v60 =	vtrunc.f32 v2  }
0x2e7: {  	v48 =	vmul.f32 v23, v48;
	v6 =	vsub.f32 $1.500000000e+00, v6;
	v62 =	vcvt.f32.s32 v60  }
0x2e8: {  	v3 =	vmul.f32 v3, v4;
	v58 =	vadd.f32 $5.000000000e-01, v26;
	v61 =	vadd.f32 $5.000000000e-01, v0  }
0x2e9: {  	v5 =	vsub.s32 $0x5F3759DF, v5;
	v6 =	vmul.f32 v25, v6;
	v25 =	vcvt.s32.f32 v62  }
0x2ea: {  	v63 =	vsub.f32 $1.500000000e+00, v48;
	v59 =	vtrunc.f32 v58;
	v52 =	vtrunc.f32 v61  }
0x2eb: {  	v9 =	vld [tilespmem:$0x1FFB0];
	v4 =	vcvt.f32.s32 v59;
	v48 =	vcvt.f32.s32 v52;
	v55 =	vadd.f32 $-1.000000000e+00, v25  }
0x2ec: {  	(erf) = vrcp.f32 v39;
	v46 =	vmul.f32 v5, v27;
	vm9 =	vlt.f32 v2, v25  }
0x2ed: {  	v4 =	vcvt.s32.f32 v4;
	v48 =	vcvt.s32.f32 v48;
	v25 =	vsel vm9, v55, v25  }
0x2ee: {  	(erf) = vrcp.f32 v42;
	v25 =	vsub.f32 v43, v25  }
0x2ef: {  	v46 =	vmul.f32 v5, v46;
	v53 =	vpop (erf);
	v54 =	vadd.f32 $-1.000000000e+00, v4;
	v60 =	vld [tilespmem:$0x1FF80];
	v56 =	vadd.f32 $-1.000000000e+00, v48  }
0x2f0: {  	vm0 =	vlt.f32 v58, v4;
	v2 =	vpop (erf);
	vm10 =	vlt.f32 v61, v48;
	v58 =	vmul.f32 v25, v9;
	v9 =	vld [tilespmem:$0x1FFA0]  }
0x2f1: {  	v46 =	vsub.f32 $1.500000000e+00, v46;
	v52 =	vld [tilespmem:$0x1FF50];
	v1 =	vmul.f32 v2, v1;
	v2 =	vsel vm10, v56, v48  }
0x2f2: {  	v4 =	vsel vm0, v54, v4;
	v0 =	vsub.f32 v0, v2;
	v2 =	vld [tilespmem:$0x1FF90]  }
0x2f3: {  	v44 =	vmul.f32 v44, v44;
	v5 =	vmul.f32 v5, v46;
	v4 =	vsub.f32 v26, v4;
	v62 =	vld [tilespmem:$0x1FF70]  }
0x2f4: {  	v23 =	vmul.f32 v23, v63;
	v45 =	vmul.f32 v53, v45;
	v61 =	vld [tilespmem:$0x1FF60]  }
0x2f5: {  	v24 =	vmul.f32 v41, v41;
	v59 =	vmul.f32 v4, v9;
	v9 =	vld [tilespmem:$0x1FF40]  }
0x2f6: {  	v46 =	vmul.f32 v3, v40;
	v53 =	vmul.f32 v6, v7;
	v57 =	vpop (erf)  }
0x2f7: {  	v24 =	vmul.f32 v57, v24;
	v55 =	vld [tilespmem:$0x1FF30];
	v2 =	vmul.f32 v4, v2  }
0x2f8: {  	v56 =	vmul.f32 v23, v22;
	v43 =	vmul.f32 v25, v60  }
0x2f9: {  	v26 =	vmul.f32 v0, v61;
	v47 =	vmul.f32 v0, v62;
	v2 =	vadd.f32 v58, v2  }
0x2fa: {  	v63 =	vpop (erf);
	v25 =	vmul.f32 v25, v52;
	v41 =	vadd.f32 v43, v59;
	v4 =	vmul.f32 v4, v9  }
0x2fb: {  	v57 =	vmul.f32 v5, v27;
	v44 =	vmul.f32 v63, v44;
	v2 =	vadd.f32 v2, v26  }
0x2fc: {  	v0 =	vmul.f32 v0, v55;
	v54 =	vadd.f32 v41, v47;
	v4 =	vadd.f32 v25, v4  }
0x2fd: {  	v63 =	vmul.f32 v24, v24;
	v60 =	vmul.f32 v45, v45  }
0x2fe: {  	v2 =	vmul.f32 v2, v2;
	v58 =	vmul.f32 v54, v54;
	v0 =	vadd.f32 v4, v0  }
0x2ff: {  	v61 =	vmul.f32 v1, v1;
	v59 =	vmul.f32 v53, v6  }
0x300: {  	v62 =	vmul.f32 v46, v3;
	v2 =	vadd.f32 v58, v2;
	v0 =	vmul.f32 v0, v0  }
0x301: {  	v48 =	vmul.f32 v44, v44;
	v26 =	vsub.f32 $1.500000000e+00, v59;
	v25 =	vmul.f32 v56, v23  }
0x302: {  	v24 =	vmul.f32 v63, v24;
	v49 =	vmul.f32 v60, v45;
	v0 =	vadd.f32 v2, v0  }
0x303: {  	v1 =	vmul.f32 v61, v1;
	v6 =	vmul.f32 v26, v6;
	v25 =	vsub.f32 $1.500000000e+00, v25  }
0x304: {  	v35 =	vmul.f32 v24, v35;
	v9 =	vld [tilespmem:$0x1FEE0];
	v50 =	vmul.f32 $5.000000000e-01, v0;
	v51 =	vshra.s32 v0, $0x1  }
0x305: {  	v7 =	vmul.f32 v6, v7;
	v23 =	vmul.f32 v25, v23;
	v43 =	vsub.s32 $0x5F3759DF, v51  }
0x306: {  	v2 =	vmul.f32 v57, v5;
	v52 =	vmul.f32 v43, v50  }
0x307: {  	v4 =	vsub.f32 $1.500000000e+00, v62;
	v7 =	vmul.f32 v7, v6;
	v22 =	vmul.f32 v23, v22  }
0x308: {  	v55 =	vmul.f32 v49, v33;
	v2 =	vsub.f32 $1.500000000e+00, v2;
	v54 =	vmul.f32 v43, v52  }
0x309: {  	v3 =	vmul.f32 v4, v3;
	v7 =	vsub.f32 $1.500000000e+00, v7;
	v22 =	vmul.f32 v22, v23  }
0x30a: {  	v56 =	vmul.f32 v1, v36;
	v2 =	vmul.f32 v2, v5;
	v5 =	vsub.f32 $1.500000000e+00, v54  }
0x30b: {  	v10 =	vld [tilespmem:$0x1FEF0];
	v57 =	vmul.f32 v3, v40;
	v6 =	vmul.f32 v7, v6;
	v7 =	vsub.f32 $1.500000000e+00, v22  }
0x30c: {  	v58 =	vld.idx.msk [tilespmem:v9+s28+$0x0], $0xffff;
	v27 =	vmul.f32 v2, v27;
	v5 =	vmul.f32 v43, v5  }
0x30d: {  	vm13 =	vle.f32 v38, v21;
	v36 =	vmul.f32 v57, v3;
	v7 =	vmul.f32 v7, v23;
	v23 =	vld.idx.msk [tilespmem:v9+s29+$0x0], $0xffff  }
0x30e: {  	vm11 =	vle.f32 v42, v21;
	v9 =	vld [tilespmem:$0x1FED0];
	v22 =	vmul.f32 v27, v2;
	v27 =	vmul.f32 v5, v50  }
0x30f: {  	v24 =	vadd.f32 $-1.000000000e+00, v24;
	v53 =	vmul.f32 v48, v44;
	(erf) = vrcp.f32 v0  }
0x310: {  	v6 =	vsub.f32 v6, v20;
	v36 =	vsub.f32 $1.500000000e+00, v36;
	v27 =	vmul.f32 v27, v5  }
0x311: {  	v24 =	vmul.f32 v24, v35;
	v34 =	vmul.f32 v53, v34;
	v22 =	vsub.f32 $1.500000000e+00, v22  }
0x312: {  	v6 =	vmul.f32 v6, v32;
	v3 =	vmul.f32 v36, v3;
	v27 =	vsub.f32 $1.500000000e+00, v27  }
0x313: {  	v7 =	vsub.f32 v7, v20;
	v23 =	vadd.f32 v23, v58;
	v2 =	vmul.f32 v22, v2  }
0x314: {  	v25 =	vadd.f32 $-1.000000000e+00, v53;
	v6 =	vmul.f32 v6, v8;
	v5 =	vmul.f32 v27, v5  }
0x315: {  	v7 =	vmul.f32 v7, v31;
	v31 =	vld.idx.msk [tilespmem:v10+s28+$0x0], $0xffff;
	v23 =	vmul.f32 $5.000000000e-01, v23;
	v2 =	vsub.f32 v2, v20  }
0x316: {  	v3 =	vsub.f32 v3, v20;
	v22 =	vmul.f32 v25, v34;
	v59 =	vld.idx.msk [tilespmem:v9+s28+$0x0], $0xffff;
	v27 =	vmul.f32 v5, v50  }
0x317: {  	v1 =	vadd.f32 $-1.000000000e+00, v1;
	v23 =	vmul.f32 v23, v23;
	v2 =	vmul.f32 v2, v30;
	v30 =	vld.idx.msk [tilespmem:v10+s29+$0x0], $0xffff  }
0x318: {  	v3 =	vmul.f32 v3, v29;
	v29 =	vpop (erf);
	v6 =	vadd.f32 v6, v22;
	v22 =	vld.idx.msk [tilespmem:v9+s29+$0x0], $0xffff;
	v27 =	vmul.f32 v27, v5  }
0x319: {  	v26 =	vadd.f32 $-1.000000000e+00, v49;
	v7 =	vmul.f32 v7, v8;
	v23 =	vmul.f32 v29, v23  }
0x31a: {  	vm12 =	vle.f32 v39, v21;
	v1 =	vmul.f32 v1, v56;
	v27 =	vsub.f32 $1.500000000e+00, v27  }
0x31b: {  	v4 =	vmul.f32 v26, v55;
	v7 =	vadd.f32 v7, v24;
	v60 =	vmul.f32 v23, v23  }
0x31c: {  	v6 =	vnsel vm11, $0x0, v6;
	v5 =	vmul.f32 v27, v5;
	v27 =	vmul.f32 v30, v31  }
0x31d: {  	v7 =	vnsel vm12, $0x0, v7;
	v2 =	vmul.f32 v2, v8;
	v22 =	vmul.f32 v22, v59  }
0x31e: {  	v23 =	vmul.f32 v60, v23;
	v5 =	vsub.f32 v5, v20;
	v61 =	vmul.f32 $4.000000000e+00, v27  }
0x31f: {  	v6 =	vadd.f32 v6, v28;
	v1 =	vadd.f32 v2, v1;
	v2 =	vmul.f32 v3, v8  }
0x320: {  	v3 =	vmul.f32 v5, v22;
	v62 =	vmul.f32 v23, v61;
	v22 =	vadd.f32 $-1.000000000e+00, v23  }
0x321: {  	s0 =	sadd.s32 $0x1, s0;
	v6 =	vadd.f32 v7, v6;
	v1 =	vnsel vm13, $0x0, v1  }
0x322: {  	p1 =	sne.s32 s0, $0x32;
	v2 =	vadd.f32 v2, v4;
	v3 =	vmul.f32 v3, v8;
	v63 =	vmul.f32 v22, v62  }
.Ltmp2:
0x323: {  	vm14 =	vle.f32 v37, v21;
	v1 =	vadd.f32 v1, v6;
	(pc) =	sbr.rel @p1 .LBB2_2-.Ltmp2, $4  }
0x324: {  	v2 =	vnsel vm14, $0x0, v2;
	v3 =	vadd.f32 v3, v63  }
0x325: {  	vm15 =	vle.f32 v0, v21;
	v1 =	vadd.f32 v2, v1  }
0x326: {  	v0 =	vnsel vm15, $0x0, v3  }
0x327: {  	v28 =	vadd.f32 v0, v1;
	v0 =	vld [tilespmem:$0x1FFF0]  }
0x328: {  	s15 =	sadd.s32 $0x1, s15  }
0x329: {  	p1 =	sne.s32 s15, s14  }
.Ltmp3:
0x32a: {  	s0 =	simm.s32 $0x11A40;
	[tilespmem:$0x11A40] =	vst v28;
	(pc) =	sbr.rel @p1 .LBB2_1-.Ltmp3, $4  }
0x32b: {  	[hbm4b:s13+s2] =	stream.linear.scatter [tilespmem:s0], [sflag:$0x9], $0x10, $0x38;
	[tilespmem:$0x1DDA0] =	vst v63  }
0x32c: {  	_ =	swait.ge [sflag:s16], $0x10  }
0x32d: {  	[sflag:s16] =	ssyncset.done $0x0  }
0x32e: {  	[sflag:s16] =	ssyncadd.s32 $0xFFFFFFF0  }
0x32f: {  	_ =	sfence.sel $0x180000  }
0x330: {  	[bflag:$0x0] =	sbarrier.arrive $0xFFFF  }
0x331: {  	_ =	strace $0x90000047  }
0x332: {  	[bflag:$0x2] =	sbarrier.arrive $0xFFFF  }
0x333: {  	s0 =	rddreg [dreg:$0x2]  }
0x334: {  	s0 =	sadd.s32 @!p0 $0x100000, s0  }
0x335: {  	[sflag:s0] =	ssyncadd.tile.s32 @!p0 $0x1;
	_ =	shalt  }
.Lfunc_end2:
_tile_overlayer_lowered:
.L_overlay_start_2:
0x336: {  	(tag) =	ssettag $0x2  }
0x337: {  	s0 =	rddreg [dreg:$0x0];
	s2 =	stileid.u32  }
0x338: {  	s1 =	rddreg [dreg:$0x1];
	p0 =	sne.s32 s2, $0x0  }
0x339: {  	s3 =	rddreg [dreg:$0x2];
	[bflag:$0x3] =	sbarrier.arrive $0xFFFF;
	s2 =	simm.s32 @!p0 $0x1C09  }
0x33a: {  	[timem:s3], [sflag:s2] =	dma.local @!p0 [hbm:s0], s1  }
0x33b: {  	s0 =	simm.s32 @!p0 $0x9  }
0x33c: {  	_ =	swait.ge @!p0 [sflag:s0], s1  }
0x33d: {  	s1 =	ssub.s32 @!p0 $0x0, s1;
	[sflag:s0] =	ssyncset.done @!p0 $0x0  }
0x33e: {  	[sflag:s0] =	ssyncadd.s32 @!p0 s1  }
0x33f: {  	[bflag:$0x3] =	sbarrier.arrive $0xFFFF  }
0x340: {  	_ =	shalt  }

</sc_bundles>
